<compile_context>
chip_gen: v7x
topology: tpu7x:2x2x1
jax: 0.10.2.dev20260603
libtpu: 0.0.44.dev20260713+nightly
codegen_flags: <defaults>
</compile_context>

<pallas_src>
import jax
import jax.numpy as jnp
from jax import lax
from jax.experimental import pallas as pl
from jax.experimental.pallas import tpu as pltpu
from jax.experimental.pallas import tpu_sc as plsc

NUM_ITEMS = 1000000
HID = 32
BATCH = 16384

NC = 2
NS = 16
L = 16
NW = NC * NS
BPW = BATCH // NW
WAVE = 4
NSTEP = BPW // (2 * WAVE)
CHUNK = 128
NCHUNK = BPW // CHUNK
TAIL_START = (NUM_ITEMS // 128) * 128
LAST_TILE = TAIL_START - 128
MAXTILE = LAST_TILE // 128


def _fetch_body(idx_hbm, tp4_hbm, tc4_hbm, tailp_hbm, tailc_hbm,
                p_out, c_out,
                idx_v, pbuf, cbuf, pf_v, cf_v, tailp_v, tailc_v,
                semA, semB):
    c = lax.axis_index("c")
    s = lax.axis_index("s")
    wid = s * NC + c
    base = wid * BPW

    pltpu.sync_copy(idx_hbm.at[pl.ds((wid // 2) * 1024, 1024)],
                    idx_v.at[pl.ds(0, 1024)])
    loc0 = (wid % 2) * BPW
    pltpu.sync_copy(tailp_hbm, tailp_v)
    pltpu.sync_copy(tailc_hbm, tailc_v)

    lane = lax.iota(jnp.int32, L)
    trv0 = lane // 8
    trv1 = trv0 + 2
    rv = lane % 8
    tl_lo = lane
    tl_hi = lane + L

    def tiles_conds(ivx, lo):
        tiles = [jnp.minimum(ivx[lo + j] >> 7, MAXTILE) for j in range(8)]
        conds = [jnp.full((), True)]
        for j in range(1, 8):
            conds.append(tiles[j] != tiles[j - 1])
        return tiles, conds

    def issue(tile, cond, slot, sems):
        @pl.when(cond)
        def _():
            tcb = pl.multiple_of(tile * 128, 128)
            pltpu.async_copy(tp4_hbm.at[:, :, pl.ds(tcb, 128)],
                             pbuf.at[slot], sems)
            pltpu.async_copy(tc4_hbm.at[:, :, pl.ds(tcb, 128)],
                             cbuf.at[slot], sems)

    def drain(cond, slot, sems):
        @pl.when(cond)
        def _():
            pltpu.make_async_copy(tp4_hbm.at[:, :, pl.ds(0, 128)],
                                  pbuf.at[slot], sems).wait()
            pltpu.make_async_copy(tc4_hbm.at[:, :, pl.ds(0, 128)],
                                  cbuf.at[slot], sems).wait()

    def extract(iv, slot, off):
        is_tail = iv >= TAIL_START
        ccs = jnp.where(is_tail, 0, iv & 127)
        ccv = jnp.full((L,), ccs, jnp.int32)
        ev = jnp.full((L,), slot, jnp.int32)
        v0p = plsc.load_gather(pbuf, [ev, trv0, rv, ccv])
        v1p = plsc.load_gather(pbuf, [ev, trv1, rv, ccv])
        v0c = plsc.load_gather(cbuf, [ev, trv0, rv, ccv])
        v1c = plsc.load_gather(cbuf, [ev, trv1, rv, ccv])
        tloc = jnp.maximum(iv - TAIL_START, 0)
        tlv = jnp.full((L,), tloc, jnp.int32)
        tsel = jnp.full((L,), is_tail)
        v0p = jnp.where(tsel, plsc.load_gather(tailp_v, [tlv, tl_lo]), v0p)
        v1p = jnp.where(tsel, plsc.load_gather(tailp_v, [tlv, tl_hi]), v1p)
        v0c = jnp.where(tsel, plsc.load_gather(tailc_v, [tlv, tl_lo]), v0c)
        v1c = jnp.where(tsel, plsc.load_gather(tailc_v, [tlv, tl_hi]), v1c)
        pf_v[pl.ds(off, L)] = v0p
        pf_v[pl.ds(off + L, L)] = v1p
        cf_v[pl.ds(off, L)] = v0c
        cf_v[pl.ds(off + L, L)] = v1c

    ivec0 = idx_v[pl.ds(loc0, L)]
    tiles0, conds0 = tiles_conds(ivec0, 0)
    for j in range(WAVE):
        issue(tiles0[j], conds0[j], j, semA)
    for j in range(WAVE):
        issue(tiles0[WAVE + j], conds0[WAVE + j], WAVE + j, semB)

    def step(t, carry):
        ivx = idx_v[pl.ds(loc0 + t * 2 * WAVE, L)]
        tiles, conds = tiles_conds(ivx, 0)
        do_issue = t < NSTEP - 1

        for j in range(WAVE):
            drain(conds[j], j, semA)
        for j in range(WAVE):
            drain(conds[WAVE + j], WAVE + j, semB)
        slot = jnp.full((), 0, jnp.int32)
        for j in range(8):
            slot = jnp.where(conds[j], j, slot)
            extract(ivx[j], slot, t * 2 * WAVE * HID + j * HID)

        ntiles, nconds = tiles_conds(ivx, 8)
        for j in range(WAVE):
            issue(ntiles[j], do_issue & nconds[j], j, semA)
        for j in range(WAVE):
            issue(ntiles[WAVE + j], do_issue & nconds[WAVE + j],
                  WAVE + j, semB)
        return carry

    lax.fori_loop(0, NSTEP, step, 0)

    pltpu.sync_copy(pf_v, p_out.at[pl.ds(base * HID, BPW * HID)])
    pltpu.sync_copy(cf_v, c_out.at[pl.ds(base * HID, BPW * HID)])


def _head_body(inv_hbm, ps_hbm, cs_hbm, w_hbm, b_hbm,
               rat_out, p_out, c_out,
               inv_v, p_v, c_v, rat_v, w_v, b_v, sem):
    c = lax.axis_index("c")
    s = lax.axis_index("s")
    wid = s * NC + c
    base = wid * BPW

    pltpu.sync_copy(inv_hbm.at[pl.ds(wid * NCHUNK, NCHUNK)], inv_v)
    pltpu.sync_copy(w_hbm, w_v)
    pltpu.sync_copy(b_hbm, b_v)

    cps = []
    for j in range(NCHUNK):
        cps.append(pltpu.async_copy(
            ps_hbm.at[inv_v.at[j]], p_v.at[pl.ds(j * CHUNK, CHUNK)], sem))
        cps.append(pltpu.async_copy(
            cs_hbm.at[inv_v.at[j]], c_v.at[pl.ds(j * CHUNK, CHUNK)], sem))
    for cp in cps:
        cp.wait()

    wp = pltpu.async_copy(p_v, p_out.at[pl.ds(base, BPW)], sem)
    wc = pltpu.async_copy(c_v, c_out.at[pl.ds(base, BPW)], sem)

    lane = lax.iota(jnp.int32, L)

    def group(g, carry):
        rows = g * L + lane
        acc = b_v[...]
        for d in range(HID):
            col = jnp.full((L,), d, jnp.int32)
            pv = plsc.load_gather(p_v, [rows, col])
            cv = plsc.load_gather(c_v, [rows, col])
            acc = acc + (pv + cv) * w_v[d]
        rat_v[pl.ds(g * L, L)] = 1.0 / (1.0 + jnp.exp(-acc))
        return carry

    lax.fori_loop(0, BPW // L, group, 0)

    pltpu.sync_copy(rat_v, rat_out.at[pl.ds(base, BPW)])
    wp.wait()
    wc.wait()


def kernel(item_indices, item_personality_table, item_commonality_table,
           user_W, user_b):
    idx1 = item_indices.astype(jnp.int32)
    pos = lax.iota(jnp.int32, BATCH)
    sidx, perm = lax.sort_key_val(idx1, pos)
    inv = jnp.zeros((BATCH,), jnp.int32).at[perm].set(pos)
    inv2d = inv.reshape(BATCH // CHUNK, CHUNK)

    tp4 = item_personality_table.T.reshape(4, 8, NUM_ITEMS)
    tc4 = item_commonality_table.T.reshape(4, 8, NUM_ITEMS)
    tailp = item_personality_table[TAIL_START:]
    tailc = item_commonality_table[TAIL_START:]
    w_bcast = jnp.broadcast_to(user_W.reshape(HID, 1), (HID, L))
    b16 = jnp.broadcast_to(user_b.reshape(1), (L,))

    mesh = plsc.VectorSubcoreMesh(core_axis_name="c", subcore_axis_name="s")
    ps, cs = pl.kernel(
        _fetch_body,
        out_type=[
            jax.ShapeDtypeStruct((BATCH * HID,), jnp.float32),
            jax.ShapeDtypeStruct((BATCH * HID,), jnp.float32),
        ],
        mesh=mesh,
        compiler_params=pltpu.CompilerParams(
            needs_layout_passes=False, use_tc_tiling_on_sc=True),
        scratch_types=[
            pltpu.VMEM((1024 + L,), jnp.int32),
            pltpu.VMEM((2 * WAVE, 4, 8, 128), jnp.float32),
            pltpu.VMEM((2 * WAVE, 4, 8, 128), jnp.float32),
            pltpu.VMEM((BPW * HID,), jnp.float32),
            pltpu.VMEM((BPW * HID,), jnp.float32),
            pltpu.VMEM((128 - 64, HID), jnp.float32),
            pltpu.VMEM((128 - 64, HID), jnp.float32),
            pltpu.SemaphoreType.DMA,
            pltpu.SemaphoreType.DMA,
        ],
    )(sidx, tp4, tc4, tailp, tailc)

    rat, p, cc = pl.kernel(
        _head_body,
        out_type=[
            jax.ShapeDtypeStruct((BATCH,), jnp.float32),
            jax.ShapeDtypeStruct((BATCH, HID), jnp.float32),
            jax.ShapeDtypeStruct((BATCH, HID), jnp.float32),
        ],
        mesh=mesh,
        compiler_params=pltpu.CompilerParams(
            needs_layout_passes=False, use_tc_tiling_on_sc=False),
        scratch_types=[
            pltpu.VMEM((NCHUNK, CHUNK), jnp.int32),
            pltpu.VMEM((BPW, HID), jnp.float32),
            pltpu.VMEM((BPW, HID), jnp.float32),
            pltpu.VMEM((BPW,), jnp.float32),
            pltpu.VMEM((HID, L), jnp.float32),
            pltpu.VMEM((L,), jnp.float32),
            pltpu.SemaphoreType.DMA,
        ],
    )(inv2d, ps.reshape(BATCH, HID), cs.reshape(BATCH, HID), w_bcast, b16)
    return (rat.reshape(BATCH, 1), p, cc)

# --- scband reference (transcript-rebuilt; emitter-appended) ---
"""Pipeline reference for scband-fed-rapmo-69449621176326 (READ-ONLY COPY).

The authoritative reference and input builder live on the scoring server;
editing this copy changes nothing except your own understanding.
"""

import jax, jax.numpy as jnp
import numpy as np

NUM_ITEMS = 1000000
HID = 32
BATCH = 16384

def setup_inputs(seed: int = 0) -> dict:
    key = jax.random.key(seed)
    k1, k2, k3, k4, k5 = jax.random.split(key, 5)
    item_indices = jax.random.randint(k1, (BATCH,), 0, NUM_ITEMS, dtype=jnp.int64 if jax.config.jax_enable_x64 else jnp.int32)
    item_personality_table = jax.random.normal(k2, (NUM_ITEMS, HID), dtype=jnp.float32)
    item_commonality_table = jax.random.normal(k3, (NUM_ITEMS, HID), dtype=jnp.float32)
    user_W = jax.random.normal(k4, (HID, 1), dtype=jnp.float32) * (1.0 / np.sqrt(HID))
    user_b = jax.random.normal(k5, (1,), dtype=jnp.float32) * 0.01
    return {
        "item_indices": item_indices,
        "item_personality_table": item_personality_table,
        "item_commonality_table": item_commonality_table,
        "user_W": user_W,
        "user_b": user_b,
    }

def reference(item_indices, item_personality_table, item_commonality_table, user_W, user_b):
    # Embedding lookups (gather)
    item_personality = jnp.take(item_personality_table, item_indices, axis=0)
    item_commonality = jnp.take(item_commonality_table, item_indices, axis=0)
    # Linear layer: (p + c) @ W + b
    logits = (item_personality + item_commonality) @ user_W + user_b
    rating = jax.nn.sigmoid(logits)
    return (rating, item_personality, item_commonality)

if __name__ == "__main__":
    import jax
    _d = setup_inputs()
    print(jax.jit(kernel)(*tuple(_d.values())))

</pallas_src>

<mosaic_0001>
#map = affine_map<(d0, d1) -> (0, 0)>
#map1 = affine_map<(d0, d1) -> (0)>
module attributes {stable_mosaic.version = 14 : i64} {
  func.func @_head_body(%arg0: i32, %arg1: i32, %arg2: memref<128x128xi32, #tpu.memory_space<hbm>>, %arg3: memref<16384x32xf32, #tpu.memory_space<hbm>>, %arg4: memref<16384x32xf32, #tpu.memory_space<hbm>>, %arg5: memref<32x16xf32, #tpu.memory_space<hbm>>, %arg6: memref<16xf32, #tpu.memory_space<hbm>>, %arg7: memref<16384xf32, #tpu.memory_space<hbm>>, %arg8: memref<16384x32xf32, #tpu.memory_space<hbm>>, %arg9: memref<16384x32xf32, #tpu.memory_space<hbm>>, %arg10: memref<4x128xi32, #tpu.memory_space<vmem>>, %arg11: memref<512x32xf32, #tpu.memory_space<vmem>>, %arg12: memref<512x32xf32, #tpu.memory_space<vmem>>, %arg13: memref<512xf32, #tpu.memory_space<vmem>>, %arg14: memref<32x16xf32, #tpu.memory_space<vmem>>, %arg15: memref<16xf32, #tpu.memory_space<vmem>>, %arg16: memref<!tpu.dma_semaphore, #tpu.memory_space<semaphore_mem>>) attributes {dimension_semantics = [#tpu.dimension_semantics<core_parallel>, #tpu.dimension_semantics<subcore_parallel>], iteration_bounds = array<i64: 2, 16>, scalar_prefetch = 0 : i64, scratch_operands = 7 : i64, tpu.core_type = #tpu.core_type<sc_vector_subcore>, window_params = [{transform_indices = #map}, {transform_indices = #map}, {transform_indices = #map}, {transform_indices = #map}, {transform_indices = #map1}, {transform_indices = #map1}, {transform_indices = #map}, {transform_indices = #map}]} {
    %mul3A = arith.constant 2 : i32
    %mul3A_0 = arith.muli %arg1, %mul3A : i32
    %add3A = arith.addi %mul3A_0, %arg0 : i32
    %mul3A_1 = arith.constant 512 : i32
    %mul3A_2 = arith.muli %add3A, %mul3A_1 : i32
    %mul3A_3 = arith.constant 4 : i32
    %mul3A_4 = arith.muli %add3A, %mul3A_3 : i32
    "tpu.region"() ({
      %run_scoped3A = tpu.sem_alloc : memref<!tpu.dma_semaphore, #tpu.memory_space<semaphore_mem>>
      %dma_start3A_184 = arith.constant 0 : i32
      %dma_start3A_185 = tpu.memref_slice %arg2[%mul3A_4, %dma_start3A_184] : memref<128x128xi32, #tpu.memory_space<hbm>> -> memref<4x128xi32, #tpu.memory_space<hbm>>
      %dma_start3A_186 = arith.constant 0 : i32
      %dma_start3A_187 = tpu.memref_slice %arg2[%mul3A_4, %dma_start3A_186] : memref<128x128xi32, #tpu.memory_space<hbm>> -> memref<4x128xi32, #tpu.memory_space<hbm>>
      tpu.enqueue_dma source(%dma_start3A_187 : memref<4x128xi32, #tpu.memory_space<hbm>>) target(%arg10 : memref<4x128xi32, #tpu.memory_space<vmem>>) target_semaphore(%run_scoped3A : memref<!tpu.dma_semaphore, #tpu.memory_space<semaphore_mem>>)
      %dma_wait3A_188 = arith.constant 0 : i32
      %dma_wait3A_189 = tpu.memref_slice %arg2[%mul3A_4, %dma_wait3A_188] : memref<128x128xi32, #tpu.memory_space<hbm>> -> memref<4x128xi32, #tpu.memory_space<hbm>>
      %dma_wait3A_190 = arith.constant 0 : i32
      %dma_wait3A_191 = tpu.memref_slice %arg2[%mul3A_4, %dma_wait3A_190] : memref<128x128xi32, #tpu.memory_space<hbm>> -> memref<4x128xi32, #tpu.memory_space<hbm>>
      tpu.wait_dma2 semaphore(%run_scoped3A : memref<!tpu.dma_semaphore, #tpu.memory_space<semaphore_mem>>) src(%dma_wait3A_191 : memref<4x128xi32, #tpu.memory_space<hbm>>) dst(%arg10 : memref<4x128xi32, #tpu.memory_space<vmem>>)
      tpu.yield
    }) : () -> ()
    "tpu.region"() ({
      %run_scoped3A = tpu.sem_alloc : memref<!tpu.dma_semaphore, #tpu.memory_space<semaphore_mem>>
      tpu.enqueue_dma source(%arg5 : memref<32x16xf32, #tpu.memory_space<hbm>>) target(%arg14 : memref<32x16xf32, #tpu.memory_space<vmem>>) target_semaphore(%run_scoped3A : memref<!tpu.dma_semaphore, #tpu.memory_space<semaphore_mem>>)
      tpu.wait_dma2 semaphore(%run_scoped3A : memref<!tpu.dma_semaphore, #tpu.memory_space<semaphore_mem>>) src(%arg5 : memref<32x16xf32, #tpu.memory_space<hbm>>) dst(%arg14 : memref<32x16xf32, #tpu.memory_space<vmem>>)
      tpu.yield
    }) : () -> ()
    "tpu.region"() ({
      %run_scoped3A = tpu.sem_alloc : memref<!tpu.dma_semaphore, #tpu.memory_space<semaphore_mem>>
      tpu.enqueue_dma source(%arg6 : memref<16xf32, #tpu.memory_space<hbm>>) target(%arg15 : memref<16xf32, #tpu.memory_space<vmem>>) target_semaphore(%run_scoped3A : memref<!tpu.dma_semaphore, #tpu.memory_space<semaphore_mem>>)
      tpu.wait_dma2 semaphore(%run_scoped3A : memref<!tpu.dma_semaphore, #tpu.memory_space<semaphore_mem>>) src(%arg6 : memref<16xf32, #tpu.memory_space<hbm>>) dst(%arg15 : memref<16xf32, #tpu.memory_space<vmem>>)
      tpu.yield
    }) : () -> ()
    %dma_start3A = arith.constant 0 : i32
    %dma_start3A_5 = arith.constant 0 : i32
    %dma_start3A_6 = arith.constant 0 : i32
    %dma_start3A_7 = tpu.memref_slice %arg11[%dma_start3A_5, %dma_start3A_6] : memref<512x32xf32, #tpu.memory_space<vmem>> -> memref<128x32xf32, #tpu.memory_space<vmem>>
    %dma_start3A_8 = arith.constant 0 : i32
    %dma_start3A_9 = tpu.memref_slice %arg10[%dma_start3A, %dma_start3A_8] : memref<4x128xi32, #tpu.memory_space<vmem>> -> memref<1x128xi32, #tpu.memory_space<vmem>>
    %dma_start3A_10 = tpu.memref_squeeze %dma_start3A_9 : memref<1x128xi32, #tpu.memory_space<vmem>> -> memref<128xi32, #tpu.memory_space<vmem>>
    %dma_start3A_11 = arith.constant 0 : i32
    %dma_start3A_12 = arith.constant 0 : i32
    %dma_start3A_13 = tpu.memref_slice %arg3[%dma_start3A_11, %dma_start3A_12] : memref<16384x32xf32, #tpu.memory_space<hbm>> -> memref<16384x32xf32, #tpu.memory_space<hbm>>
    tpu.enqueue_indirect_dma source(%dma_start3A_13 : memref<16384x32xf32, #tpu.memory_space<hbm>>) target(%dma_start3A_7 : memref<128x32xf32, #tpu.memory_space<vmem>>) offsets(%dma_start3A_10 : memref<128xi32, #tpu.memory_space<vmem>>) semaphore(%arg16 : memref<!tpu.dma_semaphore, #tpu.memory_space<semaphore_mem>>)
    %dma_start3A_14 = arith.constant 0 : i32
    %dma_start3A_15 = arith.constant 0 : i32
    %dma_start3A_16 = arith.constant 0 : i32
    %dma_start3A_17 = tpu.memref_slice %arg12[%dma_start3A_15, %dma_start3A_16] : memref<512x32xf32, #tpu.memory_space<vmem>> -> memref<128x32xf32, #tpu.memory_space<vmem>>
    %dma_start3A_18 = arith.constant 0 : i32
    %dma_start3A_19 = tpu.memref_slice %arg10[%dma_start3A_14, %dma_start3A_18] : memref<4x128xi32, #tpu.memory_space<vmem>> -> memref<1x128xi32, #tpu.memory_space<vmem>>
    %dma_start3A_20 = tpu.memref_squeeze %dma_start3A_19 : memref<1x128xi32, #tpu.memory_space<vmem>> -> memref<128xi32, #tpu.memory_space<vmem>>
    %dma_start3A_21 = arith.constant 0 : i32
    %dma_start3A_22 = arith.constant 0 : i32
    %dma_start3A_23 = tpu.memref_slice %arg4[%dma_start3A_21, %dma_start3A_22] : memref<16384x32xf32, #tpu.memory_space<hbm>> -> memref<16384x32xf32, #tpu.memory_space<hbm>>
    tpu.enqueue_indirect_dma source(%dma_start3A_23 : memref<16384x32xf32, #tpu.memory_space<hbm>>) target(%dma_start3A_17 : memref<128x32xf32, #tpu.memory_space<vmem>>) offsets(%dma_start3A_20 : memref<128xi32, #tpu.memory_space<vmem>>) semaphore(%arg16 : memref<!tpu.dma_semaphore, #tpu.memory_space<semaphore_mem>>)
    %dma_start3A_24 = arith.constant 1 : i32
    %dma_start3A_25 = arith.constant 128 : i32
    %dma_start3A_26 = arith.constant 0 : i32
    %dma_start3A_27 = tpu.memref_slice %arg11[%dma_start3A_25, %dma_start3A_26] : memref<512x32xf32, #tpu.memory_space<vmem>> -> memref<128x32xf32, #tpu.memory_space<vmem>>
    %dma_start3A_28 = arith.constant 0 : i32
    %dma_start3A_29 = tpu.memref_slice %arg10[%dma_start3A_24, %dma_start3A_28] : memref<4x128xi32, #tpu.memory_space<vmem>> -> memref<1x128xi32, #tpu.memory_space<vmem>>
    %dma_start3A_30 = tpu.memref_squeeze %dma_start3A_29 : memref<1x128xi32, #tpu.memory_space<vmem>> -> memref<128xi32, #tpu.memory_space<vmem>>
    %dma_start3A_31 = arith.constant 0 : i32
    %dma_start3A_32 = arith.constant 0 : i32
    %dma_start3A_33 = tpu.memref_slice %arg3[%dma_start3A_31, %dma_start3A_32] : memref<16384x32xf32, #tpu.memory_space<hbm>> -> memref<16384x32xf32, #tpu.memory_space<hbm>>
    tpu.enqueue_indirect_dma source(%dma_start3A_33 : memref<16384x32xf32, #tpu.memory_space<hbm>>) target(%dma_start3A_27 : memref<128x32xf32, #tpu.memory_space<vmem>>) offsets(%dma_start3A_30 : memref<128xi32, #tpu.memory_space<vmem>>) semaphore(%arg16 : memref<!tpu.dma_semaphore, #tpu.memory_space<semaphore_mem>>)
    %dma_start3A_34 = arith.constant 1 : i32
    %dma_start3A_35 = arith.constant 128 : i32
    %dma_start3A_36 = arith.constant 0 : i32
    %dma_start3A_37 = tpu.memref_slice %arg12[%dma_start3A_35, %dma_start3A_36] : memref<512x32xf32, #tpu.memory_space<vmem>> -> memref<128x32xf32, #tpu.memory_space<vmem>>
    %dma_start3A_38 = arith.constant 0 : i32
    %dma_start3A_39 = tpu.memref_slice %arg10[%dma_start3A_34, %dma_start3A_38] : memref<4x128xi32, #tpu.memory_space<vmem>> -> memref<1x128xi32, #tpu.memory_space<vmem>>
    %dma_start3A_40 = tpu.memref_squeeze %dma_start3A_39 : memref<1x128xi32, #tpu.memory_space<vmem>> -> memref<128xi32, #tpu.memory_space<vmem>>
    %dma_start3A_41 = arith.constant 0 : i32
    %dma_start3A_42 = arith.constant 0 : i32
    %dma_start3A_43 = tpu.memref_slice %arg4[%dma_start3A_41, %dma_start3A_42] : memref<16384x32xf32, #tpu.memory_space<hbm>> -> memref<16384x32xf32, #tpu.memory_space<hbm>>
    tpu.enqueue_indirect_dma source(%dma_start3A_43 : memref<16384x32xf32, #tpu.memory_space<hbm>>) target(%dma_start3A_37 : memref<128x32xf32, #tpu.memory_space<vmem>>) offsets(%dma_start3A_40 : memref<128xi32, #tpu.memory_space<vmem>>) semaphore(%arg16 : memref<!tpu.dma_semaphore, #tpu.memory_space<semaphore_mem>>)
    %dma_start3A_44 = arith.constant 2 : i32
    %dma_start3A_45 = arith.constant 256 : i32
    %dma_start3A_46 = arith.constant 0 : i32
    %dma_start3A_47 = tpu.memref_slice %arg11[%dma_start3A_45, %dma_start3A_46] : memref<512x32xf32, #tpu.memory_space<vmem>> -> memref<128x32xf32, #tpu.memory_space<vmem>>
    %dma_start3A_48 = arith.constant 0 : i32
    %dma_start3A_49 = tpu.memref_slice %arg10[%dma_start3A_44, %dma_start3A_48] : memref<4x128xi32, #tpu.memory_space<vmem>> -> memref<1x128xi32, #tpu.memory_space<vmem>>
    %dma_start3A_50 = tpu.memref_squeeze %dma_start3A_49 : memref<1x128xi32, #tpu.memory_space<vmem>> -> memref<128xi32, #tpu.memory_space<vmem>>
    %dma_start3A_51 = arith.constant 0 : i32
    %dma_start3A_52 = arith.constant 0 : i32
    %dma_start3A_53 = tpu.memref_slice %arg3[%dma_start3A_51, %dma_start3A_52] : memref<16384x32xf32, #tpu.memory_space<hbm>> -> memref<16384x32xf32, #tpu.memory_space<hbm>>
    tpu.enqueue_indirect_dma source(%dma_start3A_53 : memref<16384x32xf32, #tpu.memory_space<hbm>>) target(%dma_start3A_47 : memref<128x32xf32, #tpu.memory_space<vmem>>) offsets(%dma_start3A_50 : memref<128xi32, #tpu.memory_space<vmem>>) semaphore(%arg16 : memref<!tpu.dma_semaphore, #tpu.memory_space<semaphore_mem>>)
    %dma_start3A_54 = arith.constant 2 : i32
    %dma_start3A_55 = arith.constant 256 : i32
    %dma_start3A_56 = arith.constant 0 : i32
    %dma_start3A_57 = tpu.memref_slice %arg12[%dma_start3A_55, %dma_start3A_56] : memref<512x32xf32, #tpu.memory_space<vmem>> -> memref<128x32xf32, #tpu.memory_space<vmem>>
    %dma_start3A_58 = arith.constant 0 : i32
    %dma_start3A_59 = tpu.memref_slice %arg10[%dma_start3A_54, %dma_start3A_58] : memref<4x128xi32, #tpu.memory_space<vmem>> -> memref<1x128xi32, #tpu.memory_space<vmem>>
    %dma_start3A_60 = tpu.memref_squeeze %dma_start3A_59 : memref<1x128xi32, #tpu.memory_space<vmem>> -> memref<128xi32, #tpu.memory_space<vmem>>
    %dma_start3A_61 = arith.constant 0 : i32
    %dma_start3A_62 = arith.constant 0 : i32
    %dma_start3A_63 = tpu.memref_slice %arg4[%dma_start3A_61, %dma_start3A_62] : memref<16384x32xf32, #tpu.memory_space<hbm>> -> memref<16384x32xf32, #tpu.memory_space<hbm>>
    tpu.enqueue_indirect_dma source(%dma_start3A_63 : memref<16384x32xf32, #tpu.memory_space<hbm>>) target(%dma_start3A_57 : memref<128x32xf32, #tpu.memory_space<vmem>>) offsets(%dma_start3A_60 : memref<128xi32, #tpu.memory_space<vmem>>) semaphore(%arg16 : memref<!tpu.dma_semaphore, #tpu.memory_space<semaphore_mem>>)
    %dma_start3A_64 = arith.constant 3 : i32
    %dma_start3A_65 = arith.constant 384 : i32
    %dma_start3A_66 = arith.constant 0 : i32
    %dma_start3A_67 = tpu.memref_slice %arg11[%dma_start3A_65, %dma_start3A_66] : memref<512x32xf32, #tpu.memory_space<vmem>> -> memref<128x32xf32, #tpu.memory_space<vmem>>
    %dma_start3A_68 = arith.constant 0 : i32
    %dma_start3A_69 = tpu.memref_slice %arg10[%dma_start3A_64, %dma_start3A_68] : memref<4x128xi32, #tpu.memory_space<vmem>> -> memref<1x128xi32, #tpu.memory_space<vmem>>
    %dma_start3A_70 = tpu.memref_squeeze %dma_start3A_69 : memref<1x128xi32, #tpu.memory_space<vmem>> -> memref<128xi32, #tpu.memory_space<vmem>>
    %dma_start3A_71 = arith.constant 0 : i32
    %dma_start3A_72 = arith.constant 0 : i32
    %dma_start3A_73 = tpu.memref_slice %arg3[%dma_start3A_71, %dma_start3A_72] : memref<16384x32xf32, #tpu.memory_space<hbm>> -> memref<16384x32xf32, #tpu.memory_space<hbm>>
    tpu.enqueue_indirect_dma source(%dma_start3A_73 : memref<16384x32xf32, #tpu.memory_space<hbm>>) target(%dma_start3A_67 : memref<128x32xf32, #tpu.memory_space<vmem>>) offsets(%dma_start3A_70 : memref<128xi32, #tpu.memory_space<vmem>>) semaphore(%arg16 : memref<!tpu.dma_semaphore, #tpu.memory_space<semaphore_mem>>)
    %dma_start3A_74 = arith.constant 3 : i32
    %dma_start3A_75 = arith.constant 384 : i32
    %dma_start3A_76 = arith.constant 0 : i32
    %dma_start3A_77 = tpu.memref_slice %arg12[%dma_start3A_75, %dma_start3A_76] : memref<512x32xf32, #tpu.memory_space<vmem>> -> memref<128x32xf32, #tpu.memory_space<vmem>>
    %dma_start3A_78 = arith.constant 0 : i32
    %dma_start3A_79 = tpu.memref_slice %arg10[%dma_start3A_74, %dma_start3A_78] : memref<4x128xi32, #tpu.memory_space<vmem>> -> memref<1x128xi32, #tpu.memory_space<vmem>>
    %dma_start3A_80 = tpu.memref_squeeze %dma_start3A_79 : memref<1x128xi32, #tpu.memory_space<vmem>> -> memref<128xi32, #tpu.memory_space<vmem>>
    %dma_start3A_81 = arith.constant 0 : i32
    %dma_start3A_82 = arith.constant 0 : i32
    %dma_start3A_83 = tpu.memref_slice %arg4[%dma_start3A_81, %dma_start3A_82] : memref<16384x32xf32, #tpu.memory_space<hbm>> -> memref<16384x32xf32, #tpu.memory_space<hbm>>
    tpu.enqueue_indirect_dma source(%dma_start3A_83 : memref<16384x32xf32, #tpu.memory_space<hbm>>) target(%dma_start3A_77 : memref<128x32xf32, #tpu.memory_space<vmem>>) offsets(%dma_start3A_80 : memref<128xi32, #tpu.memory_space<vmem>>) semaphore(%arg16 : memref<!tpu.dma_semaphore, #tpu.memory_space<semaphore_mem>>)
    %dma_wait3A = arith.constant 0 : i32
    %dma_wait3A_84 = arith.constant 0 : i32
    %dma_wait3A_85 = arith.constant 0 : i32
    %dma_wait3A_86 = tpu.memref_slice %arg11[%dma_wait3A_84, %dma_wait3A_85] : memref<512x32xf32, #tpu.memory_space<vmem>> -> memref<128x32xf32, #tpu.memory_space<vmem>>
    %dma_wait3A_87 = arith.constant 0 : i32
    %dma_wait3A_88 = tpu.memref_slice %arg10[%dma_wait3A, %dma_wait3A_87] : memref<4x128xi32, #tpu.memory_space<vmem>> -> memref<1x128xi32, #tpu.memory_space<vmem>>
    %dma_wait3A_89 = tpu.memref_squeeze %dma_wait3A_88 : memref<1x128xi32, #tpu.memory_space<vmem>> -> memref<128xi32, #tpu.memory_space<vmem>>
    %dma_wait3A_90 = arith.constant 0 : i32
    %dma_wait3A_91 = arith.constant 0 : i32
    %dma_wait3A_92 = tpu.memref_slice %arg3[%dma_wait3A_90, %dma_wait3A_91] : memref<16384x32xf32, #tpu.memory_space<hbm>> -> memref<16384x32xf32, #tpu.memory_space<hbm>>
    tpu.wait_indirect_dma semaphore(%arg16 : memref<!tpu.dma_semaphore, #tpu.memory_space<semaphore_mem>>) src(%dma_wait3A_92 : memref<16384x32xf32, #tpu.memory_space<hbm>>) dst(%dma_wait3A_86 : memref<128x32xf32, #tpu.memory_space<vmem>>)
    %dma_wait3A_93 = arith.constant 0 : i32
    %dma_wait3A_94 = arith.constant 0 : i32
    %dma_wait3A_95 = arith.constant 0 : i32
    %dma_wait3A_96 = tpu.memref_slice %arg12[%dma_wait3A_94, %dma_wait3A_95] : memref<512x32xf32, #tpu.memory_space<vmem>> -> memref<128x32xf32, #tpu.memory_space<vmem>>
    %dma_wait3A_97 = arith.constant 0 : i32
    %dma_wait3A_98 = tpu.memref_slice %arg10[%dma_wait3A_93, %dma_wait3A_97] : memref<4x128xi32, #tpu.memory_space<vmem>> -> memref<1x128xi32, #tpu.memory_space<vmem>>
    %dma_wait3A_99 = tpu.memref_squeeze %dma_wait3A_98 : memref<1x128xi32, #tpu.memory_space<vmem>> -> memref<128xi32, #tpu.memory_space<vmem>>
    %dma_wait3A_100 = arith.constant 0 : i32
    %dma_wait3A_101 = arith.constant 0 : i32
    %dma_wait3A_102 = tpu.memref_slice %arg4[%dma_wait3A_100, %dma_wait3A_101] : memref<16384x32xf32, #tpu.memory_space<hbm>> -> memref<16384x32xf32, #tpu.memory_space<hbm>>
    tpu.wait_indirect_dma semaphore(%arg16 : memref<!tpu.dma_semaphore, #tpu.memory_space<semaphore_mem>>) src(%dma_wait3A_102 : memref<16384x32xf32, #tpu.memory_space<hbm>>) dst(%dma_wait3A_96 : memref<128x32xf32, #tpu.memory_space<vmem>>)
    %dma_wait3A_103 = arith.constant 1 : i32
    %dma_wait3A_104 = arith.constant 128 : i32
    %dma_wait3A_105 = arith.constant 0 : i32
    %dma_wait3A_106 = tpu.memref_slice %arg11[%dma_wait3A_104, %dma_wait3A_105] : memref<512x32xf32, #tpu.memory_space<vmem>> -> memref<128x32xf32, #tpu.memory_space<vmem>>
    %dma_wait3A_107 = arith.constant 0 : i32
    %dma_wait3A_108 = tpu.memref_slice %arg10[%dma_wait3A_103, %dma_wait3A_107] : memref<4x128xi32, #tpu.memory_space<vmem>> -> memref<1x128xi32, #tpu.memory_space<vmem>>
    %dma_wait3A_109 = tpu.memref_squeeze %dma_wait3A_108 : memref<1x128xi32, #tpu.memory_space<vmem>> -> memref<128xi32, #tpu.memory_space<vmem>>
    %dma_wait3A_110 = arith.constant 0 : i32
    %dma_wait3A_111 = arith.constant 0 : i32
    %dma_wait3A_112 = tpu.memref_slice %arg3[%dma_wait3A_110, %dma_wait3A_111] : memref<16384x32xf32, #tpu.memory_space<hbm>> -> memref<16384x32xf32, #tpu.memory_space<hbm>>
    tpu.wait_indirect_dma semaphore(%arg16 : memref<!tpu.dma_semaphore, #tpu.memory_space<semaphore_mem>>) src(%dma_wait3A_112 : memref<16384x32xf32, #tpu.memory_space<hbm>>) dst(%dma_wait3A_106 : memref<128x32xf32, #tpu.memory_space<vmem>>)
    %dma_wait3A_113 = arith.constant 1 : i32
    %dma_wait3A_114 = arith.constant 128 : i32
    %dma_wait3A_115 = arith.constant 0 : i32
    %dma_wait3A_116 = tpu.memref_slice %arg12[%dma_wait3A_114, %dma_wait3A_115] : memref<512x32xf32, #tpu.memory_space<vmem>> -> memref<128x32xf32, #tpu.memory_space<vmem>>
    %dma_wait3A_117 = arith.constant 0 : i32
    %dma_wait3A_118 = tpu.memref_slice %arg10[%dma_wait3A_113, %dma_wait3A_117] : memref<4x128xi32, #tpu.memory_space<vmem>> -> memref<1x128xi32, #tpu.memory_space<vmem>>
    %dma_wait3A_119 = tpu.memref_squeeze %dma_wait3A_118 : memref<1x128xi32, #tpu.memory_space<vmem>> -> memref<128xi32, #tpu.memory_space<vmem>>
    %dma_wait3A_120 = arith.constant 0 : i32
    %dma_wait3A_121 = arith.constant 0 : i32
    %dma_wait3A_122 = tpu.memref_slice %arg4[%dma_wait3A_120, %dma_wait3A_121] : memref<16384x32xf32, #tpu.memory_space<hbm>> -> memref<16384x32xf32, #tpu.memory_space<hbm>>
    tpu.wait_indirect_dma semaphore(%arg16 : memref<!tpu.dma_semaphore, #tpu.memory_space<semaphore_mem>>) src(%dma_wait3A_122 : memref<16384x32xf32, #tpu.memory_space<hbm>>) dst(%dma_wait3A_116 : memref<128x32xf32, #tpu.memory_space<vmem>>)
    %dma_wait3A_123 = arith.constant 2 : i32
    %dma_wait3A_124 = arith.constant 256 : i32
    %dma_wait3A_125 = arith.constant 0 : i32
    %dma_wait3A_126 = tpu.memref_slice %arg11[%dma_wait3A_124, %dma_wait3A_125] : memref<512x32xf32, #tpu.memory_space<vmem>> -> memref<128x32xf32, #tpu.memory_space<vmem>>
    %dma_wait3A_127 = arith.constant 0 : i32
    %dma_wait3A_128 = tpu.memref_slice %arg10[%dma_wait3A_123, %dma_wait3A_127] : memref<4x128xi32, #tpu.memory_space<vmem>> -> memref<1x128xi32, #tpu.memory_space<vmem>>
    %dma_wait3A_129 = tpu.memref_squeeze %dma_wait3A_128 : memref<1x128xi32, #tpu.memory_space<vmem>> -> memref<128xi32, #tpu.memory_space<vmem>>
    %dma_wait3A_130 = arith.constant 0 : i32
    %dma_wait3A_131 = arith.constant 0 : i32
    %dma_wait3A_132 = tpu.memref_slice %arg3[%dma_wait3A_130, %dma_wait3A_131] : memref<16384x32xf32, #tpu.memory_space<hbm>> -> memref<16384x32xf32, #tpu.memory_space<hbm>>
    tpu.wait_indirect_dma semaphore(%arg16 : memref<!tpu.dma_semaphore, #tpu.memory_space<semaphore_mem>>) src(%dma_wait3A_132 : memref<16384x32xf32, #tpu.memory_space<hbm>>) dst(%dma_wait3A_126 : memref<128x32xf32, #tpu.memory_space<vmem>>)
    %dma_wait3A_133 = arith.constant 2 : i32
    %dma_wait3A_134 = arith.constant 256 : i32
    %dma_wait3A_135 = arith.constant 0 : i32
    %dma_wait3A_136 = tpu.memref_slice %arg12[%dma_wait3A_134, %dma_wait3A_135] : memref<512x32xf32, #tpu.memory_space<vmem>> -> memref<128x32xf32, #tpu.memory_space<vmem>>
    %dma_wait3A_137 = arith.constant 0 : i32
    %dma_wait3A_138 = tpu.memref_slice %arg10[%dma_wait3A_133, %dma_wait3A_137] : memref<4x128xi32, #tpu.memory_space<vmem>> -> memref<1x128xi32, #tpu.memory_space<vmem>>
    %dma_wait3A_139 = tpu.memref_squeeze %dma_wait3A_138 : memref<1x128xi32, #tpu.memory_space<vmem>> -> memref<128xi32, #tpu.memory_space<vmem>>
    %dma_wait3A_140 = arith.constant 0 : i32
    %dma_wait3A_141 = arith.constant 0 : i32
    %dma_wait3A_142 = tpu.memref_slice %arg4[%dma_wait3A_140, %dma_wait3A_141] : memref<16384x32xf32, #tpu.memory_space<hbm>> -> memref<16384x32xf32, #tpu.memory_space<hbm>>
    tpu.wait_indirect_dma semaphore(%arg16 : memref<!tpu.dma_semaphore, #tpu.memory_space<semaphore_mem>>) src(%dma_wait3A_142 : memref<16384x32xf32, #tpu.memory_space<hbm>>) dst(%dma_wait3A_136 : memref<128x32xf32, #tpu.memory_space<vmem>>)
    %dma_wait3A_143 = arith.constant 3 : i32
    %dma_wait3A_144 = arith.constant 384 : i32
    %dma_wait3A_145 = arith.constant 0 : i32
    %dma_wait3A_146 = tpu.memref_slice %arg11[%dma_wait3A_144, %dma_wait3A_145] : memref<512x32xf32, #tpu.memory_space<vmem>> -> memref<128x32xf32, #tpu.memory_space<vmem>>
    %dma_wait3A_147 = arith.constant 0 : i32
    %dma_wait3A_148 = tpu.memref_slice %arg10[%dma_wait3A_143, %dma_wait3A_147] : memref<4x128xi32, #tpu.memory_space<vmem>> -> memref<1x128xi32, #tpu.memory_space<vmem>>
    %dma_wait3A_149 = tpu.memref_squeeze %dma_wait3A_148 : memref<1x128xi32, #tpu.memory_space<vmem>> -> memref<128xi32, #tpu.memory_space<vmem>>
    %dma_wait3A_150 = arith.constant 0 : i32
    %dma_wait3A_151 = arith.constant 0 : i32
    %dma_wait3A_152 = tpu.memref_slice %arg3[%dma_wait3A_150, %dma_wait3A_151] : memref<16384x32xf32, #tpu.memory_space<hbm>> -> memref<16384x32xf32, #tpu.memory_space<hbm>>
    tpu.wait_indirect_dma semaphore(%arg16 : memref<!tpu.dma_semaphore, #tpu.memory_space<semaphore_mem>>) src(%dma_wait3A_152 : memref<16384x32xf32, #tpu.memory_space<hbm>>) dst(%dma_wait3A_146 : memref<128x32xf32, #tpu.memory_space<vmem>>)
    %dma_wait3A_153 = arith.constant 3 : i32
    %dma_wait3A_154 = arith.constant 384 : i32
    %dma_wait3A_155 = arith.constant 0 : i32
    %dma_wait3A_156 = tpu.memref_slice %arg12[%dma_wait3A_154, %dma_wait3A_155] : memref<512x32xf32, #tpu.memory_space<vmem>> -> memref<128x32xf32, #tpu.memory_space<vmem>>
    %dma_wait3A_157 = arith.constant 0 : i32
    %dma_wait3A_158 = tpu.memref_slice %arg10[%dma_wait3A_153, %dma_wait3A_157] : memref<4x128xi32, #tpu.memory_space<vmem>> -> memref<1x128xi32, #tpu.memory_space<vmem>>
    %dma_wait3A_159 = tpu.memref_squeeze %dma_wait3A_158 : memref<1x128xi32, #tpu.memory_space<vmem>> -> memref<128xi32, #tpu.memory_space<vmem>>
    %dma_wait3A_160 = arith.constant 0 : i32
    %dma_wait3A_161 = arith.constant 0 : i32
    %dma_wait3A_162 = tpu.memref_slice %arg4[%dma_wait3A_160, %dma_wait3A_161] : memref<16384x32xf32, #tpu.memory_space<hbm>> -> memref<16384x32xf32, #tpu.memory_space<hbm>>
    tpu.wait_indirect_dma semaphore(%arg16 : memref<!tpu.dma_semaphore, #tpu.memory_space<semaphore_mem>>) src(%dma_wait3A_162 : memref<16384x32xf32, #tpu.memory_space<hbm>>) dst(%dma_wait3A_156 : memref<128x32xf32, #tpu.memory_space<vmem>>)
    %dma_start3A_163 = arith.constant 0 : i32
    %dma_start3A_164 = tpu.memref_slice %arg8[%mul3A_2, %dma_start3A_163] : memref<16384x32xf32, #tpu.memory_space<hbm>> -> memref<512x32xf32, #tpu.memory_space<hbm>>
    %dma_start3A_165 = arith.constant 0 : i32
    %dma_start3A_166 = tpu.memref_slice %arg8[%mul3A_2, %dma_start3A_165] : memref<16384x32xf32, #tpu.memory_space<hbm>> -> memref<512x32xf32, #tpu.memory_space<hbm>>
    tpu.enqueue_dma source(%arg11 : memref<512x32xf32, #tpu.memory_space<vmem>>) target(%dma_start3A_166 : memref<512x32xf32, #tpu.memory_space<hbm>>) target_semaphore(%arg16 : memref<!tpu.dma_semaphore, #tpu.memory_space<semaphore_mem>>)
    %dma_start3A_167 = arith.constant 0 : i32
    %dma_start3A_168 = tpu.memref_slice %arg9[%mul3A_2, %dma_start3A_167] : memref<16384x32xf32, #tpu.memory_space<hbm>> -> memref<512x32xf32, #tpu.memory_space<hbm>>
    %dma_start3A_169 = arith.constant 0 : i32
    %dma_start3A_170 = tpu.memref_slice %arg9[%mul3A_2, %dma_start3A_169] : memref<16384x32xf32, #tpu.memory_space<hbm>> -> memref<512x32xf32, #tpu.memory_space<hbm>>
    tpu.enqueue_dma source(%arg12 : memref<512x32xf32, #tpu.memory_space<vmem>>) target(%dma_start3A_170 : memref<512x32xf32, #tpu.memory_space<hbm>>) target_semaphore(%arg16 : memref<!tpu.dma_semaphore, #tpu.memory_space<semaphore_mem>>)
    %iota3A = tpu.iota {dimensions = array<i32: 0>} : vector<16xi32>
    %scan3A = arith.constant 0 : i32
    %scan3A_171 = arith.constant 0 : i32
    %scan3A_172 = arith.constant 32 : i32
    %scan3A_173 = arith.addi %scan3A_171, %scan3A_172 : i32
    %scan3A_174 = arith.constant 1 : i32
    scf.for %scan3A_184 = %scan3A_171 to %scan3A_173 step %scan3A_174  : i32 {
      %mul3A_185 = arith.constant 16 : i32
      %mul3A_186 = arith.muli %scan3A_184, %mul3A_185 : i32
      %add3A_187 = vector.broadcast %mul3A_186 : i32 to vector<16xi32>
      %add3A_188 = arith.addi %add3A_187, %iota3A : vector<16xi32>
      %get3A = arith.constant 0 : index
      %get3A_189 = tpu.vector_load %arg15[%get3A] {strides = array<i32>} : memref<16xf32, #tpu.memory_space<vmem>>, vector<16xf32>,
      %broadcast_in_dim3A = arith.constant 0 : i32
      %broadcast_in_dim3A_190 = vector.broadcast %broadcast_in_dim3A : i32 to vector<16xi32>
      %gather3A = tpu.vector_load_idx %arg11[%add3A_188, %broadcast_in_dim3A_190] : memref<512x32xf32, #tpu.memory_space<vmem>>[vector<16xi32>, vector<16xi32>], vector<16xf32>,
      %gather3A_191 = tpu.vector_load_idx %arg12[%add3A_188, %broadcast_in_dim3A_190] : memref<512x32xf32, #tpu.memory_space<vmem>>[vector<16xi32>, vector<16xi32>], vector<16xf32>,
      %add3A_192 = arith.addf %gather3A, %gather3A_191 : vector<16xf32>
      %get3A_193 = arith.constant 0 : i32
      %get3A_194 = arith.index_cast %get3A_193 : i32 to index
      %get3A_195 = arith.constant 0 : index
      %get3A_196 = tpu.vector_load %arg14[%get3A_194, %get3A_195] {strides = array<i32>} : memref<32x16xf32, #tpu.memory_space<vmem>>, vector<16xf32>,
      %mul3A_197 = arith.mulf %add3A_192, %get3A_196 : vector<16xf32>
      %add3A_198 = arith.addf %get3A_189, %mul3A_197 : vector<16xf32>
      %broadcast_in_dim3A_199 = arith.constant 1 : i32
      %broadcast_in_dim3A_200 = vector.broadcast %broadcast_in_dim3A_199 : i32 to vector<16xi32>
      %gather3A_201 = tpu.vector_load_idx %arg11[%add3A_188, %broadcast_in_dim3A_200] : memref<512x32xf32, #tpu.memory_space<vmem>>[vector<16xi32>, vector<16xi32>], vector<16xf32>,
      %gather3A_202 = tpu.vector_load_idx %arg12[%add3A_188, %broadcast_in_dim3A_200] : memref<512x32xf32, #tpu.memory_space<vmem>>[vector<16xi32>, vector<16xi32>], vector<16xf32>,
      %add3A_203 = arith.addf %gather3A_201, %gather3A_202 : vector<16xf32>
      %get3A_204 = arith.constant 1 : i32
      %get3A_205 = arith.index_cast %get3A_204 : i32 to index
      %get3A_206 = arith.constant 0 : index
      %get3A_207 = tpu.vector_load %arg14[%get3A_205, %get3A_206] {strides = array<i32>} : memref<32x16xf32, #tpu.memory_space<vmem>>, vector<16xf32>,
      %mul3A_208 = arith.mulf %add3A_203, %get3A_207 : vector<16xf32>
      %add3A_209 = arith.addf %add3A_198, %mul3A_208 : vector<16xf32>
      %broadcast_in_dim3A_210 = arith.constant 2 : i32
      %broadcast_in_dim3A_211 = vector.broadcast %broadcast_in_dim3A_210 : i32 to vector<16xi32>
      %gather3A_212 = tpu.vector_load_idx %arg11[%add3A_188, %broadcast_in_dim3A_211] : memref<512x32xf32, #tpu.memory_space<vmem>>[vector<16xi32>, vector<16xi32>], vector<16xf32>,
      %gather3A_213 = tpu.vector_load_idx %arg12[%add3A_188, %broadcast_in_dim3A_211] : memref<512x32xf32, #tpu.memory_space<vmem>>[vector<16xi32>, vector<16xi32>], vector<16xf32>,
      %add3A_214 = arith.addf %gather3A_212, %gather3A_213 : vector<16xf32>
      %get3A_215 = arith.constant 2 : i32
      %get3A_216 = arith.index_cast %get3A_215 : i32 to index
      %get3A_217 = arith.constant 0 : index
      %get3A_218 = tpu.vector_load %arg14[%get3A_216, %get3A_217] {strides = array<i32>} : memref<32x16xf32, #tpu.memory_space<vmem>>, vector<16xf32>,
      %mul3A_219 = arith.mulf %add3A_214, %get3A_218 : vector<16xf32>
      %add3A_220 = arith.addf %add3A_209, %mul3A_219 : vector<16xf32>
      %broadcast_in_dim3A_221 = arith.constant 3 : i32
      %broadcast_in_dim3A_222 = vector.broadcast %broadcast_in_dim3A_221 : i32 to vector<16xi32>
      %gather3A_223 = tpu.vector_load_idx %arg11[%add3A_188, %broadcast_in_dim3A_222] : memref<512x32xf32, #tpu.memory_space<vmem>>[vector<16xi32>, vector<16xi32>], vector<16xf32>,
      %gather3A_224 = tpu.vector_load_idx %arg12[%add3A_188, %broadcast_in_dim3A_222] : memref<512x32xf32, #tpu.memory_space<vmem>>[vector<16xi32>, vector<16xi32>], vector<16xf32>,
      %add3A_225 = arith.addf %gather3A_223, %gather3A_224 : vector<16xf32>
      %get3A_226 = arith.constant 3 : i32
      %get3A_227 = arith.index_cast %get3A_226 : i32 to index
      %get3A_228 = arith.constant 0 : index
      %get3A_229 = tpu.vector_load %arg14[%get3A_227, %get3A_228] {strides = array<i32>} : memref<32x16xf32, #tpu.memory_space<vmem>>, vector<16xf32>,
      %mul3A_230 = arith.mulf %add3A_225, %get3A_229 : vector<16xf32>
      %add3A_231 = arith.addf %add3A_220, %mul3A_230 : vector<16xf32>
      %broadcast_in_dim3A_232 = arith.constant 4 : i32
      %broadcast_in_dim3A_233 = vector.broadcast %broadcast_in_dim3A_232 : i32 to vector<16xi32>
      %gather3A_234 = tpu.vector_load_idx %arg11[%add3A_188, %broadcast_in_dim3A_233] : memref<512x32xf32, #tpu.memory_space<vmem>>[vector<16xi32>, vector<16xi32>], vector<16xf32>,
      %gather3A_235 = tpu.vector_load_idx %arg12[%add3A_188, %broadcast_in_dim3A_233] : memref<512x32xf32, #tpu.memory_space<vmem>>[vector<16xi32>, vector<16xi32>], vector<16xf32>,
      %add3A_236 = arith.addf %gather3A_234, %gather3A_235 : vector<16xf32>
      %get3A_237 = arith.constant 4 : i32
      %get3A_238 = arith.index_cast %get3A_237 : i32 to index
      %get3A_239 = arith.constant 0 : index
      %get3A_240 = tpu.vector_load %arg14[%get3A_238, %get3A_239] {strides = array<i32>} : memref<32x16xf32, #tpu.memory_space<vmem>>, vector<16xf32>,
      %mul3A_241 = arith.mulf %add3A_236, %get3A_240 : vector<16xf32>
      %add3A_242 = arith.addf %add3A_231, %mul3A_241 : vector<16xf32>
      %broadcast_in_dim3A_243 = arith.constant 5 : i32
      %broadcast_in_dim3A_244 = vector.broadcast %broadcast_in_dim3A_243 : i32 to vector<16xi32>
      %gather3A_245 = tpu.vector_load_idx %arg11[%add3A_188, %broadcast_in_dim3A_244] : memref<512x32xf32, #tpu.memory_space<vmem>>[vector<16xi32>, vector<16xi32>], vector<16xf32>,
      %gather3A_246 = tpu.vector_load_idx %arg12[%add3A_188, %broadcast_in_dim3A_244] : memref<512x32xf32, #tpu.memory_space<vmem>>[vector<16xi32>, vector<16xi32>], vector<16xf32>,
      %add3A_247 = arith.addf %gather3A_245, %gather3A_246 : vector<16xf32>
      %get3A_248 = arith.constant 5 : i32
      %get3A_249 = arith.index_cast %get3A_248 : i32 to index
      %get3A_250 = arith.constant 0 : index
      %get3A_251 = tpu.vector_load %arg14[%get3A_249, %get3A_250] {strides = array<i32>} : memref<32x16xf32, #tpu.memory_space<vmem>>, vector<16xf32>,
      %mul3A_252 = arith.mulf %add3A_247, %get3A_251 : vector<16xf32>
      %add3A_253 = arith.addf %add3A_242, %mul3A_252 : vector<16xf32>
      %broadcast_in_dim3A_254 = arith.constant 6 : i32
      %broadcast_in_dim3A_255 = vector.broadcast %broadcast_in_dim3A_254 : i32 to vector<16xi32>
      %gather3A_256 = tpu.vector_load_idx %arg11[%add3A_188, %broadcast_in_dim3A_255] : memref<512x32xf32, #tpu.memory_space<vmem>>[vector<16xi32>, vector<16xi32>], vector<16xf32>,
      %gather3A_257 = tpu.vector_load_idx %arg12[%add3A_188, %broadcast_in_dim3A_255] : memref<512x32xf32, #tpu.memory_space<vmem>>[vector<16xi32>, vector<16xi32>], vector<16xf32>,
      %add3A_258 = arith.addf %gather3A_256, %gather3A_257 : vector<16xf32>
      %get3A_259 = arith.constant 6 : i32
      %get3A_260 = arith.index_cast %get3A_259 : i32 to index
      %get3A_261 = arith.constant 0 : index
      %get3A_262 = tpu.vector_load %arg14[%get3A_260, %get3A_261] {strides = array<i32>} : memref<32x16xf32, #tpu.memory_space<vmem>>, vector<16xf32>,
      %mul3A_263 = arith.mulf %add3A_258, %get3A_262 : vector<16xf32>
      %add3A_264 = arith.addf %add3A_253, %mul3A_263 : vector<16xf32>
      %broadcast_in_dim3A_265 = arith.constant 7 : i32
      %broadcast_in_dim3A_266 = vector.broadcast %broadcast_in_dim3A_265 : i32 to vector<16xi32>
      %gather3A_267 = tpu.vector_load_idx %arg11[%add3A_188, %broadcast_in_dim3A_266] : memref<512x32xf32, #tpu.memory_space<vmem>>[vector<16xi32>, vector<16xi32>], vector<16xf32>,
      %gather3A_268 = tpu.vector_load_idx %arg12[%add3A_188, %broadcast_in_dim3A_266] : memref<512x32xf32, #tpu.memory_space<vmem>>[vector<16xi32>, vector<16xi32>], vector<16xf32>,
      %add3A_269 = arith.addf %gather3A_267, %gather3A_268 : vector<16xf32>
      %get3A_270 = arith.constant 7 : i32
      %get3A_271 = arith.index_cast %get3A_270 : i32 to index
      %get3A_272 = arith.constant 0 : index
      %get3A_273 = tpu.vector_load %arg14[%get3A_271, %get3A_272] {strides = array<i32>} : memref<32x16xf32, #tpu.memory_space<vmem>>, vector<16xf32>,
      %mul3A_274 = arith.mulf %add3A_269, %get3A_273 : vector<16xf32>
      %add3A_275 = arith.addf %add3A_264, %mul3A_274 : vector<16xf32>
      %broadcast_in_dim3A_276 = arith.constant 8 : i32
      %broadcast_in_dim3A_277 = vector.broadcast %broadcast_in_dim3A_276 : i32 to vector<16xi32>
      %gather3A_278 = tpu.vector_load_idx %arg11[%add3A_188, %broadcast_in_dim3A_277] : memref<512x32xf32, #tpu.memory_space<vmem>>[vector<16xi32>, vector<16xi32>], vector<16xf32>,
      %gather3A_279 = tpu.vector_load_idx %arg12[%add3A_188, %broadcast_in_dim3A_277] : memref<512x32xf32, #tpu.memory_space<vmem>>[vector<16xi32>, vector<16xi32>], vector<16xf32>,
      %add3A_280 = arith.addf %gather3A_278, %gather3A_279 : vector<16xf32>
      %get3A_281 = arith.constant 8 : i32
      %get3A_282 = arith.index_cast %get3A_281 : i32 to index
      %get3A_283 = arith.constant 0 : index
      %get3A_284 = tpu.vector_load %arg14[%get3A_282, %get3A_283] {strides = array<i32>} : memref<32x16xf32, #tpu.memory_space<vmem>>, vector<16xf32>,
      %mul3A_285 = arith.mulf %add3A_280, %get3A_284 : vector<16xf32>
      %add3A_286 = arith.addf %add3A_275, %mul3A_285 : vector<16xf32>
      %broadcast_in_dim3A_287 = arith.constant 9 : i32
      %broadcast_in_dim3A_288 = vector.broadcast %broadcast_in_dim3A_287 : i32 to vector<16xi32>
      %gather3A_289 = tpu.vector_load_idx %arg11[%add3A_188, %broadcast_in_dim3A_288] : memref<512x32xf32, #tpu.memory_space<vmem>>[vector<16xi32>, vector<16xi32>], vector<16xf32>,
      %gather3A_290 = tpu.vector_load_idx %arg12[%add3A_188, %broadcast_in_dim3A_288] : memref<512x32xf32, #tpu.memory_space<vmem>>[vector<16xi32>, vector<16xi32>], vector<16xf32>,
      %add3A_291 = arith.addf %gather3A_289, %gather3A_290 : vector<16xf32>
      %get3A_292 = arith.constant 9 : i32
      %get3A_293 = arith.index_cast %get3A_292 : i32 to index
      %get3A_294 = arith.constant 0 : index
      %get3A_295 = tpu.vector_load %arg14[%get3A_293, %get3A_294] {strides = array<i32>} : memref<32x16xf32, #tpu.memory_space<vmem>>, vector<16xf32>,
      %mul3A_296 = arith.mulf %add3A_291, %get3A_295 : vector<16xf32>
      %add3A_297 = arith.addf %add3A_286, %mul3A_296 : vector<16xf32>
      %broadcast_in_dim3A_298 = arith.constant 10 : i32
      %broadcast_in_dim3A_299 = vector.broadcast %broadcast_in_dim3A_298 : i32 to vector<16xi32>
      %gather3A_300 = tpu.vector_load_idx %arg11[%add3A_188, %broadcast_in_dim3A_299] : memref<512x32xf32, #tpu.memory_space<vmem>>[vector<16xi32>, vector<16xi32>], vector<16xf32>,
      %gather3A_301 = tpu.vector_load_idx %arg12[%add3A_188, %broadcast_in_dim3A_299] : memref<512x32xf32, #tpu.memory_space<vmem>>[vector<16xi32>, vector<16xi32>], vector<16xf32>,
      %add3A_302 = arith.addf %gather3A_300, %gather3A_301 : vector<16xf32>
      %get3A_303 = arith.constant 10 : i32
      %get3A_304 = arith.index_cast %get3A_303 : i32 to index
      %get3A_305 = arith.constant 0 : index
      %get3A_306 = tpu.vector_load %arg14[%get3A_304, %get3A_305] {strides = array<i32>} : memref<32x16xf32, #tpu.memory_space<vmem>>, vector<16xf32>,
      %mul3A_307 = arith.mulf %add3A_302, %get3A_306 : vector<16xf32>
      %add3A_308 = arith.addf %add3A_297, %mul3A_307 : vector<16xf32>
      %broadcast_in_dim3A_309 = arith.constant 11 : i32
      %broadcast_in_dim3A_310 = vector.broadcast %broadcast_in_dim3A_309 : i32 to vector<16xi32>
      %gather3A_311 = tpu.vector_load_idx %arg11[%add3A_188, %broadcast_in_dim3A_310] : memref<512x32xf32, #tpu.memory_space<vmem>>[vector<16xi32>, vector<16xi32>], vector<16xf32>,
      %gather3A_312 = tpu.vector_load_idx %arg12[%add3A_188, %broadcast_in_dim3A_310] : memref<512x32xf32, #tpu.memory_space<vmem>>[vector<16xi32>, vector<16xi32>], vector<16xf32>,
      %add3A_313 = arith.addf %gather3A_311, %gather3A_312 : vector<16xf32>
      %get3A_314 = arith.constant 11 : i32
      %get3A_315 = arith.index_cast %get3A_314 : i32 to index
      %get3A_316 = arith.constant 0 : index
      %get3A_317 = tpu.vector_load %arg14[%get3A_315, %get3A_316] {strides = array<i32>} : memref<32x16xf32, #tpu.memory_space<vmem>>, vector<16xf32>,
      %mul3A_318 = arith.mulf %add3A_313, %get3A_317 : vector<16xf32>
      %add3A_319 = arith.addf %add3A_308, %mul3A_318 : vector<16xf32>
      %broadcast_in_dim3A_320 = arith.constant 12 : i32
      %broadcast_in_dim3A_321 = vector.broadcast %broadcast_in_dim3A_320 : i32 to vector<16xi32>
      %gather3A_322 = tpu.vector_load_idx %arg11[%add3A_188, %broadcast_in_dim3A_321] : memref<512x32xf32, #tpu.memory_space<vmem>>[vector<16xi32>, vector<16xi32>], vector<16xf32>,
      %gather3A_323 = tpu.vector_load_idx %arg12[%add3A_188, %broadcast_in_dim3A_321] : memref<512x32xf32, #tpu.memory_space<vmem>>[vector<16xi32>, vector<16xi32>], vector<16xf32>,
      %add3A_324 = arith.addf %gather3A_322, %gather3A_323 : vector<16xf32>
      %get3A_325 = arith.constant 12 : i32
      %get3A_326 = arith.index_cast %get3A_325 : i32 to index
      %get3A_327 = arith.constant 0 : index
      %get3A_328 = tpu.vector_load %arg14[%get3A_326, %get3A_327] {strides = array<i32>} : memref<32x16xf32, #tpu.memory_space<vmem>>, vector<16xf32>,
      %mul3A_329 = arith.mulf %add3A_324, %get3A_328 : vector<16xf32>
      %add3A_330 = arith.addf %add3A_319, %mul3A_329 : vector<16xf32>
      %broadcast_in_dim3A_331 = arith.constant 13 : i32
      %broadcast_in_dim3A_332 = vector.broadcast %broadcast_in_dim3A_331 : i32 to vector<16xi32>
      %gather3A_333 = tpu.vector_load_idx %arg11[%add3A_188, %broadcast_in_dim3A_332] : memref<512x32xf32, #tpu.memory_space<vmem>>[vector<16xi32>, vector<16xi32>], vector<16xf32>,
      %gather3A_334 = tpu.vector_load_idx %arg12[%add3A_188, %broadcast_in_dim3A_332] : memref<512x32xf32, #tpu.memory_space<vmem>>[vector<16xi32>, vector<16xi32>], vector<16xf32>,
      %add3A_335 = arith.addf %gather3A_333, %gather3A_334 : vector<16xf32>
      %get3A_336 = arith.constant 13 : i32
      %get3A_337 = arith.index_cast %get3A_336 : i32 to index
      %get3A_338 = arith.constant 0 : index
      %get3A_339 = tpu.vector_load %arg14[%get3A_337, %get3A_338] {strides = array<i32>} : memref<32x16xf32, #tpu.memory_space<vmem>>, vector<16xf32>,
      %mul3A_340 = arith.mulf %add3A_335, %get3A_339 : vector<16xf32>
      %add3A_341 = arith.addf %add3A_330, %mul3A_340 : vector<16xf32>
      %broadcast_in_dim3A_342 = arith.constant 14 : i32
      %broadcast_in_dim3A_343 = vector.broadcast %broadcast_in_dim3A_342 : i32 to vector<16xi32>
      %gather3A_344 = tpu.vector_load_idx %arg11[%add3A_188, %broadcast_in_dim3A_343] : memref<512x32xf32, #tpu.memory_space<vmem>>[vector<16xi32>, vector<16xi32>], vector<16xf32>,
      %gather3A_345 = tpu.vector_load_idx %arg12[%add3A_188, %broadcast_in_dim3A_343] : memref<512x32xf32, #tpu.memory_space<vmem>>[vector<16xi32>, vector<16xi32>], vector<16xf32>,
      %add3A_346 = arith.addf %gather3A_344, %gather3A_345 : vector<16xf32>
      %get3A_347 = arith.constant 14 : i32
      %get3A_348 = arith.index_cast %get3A_347 : i32 to index
      %get3A_349 = arith.constant 0 : index
      %get3A_350 = tpu.vector_load %arg14[%get3A_348, %get3A_349] {strides = array<i32>} : memref<32x16xf32, #tpu.memory_space<vmem>>, vector<16xf32>,
      %mul3A_351 = arith.mulf %add3A_346, %get3A_350 : vector<16xf32>
      %add3A_352 = arith.addf %add3A_341, %mul3A_351 : vector<16xf32>
      %broadcast_in_dim3A_353 = arith.constant 15 : i32
      %broadcast_in_dim3A_354 = vector.broadcast %broadcast_in_dim3A_353 : i32 to vector<16xi32>
      %gather3A_355 = tpu.vector_load_idx %arg11[%add3A_188, %broadcast_in_dim3A_354] : memref<512x32xf32, #tpu.memory_space<vmem>>[vector<16xi32>, vector<16xi32>], vector<16xf32>,
      %gather3A_356 = tpu.vector_load_idx %arg12[%add3A_188, %broadcast_in_dim3A_354] : memref<512x32xf32, #tpu.memory_space<vmem>>[vector<16xi32>, vector<16xi32>], vector<16xf32>,
      %add3A_357 = arith.addf %gather3A_355, %gather3A_356 : vector<16xf32>
      %get3A_358 = arith.constant 15 : i32
      %get3A_359 = arith.index_cast %get3A_358 : i32 to index
      %get3A_360 = arith.constant 0 : index
      %get3A_361 = tpu.vector_load %arg14[%get3A_359, %get3A_360] {strides = array<i32>} : memref<32x16xf32, #tpu.memory_space<vmem>>, vector<16xf32>,
      %mul3A_362 = arith.mulf %add3A_357, %get3A_361 : vector<16xf32>
      %add3A_363 = arith.addf %add3A_352, %mul3A_362 : vector<16xf32>
      %broadcast_in_dim3A_364 = arith.constant 16 : i32
      %broadcast_in_dim3A_365 = vector.broadcast %broadcast_in_dim3A_364 : i32 to vector<16xi32>
      %gather3A_366 = tpu.vector_load_idx %arg11[%add3A_188, %broadcast_in_dim3A_365] : memref<512x32xf32, #tpu.memory_space<vmem>>[vector<16xi32>, vector<16xi32>], vector<16xf32>,
      %gather3A_367 = tpu.vector_load_idx %arg12[%add3A_188, %broadcast_in_dim3A_365] : memref<512x32xf32, #tpu.memory_space<vmem>>[vector<16xi32>, vector<16xi32>], vector<16xf32>,
      %add3A_368 = arith.addf %gather3A_366, %gather3A_367 : vector<16xf32>
      %get3A_369 = arith.constant 16 : i32
      %get3A_370 = arith.index_cast %get3A_369 : i32 to index
      %get3A_371 = arith.constant 0 : index
      %get3A_372 = tpu.vector_load %arg14[%get3A_370, %get3A_371] {strides = array<i32>} : memref<32x16xf32, #tpu.memory_space<vmem>>, vector<16xf32>,
      %mul3A_373 = arith.mulf %add3A_368, %get3A_372 : vector<16xf32>
      %add3A_374 = arith.addf %add3A_363, %mul3A_373 : vector<16xf32>
      %broadcast_in_dim3A_375 = arith.constant 17 : i32
      %broadcast_in_dim3A_376 = vector.broadcast %broadcast_in_dim3A_375 : i32 to vector<16xi32>
      %gather3A_377 = tpu.vector_load_idx %arg11[%add3A_188, %broadcast_in_dim3A_376] : memref<512x32xf32, #tpu.memory_space<vmem>>[vector<16xi32>, vector<16xi32>], vector<16xf32>,
      %gather3A_378 = tpu.vector_load_idx %arg12[%add3A_188, %broadcast_in_dim3A_376] : memref<512x32xf32, #tpu.memory_space<vmem>>[vector<16xi32>, vector<16xi32>], vector<16xf32>,
      %add3A_379 = arith.addf %gather3A_377, %gather3A_378 : vector<16xf32>
      %get3A_380 = arith.constant 17 : i32
      %get3A_381 = arith.index_cast %get3A_380 : i32 to index
      %get3A_382 = arith.constant 0 : index
      %get3A_383 = tpu.vector_load %arg14[%get3A_381, %get3A_382] {strides = array<i32>} : memref<32x16xf32, #tpu.memory_space<vmem>>, vector<16xf32>,
      %mul3A_384 = arith.mulf %add3A_379, %get3A_383 : vector<16xf32>
      %add3A_385 = arith.addf %add3A_374, %mul3A_384 : vector<16xf32>
      %broadcast_in_dim3A_386 = arith.constant 18 : i32
      %broadcast_in_dim3A_387 = vector.broadcast %broadcast_in_dim3A_386 : i32 to vector<16xi32>
      %gather3A_388 = tpu.vector_load_idx %arg11[%add3A_188, %broadcast_in_dim3A_387] : memref<512x32xf32, #tpu.memory_space<vmem>>[vector<16xi32>, vector<16xi32>], vector<16xf32>,
      %gather3A_389 = tpu.vector_load_idx %arg12[%add3A_188, %broadcast_in_dim3A_387] : memref<512x32xf32, #tpu.memory_space<vmem>>[vector<16xi32>, vector<16xi32>], vector<16xf32>,
      %add3A_390 = arith.addf %gather3A_388, %gather3A_389 : vector<16xf32>
      %get3A_391 = arith.constant 18 : i32
      %get3A_392 = arith.index_cast %get3A_391 : i32 to index
      %get3A_393 = arith.constant 0 : index
      %get3A_394 = tpu.vector_load %arg14[%get3A_392, %get3A_393] {strides = array<i32>} : memref<32x16xf32, #tpu.memory_space<vmem>>, vector<16xf32>,
      %mul3A_395 = arith.mulf %add3A_390, %get3A_394 : vector<16xf32>
      %add3A_396 = arith.addf %add3A_385, %mul3A_395 : vector<16xf32>
      %broadcast_in_dim3A_397 = arith.constant 19 : i32
      %broadcast_in_dim3A_398 = vector.broadcast %broadcast_in_dim3A_397 : i32 to vector<16xi32>
      %gather3A_399 = tpu.vector_load_idx %arg11[%add3A_188, %broadcast_in_dim3A_398] : memref<512x32xf32, #tpu.memory_space<vmem>>[vector<16xi32>, vector<16xi32>], vector<16xf32>,
      %gather3A_400 = tpu.vector_load_idx %arg12[%add3A_188, %broadcast_in_dim3A_398] : memref<512x32xf32, #tpu.memory_space<vmem>>[vector<16xi32>, vector<16xi32>], vector<16xf32>,
      %add3A_401 = arith.addf %gather3A_399, %gather3A_400 : vector<16xf32>
      %get3A_402 = arith.constant 19 : i32
      %get3A_403 = arith.index_cast %get3A_402 : i32 to index
      %get3A_404 = arith.constant 0 : index
      %get3A_405 = tpu.vector_load %arg14[%get3A_403, %get3A_404] {strides = array<i32>} : memref<32x16xf32, #tpu.memory_space<vmem>>, vector<16xf32>,
      %mul3A_406 = arith.mulf %add3A_401, %get3A_405 : vector<16xf32>
      %add3A_407 = arith.addf %add3A_396, %mul3A_406 : vector<16xf32>
      %broadcast_in_dim3A_408 = arith.constant 20 : i32
      %broadcast_in_dim3A_409 = vector.broadcast %broadcast_in_dim3A_408 : i32 to vector<16xi32>
      %gather3A_410 = tpu.vector_load_idx %arg11[%add3A_188, %broadcast_in_dim3A_409] : memref<512x32xf32, #tpu.memory_space<vmem>>[vector<16xi32>, vector<16xi32>], vector<16xf32>,
      %gather3A_411 = tpu.vector_load_idx %arg12[%add3A_188, %broadcast_in_dim3A_409] : memref<512x32xf32, #tpu.memory_space<vmem>>[vector<16xi32>, vector<16xi32>], vector<16xf32>,
      %add3A_412 = arith.addf %gather3A_410, %gather3A_411 : vector<16xf32>
      %get3A_413 = arith.constant 20 : i32
      %get3A_414 = arith.index_cast %get3A_413 : i32 to index
      %get3A_415 = arith.constant 0 : index
      %get3A_416 = tpu.vector_load %arg14[%get3A_414, %get3A_415] {strides = array<i32>} : memref<32x16xf32, #tpu.memory_space<vmem>>, vector<16xf32>,
      %mul3A_417 = arith.mulf %add3A_412, %get3A_416 : vector<16xf32>
      %add3A_418 = arith.addf %add3A_407, %mul3A_417 : vector<16xf32>
      %broadcast_in_dim3A_419 = arith.constant 21 : i32
      %broadcast_in_dim3A_420 = vector.broadcast %broadcast_in_dim3A_419 : i32 to vector<16xi32>
      %gather3A_421 = tpu.vector_load_idx %arg11[%add3A_188, %broadcast_in_dim3A_420] : memref<512x32xf32, #tpu.memory_space<vmem>>[vector<16xi32>, vector<16xi32>], vector<16xf32>,
      %gather3A_422 = tpu.vector_load_idx %arg12[%add3A_188, %broadcast_in_dim3A_420] : memref<512x32xf32, #tpu.memory_space<vmem>>[vector<16xi32>, vector<16xi32>], vector<16xf32>,
      %add3A_423 = arith.addf %gather3A_421, %gather3A_422 : vector<16xf32>
      %get3A_424 = arith.constant 21 : i32
      %get3A_425 = arith.index_cast %get3A_424 : i32 to index
      %get3A_426 = arith.constant 0 : index
      %get3A_427 = tpu.vector_load %arg14[%get3A_425, %get3A_426] {strides = array<i32>} : memref<32x16xf32, #tpu.memory_space<vmem>>, vector<16xf32>,
      %mul3A_428 = arith.mulf %add3A_423, %get3A_427 : vector<16xf32>
      %add3A_429 = arith.addf %add3A_418, %mul3A_428 : vector<16xf32>
      %broadcast_in_dim3A_430 = arith.constant 22 : i32
      %broadcast_in_dim3A_431 = vector.broadcast %broadcast_in_dim3A_430 : i32 to vector<16xi32>
      %gather3A_432 = tpu.vector_load_idx %arg11[%add3A_188, %broadcast_in_dim3A_431] : memref<512x32xf32, #tpu.memory_space<vmem>>[vector<16xi32>, vector<16xi32>], vector<16xf32>,
      %gather3A_433 = tpu.vector_load_idx %arg12[%add3A_188, %broadcast_in_dim3A_431] : memref<512x32xf32, #tpu.memory_space<vmem>>[vector<16xi32>, vector<16xi32>], vector<16xf32>,
      %add3A_434 = arith.addf %gather3A_432, %gather3A_433 : vector<16xf32>
      %get3A_435 = arith.constant 22 : i32
      %get3A_436 = arith.index_cast %get3A_435 : i32 to index
      %get3A_437 = arith.constant 0 : index
      %get3A_438 = tpu.vector_load %arg14[%get3A_436, %get3A_437] {strides = array<i32>} : memref<32x16xf32, #tpu.memory_space<vmem>>, vector<16xf32>,
      %mul3A_439 = arith.mulf %add3A_434, %get3A_438 : vector<16xf32>
      %add3A_440 = arith.addf %add3A_429, %mul3A_439 : vector<16xf32>
      %broadcast_in_dim3A_441 = arith.constant 23 : i32
      %broadcast_in_dim3A_442 = vector.broadcast %broadcast_in_dim3A_441 : i32 to vector<16xi32>
      %gather3A_443 = tpu.vector_load_idx %arg11[%add3A_188, %broadcast_in_dim3A_442] : memref<512x32xf32, #tpu.memory_space<vmem>>[vector<16xi32>, vector<16xi32>], vector<16xf32>,
      %gather3A_444 = tpu.vector_load_idx %arg12[%add3A_188, %broadcast_in_dim3A_442] : memref<512x32xf32, #tpu.memory_space<vmem>>[vector<16xi32>, vector<16xi32>], vector<16xf32>,
      %add3A_445 = arith.addf %gather3A_443, %gather3A_444 : vector<16xf32>
      %get3A_446 = arith.constant 23 : i32
      %get3A_447 = arith.index_cast %get3A_446 : i32 to index
      %get3A_448 = arith.constant 0 : index
      %get3A_449 = tpu.vector_load %arg14[%get3A_447, %get3A_448] {strides = array<i32>} : memref<32x16xf32, #tpu.memory_space<vmem>>, vector<16xf32>,
      %mul3A_450 = arith.mulf %add3A_445, %get3A_449 : vector<16xf32>
      %add3A_451 = arith.addf %add3A_440, %mul3A_450 : vector<16xf32>
      %broadcast_in_dim3A_452 = arith.constant 24 : i32
      %broadcast_in_dim3A_453 = vector.broadcast %broadcast_in_dim3A_452 : i32 to vector<16xi32>
      %gather3A_454 = tpu.vector_load_idx %arg11[%add3A_188, %broadcast_in_dim3A_453] : memref<512x32xf32, #tpu.memory_space<vmem>>[vector<16xi32>, vector<16xi32>], vector<16xf32>,
      %gather3A_455 = tpu.vector_load_idx %arg12[%add3A_188, %broadcast_in_dim3A_453] : memref<512x32xf32, #tpu.memory_space<vmem>>[vector<16xi32>, vector<16xi32>], vector<16xf32>,
      %add3A_456 = arith.addf %gather3A_454, %gather3A_455 : vector<16xf32>
      %get3A_457 = arith.constant 24 : i32
      %get3A_458 = arith.index_cast %get3A_457 : i32 to index
      %get3A_459 = arith.constant 0 : index
      %get3A_460 = tpu.vector_load %arg14[%get3A_458, %get3A_459] {strides = array<i32>} : memref<32x16xf32, #tpu.memory_space<vmem>>, vector<16xf32>,
      %mul3A_461 = arith.mulf %add3A_456, %get3A_460 : vector<16xf32>
      %add3A_462 = arith.addf %add3A_451, %mul3A_461 : vector<16xf32>
      %broadcast_in_dim3A_463 = arith.constant 25 : i32
      %broadcast_in_dim3A_464 = vector.broadcast %broadcast_in_dim3A_463 : i32 to vector<16xi32>
      %gather3A_465 = tpu.vector_load_idx %arg11[%add3A_188, %broadcast_in_dim3A_464] : memref<512x32xf32, #tpu.memory_space<vmem>>[vector<16xi32>, vector<16xi32>], vector<16xf32>,
      %gather3A_466 = tpu.vector_load_idx %arg12[%add3A_188, %broadcast_in_dim3A_464] : memref<512x32xf32, #tpu.memory_space<vmem>>[vector<16xi32>, vector<16xi32>], vector<16xf32>,
      %add3A_467 = arith.addf %gather3A_465, %gather3A_466 : vector<16xf32>
      %get3A_468 = arith.constant 25 : i32
      %get3A_469 = arith.index_cast %get3A_468 : i32 to index
      %get3A_470 = arith.constant 0 : index
      %get3A_471 = tpu.vector_load %arg14[%get3A_469, %get3A_470] {strides = array<i32>} : memref<32x16xf32, #tpu.memory_space<vmem>>, vector<16xf32>,
      %mul3A_472 = arith.mulf %add3A_467, %get3A_471 : vector<16xf32>
      %add3A_473 = arith.addf %add3A_462, %mul3A_472 : vector<16xf32>
      %broadcast_in_dim3A_474 = arith.constant 26 : i32
      %broadcast_in_dim3A_475 = vector.broadcast %broadcast_in_dim3A_474 : i32 to vector<16xi32>
      %gather3A_476 = tpu.vector_load_idx %arg11[%add3A_188, %broadcast_in_dim3A_475] : memref<512x32xf32, #tpu.memory_space<vmem>>[vector<16xi32>, vector<16xi32>], vector<16xf32>,
      %gather3A_477 = tpu.vector_load_idx %arg12[%add3A_188, %broadcast_in_dim3A_475] : memref<512x32xf32, #tpu.memory_space<vmem>>[vector<16xi32>, vector<16xi32>], vector<16xf32>,
      %add3A_478 = arith.addf %gather3A_476, %gather3A_477 : vector<16xf32>
      %get3A_479 = arith.constant 26 : i32
      %get3A_480 = arith.index_cast %get3A_479 : i32 to index
      %get3A_481 = arith.constant 0 : index
      %get3A_482 = tpu.vector_load %arg14[%get3A_480, %get3A_481] {strides = array<i32>} : memref<32x16xf32, #tpu.memory_space<vmem>>, vector<16xf32>,
      %mul3A_483 = arith.mulf %add3A_478, %get3A_482 : vector<16xf32>
      %add3A_484 = arith.addf %add3A_473, %mul3A_483 : vector<16xf32>
      %broadcast_in_dim3A_485 = arith.constant 27 : i32
      %broadcast_in_dim3A_486 = vector.broadcast %broadcast_in_dim3A_485 : i32 to vector<16xi32>
      %gather3A_487 = tpu.vector_load_idx %arg11[%add3A_188, %broadcast_in_dim3A_486] : memref<512x32xf32, #tpu.memory_space<vmem>>[vector<16xi32>, vector<16xi32>], vector<16xf32>,
      %gather3A_488 = tpu.vector_load_idx %arg12[%add3A_188, %broadcast_in_dim3A_486] : memref<512x32xf32, #tpu.memory_space<vmem>>[vector<16xi32>, vector<16xi32>], vector<16xf32>,
      %add3A_489 = arith.addf %gather3A_487, %gather3A_488 : vector<16xf32>
      %get3A_490 = arith.constant 27 : i32
      %get3A_491 = arith.index_cast %get3A_490 : i32 to index
      %get3A_492 = arith.constant 0 : index
      %get3A_493 = tpu.vector_load %arg14[%get3A_491, %get3A_492] {strides = array<i32>} : memref<32x16xf32, #tpu.memory_space<vmem>>, vector<16xf32>,
      %mul3A_494 = arith.mulf %add3A_489, %get3A_493 : vector<16xf32>
      %add3A_495 = arith.addf %add3A_484, %mul3A_494 : vector<16xf32>
      %broadcast_in_dim3A_496 = arith.constant 28 : i32
      %broadcast_in_dim3A_497 = vector.broadcast %broadcast_in_dim3A_496 : i32 to vector<16xi32>
      %gather3A_498 = tpu.vector_load_idx %arg11[%add3A_188, %broadcast_in_dim3A_497] : memref<512x32xf32, #tpu.memory_space<vmem>>[vector<16xi32>, vector<16xi32>], vector<16xf32>,
      %gather3A_499 = tpu.vector_load_idx %arg12[%add3A_188, %broadcast_in_dim3A_497] : memref<512x32xf32, #tpu.memory_space<vmem>>[vector<16xi32>, vector<16xi32>], vector<16xf32>,
      %add3A_500 = arith.addf %gather3A_498, %gather3A_499 : vector<16xf32>
      %get3A_501 = arith.constant 28 : i32
      %get3A_502 = arith.index_cast %get3A_501 : i32 to index
      %get3A_503 = arith.constant 0 : index
      %get3A_504 = tpu.vector_load %arg14[%get3A_502, %get3A_503] {strides = array<i32>} : memref<32x16xf32, #tpu.memory_space<vmem>>, vector<16xf32>,
      %mul3A_505 = arith.mulf %add3A_500, %get3A_504 : vector<16xf32>
      %add3A_506 = arith.addf %add3A_495, %mul3A_505 : vector<16xf32>
      %broadcast_in_dim3A_507 = arith.constant 29 : i32
      %broadcast_in_dim3A_508 = vector.broadcast %broadcast_in_dim3A_507 : i32 to vector<16xi32>
      %gather3A_509 = tpu.vector_load_idx %arg11[%add3A_188, %broadcast_in_dim3A_508] : memref<512x32xf32, #tpu.memory_space<vmem>>[vector<16xi32>, vector<16xi32>], vector<16xf32>,
      %gather3A_510 = tpu.vector_load_idx %arg12[%add3A_188, %broadcast_in_dim3A_508] : memref<512x32xf32, #tpu.memory_space<vmem>>[vector<16xi32>, vector<16xi32>], vector<16xf32>,
      %add3A_511 = arith.addf %gather3A_509, %gather3A_510 : vector<16xf32>
      %get3A_512 = arith.constant 29 : i32
      %get3A_513 = arith.index_cast %get3A_512 : i32 to index
      %get3A_514 = arith.constant 0 : index
      %get3A_515 = tpu.vector_load %arg14[%get3A_513, %get3A_514] {strides = array<i32>} : memref<32x16xf32, #tpu.memory_space<vmem>>, vector<16xf32>,
      %mul3A_516 = arith.mulf %add3A_511, %get3A_515 : vector<16xf32>
      %add3A_517 = arith.addf %add3A_506, %mul3A_516 : vector<16xf32>
      %broadcast_in_dim3A_518 = arith.constant 30 : i32
      %broadcast_in_dim3A_519 = vector.broadcast %broadcast_in_dim3A_518 : i32 to vector<16xi32>
      %gather3A_520 = tpu.vector_load_idx %arg11[%add3A_188, %broadcast_in_dim3A_519] : memref<512x32xf32, #tpu.memory_space<vmem>>[vector<16xi32>, vector<16xi32>], vector<16xf32>,
      %gather3A_521 = tpu.vector_load_idx %arg12[%add3A_188, %broadcast_in_dim3A_519] : memref<512x32xf32, #tpu.memory_space<vmem>>[vector<16xi32>, vector<16xi32>], vector<16xf32>,
      %add3A_522 = arith.addf %gather3A_520, %gather3A_521 : vector<16xf32>
      %get3A_523 = arith.constant 30 : i32
      %get3A_524 = arith.index_cast %get3A_523 : i32 to index
      %get3A_525 = arith.constant 0 : index
      %get3A_526 = tpu.vector_load %arg14[%get3A_524, %get3A_525] {strides = array<i32>} : memref<32x16xf32, #tpu.memory_space<vmem>>, vector<16xf32>,
      %mul3A_527 = arith.mulf %add3A_522, %get3A_526 : vector<16xf32>
      %add3A_528 = arith.addf %add3A_517, %mul3A_527 : vector<16xf32>
      %broadcast_in_dim3A_529 = arith.constant 31 : i32
      %broadcast_in_dim3A_530 = vector.broadcast %broadcast_in_dim3A_529 : i32 to vector<16xi32>
      %gather3A_531 = tpu.vector_load_idx %arg11[%add3A_188, %broadcast_in_dim3A_530] : memref<512x32xf32, #tpu.memory_space<vmem>>[vector<16xi32>, vector<16xi32>], vector<16xf32>,
      %gather3A_532 = tpu.vector_load_idx %arg12[%add3A_188, %broadcast_in_dim3A_530] : memref<512x32xf32, #tpu.memory_space<vmem>>[vector<16xi32>, vector<16xi32>], vector<16xf32>,
      %add3A_533 = arith.addf %gather3A_531, %gather3A_532 : vector<16xf32>
      %get3A_534 = arith.constant 31 : i32
      %get3A_535 = arith.index_cast %get3A_534 : i32 to index
      %get3A_536 = arith.constant 0 : index
      %get3A_537 = tpu.vector_load %arg14[%get3A_535, %get3A_536] {strides = array<i32>} : memref<32x16xf32, #tpu.memory_space<vmem>>, vector<16xf32>,
      %mul3A_538 = arith.mulf %add3A_533, %get3A_537 : vector<16xf32>
      %add3A_539 = arith.addf %add3A_528, %mul3A_538 : vector<16xf32>
      %neg3A = arith.constant 0.000000e+00 : f32
      %neg3A_540 = vector.broadcast %neg3A : f32 to vector<16xf32>
      %neg3A_541 = arith.subf %neg3A_540, %add3A_539 : vector<16xf32>
      %exp3A = math.exp %neg3A_541 : vector<16xf32>
      %add3A_542 = arith.constant 1.000000e+00 : f32
      %add3A_543 = vector.broadcast %add3A_542 : f32 to vector<16xf32>
      %add3A_544 = arith.addf %add3A_543, %exp3A : vector<16xf32>
      %div3A = arith.constant 1.000000e+00 : f32
      %div3A_545 = vector.broadcast %div3A : f32 to vector<16xf32>
      %div3A_546 = arith.divf %div3A_545, %add3A_544 : vector<16xf32>
      %mul3A_547 = arith.constant 16 : i32
      %mul3A_548 = arith.muli %scan3A_184, %mul3A_547 : i32
      %swap3A = arith.index_cast %mul3A_548 : i32 to index
      %swap3A_549 = tpu.vector_load %arg13[%swap3A] {strides = array<i32>} : memref<512xf32, #tpu.memory_space<vmem>>, vector<16xf32>,
      tpu.vector_store %arg13[%swap3A], %div3A_546 {strides = array<i32>} : memref<512xf32, #tpu.memory_space<vmem>>, vector<16xf32>,
    }
    %scan3A_175 = arith.constant 32 : i32
    "tpu.region"() ({
      %run_scoped3A = tpu.sem_alloc : memref<!tpu.dma_semaphore, #tpu.memory_space<semaphore_mem>>
      %dma_start3A_184 = tpu.memref_slice %arg7[%mul3A_2] : memref<16384xf32, #tpu.memory_space<hbm>> -> memref<512xf32, #tpu.memory_space<hbm>>
      %dma_start3A_185 = tpu.memref_slice %arg7[%mul3A_2] : memref<16384xf32, #tpu.memory_space<hbm>> -> memref<512xf32, #tpu.memory_space<hbm>>
      tpu.enqueue_dma source(%arg13 : memref<512xf32, #tpu.memory_space<vmem>>) target(%dma_start3A_185 : memref<512xf32, #tpu.memory_space<hbm>>) target_semaphore(%run_scoped3A : memref<!tpu.dma_semaphore, #tpu.memory_space<semaphore_mem>>)
      %dma_wait3A_186 = tpu.memref_slice %arg7[%mul3A_2] : memref<16384xf32, #tpu.memory_space<hbm>> -> memref<512xf32, #tpu.memory_space<hbm>>
      %dma_wait3A_187 = tpu.memref_slice %arg7[%mul3A_2] : memref<16384xf32, #tpu.memory_space<hbm>> -> memref<512xf32, #tpu.memory_space<hbm>>
      tpu.wait_dma2 semaphore(%run_scoped3A : memref<!tpu.dma_semaphore, #tpu.memory_space<semaphore_mem>>) src(%arg13 : memref<512xf32, #tpu.memory_space<vmem>>) dst(%dma_wait3A_187 : memref<512xf32, #tpu.memory_space<hbm>>)
      tpu.yield
    }) : () -> ()
    %dma_wait3A_176 = arith.constant 0 : i32
    %dma_wait3A_177 = tpu.memref_slice %arg8[%mul3A_2, %dma_wait3A_176] : memref<16384x32xf32, #tpu.memory_space<hbm>> -> memref<512x32xf32, #tpu.memory_space<hbm>>
    %dma_wait3A_178 = arith.constant 0 : i32
    %dma_wait3A_179 = tpu.memref_slice %arg8[%mul3A_2, %dma_wait3A_178] : memref<16384x32xf32, #tpu.memory_space<hbm>> -> memref<512x32xf32, #tpu.memory_space<hbm>>
    tpu.wait_dma2 semaphore(%arg16 : memref<!tpu.dma_semaphore, #tpu.memory_space<semaphore_mem>>) src(%arg11 : memref<512x32xf32, #tpu.memory_space<vmem>>) dst(%dma_wait3A_179 : memref<512x32xf32, #tpu.memory_space<hbm>>)
    %dma_wait3A_180 = arith.constant 0 : i32
    %dma_wait3A_181 = tpu.memref_slice %arg9[%mul3A_2, %dma_wait3A_180] : memref<16384x32xf32, #tpu.memory_space<hbm>> -> memref<512x32xf32, #tpu.memory_space<hbm>>
    %dma_wait3A_182 = arith.constant 0 : i32
    %dma_wait3A_183 = tpu.memref_slice %arg9[%mul3A_2, %dma_wait3A_182] : memref<16384x32xf32, #tpu.memory_space<hbm>> -> memref<512x32xf32, #tpu.memory_space<hbm>>
    tpu.wait_dma2 semaphore(%arg16 : memref<!tpu.dma_semaphore, #tpu.memory_space<semaphore_mem>>) src(%arg12 : memref<512x32xf32, #tpu.memory_space<vmem>>) dst(%dma_wait3A_183 : memref<512x32xf32, #tpu.memory_space<hbm>>)
    return
  }
}

#map = affine_map<(d0, d1) -> (0)>
#map1 = affine_map<(d0, d1) -> (0, 0, 0)>
#map2 = affine_map<(d0, d1) -> (0, 0)>
module attributes {stable_mosaic.version = 14 : i64} {
  func.func @_fetch_body(%arg0: i32, %arg1: i32, %arg2: memref<16384xi32, #tpu.memory_space<hbm>>, %arg3: memref<4x8x1000000xf32, #tpu.memory_space<hbm>>, %arg4: memref<4x8x1000000xf32, #tpu.memory_space<hbm>>, %arg5: memref<64x32xf32, #tpu.memory_space<hbm>>, %arg6: memref<64x32xf32, #tpu.memory_space<hbm>>, %arg7: memref<524288xf32, #tpu.memory_space<hbm>>, %arg8: memref<524288xf32, #tpu.memory_space<hbm>>, %arg9: memref<1040xi32, #tpu.memory_space<vmem>>, %arg10: memref<8x4x8x128xf32, #tpu.memory_space<vmem>>, %arg11: memref<8x4x8x128xf32, #tpu.memory_space<vmem>>, %arg12: memref<16384xf32, #tpu.memory_space<vmem>>, %arg13: memref<16384xf32, #tpu.memory_space<vmem>>, %arg14: memref<64x32xf32, #tpu.memory_space<vmem>>, %arg15: memref<64x32xf32, #tpu.memory_space<vmem>>, %arg16: memref<!tpu.dma_semaphore, #tpu.memory_space<semaphore_mem>>, %arg17: memref<!tpu.dma_semaphore, #tpu.memory_space<semaphore_mem>>) attributes {dimension_semantics = [#tpu.dimension_semantics<core_parallel>, #tpu.dimension_semantics<subcore_parallel>], iteration_bounds = array<i64: 2, 16>, scalar_prefetch = 0 : i64, scratch_operands = 9 : i64, tpu.core_type = #tpu.core_type<sc_vector_subcore>, window_params = [{transform_indices = #map}, {transform_indices = #map1}, {transform_indices = #map1}, {transform_indices = #map2}, {transform_indices = #map2}, {transform_indices = #map}, {transform_indices = #map}]} {
    %mul3A = arith.constant 2 : i32
    %mul3A_0 = arith.muli %arg1, %mul3A : i32
    %add3A = arith.addi %mul3A_0, %arg0 : i32
    %mul3A_1 = arith.constant 512 : i32
    %mul3A_2 = arith.muli %add3A, %mul3A_1 : i32
    %jit3A = arith.constant 2 : i32
    %div3A = arith.divsi %add3A, %jit3A : i32
    %sign3A = arith.constant 0 : i32
    %sign3A_3 = arith.cmpi sgt, %add3A, %sign3A : i32
    %sign3A_4 = arith.extui %sign3A_3 : i1 to i32
    %sign3A_5 = arith.constant 0 : i32
    %sign3A_6 = arith.cmpi slt, %add3A, %sign3A_5 : i32
    %sign3A_7 = arith.extui %sign3A_6 : i1 to i32
    %sign3A_8 = arith.subi %sign3A_4, %sign3A_7 : i32
    %sign3A_9 = arith.constant 0 : i32
    %sign3A_10 = arith.cmpi sgt, %jit3A, %sign3A_9 : i32
    %sign3A_11 = arith.extui %sign3A_10 : i1 to i32
    %sign3A_12 = arith.constant 0 : i32
    %sign3A_13 = arith.cmpi slt, %jit3A, %sign3A_12 : i32
    %sign3A_14 = arith.extui %sign3A_13 : i1 to i32
    %sign3A_15 = arith.subi %sign3A_11, %sign3A_14 : i32
    %ne3A = arith.cmpi ne, %sign3A_8, %sign3A_15 : i32
    %rem3A = arith.remsi %add3A, %jit3A : i32
    %ne3A_16 = arith.constant 0 : i32
    %ne3A_17 = arith.cmpi ne, %rem3A, %ne3A_16 : i32
    %and3A = arith.andi %ne3A, %ne3A_17 : i1
    %sub3A = arith.constant 1 : i32
    %sub3A_18 = arith.subi %div3A, %sub3A : i32
    %select_n3A = arith.select %and3A, %sub3A_18, %div3A : i32
    %mul3A_19 = arith.constant 1024 : i32
    %mul3A_20 = arith.muli %select_n3A, %mul3A_19 : i32
    "tpu.region"() ({
      %run_scoped3A = tpu.sem_alloc : memref<!tpu.dma_semaphore, #tpu.memory_space<semaphore_mem>>
      %dma_start3A_212 = arith.constant 0 : i32
      %dma_start3A_213 = tpu.memref_slice %arg9[%dma_start3A_212] : memref<1040xi32, #tpu.memory_space<vmem>> -> memref<1024xi32, #tpu.memory_space<vmem>>
      %dma_start3A_214 = tpu.memref_slice %arg2[%mul3A_20] : memref<16384xi32, #tpu.memory_space<hbm>> -> memref<1024xi32, #tpu.memory_space<hbm>>
      %dma_start3A_215 = arith.constant 0 : i32
      %dma_start3A_216 = tpu.memref_slice %arg9[%dma_start3A_215] : memref<1040xi32, #tpu.memory_space<vmem>> -> memref<1024xi32, #tpu.memory_space<vmem>>
      %dma_start3A_217 = tpu.memref_slice %arg2[%mul3A_20] : memref<16384xi32, #tpu.memory_space<hbm>> -> memref<1024xi32, #tpu.memory_space<hbm>>
      tpu.enqueue_dma source(%dma_start3A_217 : memref<1024xi32, #tpu.memory_space<hbm>>) target(%dma_start3A_216 : memref<1024xi32, #tpu.memory_space<vmem>>) target_semaphore(%run_scoped3A : memref<!tpu.dma_semaphore, #tpu.memory_space<semaphore_mem>>)
      %dma_wait3A = arith.constant 0 : i32
      %dma_wait3A_218 = tpu.memref_slice %arg9[%dma_wait3A] : memref<1040xi32, #tpu.memory_space<vmem>> -> memref<1024xi32, #tpu.memory_space<vmem>>
      %dma_wait3A_219 = tpu.memref_slice %arg2[%mul3A_20] : memref<16384xi32, #tpu.memory_space<hbm>> -> memref<1024xi32, #tpu.memory_space<hbm>>
      %dma_wait3A_220 = arith.constant 0 : i32
      %dma_wait3A_221 = tpu.memref_slice %arg9[%dma_wait3A_220] : memref<1040xi32, #tpu.memory_space<vmem>> -> memref<1024xi32, #tpu.memory_space<vmem>>
      %dma_wait3A_222 = tpu.memref_slice %arg2[%mul3A_20] : memref<16384xi32, #tpu.memory_space<hbm>> -> memref<1024xi32, #tpu.memory_space<hbm>>
      tpu.wait_dma2 semaphore(%run_scoped3A : memref<!tpu.dma_semaphore, #tpu.memory_space<semaphore_mem>>) src(%dma_wait3A_222 : memref<1024xi32, #tpu.memory_space<hbm>>) dst(%dma_wait3A_221 : memref<1024xi32, #tpu.memory_space<vmem>>)
      tpu.yield
    }) : () -> ()
    %jit3A_21 = arith.constant 2 : i32
    %eq3A = arith.constant 0 : i32
    %eq3A_22 = arith.cmpi eq, %jit3A_21, %eq3A : i32
    %jit3A_23 = arith.constant 1 : i32
    %select_n3A_24 = arith.select %eq3A_22, %jit3A_23, %jit3A_21 : i32
    %rem3A_25 = arith.remsi %add3A, %select_n3A_24 : i32
    %ne3A_26 = arith.constant 0 : i32
    %ne3A_27 = arith.cmpi ne, %rem3A_25, %ne3A_26 : i32
    %lt3A = arith.constant 0 : i32
    %lt3A_28 = arith.cmpi slt, %rem3A_25, %lt3A : i32
    %lt3A_29 = arith.constant 0 : i32
    %lt3A_30 = arith.cmpi slt, %select_n3A_24, %lt3A_29 : i32
    %ne3A_31 = arith.xori %lt3A_28, %lt3A_30 : i1
    %and3A_32 = arith.andi %ne3A_31, %ne3A_27 : i1
    %add3A_33 = arith.addi %rem3A_25, %select_n3A_24 : i32
    %select_n3A_34 = arith.select %and3A_32, %add3A_33, %rem3A_25 : i32
    %mul3A_35 = arith.constant 512 : i32
    %mul3A_36 = arith.muli %select_n3A_34, %mul3A_35 : i32
    "tpu.region"() ({
      %run_scoped3A = tpu.sem_alloc : memref<!tpu.dma_semaphore, #tpu.memory_space<semaphore_mem>>
      tpu.enqueue_dma source(%arg5 : memref<64x32xf32, #tpu.memory_space<hbm>>) target(%arg14 : memref<64x32xf32, #tpu.memory_space<vmem>>) target_semaphore(%run_scoped3A : memref<!tpu.dma_semaphore, #tpu.memory_space<semaphore_mem>>)
      tpu.wait_dma2 semaphore(%run_scoped3A : memref<!tpu.dma_semaphore, #tpu.memory_space<semaphore_mem>>) src(%arg5 : memref<64x32xf32, #tpu.memory_space<hbm>>) dst(%arg14 : memref<64x32xf32, #tpu.memory_space<vmem>>)
      tpu.yield
    }) : () -> ()
    "tpu.region"() ({
      %run_scoped3A = tpu.sem_alloc : memref<!tpu.dma_semaphore, #tpu.memory_space<semaphore_mem>>
      tpu.enqueue_dma source(%arg6 : memref<64x32xf32, #tpu.memory_space<hbm>>) target(%arg15 : memref<64x32xf32, #tpu.memory_space<vmem>>) target_semaphore(%run_scoped3A : memref<!tpu.dma_semaphore, #tpu.memory_space<semaphore_mem>>)
      tpu.wait_dma2 semaphore(%run_scoped3A : memref<!tpu.dma_semaphore, #tpu.memory_space<semaphore_mem>>) src(%arg6 : memref<64x32xf32, #tpu.memory_space<hbm>>) dst(%arg15 : memref<64x32xf32, #tpu.memory_space<vmem>>)
      tpu.yield
    }) : () -> ()
    %iota3A = tpu.iota {dimensions = array<i32: 0>} : vector<16xi32>
    %jit3A_37 = arith.constant 8 : i32
    %div3A_38 = vector.broadcast %jit3A_37 : i32 to vector<16xi32>
    %div3A_39 = arith.divsi %iota3A, %div3A_38 : vector<16xi32>
    %sign3A_40 = arith.constant 0 : i32
    %sign3A_41 = vector.broadcast %sign3A_40 : i32 to vector<16xi32>
    %sign3A_42 = arith.cmpi sgt, %iota3A, %sign3A_41 : vector<16xi32>
    %sign3A_43 = arith.extui %sign3A_42 : vector<16xi1> to vector<16xi32>
    %sign3A_44 = arith.constant 0 : i32
    %sign3A_45 = vector.broadcast %sign3A_44 : i32 to vector<16xi32>
    %sign3A_46 = arith.cmpi slt, %iota3A, %sign3A_45 : vector<16xi32>
    %sign3A_47 = arith.extui %sign3A_46 : vector<16xi1> to vector<16xi32>
    %sign3A_48 = arith.subi %sign3A_43, %sign3A_47 : vector<16xi32>
    %sign3A_49 = arith.constant 0 : i32
    %sign3A_50 = arith.cmpi sgt, %jit3A_37, %sign3A_49 : i32
    %sign3A_51 = arith.extui %sign3A_50 : i1 to i32
    %sign3A_52 = arith.constant 0 : i32
    %sign3A_53 = arith.cmpi slt, %jit3A_37, %sign3A_52 : i32
    %sign3A_54 = arith.extui %sign3A_53 : i1 to i32
    %sign3A_55 = arith.subi %sign3A_51, %sign3A_54 : i32
    %ne3A_56 = vector.broadcast %sign3A_55 : i32 to vector<16xi32>
    %ne3A_57 = arith.cmpi ne, %sign3A_48, %ne3A_56 : vector<16xi32>
    %rem3A_58 = vector.broadcast %jit3A_37 : i32 to vector<16xi32>
    %rem3A_59 = arith.remsi %iota3A, %rem3A_58 : vector<16xi32>
    %ne3A_60 = arith.constant 0 : i32
    %ne3A_61 = vector.broadcast %ne3A_60 : i32 to vector<16xi32>
    %ne3A_62 = arith.cmpi ne, %rem3A_59, %ne3A_61 : vector<16xi32>
    %and3A_63 = arith.andi %ne3A_57, %ne3A_62 : vector<16xi1>
    %sub3A_64 = arith.constant 1 : i32
    %sub3A_65 = vector.broadcast %sub3A_64 : i32 to vector<16xi32>
    %sub3A_66 = arith.subi %div3A_39, %sub3A_65 : vector<16xi32>
    %select_n3A_67 = arith.select %and3A_63, %sub3A_66, %div3A_39 : vector<16xi1>, vector<16xi32>
    %add3A_68 = arith.constant 2 : i32
    %add3A_69 = vector.broadcast %add3A_68 : i32 to vector<16xi32>
    %add3A_70 = arith.addi %select_n3A_67, %add3A_69 : vector<16xi32>
    %jit3A_71 = arith.constant 8 : i32
    %eq3A_72 = arith.constant 0 : i32
    %eq3A_73 = arith.cmpi eq, %jit3A_71, %eq3A_72 : i32
    %jit3A_74 = arith.constant 1 : i32
    %select_n3A_75 = arith.select %eq3A_73, %jit3A_74, %jit3A_71 : i32
    %rem3A_76 = vector.broadcast %select_n3A_75 : i32 to vector<16xi32>
    %rem3A_77 = arith.remsi %iota3A, %rem3A_76 : vector<16xi32>
    %ne3A_78 = arith.constant 0 : i32
    %ne3A_79 = vector.broadcast %ne3A_78 : i32 to vector<16xi32>
    %ne3A_80 = arith.cmpi ne, %rem3A_77, %ne3A_79 : vector<16xi32>
    %lt3A_81 = arith.constant 0 : i32
    %lt3A_82 = vector.broadcast %lt3A_81 : i32 to vector<16xi32>
    %lt3A_83 = arith.cmpi slt, %rem3A_77, %lt3A_82 : vector<16xi32>
    %lt3A_84 = arith.constant 0 : i32
    %lt3A_85 = arith.cmpi slt, %select_n3A_75, %lt3A_84 : i32
    %ne3A_86 = vector.broadcast %lt3A_85 : i1 to vector<16xi1>
    %ne3A_87 = vector.broadcast %ne3A_86 : vector<16xi1> to vector<16xi1>
    %ne3A_88 = arith.xori %lt3A_83, %ne3A_87 : vector<16xi1>
    %and3A_89 = arith.andi %ne3A_88, %ne3A_80 : vector<16xi1>
    %add3A_90 = vector.broadcast %select_n3A_75 : i32 to vector<16xi32>
    %add3A_91 = arith.addi %rem3A_77, %add3A_90 : vector<16xi32>
    %select_n3A_92 = arith.select %and3A_89, %add3A_91, %rem3A_77 : vector<16xi1>, vector<16xi32>
    %add3A_93 = arith.constant 16 : i32
    %add3A_94 = vector.broadcast %add3A_93 : i32 to vector<16xi32>
    %add3A_95 = arith.addi %iota3A, %add3A_94 : vector<16xi32>
    %get3A = arith.index_cast %mul3A_36 : i32 to index
    %get3A_96 = tpu.vector_load %arg9[%get3A] {strides = array<i32>} : memref<1040xi32, #tpu.memory_space<vmem>>, vector<16xi32>,
    %slice3A = vector.extract_strided_slice %get3A_96 {offsets = [0], sizes = [1], strides = [1]} : vector<16xi32> to vector<1xi32>
    %squeeze3A = vector.extract %slice3A[0] : i32 from vector<1xi32>
    %shift_right_arithmetic3A = arith.constant 7 : i32
    %shift_right_arithmetic3A_97 = arith.shrsi %squeeze3A, %shift_right_arithmetic3A : i32
    %min3A = arith.constant 7811 : i32
    %min3A_98 = arith.minsi %shift_right_arithmetic3A_97, %min3A : i32
    %slice3A_99 = vector.extract_strided_slice %get3A_96 {offsets = [1], sizes = [1], strides = [1]} : vector<16xi32> to vector<1xi32>
    %squeeze3A_100 = vector.extract %slice3A_99[0] : i32 from vector<1xi32>
    %shift_right_arithmetic3A_101 = arith.constant 7 : i32
    %shift_right_arithmetic3A_102 = arith.shrsi %squeeze3A_100, %shift_right_arithmetic3A_101 : i32
    %min3A_103 = arith.constant 7811 : i32
    %min3A_104 = arith.minsi %shift_right_arithmetic3A_102, %min3A_103 : i32
    %slice3A_105 = vector.extract_strided_slice %get3A_96 {offsets = [2], sizes = [1], strides = [1]} : vector<16xi32> to vector<1xi32>
    %squeeze3A_106 = vector.extract %slice3A_105[0] : i32 from vector<1xi32>
    %shift_right_arithmetic3A_107 = arith.constant 7 : i32
    %shift_right_arithmetic3A_108 = arith.shrsi %squeeze3A_106, %shift_right_arithmetic3A_107 : i32
    %min3A_109 = arith.constant 7811 : i32
    %min3A_110 = arith.minsi %shift_right_arithmetic3A_108, %min3A_109 : i32
    %slice3A_111 = vector.extract_strided_slice %get3A_96 {offsets = [3], sizes = [1], strides = [1]} : vector<16xi32> to vector<1xi32>
    %squeeze3A_112 = vector.extract %slice3A_111[0] : i32 from vector<1xi32>
    %shift_right_arithmetic3A_113 = arith.constant 7 : i32
    %shift_right_arithmetic3A_114 = arith.shrsi %squeeze3A_112, %shift_right_arithmetic3A_113 : i32
    %min3A_115 = arith.constant 7811 : i32
    %min3A_116 = arith.minsi %shift_right_arithmetic3A_114, %min3A_115 : i32
    %slice3A_117 = vector.extract_strided_slice %get3A_96 {offsets = [4], sizes = [1], strides = [1]} : vector<16xi32> to vector<1xi32>
    %squeeze3A_118 = vector.extract %slice3A_117[0] : i32 from vector<1xi32>
    %shift_right_arithmetic3A_119 = arith.constant 7 : i32
    %shift_right_arithmetic3A_120 = arith.shrsi %squeeze3A_118, %shift_right_arithmetic3A_119 : i32
    %min3A_121 = arith.constant 7811 : i32
    %min3A_122 = arith.minsi %shift_right_arithmetic3A_120, %min3A_121 : i32
    %slice3A_123 = vector.extract_strided_slice %get3A_96 {offsets = [5], sizes = [1], strides = [1]} : vector<16xi32> to vector<1xi32>
    %squeeze3A_124 = vector.extract %slice3A_123[0] : i32 from vector<1xi32>
    %shift_right_arithmetic3A_125 = arith.constant 7 : i32
    %shift_right_arithmetic3A_126 = arith.shrsi %squeeze3A_124, %shift_right_arithmetic3A_125 : i32
    %min3A_127 = arith.constant 7811 : i32
    %min3A_128 = arith.minsi %shift_right_arithmetic3A_126, %min3A_127 : i32
    %slice3A_129 = vector.extract_strided_slice %get3A_96 {offsets = [6], sizes = [1], strides = [1]} : vector<16xi32> to vector<1xi32>
    %squeeze3A_130 = vector.extract %slice3A_129[0] : i32 from vector<1xi32>
    %shift_right_arithmetic3A_131 = arith.constant 7 : i32
    %shift_right_arithmetic3A_132 = arith.shrsi %squeeze3A_130, %shift_right_arithmetic3A_131 : i32
    %min3A_133 = arith.constant 7811 : i32
    %min3A_134 = arith.minsi %shift_right_arithmetic3A_132, %min3A_133 : i32
    %slice3A_135 = vector.extract_strided_slice %get3A_96 {offsets = [7], sizes = [1], strides = [1]} : vector<16xi32> to vector<1xi32>
    %squeeze3A_136 = vector.extract %slice3A_135[0] : i32 from vector<1xi32>
    %shift_right_arithmetic3A_137 = arith.constant 7 : i32
    %shift_right_arithmetic3A_138 = arith.shrsi %squeeze3A_136, %shift_right_arithmetic3A_137 : i32
    %min3A_139 = arith.constant 7811 : i32
    %min3A_140 = arith.minsi %shift_right_arithmetic3A_138, %min3A_139 : i32
    %ne3A_141 = arith.cmpi ne, %min3A_104, %min3A_98 : i32
    %ne3A_142 = arith.cmpi ne, %min3A_110, %min3A_104 : i32
    %ne3A_143 = arith.cmpi ne, %min3A_116, %min3A_110 : i32
    %ne3A_144 = arith.cmpi ne, %min3A_122, %min3A_116 : i32
    %ne3A_145 = arith.cmpi ne, %min3A_128, %min3A_122 : i32
    %ne3A_146 = arith.cmpi ne, %min3A_134, %min3A_128 : i32
    %ne3A_147 = arith.cmpi ne, %min3A_140, %min3A_134 : i32
    %cond3A = arith.constant 1 : i32
    %mul3A_148 = arith.constant 128 : i32
    %mul3A_149 = arith.muli %min3A_98, %mul3A_148 : i32
    %multiple_of3A = tpu.assume_multiple %mul3A_149, 128 : i32
    %dma_start3A = arith.constant 0 : i32
    %dma_start3A_150 = arith.constant 0 : i32
    %dma_start3A_151 = arith.constant 0 : i32
    %dma_start3A_152 = arith.constant 0 : i32
    %dma_start3A_153 = tpu.memref_slice %arg10[%dma_start3A, %dma_start3A_150, %dma_start3A_151, %dma_start3A_152] : memref<8x4x8x128xf32, #tpu.memory_space<vmem>> -> memref<1x4x8x128xf32, #tpu.memory_space<vmem>>
    %dma_start3A_154 = tpu.memref_squeeze %dma_start3A_153 : memref<1x4x8x128xf32, #tpu.memory_space<vmem>> -> memref<4x8x128xf32, #tpu.memory_space<vmem>>
    %dma_start3A_155 = arith.constant 0 : i32
    %dma_start3A_156 = arith.constant 0 : i32
    %dma_start3A_157 = tpu.memref_slice %arg3[%dma_start3A_155, %dma_start3A_156, %multiple_of3A] : memref<4x8x1000000xf32, #tpu.memory_space<hbm>> -> memref<4x8x128xf32, #tpu.memory_space<hbm>>
    %dma_start3A_158 = arith.constant 0 : i32
    %dma_start3A_159 = arith.constant 0 : i32
    %dma_start3A_160 = arith.constant 0 : i32
    %dma_start3A_161 = tpu.memref_slice %arg10[%dma_start3A, %dma_start3A_158, %dma_start3A_159, %dma_start3A_160] : memref<8x4x8x128xf32, #tpu.memory_space<vmem>> -> memref<1x4x8x128xf32, #tpu.memory_space<vmem>>
    %dma_start3A_162 = tpu.memref_squeeze %dma_start3A_161 : memref<1x4x8x128xf32, #tpu.memory_space<vmem>> -> memref<4x8x128xf32, #tpu.memory_space<vmem>>
    %dma_start3A_163 = arith.constant 0 : i32
    %dma_start3A_164 = arith.constant 0 : i32
    %dma_start3A_165 = tpu.memref_slice %arg3[%dma_start3A_163, %dma_start3A_164, %multiple_of3A] : memref<4x8x1000000xf32, #tpu.memory_space<hbm>> -> memref<4x8x128xf32, #tpu.memory_space<hbm>>
    tpu.enqueue_dma source(%dma_start3A_165 : memref<4x8x128xf32, #tpu.memory_space<hbm>>) target(%dma_start3A_162 : memref<4x8x128xf32, #tpu.memory_space<vmem>>) target_semaphore(%arg16 : memref<!tpu.dma_semaphore, #tpu.memory_space<semaphore_mem>>)
    %dma_start3A_166 = arith.constant 0 : i32
    %dma_start3A_167 = arith.constant 0 : i32
    %dma_start3A_168 = arith.constant 0 : i32
    %dma_start3A_169 = arith.constant 0 : i32
    %dma_start3A_170 = tpu.memref_slice %arg11[%dma_start3A_166, %dma_start3A_167, %dma_start3A_168, %dma_start3A_169] : memref<8x4x8x128xf32, #tpu.memory_space<vmem>> -> memref<1x4x8x128xf32, #tpu.memory_space<vmem>>
    %dma_start3A_171 = tpu.memref_squeeze %dma_start3A_170 : memref<1x4x8x128xf32, #tpu.memory_space<vmem>> -> memref<4x8x128xf32, #tpu.memory_space<vmem>>
    %dma_start3A_172 = arith.constant 0 : i32
    %dma_start3A_173 = arith.constant 0 : i32
    %dma_start3A_174 = tpu.memref_slice %arg4[%dma_start3A_172, %dma_start3A_173, %multiple_of3A] : memref<4x8x1000000xf32, #tpu.memory_space<hbm>> -> memref<4x8x128xf32, #tpu.memory_space<hbm>>
    %dma_start3A_175 = arith.constant 0 : i32
    %dma_start3A_176 = arith.constant 0 : i32
    %dma_start3A_177 = arith.constant 0 : i32
    %dma_start3A_178 = tpu.memref_slice %arg11[%dma_start3A_166, %dma_start3A_175, %dma_start3A_176, %dma_start3A_177] : memref<8x4x8x128xf32, #tpu.memory_space<vmem>> -> memref<1x4x8x128xf32, #tpu.memory_space<vmem>>
    %dma_start3A_179 = tpu.memref_squeeze %dma_start3A_178 : memref<1x4x8x128xf32, #tpu.memory_space<vmem>> -> memref<4x8x128xf32, #tpu.memory_space<vmem>>
    %dma_start3A_180 = arith.constant 0 : i32
    %dma_start3A_181 = arith.constant 0 : i32
    %dma_start3A_182 = tpu.memref_slice %arg4[%dma_start3A_180, %dma_start3A_181, %multiple_of3A] : memref<4x8x1000000xf32, #tpu.memory_space<hbm>> -> memref<4x8x128xf32, #tpu.memory_space<hbm>>
    tpu.enqueue_dma source(%dma_start3A_182 : memref<4x8x128xf32, #tpu.memory_space<hbm>>) target(%dma_start3A_179 : memref<4x8x128xf32, #tpu.memory_space<vmem>>) target_semaphore(%arg16 : memref<!tpu.dma_semaphore, #tpu.memory_space<semaphore_mem>>)
    %convert_element_type3A = arith.extui %ne3A_141 : i1 to i32
    %cond3A_183 = arith.constant 0 : i32
    %cond3A_184 = arith.cmpi ne, %convert_element_type3A, %cond3A_183 : i32
    scf.if %cond3A_184 {
      %mul3A_212 = arith.constant 128 : i32
      %mul3A_213 = arith.muli %min3A_104, %mul3A_212 : i32
      %multiple_of3A_214 = tpu.assume_multiple %mul3A_213, 128 : i32
      %dma_start3A_215 = arith.constant 1 : i32
      %dma_start3A_216 = arith.constant 0 : i32
      %dma_start3A_217 = arith.constant 0 : i32
      %dma_start3A_218 = arith.constant 0 : i32
      %dma_start3A_219 = tpu.memref_slice %arg10[%dma_start3A_215, %dma_start3A_216, %dma_start3A_217, %dma_start3A_218] : memref<8x4x8x128xf32, #tpu.memory_space<vmem>> -> memref<1x4x8x128xf32, #tpu.memory_space<vmem>>
      %dma_start3A_220 = tpu.memref_squeeze %dma_start3A_219 : memref<1x4x8x128xf32, #tpu.memory_space<vmem>> -> memref<4x8x128xf32, #tpu.memory_space<vmem>>
      %dma_start3A_221 = arith.constant 0 : i32
      %dma_start3A_222 = arith.constant 0 : i32
      %dma_start3A_223 = tpu.memref_slice %arg3[%dma_start3A_221, %dma_start3A_222, %multiple_of3A_214] : memref<4x8x1000000xf32, #tpu.memory_space<hbm>> -> memref<4x8x128xf32, #tpu.memory_space<hbm>>
      %dma_start3A_224 = arith.constant 0 : i32
      %dma_start3A_225 = arith.constant 0 : i32
      %dma_start3A_226 = arith.constant 0 : i32
      %dma_start3A_227 = tpu.memref_slice %arg10[%dma_start3A_215, %dma_start3A_224, %dma_start3A_225, %dma_start3A_226] : memref<8x4x8x128xf32, #tpu.memory_space<vmem>> -> memref<1x4x8x128xf32, #tpu.memory_space<vmem>>
      %dma_start3A_228 = tpu.memref_squeeze %dma_start3A_227 : memref<1x4x8x128xf32, #tpu.memory_space<vmem>> -> memref<4x8x128xf32, #tpu.memory_space<vmem>>
      %dma_start3A_229 = arith.constant 0 : i32
      %dma_start3A_230 = arith.constant 0 : i32
      %dma_start3A_231 = tpu.memref_slice %arg3[%dma_start3A_229, %dma_start3A_230, %multiple_of3A_214] : memref<4x8x1000000xf32, #tpu.memory_space<hbm>> -> memref<4x8x128xf32, #tpu.memory_space<hbm>>
      tpu.enqueue_dma source(%dma_start3A_231 : memref<4x8x128xf32, #tpu.memory_space<hbm>>) target(%dma_start3A_228 : memref<4x8x128xf32, #tpu.memory_space<vmem>>) target_semaphore(%arg16 : memref<!tpu.dma_semaphore, #tpu.memory_space<semaphore_mem>>)
      %dma_start3A_232 = arith.constant 1 : i32
      %dma_start3A_233 = arith.constant 0 : i32
      %dma_start3A_234 = arith.constant 0 : i32
      %dma_start3A_235 = arith.constant 0 : i32
      %dma_start3A_236 = tpu.memref_slice %arg11[%dma_start3A_232, %dma_start3A_233, %dma_start3A_234, %dma_start3A_235] : memref<8x4x8x128xf32, #tpu.memory_space<vmem>> -> memref<1x4x8x128xf32, #tpu.memory_space<vmem>>
      %dma_start3A_237 = tpu.memref_squeeze %dma_start3A_236 : memref<1x4x8x128xf32, #tpu.memory_space<vmem>> -> memref<4x8x128xf32, #tpu.memory_space<vmem>>
      %dma_start3A_238 = arith.constant 0 : i32
      %dma_start3A_239 = arith.constant 0 : i32
      %dma_start3A_240 = tpu.memref_slice %arg4[%dma_start3A_238, %dma_start3A_239, %multiple_of3A_214] : memref<4x8x1000000xf32, #tpu.memory_space<hbm>> -> memref<4x8x128xf32, #tpu.memory_space<hbm>>
      %dma_start3A_241 = arith.constant 0 : i32
      %dma_start3A_242 = arith.constant 0 : i32
      %dma_start3A_243 = arith.constant 0 : i32
      %dma_start3A_244 = tpu.memref_slice %arg11[%dma_start3A_232, %dma_start3A_241, %dma_start3A_242, %dma_start3A_243] : memref<8x4x8x128xf32, #tpu.memory_space<vmem>> -> memref<1x4x8x128xf32, #tpu.memory_space<vmem>>
      %dma_start3A_245 = tpu.memref_squeeze %dma_start3A_244 : memref<1x4x8x128xf32, #tpu.memory_space<vmem>> -> memref<4x8x128xf32, #tpu.memory_space<vmem>>
      %dma_start3A_246 = arith.constant 0 : i32
      %dma_start3A_247 = arith.constant 0 : i32
      %dma_start3A_248 = tpu.memref_slice %arg4[%dma_start3A_246, %dma_start3A_247, %multiple_of3A_214] : memref<4x8x1000000xf32, #tpu.memory_space<hbm>> -> memref<4x8x128xf32, #tpu.memory_space<hbm>>
      tpu.enqueue_dma source(%dma_start3A_248 : memref<4x8x128xf32, #tpu.memory_space<hbm>>) target(%dma_start3A_245 : memref<4x8x128xf32, #tpu.memory_space<vmem>>) target_semaphore(%arg16 : memref<!tpu.dma_semaphore, #tpu.memory_space<semaphore_mem>>)
    } else {
    }
    %convert_element_type3A_185 = arith.extui %ne3A_142 : i1 to i32
    %cond3A_186 = arith.constant 0 : i32
    %cond3A_187 = arith.cmpi ne, %convert_element_type3A_185, %cond3A_186 : i32
    scf.if %cond3A_187 {
      %mul3A_212 = arith.constant 128 : i32
      %mul3A_213 = arith.muli %min3A_110, %mul3A_212 : i32
      %multiple_of3A_214 = tpu.assume_multiple %mul3A_213, 128 : i32
      %dma_start3A_215 = arith.constant 2 : i32
      %dma_start3A_216 = arith.constant 0 : i32
      %dma_start3A_217 = arith.constant 0 : i32
      %dma_start3A_218 = arith.constant 0 : i32
      %dma_start3A_219 = tpu.memref_slice %arg10[%dma_start3A_215, %dma_start3A_216, %dma_start3A_217, %dma_start3A_218] : memref<8x4x8x128xf32, #tpu.memory_space<vmem>> -> memref<1x4x8x128xf32, #tpu.memory_space<vmem>>
      %dma_start3A_220 = tpu.memref_squeeze %dma_start3A_219 : memref<1x4x8x128xf32, #tpu.memory_space<vmem>> -> memref<4x8x128xf32, #tpu.memory_space<vmem>>
      %dma_start3A_221 = arith.constant 0 : i32
      %dma_start3A_222 = arith.constant 0 : i32
      %dma_start3A_223 = tpu.memref_slice %arg3[%dma_start3A_221, %dma_start3A_222, %multiple_of3A_214] : memref<4x8x1000000xf32, #tpu.memory_space<hbm>> -> memref<4x8x128xf32, #tpu.memory_space<hbm>>
      %dma_start3A_224 = arith.constant 0 : i32
      %dma_start3A_225 = arith.constant 0 : i32
      %dma_start3A_226 = arith.constant 0 : i32
      %dma_start3A_227 = tpu.memref_slice %arg10[%dma_start3A_215, %dma_start3A_224, %dma_start3A_225, %dma_start3A_226] : memref<8x4x8x128xf32, #tpu.memory_space<vmem>> -> memref<1x4x8x128xf32, #tpu.memory_space<vmem>>
      %dma_start3A_228 = tpu.memref_squeeze %dma_start3A_227 : memref<1x4x8x128xf32, #tpu.memory_space<vmem>> -> memref<4x8x128xf32, #tpu.memory_space<vmem>>
      %dma_start3A_229 = arith.constant 0 : i32
      %dma_start3A_230 = arith.constant 0 : i32
      %dma_start3A_231 = tpu.memref_slice %arg3[%dma_start3A_229, %dma_start3A_230, %multiple_of3A_214] : memref<4x8x1000000xf32, #tpu.memory_space<hbm>> -> memref<4x8x128xf32, #tpu.memory_space<hbm>>
      tpu.enqueue_dma source(%dma_start3A_231 : memref<4x8x128xf32, #tpu.memory_space<hbm>>) target(%dma_start3A_228 : memref<4x8x128xf32, #tpu.memory_space<vmem>>) target_semaphore(%arg16 : memref<!tpu.dma_semaphore, #tpu.memory_space<semaphore_mem>>)
      %dma_start3A_232 = arith.constant 2 : i32
      %dma_start3A_233 = arith.constant 0 : i32
      %dma_start3A_234 = arith.constant 0 : i32
      %dma_start3A_235 = arith.constant 0 : i32
      %dma_start3A_236 = tpu.memref_slice %arg11[%dma_start3A_232, %dma_start3A_233, %dma_start3A_234, %dma_start3A_235] : memref<8x4x8x128xf32, #tpu.memory_space<vmem>> -> memref<1x4x8x128xf32, #tpu.memory_space<vmem>>
      %dma_start3A_237 = tpu.memref_squeeze %dma_start3A_236 : memref<1x4x8x128xf32, #tpu.memory_space<vmem>> -> memref<4x8x128xf32, #tpu.memory_space<vmem>>
      %dma_start3A_238 = arith.constant 0 : i32
      %dma_start3A_239 = arith.constant 0 : i32
      %dma_start3A_240 = tpu.memref_slice %arg4[%dma_start3A_238, %dma_start3A_239, %multiple_of3A_214] : memref<4x8x1000000xf32, #tpu.memory_space<hbm>> -> memref<4x8x128xf32, #tpu.memory_space<hbm>>
      %dma_start3A_241 = arith.constant 0 : i32
      %dma_start3A_242 = arith.constant 0 : i32
      %dma_start3A_243 = arith.constant 0 : i32
      %dma_start3A_244 = tpu.memref_slice %arg11[%dma_start3A_232, %dma_start3A_241, %dma_start3A_242, %dma_start3A_243] : memref<8x4x8x128xf32, #tpu.memory_space<vmem>> -> memref<1x4x8x128xf32, #tpu.memory_space<vmem>>
      %dma_start3A_245 = tpu.memref_squeeze %dma_start3A_244 : memref<1x4x8x128xf32, #tpu.memory_space<vmem>> -> memref<4x8x128xf32, #tpu.memory_space<vmem>>
      %dma_start3A_246 = arith.constant 0 : i32
      %dma_start3A_247 = arith.constant 0 : i32
      %dma_start3A_248 = tpu.memref_slice %arg4[%dma_start3A_246, %dma_start3A_247, %multiple_of3A_214] : memref<4x8x1000000xf32, #tpu.memory_space<hbm>> -> memref<4x8x128xf32, #tpu.memory_space<hbm>>
      tpu.enqueue_dma source(%dma_start3A_248 : memref<4x8x128xf32, #tpu.memory_space<hbm>>) target(%dma_start3A_245 : memref<4x8x128xf32, #tpu.memory_space<vmem>>) target_semaphore(%arg16 : memref<!tpu.dma_semaphore, #tpu.memory_space<semaphore_mem>>)
    } else {
    }
    %convert_element_type3A_188 = arith.extui %ne3A_143 : i1 to i32
    %cond3A_189 = arith.constant 0 : i32
    %cond3A_190 = arith.cmpi ne, %convert_element_type3A_188, %cond3A_189 : i32
    scf.if %cond3A_190 {
      %mul3A_212 = arith.constant 128 : i32
      %mul3A_213 = arith.muli %min3A_116, %mul3A_212 : i32
      %multiple_of3A_214 = tpu.assume_multiple %mul3A_213, 128 : i32
      %dma_start3A_215 = arith.constant 3 : i32
      %dma_start3A_216 = arith.constant 0 : i32
      %dma_start3A_217 = arith.constant 0 : i32
      %dma_start3A_218 = arith.constant 0 : i32
      %dma_start3A_219 = tpu.memref_slice %arg10[%dma_start3A_215, %dma_start3A_216, %dma_start3A_217, %dma_start3A_218] : memref<8x4x8x128xf32, #tpu.memory_space<vmem>> -> memref<1x4x8x128xf32, #tpu.memory_space<vmem>>
      %dma_start3A_220 = tpu.memref_squeeze %dma_start3A_219 : memref<1x4x8x128xf32, #tpu.memory_space<vmem>> -> memref<4x8x128xf32, #tpu.memory_space<vmem>>
      %dma_start3A_221 = arith.constant 0 : i32
      %dma_start3A_222 = arith.constant 0 : i32
      %dma_start3A_223 = tpu.memref_slice %arg3[%dma_start3A_221, %dma_start3A_222, %multiple_of3A_214] : memref<4x8x1000000xf32, #tpu.memory_space<hbm>> -> memref<4x8x128xf32, #tpu.memory_space<hbm>>
      %dma_start3A_224 = arith.constant 0 : i32
      %dma_start3A_225 = arith.constant 0 : i32
      %dma_start3A_226 = arith.constant 0 : i32
      %dma_start3A_227 = tpu.memref_slice %arg10[%dma_start3A_215, %dma_start3A_224, %dma_start3A_225, %dma_start3A_226] : memref<8x4x8x128xf32, #tpu.memory_space<vmem>> -> memref<1x4x8x128xf32, #tpu.memory_space<vmem>>
      %dma_start3A_228 = tpu.memref_squeeze %dma_start3A_227 : memref<1x4x8x128xf32, #tpu.memory_space<vmem>> -> memref<4x8x128xf32, #tpu.memory_space<vmem>>
      %dma_start3A_229 = arith.constant 0 : i32
      %dma_start3A_230 = arith.constant 0 : i32
      %dma_start3A_231 = tpu.memref_slice %arg3[%dma_start3A_229, %dma_start3A_230, %multiple_of3A_214] : memref<4x8x1000000xf32, #tpu.memory_space<hbm>> -> memref<4x8x128xf32, #tpu.memory_space<hbm>>
      tpu.enqueue_dma source(%dma_start3A_231 : memref<4x8x128xf32, #tpu.memory_space<hbm>>) target(%dma_start3A_228 : memref<4x8x128xf32, #tpu.memory_space<vmem>>) target_semaphore(%arg16 : memref<!tpu.dma_semaphore, #tpu.memory_space<semaphore_mem>>)
      %dma_start3A_232 = arith.constant 3 : i32
      %dma_start3A_233 = arith.constant 0 : i32
      %dma_start3A_234 = arith.constant 0 : i32
      %dma_start3A_235 = arith.constant 0 : i32
      %dma_start3A_236 = tpu.memref_slice %arg11[%dma_start3A_232, %dma_start3A_233, %dma_start3A_234, %dma_start3A_235] : memref<8x4x8x128xf32, #tpu.memory_space<vmem>> -> memref<1x4x8x128xf32, #tpu.memory_space<vmem>>
      %dma_start3A_237 = tpu.memref_squeeze %dma_start3A_236 : memref<1x4x8x128xf32, #tpu.memory_space<vmem>> -> memref<4x8x128xf32, #tpu.memory_space<vmem>>
      %dma_start3A_238 = arith.constant 0 : i32
      %dma_start3A_239 = arith.constant 0 : i32
      %dma_start3A_240 = tpu.memref_slice %arg4[%dma_start3A_238, %dma_start3A_239, %multiple_of3A_214] : memref<4x8x1000000xf32, #tpu.memory_space<hbm>> -> memref<4x8x128xf32, #tpu.memory_space<hbm>>
      %dma_start3A_241 = arith.constant 0 : i32
      %dma_start3A_242 = arith.constant 0 : i32
      %dma_start3A_243 = arith.constant 0 : i32
      %dma_start3A_244 = tpu.memref_slice %arg11[%dma_start3A_232, %dma_start3A_241, %dma_start3A_242, %dma_start3A_243] : memref<8x4x8x128xf32, #tpu.memory_space<vmem>> -> memref<1x4x8x128xf32, #tpu.memory_space<vmem>>
      %dma_start3A_245 = tpu.memref_squeeze %dma_start3A_244 : memref<1x4x8x128xf32, #tpu.memory_space<vmem>> -> memref<4x8x128xf32, #tpu.memory_space<vmem>>
      %dma_start3A_246 = arith.constant 0 : i32
      %dma_start3A_247 = arith.constant 0 : i32
      %dma_start3A_248 = tpu.memref_slice %arg4[%dma_start3A_246, %dma_start3A_247, %multiple_of3A_214] : memref<4x8x1000000xf32, #tpu.memory_space<hbm>> -> memref<4x8x128xf32, #tpu.memory_space<hbm>>
      tpu.enqueue_dma source(%dma_start3A_248 : memref<4x8x128xf32, #tpu.memory_space<hbm>>) target(%dma_start3A_245 : memref<4x8x128xf32, #tpu.memory_space<vmem>>) target_semaphore(%arg16 : memref<!tpu.dma_semaphore, #tpu.memory_space<semaphore_mem>>)
    } else {
    }
    %convert_element_type3A_191 = arith.extui %ne3A_144 : i1 to i32
    %cond3A_192 = arith.constant 0 : i32
    %cond3A_193 = arith.cmpi ne, %convert_element_type3A_191, %cond3A_192 : i32
    scf.if %cond3A_193 {
      %mul3A_212 = arith.constant 128 : i32
      %mul3A_213 = arith.muli %min3A_122, %mul3A_212 : i32
      %multiple_of3A_214 = tpu.assume_multiple %mul3A_213, 128 : i32
      %dma_start3A_215 = arith.constant 4 : i32
      %dma_start3A_216 = arith.constant 0 : i32
      %dma_start3A_217 = arith.constant 0 : i32
      %dma_start3A_218 = arith.constant 0 : i32
      %dma_start3A_219 = tpu.memref_slice %arg10[%dma_start3A_215, %dma_start3A_216, %dma_start3A_217, %dma_start3A_218] : memref<8x4x8x128xf32, #tpu.memory_space<vmem>> -> memref<1x4x8x128xf32, #tpu.memory_space<vmem>>
      %dma_start3A_220 = tpu.memref_squeeze %dma_start3A_219 : memref<1x4x8x128xf32, #tpu.memory_space<vmem>> -> memref<4x8x128xf32, #tpu.memory_space<vmem>>
      %dma_start3A_221 = arith.constant 0 : i32
      %dma_start3A_222 = arith.constant 0 : i32
      %dma_start3A_223 = tpu.memref_slice %arg3[%dma_start3A_221, %dma_start3A_222, %multiple_of3A_214] : memref<4x8x1000000xf32, #tpu.memory_space<hbm>> -> memref<4x8x128xf32, #tpu.memory_space<hbm>>
      %dma_start3A_224 = arith.constant 0 : i32
      %dma_start3A_225 = arith.constant 0 : i32
      %dma_start3A_226 = arith.constant 0 : i32
      %dma_start3A_227 = tpu.memref_slice %arg10[%dma_start3A_215, %dma_start3A_224, %dma_start3A_225, %dma_start3A_226] : memref<8x4x8x128xf32, #tpu.memory_space<vmem>> -> memref<1x4x8x128xf32, #tpu.memory_space<vmem>>
      %dma_start3A_228 = tpu.memref_squeeze %dma_start3A_227 : memref<1x4x8x128xf32, #tpu.memory_space<vmem>> -> memref<4x8x128xf32, #tpu.memory_space<vmem>>
      %dma_start3A_229 = arith.constant 0 : i32
      %dma_start3A_230 = arith.constant 0 : i32
      %dma_start3A_231 = tpu.memref_slice %arg3[%dma_start3A_229, %dma_start3A_230, %multiple_of3A_214] : memref<4x8x1000000xf32, #tpu.memory_space<hbm>> -> memref<4x8x128xf32, #tpu.memory_space<hbm>>
      tpu.enqueue_dma source(%dma_start3A_231 : memref<4x8x128xf32, #tpu.memory_space<hbm>>) target(%dma_start3A_228 : memref<4x8x128xf32, #tpu.memory_space<vmem>>) target_semaphore(%arg17 : memref<!tpu.dma_semaphore, #tpu.memory_space<semaphore_mem>>)
      %dma_start3A_232 = arith.constant 4 : i32
      %dma_start3A_233 = arith.constant 0 : i32
      %dma_start3A_234 = arith.constant 0 : i32
      %dma_start3A_235 = arith.constant 0 : i32
      %dma_start3A_236 = tpu.memref_slice %arg11[%dma_start3A_232, %dma_start3A_233, %dma_start3A_234, %dma_start3A_235] : memref<8x4x8x128xf32, #tpu.memory_space<vmem>> -> memref<1x4x8x128xf32, #tpu.memory_space<vmem>>
      %dma_start3A_237 = tpu.memref_squeeze %dma_start3A_236 : memref<1x4x8x128xf32, #tpu.memory_space<vmem>> -> memref<4x8x128xf32, #tpu.memory_space<vmem>>
      %dma_start3A_238 = arith.constant 0 : i32
      %dma_start3A_239 = arith.constant 0 : i32
      %dma_start3A_240 = tpu.memref_slice %arg4[%dma_start3A_238, %dma_start3A_239, %multiple_of3A_214] : memref<4x8x1000000xf32, #tpu.memory_space<hbm>> -> memref<4x8x128xf32, #tpu.memory_space<hbm>>
      %dma_start3A_241 = arith.constant 0 : i32
      %dma_start3A_242 = arith.constant 0 : i32
      %dma_start3A_243 = arith.constant 0 : i32
      %dma_start3A_244 = tpu.memref_slice %arg11[%dma_start3A_232, %dma_start3A_241, %dma_start3A_242, %dma_start3A_243] : memref<8x4x8x128xf32, #tpu.memory_space<vmem>> -> memref<1x4x8x128xf32, #tpu.memory_space<vmem>>
      %dma_start3A_245 = tpu.memref_squeeze %dma_start3A_244 : memref<1x4x8x128xf32, #tpu.memory_space<vmem>> -> memref<4x8x128xf32, #tpu.memory_space<vmem>>
      %dma_start3A_246 = arith.constant 0 : i32
      %dma_start3A_247 = arith.constant 0 : i32
      %dma_start3A_248 = tpu.memref_slice %arg4[%dma_start3A_246, %dma_start3A_247, %multiple_of3A_214] : memref<4x8x1000000xf32, #tpu.memory_space<hbm>> -> memref<4x8x128xf32, #tpu.memory_space<hbm>>
      tpu.enqueue_dma source(%dma_start3A_248 : memref<4x8x128xf32, #tpu.memory_space<hbm>>) target(%dma_start3A_245 : memref<4x8x128xf32, #tpu.memory_space<vmem>>) target_semaphore(%arg17 : memref<!tpu.dma_semaphore, #tpu.memory_space<semaphore_mem>>)
    } else {
    }
    %convert_element_type3A_194 = arith.extui %ne3A_145 : i1 to i32
    %cond3A_195 = arith.constant 0 : i32
    %cond3A_196 = arith.cmpi ne, %convert_element_type3A_194, %cond3A_195 : i32
    scf.if %cond3A_196 {
      %mul3A_212 = arith.constant 128 : i32
      %mul3A_213 = arith.muli %min3A_128, %mul3A_212 : i32
      %multiple_of3A_214 = tpu.assume_multiple %mul3A_213, 128 : i32
      %dma_start3A_215 = arith.constant 5 : i32
      %dma_start3A_216 = arith.constant 0 : i32
      %dma_start3A_217 = arith.constant 0 : i32
      %dma_start3A_218 = arith.constant 0 : i32
      %dma_start3A_219 = tpu.memref_slice %arg10[%dma_start3A_215, %dma_start3A_216, %dma_start3A_217, %dma_start3A_218] : memref<8x4x8x128xf32, #tpu.memory_space<vmem>> -> memref<1x4x8x128xf32, #tpu.memory_space<vmem>>
      %dma_start3A_220 = tpu.memref_squeeze %dma_start3A_219 : memref<1x4x8x128xf32, #tpu.memory_space<vmem>> -> memref<4x8x128xf32, #tpu.memory_space<vmem>>
      %dma_start3A_221 = arith.constant 0 : i32
      %dma_start3A_222 = arith.constant 0 : i32
      %dma_start3A_223 = tpu.memref_slice %arg3[%dma_start3A_221, %dma_start3A_222, %multiple_of3A_214] : memref<4x8x1000000xf32, #tpu.memory_space<hbm>> -> memref<4x8x128xf32, #tpu.memory_space<hbm>>
      %dma_start3A_224 = arith.constant 0 : i32
      %dma_start3A_225 = arith.constant 0 : i32
      %dma_start3A_226 = arith.constant 0 : i32
      %dma_start3A_227 = tpu.memref_slice %arg10[%dma_start3A_215, %dma_start3A_224, %dma_start3A_225, %dma_start3A_226] : memref<8x4x8x128xf32, #tpu.memory_space<vmem>> -> memref<1x4x8x128xf32, #tpu.memory_space<vmem>>
      %dma_start3A_228 = tpu.memref_squeeze %dma_start3A_227 : memref<1x4x8x128xf32, #tpu.memory_space<vmem>> -> memref<4x8x128xf32, #tpu.memory_space<vmem>>
      %dma_start3A_229 = arith.constant 0 : i32
      %dma_start3A_230 = arith.constant 0 : i32
      %dma_start3A_231 = tpu.memref_slice %arg3[%dma_start3A_229, %dma_start3A_230, %multiple_of3A_214] : memref<4x8x1000000xf32, #tpu.memory_space<hbm>> -> memref<4x8x128xf32, #tpu.memory_space<hbm>>
      tpu.enqueue_dma source(%dma_start3A_231 : memref<4x8x128xf32, #tpu.memory_space<hbm>>) target(%dma_start3A_228 : memref<4x8x128xf32, #tpu.memory_space<vmem>>) target_semaphore(%arg17 : memref<!tpu.dma_semaphore, #tpu.memory_space<semaphore_mem>>)
      %dma_start3A_232 = arith.constant 5 : i32
      %dma_start3A_233 = arith.constant 0 : i32
      %dma_start3A_234 = arith.constant 0 : i32
      %dma_start3A_235 = arith.constant 0 : i32
      %dma_start3A_236 = tpu.memref_slice %arg11[%dma_start3A_232, %dma_start3A_233, %dma_start3A_234, %dma_start3A_235] : memref<8x4x8x128xf32, #tpu.memory_space<vmem>> -> memref<1x4x8x128xf32, #tpu.memory_space<vmem>>
      %dma_start3A_237 = tpu.memref_squeeze %dma_start3A_236 : memref<1x4x8x128xf32, #tpu.memory_space<vmem>> -> memref<4x8x128xf32, #tpu.memory_space<vmem>>
      %dma_start3A_238 = arith.constant 0 : i32
      %dma_start3A_239 = arith.constant 0 : i32
      %dma_start3A_240 = tpu.memref_slice %arg4[%dma_start3A_238, %dma_start3A_239, %multiple_of3A_214] : memref<4x8x1000000xf32, #tpu.memory_space<hbm>> -> memref<4x8x128xf32, #tpu.memory_space<hbm>>
      %dma_start3A_241 = arith.constant 0 : i32
      %dma_start3A_242 = arith.constant 0 : i32
      %dma_start3A_243 = arith.constant 0 : i32
      %dma_start3A_244 = tpu.memref_slice %arg11[%dma_start3A_232, %dma_start3A_241, %dma_start3A_242, %dma_start3A_243] : memref<8x4x8x128xf32, #tpu.memory_space<vmem>> -> memref<1x4x8x128xf32, #tpu.memory_space<vmem>>
      %dma_start3A_245 = tpu.memref_squeeze %dma_start3A_244 : memref<1x4x8x128xf32, #tpu.memory_space<vmem>> -> memref<4x8x128xf32, #tpu.memory_space<vmem>>
      %dma_start3A_246 = arith.constant 0 : i32
      %dma_start3A_247 = arith.constant 0 : i32
      %dma_start3A_248 = tpu.memref_slice %arg4[%dma_start3A_246, %dma_start3A_247, %multiple_of3A_214] : memref<4x8x1000000xf32, #tpu.memory_space<hbm>> -> memref<4x8x128xf32, #tpu.memory_space<hbm>>
      tpu.enqueue_dma source(%dma_start3A_248 : memref<4x8x128xf32, #tpu.memory_space<hbm>>) target(%dma_start3A_245 : memref<4x8x128xf32, #tpu.memory_space<vmem>>) target_semaphore(%arg17 : memref<!tpu.dma_semaphore, #tpu.memory_space<semaphore_mem>>)
    } else {
    }
    %convert_element_type3A_197 = arith.extui %ne3A_146 : i1 to i32
    %cond3A_198 = arith.constant 0 : i32
    %cond3A_199 = arith.cmpi ne, %convert_element_type3A_197, %cond3A_198 : i32
    scf.if %cond3A_199 {
      %mul3A_212 = arith.constant 128 : i32
      %mul3A_213 = arith.muli %min3A_134, %mul3A_212 : i32
      %multiple_of3A_214 = tpu.assume_multiple %mul3A_213, 128 : i32
      %dma_start3A_215 = arith.constant 6 : i32
      %dma_start3A_216 = arith.constant 0 : i32
      %dma_start3A_217 = arith.constant 0 : i32
      %dma_start3A_218 = arith.constant 0 : i32
      %dma_start3A_219 = tpu.memref_slice %arg10[%dma_start3A_215, %dma_start3A_216, %dma_start3A_217, %dma_start3A_218] : memref<8x4x8x128xf32, #tpu.memory_space<vmem>> -> memref<1x4x8x128xf32, #tpu.memory_space<vmem>>
      %dma_start3A_220 = tpu.memref_squeeze %dma_start3A_219 : memref<1x4x8x128xf32, #tpu.memory_space<vmem>> -> memref<4x8x128xf32, #tpu.memory_space<vmem>>
      %dma_start3A_221 = arith.constant 0 : i32
      %dma_start3A_222 = arith.constant 0 : i32
      %dma_start3A_223 = tpu.memref_slice %arg3[%dma_start3A_221, %dma_start3A_222, %multiple_of3A_214] : memref<4x8x1000000xf32, #tpu.memory_space<hbm>> -> memref<4x8x128xf32, #tpu.memory_space<hbm>>
      %dma_start3A_224 = arith.constant 0 : i32
      %dma_start3A_225 = arith.constant 0 : i32
      %dma_start3A_226 = arith.constant 0 : i32
      %dma_start3A_227 = tpu.memref_slice %arg10[%dma_start3A_215, %dma_start3A_224, %dma_start3A_225, %dma_start3A_226] : memref<8x4x8x128xf32, #tpu.memory_space<vmem>> -> memref<1x4x8x128xf32, #tpu.memory_space<vmem>>
      %dma_start3A_228 = tpu.memref_squeeze %dma_start3A_227 : memref<1x4x8x128xf32, #tpu.memory_space<vmem>> -> memref<4x8x128xf32, #tpu.memory_space<vmem>>
      %dma_start3A_229 = arith.constant 0 : i32
      %dma_start3A_230 = arith.constant 0 : i32
      %dma_start3A_231 = tpu.memref_slice %arg3[%dma_start3A_229, %dma_start3A_230, %multiple_of3A_214] : memref<4x8x1000000xf32, #tpu.memory_space<hbm>> -> memref<4x8x128xf32, #tpu.memory_space<hbm>>
      tpu.enqueue_dma source(%dma_start3A_231 : memref<4x8x128xf32, #tpu.memory_space<hbm>>) target(%dma_start3A_228 : memref<4x8x128xf32, #tpu.memory_space<vmem>>) target_semaphore(%arg17 : memref<!tpu.dma_semaphore, #tpu.memory_space<semaphore_mem>>)
      %dma_start3A_232 = arith.constant 6 : i32
      %dma_start3A_233 = arith.constant 0 : i32
      %dma_start3A_234 = arith.constant 0 : i32
      %dma_start3A_235 = arith.constant 0 : i32
      %dma_start3A_236 = tpu.memref_slice %arg11[%dma_start3A_232, %dma_start3A_233, %dma_start3A_234, %dma_start3A_235] : memref<8x4x8x128xf32, #tpu.memory_space<vmem>> -> memref<1x4x8x128xf32, #tpu.memory_space<vmem>>
      %dma_start3A_237 = tpu.memref_squeeze %dma_start3A_236 : memref<1x4x8x128xf32, #tpu.memory_space<vmem>> -> memref<4x8x128xf32, #tpu.memory_space<vmem>>
      %dma_start3A_238 = arith.constant 0 : i32
      %dma_start3A_239 = arith.constant 0 : i32
      %dma_start3A_240 = tpu.memref_slice %arg4[%dma_start3A_238, %dma_start3A_239, %multiple_of3A_214] : memref<4x8x1000000xf32, #tpu.memory_space<hbm>> -> memref<4x8x128xf32, #tpu.memory_space<hbm>>
      %dma_start3A_241 = arith.constant 0 : i32
      %dma_start3A_242 = arith.constant 0 : i32
      %dma_start3A_243 = arith.constant 0 : i32
      %dma_start3A_244 = tpu.memref_slice %arg11[%dma_start3A_232, %dma_start3A_241, %dma_start3A_242, %dma_start3A_243] : memref<8x4x8x128xf32, #tpu.memory_space<vmem>> -> memref<1x4x8x128xf32, #tpu.memory_space<vmem>>
      %dma_start3A_245 = tpu.memref_squeeze %dma_start3A_244 : memref<1x4x8x128xf32, #tpu.memory_space<vmem>> -> memref<4x8x128xf32, #tpu.memory_space<vmem>>
      %dma_start3A_246 = arith.constant 0 : i32
      %dma_start3A_247 = arith.constant 0 : i32
      %dma_start3A_248 = tpu.memref_slice %arg4[%dma_start3A_246, %dma_start3A_247, %multiple_of3A_214] : memref<4x8x1000000xf32, #tpu.memory_space<hbm>> -> memref<4x8x128xf32, #tpu.memory_space<hbm>>
      tpu.enqueue_dma source(%dma_start3A_248 : memref<4x8x128xf32, #tpu.memory_space<hbm>>) target(%dma_start3A_245 : memref<4x8x128xf32, #tpu.memory_space<vmem>>) target_semaphore(%arg17 : memref<!tpu.dma_semaphore, #tpu.memory_space<semaphore_mem>>)
    } else {
    }
    %convert_element_type3A_200 = arith.extui %ne3A_147 : i1 to i32
    %cond3A_201 = arith.constant 0 : i32
    %cond3A_202 = arith.cmpi ne, %convert_element_type3A_200, %cond3A_201 : i32
    scf.if %cond3A_202 {
      %mul3A_212 = arith.constant 128 : i32
      %mul3A_213 = arith.muli %min3A_140, %mul3A_212 : i32
      %multiple_of3A_214 = tpu.assume_multiple %mul3A_213, 128 : i32
      %dma_start3A_215 = arith.constant 7 : i32
      %dma_start3A_216 = arith.constant 0 : i32
      %dma_start3A_217 = arith.constant 0 : i32
      %dma_start3A_218 = arith.constant 0 : i32
      %dma_start3A_219 = tpu.memref_slice %arg10[%dma_start3A_215, %dma_start3A_216, %dma_start3A_217, %dma_start3A_218] : memref<8x4x8x128xf32, #tpu.memory_space<vmem>> -> memref<1x4x8x128xf32, #tpu.memory_space<vmem>>
      %dma_start3A_220 = tpu.memref_squeeze %dma_start3A_219 : memref<1x4x8x128xf32, #tpu.memory_space<vmem>> -> memref<4x8x128xf32, #tpu.memory_space<vmem>>
      %dma_start3A_221 = arith.constant 0 : i32
      %dma_start3A_222 = arith.constant 0 : i32
      %dma_start3A_223 = tpu.memref_slice %arg3[%dma_start3A_221, %dma_start3A_222, %multiple_of3A_214] : memref<4x8x1000000xf32, #tpu.memory_space<hbm>> -> memref<4x8x128xf32, #tpu.memory_space<hbm>>
      %dma_start3A_224 = arith.constant 0 : i32
      %dma_start3A_225 = arith.constant 0 : i32
      %dma_start3A_226 = arith.constant 0 : i32
      %dma_start3A_227 = tpu.memref_slice %arg10[%dma_start3A_215, %dma_start3A_224, %dma_start3A_225, %dma_start3A_226] : memref<8x4x8x128xf32, #tpu.memory_space<vmem>> -> memref<1x4x8x128xf32, #tpu.memory_space<vmem>>
      %dma_start3A_228 = tpu.memref_squeeze %dma_start3A_227 : memref<1x4x8x128xf32, #tpu.memory_space<vmem>> -> memref<4x8x128xf32, #tpu.memory_space<vmem>>
      %dma_start3A_229 = arith.constant 0 : i32
      %dma_start3A_230 = arith.constant 0 : i32
      %dma_start3A_231 = tpu.memref_slice %arg3[%dma_start3A_229, %dma_start3A_230, %multiple_of3A_214] : memref<4x8x1000000xf32, #tpu.memory_space<hbm>> -> memref<4x8x128xf32, #tpu.memory_space<hbm>>
      tpu.enqueue_dma source(%dma_start3A_231 : memref<4x8x128xf32, #tpu.memory_space<hbm>>) target(%dma_start3A_228 : memref<4x8x128xf32, #tpu.memory_space<vmem>>) target_semaphore(%arg17 : memref<!tpu.dma_semaphore, #tpu.memory_space<semaphore_mem>>)
      %dma_start3A_232 = arith.constant 7 : i32
      %dma_start3A_233 = arith.constant 0 : i32
      %dma_start3A_234 = arith.constant 0 : i32
      %dma_start3A_235 = arith.constant 0 : i32
      %dma_start3A_236 = tpu.memref_slice %arg11[%dma_start3A_232, %dma_start3A_233, %dma_start3A_234, %dma_start3A_235] : memref<8x4x8x128xf32, #tpu.memory_space<vmem>> -> memref<1x4x8x128xf32, #tpu.memory_space<vmem>>
      %dma_start3A_237 = tpu.memref_squeeze %dma_start3A_236 : memref<1x4x8x128xf32, #tpu.memory_space<vmem>> -> memref<4x8x128xf32, #tpu.memory_space<vmem>>
      %dma_start3A_238 = arith.constant 0 : i32
      %dma_start3A_239 = arith.constant 0 : i32
      %dma_start3A_240 = tpu.memref_slice %arg4[%dma_start3A_238, %dma_start3A_239, %multiple_of3A_214] : memref<4x8x1000000xf32, #tpu.memory_space<hbm>> -> memref<4x8x128xf32, #tpu.memory_space<hbm>>
      %dma_start3A_241 = arith.constant 0 : i32
      %dma_start3A_242 = arith.constant 0 : i32
      %dma_start3A_243 = arith.constant 0 : i32
      %dma_start3A_244 = tpu.memref_slice %arg11[%dma_start3A_232, %dma_start3A_241, %dma_start3A_242, %dma_start3A_243] : memref<8x4x8x128xf32, #tpu.memory_space<vmem>> -> memref<1x4x8x128xf32, #tpu.memory_space<vmem>>
      %dma_start3A_245 = tpu.memref_squeeze %dma_start3A_244 : memref<1x4x8x128xf32, #tpu.memory_space<vmem>> -> memref<4x8x128xf32, #tpu.memory_space<vmem>>
      %dma_start3A_246 = arith.constant 0 : i32
      %dma_start3A_247 = arith.constant 0 : i32
      %dma_start3A_248 = tpu.memref_slice %arg4[%dma_start3A_246, %dma_start3A_247, %multiple_of3A_214] : memref<4x8x1000000xf32, #tpu.memory_space<hbm>> -> memref<4x8x128xf32, #tpu.memory_space<hbm>>
      tpu.enqueue_dma source(%dma_start3A_248 : memref<4x8x128xf32, #tpu.memory_space<hbm>>) target(%dma_start3A_245 : memref<4x8x128xf32, #tpu.memory_space<vmem>>) target_semaphore(%arg17 : memref<!tpu.dma_semaphore, #tpu.memory_space<semaphore_mem>>)
    } else {
    }
    %scan3A = arith.constant 0 : i32
    %scan3A_203 = arith.constant 0 : i32
    %scan3A_204 = arith.constant 64 : i32
    %scan3A_205 = arith.addi %scan3A_203, %scan3A_204 : i32
    %scan3A_206 = arith.constant 1 : i32
    scf.for %scan3A_212 = %scan3A_203 to %scan3A_205 step %scan3A_206  : i32 {
      %mul3A_213 = arith.constant 2 : i32
      %mul3A_214 = arith.muli %scan3A_212, %mul3A_213 : i32
      %mul3A_215 = arith.constant 4 : i32
      %mul3A_216 = arith.muli %mul3A_214, %mul3A_215 : i32
      %add3A_217 = arith.addi %mul3A_36, %mul3A_216 : i32
      %get3A_218 = arith.index_cast %add3A_217 : i32 to index
      %get3A_219 = tpu.vector_load %arg9[%get3A_218] {strides = array<i32>} : memref<1040xi32, #tpu.memory_space<vmem>>, vector<16xi32>,
      %slice3A_220 = vector.extract_strided_slice %get3A_219 {offsets = [0], sizes = [1], strides = [1]} : vector<16xi32> to vector<1xi32>
      %squeeze3A_221 = vector.extract %slice3A_220[0] : i32 from vector<1xi32>
      %shift_right_arithmetic3A_222 = arith.constant 7 : i32
      %shift_right_arithmetic3A_223 = arith.shrsi %squeeze3A_221, %shift_right_arithmetic3A_222 : i32
      %min3A_224 = arith.constant 7811 : i32
      %min3A_225 = arith.minsi %shift_right_arithmetic3A_223, %min3A_224 : i32
      %slice3A_226 = vector.extract_strided_slice %get3A_219 {offsets = [1], sizes = [1], strides = [1]} : vector<16xi32> to vector<1xi32>
      %squeeze3A_227 = vector.extract %slice3A_226[0] : i32 from vector<1xi32>
      %shift_right_arithmetic3A_228 = arith.constant 7 : i32
      %shift_right_arithmetic3A_229 = arith.shrsi %squeeze3A_227, %shift_right_arithmetic3A_228 : i32
      %min3A_230 = arith.constant 7811 : i32
      %min3A_231 = arith.minsi %shift_right_arithmetic3A_229, %min3A_230 : i32
      %slice3A_232 = vector.extract_strided_slice %get3A_219 {offsets = [2], sizes = [1], strides = [1]} : vector<16xi32> to vector<1xi32>
      %squeeze3A_233 = vector.extract %slice3A_232[0] : i32 from vector<1xi32>
      %shift_right_arithmetic3A_234 = arith.constant 7 : i32
      %shift_right_arithmetic3A_235 = arith.shrsi %squeeze3A_233, %shift_right_arithmetic3A_234 : i32
      %min3A_236 = arith.constant 7811 : i32
      %min3A_237 = arith.minsi %shift_right_arithmetic3A_235, %min3A_236 : i32
      %slice3A_238 = vector.extract_strided_slice %get3A_219 {offsets = [3], sizes = [1], strides = [1]} : vector<16xi32> to vector<1xi32>
      %squeeze3A_239 = vector.extract %slice3A_238[0] : i32 from vector<1xi32>
      %shift_right_arithmetic3A_240 = arith.constant 7 : i32
      %shift_right_arithmetic3A_241 = arith.shrsi %squeeze3A_239, %shift_right_arithmetic3A_240 : i32
      %min3A_242 = arith.constant 7811 : i32
      %min3A_243 = arith.minsi %shift_right_arithmetic3A_241, %min3A_242 : i32
      %slice3A_244 = vector.extract_strided_slice %get3A_219 {offsets = [4], sizes = [1], strides = [1]} : vector<16xi32> to vector<1xi32>
      %squeeze3A_245 = vector.extract %slice3A_244[0] : i32 from vector<1xi32>
      %shift_right_arithmetic3A_246 = arith.constant 7 : i32
      %shift_right_arithmetic3A_247 = arith.shrsi %squeeze3A_245, %shift_right_arithmetic3A_246 : i32
      %min3A_248 = arith.constant 7811 : i32
      %min3A_249 = arith.minsi %shift_right_arithmetic3A_247, %min3A_248 : i32
      %slice3A_250 = vector.extract_strided_slice %get3A_219 {offsets = [5], sizes = [1], strides = [1]} : vector<16xi32> to vector<1xi32>
      %squeeze3A_251 = vector.extract %slice3A_250[0] : i32 from vector<1xi32>
      %shift_right_arithmetic3A_252 = arith.constant 7 : i32
      %shift_right_arithmetic3A_253 = arith.shrsi %squeeze3A_251, %shift_right_arithmetic3A_252 : i32
      %min3A_254 = arith.constant 7811 : i32
      %min3A_255 = arith.minsi %shift_right_arithmetic3A_253, %min3A_254 : i32
      %slice3A_256 = vector.extract_strided_slice %get3A_219 {offsets = [6], sizes = [1], strides = [1]} : vector<16xi32> to vector<1xi32>
      %squeeze3A_257 = vector.extract %slice3A_256[0] : i32 from vector<1xi32>
      %shift_right_arithmetic3A_258 = arith.constant 7 : i32
      %shift_right_arithmetic3A_259 = arith.shrsi %squeeze3A_257, %shift_right_arithmetic3A_258 : i32
      %min3A_260 = arith.constant 7811 : i32
      %min3A_261 = arith.minsi %shift_right_arithmetic3A_259, %min3A_260 : i32
      %slice3A_262 = vector.extract_strided_slice %get3A_219 {offsets = [7], sizes = [1], strides = [1]} : vector<16xi32> to vector<1xi32>
      %squeeze3A_263 = vector.extract %slice3A_262[0] : i32 from vector<1xi32>
      %shift_right_arithmetic3A_264 = arith.constant 7 : i32
      %shift_right_arithmetic3A_265 = arith.shrsi %squeeze3A_263, %shift_right_arithmetic3A_264 : i32
      %min3A_266 = arith.constant 7811 : i32
      %min3A_267 = arith.minsi %shift_right_arithmetic3A_265, %min3A_266 : i32
      %ne3A_268 = arith.cmpi ne, %min3A_231, %min3A_225 : i32
      %ne3A_269 = arith.cmpi ne, %min3A_237, %min3A_231 : i32
      %ne3A_270 = arith.cmpi ne, %min3A_243, %min3A_237 : i32
      %ne3A_271 = arith.cmpi ne, %min3A_249, %min3A_243 : i32
      %ne3A_272 = arith.cmpi ne, %min3A_255, %min3A_249 : i32
      %ne3A_273 = arith.cmpi ne, %min3A_261, %min3A_255 : i32
      %ne3A_274 = arith.cmpi ne, %min3A_267, %min3A_261 : i32
      %lt3A_275 = arith.constant 63 : i32
      %lt3A_276 = arith.cmpi slt, %scan3A_212, %lt3A_275 : i32
      %cond3A_277 = arith.constant 1 : i32
      %dma_wait3A = arith.constant 0 : i32
      %dma_wait3A_278 = arith.constant 0 : i32
      %dma_wait3A_279 = arith.constant 0 : i32
      %dma_wait3A_280 = arith.constant 0 : i32
      %dma_wait3A_281 = tpu.memref_slice %arg10[%dma_wait3A, %dma_wait3A_278, %dma_wait3A_279, %dma_wait3A_280] : memref<8x4x8x128xf32, #tpu.memory_space<vmem>> -> memref<1x4x8x128xf32, #tpu.memory_space<vmem>>
      %dma_wait3A_282 = tpu.memref_squeeze %dma_wait3A_281 : memref<1x4x8x128xf32, #tpu.memory_space<vmem>> -> memref<4x8x128xf32, #tpu.memory_space<vmem>>
      %dma_wait3A_283 = arith.constant 0 : i32
      %dma_wait3A_284 = arith.constant 0 : i32
      %dma_wait3A_285 = arith.constant 0 : i32
      %dma_wait3A_286 = tpu.memref_slice %arg3[%dma_wait3A_283, %dma_wait3A_284, %dma_wait3A_285] : memref<4x8x1000000xf32, #tpu.memory_space<hbm>> -> memref<4x8x128xf32, #tpu.memory_space<hbm>>
      %dma_wait3A_287 = arith.constant 0 : i32
      %dma_wait3A_288 = arith.constant 0 : i32
      %dma_wait3A_289 = arith.constant 0 : i32
      %dma_wait3A_290 = tpu.memref_slice %arg10[%dma_wait3A, %dma_wait3A_287, %dma_wait3A_288, %dma_wait3A_289] : memref<8x4x8x128xf32, #tpu.memory_space<vmem>> -> memref<1x4x8x128xf32, #tpu.memory_space<vmem>>
      %dma_wait3A_291 = tpu.memref_squeeze %dma_wait3A_290 : memref<1x4x8x128xf32, #tpu.memory_space<vmem>> -> memref<4x8x128xf32, #tpu.memory_space<vmem>>
      %dma_wait3A_292 = arith.constant 0 : i32
      %dma_wait3A_293 = arith.constant 0 : i32
      %dma_wait3A_294 = arith.constant 0 : i32
      %dma_wait3A_295 = tpu.memref_slice %arg3[%dma_wait3A_292, %dma_wait3A_293, %dma_wait3A_294] : memref<4x8x1000000xf32, #tpu.memory_space<hbm>> -> memref<4x8x128xf32, #tpu.memory_space<hbm>>
      tpu.wait_dma2 semaphore(%arg16 : memref<!tpu.dma_semaphore, #tpu.memory_space<semaphore_mem>>) src(%dma_wait3A_295 : memref<4x8x128xf32, #tpu.memory_space<hbm>>) dst(%dma_wait3A_291 : memref<4x8x128xf32, #tpu.memory_space<vmem>>)
      %dma_wait3A_296 = arith.constant 0 : i32
      %dma_wait3A_297 = arith.constant 0 : i32
      %dma_wait3A_298 = arith.constant 0 : i32
      %dma_wait3A_299 = arith.constant 0 : i32
      %dma_wait3A_300 = tpu.memref_slice %arg11[%dma_wait3A_296, %dma_wait3A_297, %dma_wait3A_298, %dma_wait3A_299] : memref<8x4x8x128xf32, #tpu.memory_space<vmem>> -> memref<1x4x8x128xf32, #tpu.memory_space<vmem>>
      %dma_wait3A_301 = tpu.memref_squeeze %dma_wait3A_300 : memref<1x4x8x128xf32, #tpu.memory_space<vmem>> -> memref<4x8x128xf32, #tpu.memory_space<vmem>>
      %dma_wait3A_302 = arith.constant 0 : i32
      %dma_wait3A_303 = arith.constant 0 : i32
      %dma_wait3A_304 = arith.constant 0 : i32
      %dma_wait3A_305 = tpu.memref_slice %arg4[%dma_wait3A_302, %dma_wait3A_303, %dma_wait3A_304] : memref<4x8x1000000xf32, #tpu.memory_space<hbm>> -> memref<4x8x128xf32, #tpu.memory_space<hbm>>
      %dma_wait3A_306 = arith.constant 0 : i32
      %dma_wait3A_307 = arith.constant 0 : i32
      %dma_wait3A_308 = arith.constant 0 : i32
      %dma_wait3A_309 = tpu.memref_slice %arg11[%dma_wait3A_296, %dma_wait3A_306, %dma_wait3A_307, %dma_wait3A_308] : memref<8x4x8x128xf32, #tpu.memory_space<vmem>> -> memref<1x4x8x128xf32, #tpu.memory_space<vmem>>
      %dma_wait3A_310 = tpu.memref_squeeze %dma_wait3A_309 : memref<1x4x8x128xf32, #tpu.memory_space<vmem>> -> memref<4x8x128xf32, #tpu.memory_space<vmem>>
      %dma_wait3A_311 = arith.constant 0 : i32
      %dma_wait3A_312 = arith.constant 0 : i32
      %dma_wait3A_313 = arith.constant 0 : i32
      %dma_wait3A_314 = tpu.memref_slice %arg4[%dma_wait3A_311, %dma_wait3A_312, %dma_wait3A_313] : memref<4x8x1000000xf32, #tpu.memory_space<hbm>> -> memref<4x8x128xf32, #tpu.memory_space<hbm>>
      tpu.wait_dma2 semaphore(%arg16 : memref<!tpu.dma_semaphore, #tpu.memory_space<semaphore_mem>>) src(%dma_wait3A_314 : memref<4x8x128xf32, #tpu.memory_space<hbm>>) dst(%dma_wait3A_310 : memref<4x8x128xf32, #tpu.memory_space<vmem>>)
      %convert_element_type3A_315 = arith.extui %ne3A_268 : i1 to i32
      %cond3A_316 = arith.constant 0 : i32
      %cond3A_317 = arith.cmpi ne, %convert_element_type3A_315, %cond3A_316 : i32
      scf.if %cond3A_317 {
        %dma_wait3A_821 = arith.constant 1 : i32
        %dma_wait3A_822 = arith.constant 0 : i32
        %dma_wait3A_823 = arith.constant 0 : i32
        %dma_wait3A_824 = arith.constant 0 : i32
        %dma_wait3A_825 = tpu.memref_slice %arg10[%dma_wait3A_821, %dma_wait3A_822, %dma_wait3A_823, %dma_wait3A_824] : memref<8x4x8x128xf32, #tpu.memory_space<vmem>> -> memref<1x4x8x128xf32, #tpu.memory_space<vmem>>
        %dma_wait3A_826 = tpu.memref_squeeze %dma_wait3A_825 : memref<1x4x8x128xf32, #tpu.memory_space<vmem>> -> memref<4x8x128xf32, #tpu.memory_space<vmem>>
        %dma_wait3A_827 = arith.constant 0 : i32
        %dma_wait3A_828 = arith.constant 0 : i32
        %dma_wait3A_829 = arith.constant 0 : i32
        %dma_wait3A_830 = tpu.memref_slice %arg3[%dma_wait3A_827, %dma_wait3A_828, %dma_wait3A_829] : memref<4x8x1000000xf32, #tpu.memory_space<hbm>> -> memref<4x8x128xf32, #tpu.memory_space<hbm>>
        %dma_wait3A_831 = arith.constant 0 : i32
        %dma_wait3A_832 = arith.constant 0 : i32
        %dma_wait3A_833 = arith.constant 0 : i32
        %dma_wait3A_834 = tpu.memref_slice %arg10[%dma_wait3A_821, %dma_wait3A_831, %dma_wait3A_832, %dma_wait3A_833] : memref<8x4x8x128xf32, #tpu.memory_space<vmem>> -> memref<1x4x8x128xf32, #tpu.memory_space<vmem>>
        %dma_wait3A_835 = tpu.memref_squeeze %dma_wait3A_834 : memref<1x4x8x128xf32, #tpu.memory_space<vmem>> -> memref<4x8x128xf32, #tpu.memory_space<vmem>>
        %dma_wait3A_836 = arith.constant 0 : i32
        %dma_wait3A_837 = arith.constant 0 : i32
        %dma_wait3A_838 = arith.constant 0 : i32
        %dma_wait3A_839 = tpu.memref_slice %arg3[%dma_wait3A_836, %dma_wait3A_837, %dma_wait3A_838] : memref<4x8x1000000xf32, #tpu.memory_space<hbm>> -> memref<4x8x128xf32, #tpu.memory_space<hbm>>
        tpu.wait_dma2 semaphore(%arg16 : memref<!tpu.dma_semaphore, #tpu.memory_space<semaphore_mem>>) src(%dma_wait3A_839 : memref<4x8x128xf32, #tpu.memory_space<hbm>>) dst(%dma_wait3A_835 : memref<4x8x128xf32, #tpu.memory_space<vmem>>)
        %dma_wait3A_840 = arith.constant 1 : i32
        %dma_wait3A_841 = arith.constant 0 : i32
        %dma_wait3A_842 = arith.constant 0 : i32
        %dma_wait3A_843 = arith.constant 0 : i32
        %dma_wait3A_844 = tpu.memref_slice %arg11[%dma_wait3A_840, %dma_wait3A_841, %dma_wait3A_842, %dma_wait3A_843] : memref<8x4x8x128xf32, #tpu.memory_space<vmem>> -> memref<1x4x8x128xf32, #tpu.memory_space<vmem>>
        %dma_wait3A_845 = tpu.memref_squeeze %dma_wait3A_844 : memref<1x4x8x128xf32, #tpu.memory_space<vmem>> -> memref<4x8x128xf32, #tpu.memory_space<vmem>>
        %dma_wait3A_846 = arith.constant 0 : i32
        %dma_wait3A_847 = arith.constant 0 : i32
        %dma_wait3A_848 = arith.constant 0 : i32
        %dma_wait3A_849 = tpu.memref_slice %arg4[%dma_wait3A_846, %dma_wait3A_847, %dma_wait3A_848] : memref<4x8x1000000xf32, #tpu.memory_space<hbm>> -> memref<4x8x128xf32, #tpu.memory_space<hbm>>
        %dma_wait3A_850 = arith.constant 0 : i32
        %dma_wait3A_851 = arith.constant 0 : i32
        %dma_wait3A_852 = arith.constant 0 : i32
        %dma_wait3A_853 = tpu.memref_slice %arg11[%dma_wait3A_840, %dma_wait3A_850, %dma_wait3A_851, %dma_wait3A_852] : memref<8x4x8x128xf32, #tpu.memory_space<vmem>> -> memref<1x4x8x128xf32, #tpu.memory_space<vmem>>
        %dma_wait3A_854 = tpu.memref_squeeze %dma_wait3A_853 : memref<1x4x8x128xf32, #tpu.memory_space<vmem>> -> memref<4x8x128xf32, #tpu.memory_space<vmem>>
        %dma_wait3A_855 = arith.constant 0 : i32
        %dma_wait3A_856 = arith.constant 0 : i32
        %dma_wait3A_857 = arith.constant 0 : i32
        %dma_wait3A_858 = tpu.memref_slice %arg4[%dma_wait3A_855, %dma_wait3A_856, %dma_wait3A_857] : memref<4x8x1000000xf32, #tpu.memory_space<hbm>> -> memref<4x8x128xf32, #tpu.memory_space<hbm>>
        tpu.wait_dma2 semaphore(%arg16 : memref<!tpu.dma_semaphore, #tpu.memory_space<semaphore_mem>>) src(%dma_wait3A_858 : memref<4x8x128xf32, #tpu.memory_space<hbm>>) dst(%dma_wait3A_854 : memref<4x8x128xf32, #tpu.memory_space<vmem>>)
      } else {
      }
      %convert_element_type3A_318 = arith.extui %ne3A_269 : i1 to i32
      %cond3A_319 = arith.constant 0 : i32
      %cond3A_320 = arith.cmpi ne, %convert_element_type3A_318, %cond3A_319 : i32
      scf.if %cond3A_320 {
        %dma_wait3A_821 = arith.constant 2 : i32
        %dma_wait3A_822 = arith.constant 0 : i32
        %dma_wait3A_823 = arith.constant 0 : i32
        %dma_wait3A_824 = arith.constant 0 : i32
        %dma_wait3A_825 = tpu.memref_slice %arg10[%dma_wait3A_821, %dma_wait3A_822, %dma_wait3A_823, %dma_wait3A_824] : memref<8x4x8x128xf32, #tpu.memory_space<vmem>> -> memref<1x4x8x128xf32, #tpu.memory_space<vmem>>
        %dma_wait3A_826 = tpu.memref_squeeze %dma_wait3A_825 : memref<1x4x8x128xf32, #tpu.memory_space<vmem>> -> memref<4x8x128xf32, #tpu.memory_space<vmem>>
        %dma_wait3A_827 = arith.constant 0 : i32
        %dma_wait3A_828 = arith.constant 0 : i32
        %dma_wait3A_829 = arith.constant 0 : i32
        %dma_wait3A_830 = tpu.memref_slice %arg3[%dma_wait3A_827, %dma_wait3A_828, %dma_wait3A_829] : memref<4x8x1000000xf32, #tpu.memory_space<hbm>> -> memref<4x8x128xf32, #tpu.memory_space<hbm>>
        %dma_wait3A_831 = arith.constant 0 : i32
        %dma_wait3A_832 = arith.constant 0 : i32
        %dma_wait3A_833 = arith.constant 0 : i32
        %dma_wait3A_834 = tpu.memref_slice %arg10[%dma_wait3A_821, %dma_wait3A_831, %dma_wait3A_832, %dma_wait3A_833] : memref<8x4x8x128xf32, #tpu.memory_space<vmem>> -> memref<1x4x8x128xf32, #tpu.memory_space<vmem>>
        %dma_wait3A_835 = tpu.memref_squeeze %dma_wait3A_834 : memref<1x4x8x128xf32, #tpu.memory_space<vmem>> -> memref<4x8x128xf32, #tpu.memory_space<vmem>>
        %dma_wait3A_836 = arith.constant 0 : i32
        %dma_wait3A_837 = arith.constant 0 : i32
        %dma_wait3A_838 = arith.constant 0 : i32
        %dma_wait3A_839 = tpu.memref_slice %arg3[%dma_wait3A_836, %dma_wait3A_837, %dma_wait3A_838] : memref<4x8x1000000xf32, #tpu.memory_space<hbm>> -> memref<4x8x128xf32, #tpu.memory_space<hbm>>
        tpu.wait_dma2 semaphore(%arg16 : memref<!tpu.dma_semaphore, #tpu.memory_space<semaphore_mem>>) src(%dma_wait3A_839 : memref<4x8x128xf32, #tpu.memory_space<hbm>>) dst(%dma_wait3A_835 : memref<4x8x128xf32, #tpu.memory_space<vmem>>)
        %dma_wait3A_840 = arith.constant 2 : i32
        %dma_wait3A_841 = arith.constant 0 : i32
        %dma_wait3A_842 = arith.constant 0 : i32
        %dma_wait3A_843 = arith.constant 0 : i32
        %dma_wait3A_844 = tpu.memref_slice %arg11[%dma_wait3A_840, %dma_wait3A_841, %dma_wait3A_842, %dma_wait3A_843] : memref<8x4x8x128xf32, #tpu.memory_space<vmem>> -> memref<1x4x8x128xf32, #tpu.memory_space<vmem>>
        %dma_wait3A_845 = tpu.memref_squeeze %dma_wait3A_844 : memref<1x4x8x128xf32, #tpu.memory_space<vmem>> -> memref<4x8x128xf32, #tpu.memory_space<vmem>>
        %dma_wait3A_846 = arith.constant 0 : i32
        %dma_wait3A_847 = arith.constant 0 : i32
        %dma_wait3A_848 = arith.constant 0 : i32
        %dma_wait3A_849 = tpu.memref_slice %arg4[%dma_wait3A_846, %dma_wait3A_847, %dma_wait3A_848] : memref<4x8x1000000xf32, #tpu.memory_space<hbm>> -> memref<4x8x128xf32, #tpu.memory_space<hbm>>
        %dma_wait3A_850 = arith.constant 0 : i32
        %dma_wait3A_851 = arith.constant 0 : i32
        %dma_wait3A_852 = arith.constant 0 : i32
        %dma_wait3A_853 = tpu.memref_slice %arg11[%dma_wait3A_840, %dma_wait3A_850, %dma_wait3A_851, %dma_wait3A_852] : memref<8x4x8x128xf32, #tpu.memory_space<vmem>> -> memref<1x4x8x128xf32, #tpu.memory_space<vmem>>
        %dma_wait3A_854 = tpu.memref_squeeze %dma_wait3A_853 : memref<1x4x8x128xf32, #tpu.memory_space<vmem>> -> memref<4x8x128xf32, #tpu.memory_space<vmem>>
        %dma_wait3A_855 = arith.constant 0 : i32
        %dma_wait3A_856 = arith.constant 0 : i32
        %dma_wait3A_857 = arith.constant 0 : i32
        %dma_wait3A_858 = tpu.memref_slice %arg4[%dma_wait3A_855, %dma_wait3A_856, %dma_wait3A_857] : memref<4x8x1000000xf32, #tpu.memory_space<hbm>> -> memref<4x8x128xf32, #tpu.memory_space<hbm>>
        tpu.wait_dma2 semaphore(%arg16 : memref<!tpu.dma_semaphore, #tpu.memory_space<semaphore_mem>>) src(%dma_wait3A_858 : memref<4x8x128xf32, #tpu.memory_space<hbm>>) dst(%dma_wait3A_854 : memref<4x8x128xf32, #tpu.memory_space<vmem>>)
      } else {
      }
      %convert_element_type3A_321 = arith.extui %ne3A_270 : i1 to i32
      %cond3A_322 = arith.constant 0 : i32
      %cond3A_323 = arith.cmpi ne, %convert_element_type3A_321, %cond3A_322 : i32
      scf.if %cond3A_323 {
        %dma_wait3A_821 = arith.constant 3 : i32
        %dma_wait3A_822 = arith.constant 0 : i32
        %dma_wait3A_823 = arith.constant 0 : i32
        %dma_wait3A_824 = arith.constant 0 : i32
        %dma_wait3A_825 = tpu.memref_slice %arg10[%dma_wait3A_821, %dma_wait3A_822, %dma_wait3A_823, %dma_wait3A_824] : memref<8x4x8x128xf32, #tpu.memory_space<vmem>> -> memref<1x4x8x128xf32, #tpu.memory_space<vmem>>
        %dma_wait3A_826 = tpu.memref_squeeze %dma_wait3A_825 : memref<1x4x8x128xf32, #tpu.memory_space<vmem>> -> memref<4x8x128xf32, #tpu.memory_space<vmem>>
        %dma_wait3A_827 = arith.constant 0 : i32
        %dma_wait3A_828 = arith.constant 0 : i32
        %dma_wait3A_829 = arith.constant 0 : i32
        %dma_wait3A_830 = tpu.memref_slice %arg3[%dma_wait3A_827, %dma_wait3A_828, %dma_wait3A_829] : memref<4x8x1000000xf32, #tpu.memory_space<hbm>> -> memref<4x8x128xf32, #tpu.memory_space<hbm>>
        %dma_wait3A_831 = arith.constant 0 : i32
        %dma_wait3A_832 = arith.constant 0 : i32
        %dma_wait3A_833 = arith.constant 0 : i32
        %dma_wait3A_834 = tpu.memref_slice %arg10[%dma_wait3A_821, %dma_wait3A_831, %dma_wait3A_832, %dma_wait3A_833] : memref<8x4x8x128xf32, #tpu.memory_space<vmem>> -> memref<1x4x8x128xf32, #tpu.memory_space<vmem>>
        %dma_wait3A_835 = tpu.memref_squeeze %dma_wait3A_834 : memref<1x4x8x128xf32, #tpu.memory_space<vmem>> -> memref<4x8x128xf32, #tpu.memory_space<vmem>>
        %dma_wait3A_836 = arith.constant 0 : i32
        %dma_wait3A_837 = arith.constant 0 : i32
        %dma_wait3A_838 = arith.constant 0 : i32
        %dma_wait3A_839 = tpu.memref_slice %arg3[%dma_wait3A_836, %dma_wait3A_837, %dma_wait3A_838] : memref<4x8x1000000xf32, #tpu.memory_space<hbm>> -> memref<4x8x128xf32, #tpu.memory_space<hbm>>
        tpu.wait_dma2 semaphore(%arg16 : memref<!tpu.dma_semaphore, #tpu.memory_space<semaphore_mem>>) src(%dma_wait3A_839 : memref<4x8x128xf32, #tpu.memory_space<hbm>>) dst(%dma_wait3A_835 : memref<4x8x128xf32, #tpu.memory_space<vmem>>)
        %dma_wait3A_840 = arith.constant 3 : i32
        %dma_wait3A_841 = arith.constant 0 : i32
        %dma_wait3A_842 = arith.constant 0 : i32
        %dma_wait3A_843 = arith.constant 0 : i32
        %dma_wait3A_844 = tpu.memref_slice %arg11[%dma_wait3A_840, %dma_wait3A_841, %dma_wait3A_842, %dma_wait3A_843] : memref<8x4x8x128xf32, #tpu.memory_space<vmem>> -> memref<1x4x8x128xf32, #tpu.memory_space<vmem>>
        %dma_wait3A_845 = tpu.memref_squeeze %dma_wait3A_844 : memref<1x4x8x128xf32, #tpu.memory_space<vmem>> -> memref<4x8x128xf32, #tpu.memory_space<vmem>>
        %dma_wait3A_846 = arith.constant 0 : i32
        %dma_wait3A_847 = arith.constant 0 : i32
        %dma_wait3A_848 = arith.constant 0 : i32
        %dma_wait3A_849 = tpu.memref_slice %arg4[%dma_wait3A_846, %dma_wait3A_847, %dma_wait3A_848] : memref<4x8x1000000xf32, #tpu.memory_space<hbm>> -> memref<4x8x128xf32, #tpu.memory_space<hbm>>
        %dma_wait3A_850 = arith.constant 0 : i32
        %dma_wait3A_851 = arith.constant 0 : i32
        %dma_wait3A_852 = arith.constant 0 : i32
        %dma_wait3A_853 = tpu.memref_slice %arg11[%dma_wait3A_840, %dma_wait3A_850, %dma_wait3A_851, %dma_wait3A_852] : memref<8x4x8x128xf32, #tpu.memory_space<vmem>> -> memref<1x4x8x128xf32, #tpu.memory_space<vmem>>
        %dma_wait3A_854 = tpu.memref_squeeze %dma_wait3A_853 : memref<1x4x8x128xf32, #tpu.memory_space<vmem>> -> memref<4x8x128xf32, #tpu.memory_space<vmem>>
        %dma_wait3A_855 = arith.constant 0 : i32
        %dma_wait3A_856 = arith.constant 0 : i32
        %dma_wait3A_857 = arith.constant 0 : i32
        %dma_wait3A_858 = tpu.memref_slice %arg4[%dma_wait3A_855, %dma_wait3A_856, %dma_wait3A_857] : memref<4x8x1000000xf32, #tpu.memory_space<hbm>> -> memref<4x8x128xf32, #tpu.memory_space<hbm>>
        tpu.wait_dma2 semaphore(%arg16 : memref<!tpu.dma_semaphore, #tpu.memory_space<semaphore_mem>>) src(%dma_wait3A_858 : memref<4x8x128xf32, #tpu.memory_space<hbm>>) dst(%dma_wait3A_854 : memref<4x8x128xf32, #tpu.memory_space<vmem>>)
      } else {
      }
      %convert_element_type3A_324 = arith.extui %ne3A_271 : i1 to i32
      %cond3A_325 = arith.constant 0 : i32
      %cond3A_326 = arith.cmpi ne, %convert_element_type3A_324, %cond3A_325 : i32
      scf.if %cond3A_326 {
        %dma_wait3A_821 = arith.constant 4 : i32
        %dma_wait3A_822 = arith.constant 0 : i32
        %dma_wait3A_823 = arith.constant 0 : i32
        %dma_wait3A_824 = arith.constant 0 : i32
        %dma_wait3A_825 = tpu.memref_slice %arg10[%dma_wait3A_821, %dma_wait3A_822, %dma_wait3A_823, %dma_wait3A_824] : memref<8x4x8x128xf32, #tpu.memory_space<vmem>> -> memref<1x4x8x128xf32, #tpu.memory_space<vmem>>
        %dma_wait3A_826 = tpu.memref_squeeze %dma_wait3A_825 : memref<1x4x8x128xf32, #tpu.memory_space<vmem>> -> memref<4x8x128xf32, #tpu.memory_space<vmem>>
        %dma_wait3A_827 = arith.constant 0 : i32
        %dma_wait3A_828 = arith.constant 0 : i32
        %dma_wait3A_829 = arith.constant 0 : i32
        %dma_wait3A_830 = tpu.memref_slice %arg3[%dma_wait3A_827, %dma_wait3A_828, %dma_wait3A_829] : memref<4x8x1000000xf32, #tpu.memory_space<hbm>> -> memref<4x8x128xf32, #tpu.memory_space<hbm>>
        %dma_wait3A_831 = arith.constant 0 : i32
        %dma_wait3A_832 = arith.constant 0 : i32
        %dma_wait3A_833 = arith.constant 0 : i32
        %dma_wait3A_834 = tpu.memref_slice %arg10[%dma_wait3A_821, %dma_wait3A_831, %dma_wait3A_832, %dma_wait3A_833] : memref<8x4x8x128xf32, #tpu.memory_space<vmem>> -> memref<1x4x8x128xf32, #tpu.memory_space<vmem>>
        %dma_wait3A_835 = tpu.memref_squeeze %dma_wait3A_834 : memref<1x4x8x128xf32, #tpu.memory_space<vmem>> -> memref<4x8x128xf32, #tpu.memory_space<vmem>>
        %dma_wait3A_836 = arith.constant 0 : i32
        %dma_wait3A_837 = arith.constant 0 : i32
        %dma_wait3A_838 = arith.constant 0 : i32
        %dma_wait3A_839 = tpu.memref_slice %arg3[%dma_wait3A_836, %dma_wait3A_837, %dma_wait3A_838] : memref<4x8x1000000xf32, #tpu.memory_space<hbm>> -> memref<4x8x128xf32, #tpu.memory_space<hbm>>
        tpu.wait_dma2 semaphore(%arg17 : memref<!tpu.dma_semaphore, #tpu.memory_space<semaphore_mem>>) src(%dma_wait3A_839 : memref<4x8x128xf32, #tpu.memory_space<hbm>>) dst(%dma_wait3A_835 : memref<4x8x128xf32, #tpu.memory_space<vmem>>)
        %dma_wait3A_840 = arith.constant 4 : i32
        %dma_wait3A_841 = arith.constant 0 : i32
        %dma_wait3A_842 = arith.constant 0 : i32
        %dma_wait3A_843 = arith.constant 0 : i32
        %dma_wait3A_844 = tpu.memref_slice %arg11[%dma_wait3A_840, %dma_wait3A_841, %dma_wait3A_842, %dma_wait3A_843] : memref<8x4x8x128xf32, #tpu.memory_space<vmem>> -> memref<1x4x8x128xf32, #tpu.memory_space<vmem>>
        %dma_wait3A_845 = tpu.memref_squeeze %dma_wait3A_844 : memref<1x4x8x128xf32, #tpu.memory_space<vmem>> -> memref<4x8x128xf32, #tpu.memory_space<vmem>>
        %dma_wait3A_846 = arith.constant 0 : i32
        %dma_wait3A_847 = arith.constant 0 : i32
        %dma_wait3A_848 = arith.constant 0 : i32
        %dma_wait3A_849 = tpu.memref_slice %arg4[%dma_wait3A_846, %dma_wait3A_847, %dma_wait3A_848] : memref<4x8x1000000xf32, #tpu.memory_space<hbm>> -> memref<4x8x128xf32, #tpu.memory_space<hbm>>
        %dma_wait3A_850 = arith.constant 0 : i32
        %dma_wait3A_851 = arith.constant 0 : i32
        %dma_wait3A_852 = arith.constant 0 : i32
        %dma_wait3A_853 = tpu.memref_slice %arg11[%dma_wait3A_840, %dma_wait3A_850, %dma_wait3A_851, %dma_wait3A_852] : memref<8x4x8x128xf32, #tpu.memory_space<vmem>> -> memref<1x4x8x128xf32, #tpu.memory_space<vmem>>
        %dma_wait3A_854 = tpu.memref_squeeze %dma_wait3A_853 : memref<1x4x8x128xf32, #tpu.memory_space<vmem>> -> memref<4x8x128xf32, #tpu.memory_space<vmem>>
        %dma_wait3A_855 = arith.constant 0 : i32
        %dma_wait3A_856 = arith.constant 0 : i32
        %dma_wait3A_857 = arith.constant 0 : i32
        %dma_wait3A_858 = tpu.memref_slice %arg4[%dma_wait3A_855, %dma_wait3A_856, %dma_wait3A_857] : memref<4x8x1000000xf32, #tpu.memory_space<hbm>> -> memref<4x8x128xf32, #tpu.memory_space<hbm>>
        tpu.wait_dma2 semaphore(%arg17 : memref<!tpu.dma_semaphore, #tpu.memory_space<semaphore_mem>>) src(%dma_wait3A_858 : memref<4x8x128xf32, #tpu.memory_space<hbm>>) dst(%dma_wait3A_854 : memref<4x8x128xf32, #tpu.memory_space<vmem>>)
      } else {
      }
      %convert_element_type3A_327 = arith.extui %ne3A_272 : i1 to i32
      %cond3A_328 = arith.constant 0 : i32
      %cond3A_329 = arith.cmpi ne, %convert_element_type3A_327, %cond3A_328 : i32
      scf.if %cond3A_329 {
        %dma_wait3A_821 = arith.constant 5 : i32
        %dma_wait3A_822 = arith.constant 0 : i32
        %dma_wait3A_823 = arith.constant 0 : i32
        %dma_wait3A_824 = arith.constant 0 : i32
        %dma_wait3A_825 = tpu.memref_slice %arg10[%dma_wait3A_821, %dma_wait3A_822, %dma_wait3A_823, %dma_wait3A_824] : memref<8x4x8x128xf32, #tpu.memory_space<vmem>> -> memref<1x4x8x128xf32, #tpu.memory_space<vmem>>
        %dma_wait3A_826 = tpu.memref_squeeze %dma_wait3A_825 : memref<1x4x8x128xf32, #tpu.memory_space<vmem>> -> memref<4x8x128xf32, #tpu.memory_space<vmem>>
        %dma_wait3A_827 = arith.constant 0 : i32
        %dma_wait3A_828 = arith.constant 0 : i32
        %dma_wait3A_829 = arith.constant 0 : i32
        %dma_wait3A_830 = tpu.memref_slice %arg3[%dma_wait3A_827, %dma_wait3A_828, %dma_wait3A_829] : memref<4x8x1000000xf32, #tpu.memory_space<hbm>> -> memref<4x8x128xf32, #tpu.memory_space<hbm>>
        %dma_wait3A_831 = arith.constant 0 : i32
        %dma_wait3A_832 = arith.constant 0 : i32
        %dma_wait3A_833 = arith.constant 0 : i32
        %dma_wait3A_834 = tpu.memref_slice %arg10[%dma_wait3A_821, %dma_wait3A_831, %dma_wait3A_832, %dma_wait3A_833] : memref<8x4x8x128xf32, #tpu.memory_space<vmem>> -> memref<1x4x8x128xf32, #tpu.memory_space<vmem>>
        %dma_wait3A_835 = tpu.memref_squeeze %dma_wait3A_834 : memref<1x4x8x128xf32, #tpu.memory_space<vmem>> -> memref<4x8x128xf32, #tpu.memory_space<vmem>>
        %dma_wait3A_836 = arith.constant 0 : i32
        %dma_wait3A_837 = arith.constant 0 : i32
        %dma_wait3A_838 = arith.constant 0 : i32
        %dma_wait3A_839 = tpu.memref_slice %arg3[%dma_wait3A_836, %dma_wait3A_837, %dma_wait3A_838] : memref<4x8x1000000xf32, #tpu.memory_space<hbm>> -> memref<4x8x128xf32, #tpu.memory_space<hbm>>
        tpu.wait_dma2 semaphore(%arg17 : memref<!tpu.dma_semaphore, #tpu.memory_space<semaphore_mem>>) src(%dma_wait3A_839 : memref<4x8x128xf32, #tpu.memory_space<hbm>>) dst(%dma_wait3A_835 : memref<4x8x128xf32, #tpu.memory_space<vmem>>)
        %dma_wait3A_840 = arith.constant 5 : i32
        %dma_wait3A_841 = arith.constant 0 : i32
        %dma_wait3A_842 = arith.constant 0 : i32
        %dma_wait3A_843 = arith.constant 0 : i32
        %dma_wait3A_844 = tpu.memref_slice %arg11[%dma_wait3A_840, %dma_wait3A_841, %dma_wait3A_842, %dma_wait3A_843] : memref<8x4x8x128xf32, #tpu.memory_space<vmem>> -> memref<1x4x8x128xf32, #tpu.memory_space<vmem>>
        %dma_wait3A_845 = tpu.memref_squeeze %dma_wait3A_844 : memref<1x4x8x128xf32, #tpu.memory_space<vmem>> -> memref<4x8x128xf32, #tpu.memory_space<vmem>>
        %dma_wait3A_846 = arith.constant 0 : i32
        %dma_wait3A_847 = arith.constant 0 : i32
        %dma_wait3A_848 = arith.constant 0 : i32
        %dma_wait3A_849 = tpu.memref_slice %arg4[%dma_wait3A_846, %dma_wait3A_847, %dma_wait3A_848] : memref<4x8x1000000xf32, #tpu.memory_space<hbm>> -> memref<4x8x128xf32, #tpu.memory_space<hbm>>
        %dma_wait3A_850 = arith.constant 0 : i32
        %dma_wait3A_851 = arith.constant 0 : i32
        %dma_wait3A_852 = arith.constant 0 : i32
        %dma_wait3A_853 = tpu.memref_slice %arg11[%dma_wait3A_840, %dma_wait3A_850, %dma_wait3A_851, %dma_wait3A_852] : memref<8x4x8x128xf32, #tpu.memory_space<vmem>> -> memref<1x4x8x128xf32, #tpu.memory_space<vmem>>
        %dma_wait3A_854 = tpu.memref_squeeze %dma_wait3A_853 : memref<1x4x8x128xf32, #tpu.memory_space<vmem>> -> memref<4x8x128xf32, #tpu.memory_space<vmem>>
        %dma_wait3A_855 = arith.constant 0 : i32
        %dma_wait3A_856 = arith.constant 0 : i32
        %dma_wait3A_857 = arith.constant 0 : i32
        %dma_wait3A_858 = tpu.memref_slice %arg4[%dma_wait3A_855, %dma_wait3A_856, %dma_wait3A_857] : memref<4x8x1000000xf32, #tpu.memory_space<hbm>> -> memref<4x8x128xf32, #tpu.memory_space<hbm>>
        tpu.wait_dma2 semaphore(%arg17 : memref<!tpu.dma_semaphore, #tpu.memory_space<semaphore_mem>>) src(%dma_wait3A_858 : memref<4x8x128xf32, #tpu.memory_space<hbm>>) dst(%dma_wait3A_854 : memref<4x8x128xf32, #tpu.memory_space<vmem>>)
      } else {
      }
      %convert_element_type3A_330 = arith.extui %ne3A_273 : i1 to i32
      %cond3A_331 = arith.constant 0 : i32
      %cond3A_332 = arith.cmpi ne, %convert_element_type3A_330, %cond3A_331 : i32
      scf.if %cond3A_332 {
        %dma_wait3A_821 = arith.constant 6 : i32
        %dma_wait3A_822 = arith.constant 0 : i32
        %dma_wait3A_823 = arith.constant 0 : i32
        %dma_wait3A_824 = arith.constant 0 : i32
        %dma_wait3A_825 = tpu.memref_slice %arg10[%dma_wait3A_821, %dma_wait3A_822, %dma_wait3A_823, %dma_wait3A_824] : memref<8x4x8x128xf32, #tpu.memory_space<vmem>> -> memref<1x4x8x128xf32, #tpu.memory_space<vmem>>
        %dma_wait3A_826 = tpu.memref_squeeze %dma_wait3A_825 : memref<1x4x8x128xf32, #tpu.memory_space<vmem>> -> memref<4x8x128xf32, #tpu.memory_space<vmem>>
        %dma_wait3A_827 = arith.constant 0 : i32
        %dma_wait3A_828 = arith.constant 0 : i32
        %dma_wait3A_829 = arith.constant 0 : i32
        %dma_wait3A_830 = tpu.memref_slice %arg3[%dma_wait3A_827, %dma_wait3A_828, %dma_wait3A_829] : memref<4x8x1000000xf32, #tpu.memory_space<hbm>> -> memref<4x8x128xf32, #tpu.memory_space<hbm>>
        %dma_wait3A_831 = arith.constant 0 : i32
        %dma_wait3A_832 = arith.constant 0 : i32
        %dma_wait3A_833 = arith.constant 0 : i32
        %dma_wait3A_834 = tpu.memref_slice %arg10[%dma_wait3A_821, %dma_wait3A_831, %dma_wait3A_832, %dma_wait3A_833] : memref<8x4x8x128xf32, #tpu.memory_space<vmem>> -> memref<1x4x8x128xf32, #tpu.memory_space<vmem>>
        %dma_wait3A_835 = tpu.memref_squeeze %dma_wait3A_834 : memref<1x4x8x128xf32, #tpu.memory_space<vmem>> -> memref<4x8x128xf32, #tpu.memory_space<vmem>>
        %dma_wait3A_836 = arith.constant 0 : i32
        %dma_wait3A_837 = arith.constant 0 : i32
        %dma_wait3A_838 = arith.constant 0 : i32
        %dma_wait3A_839 = tpu.memref_slice %arg3[%dma_wait3A_836, %dma_wait3A_837, %dma_wait3A_838] : memref<4x8x1000000xf32, #tpu.memory_space<hbm>> -> memref<4x8x128xf32, #tpu.memory_space<hbm>>
        tpu.wait_dma2 semaphore(%arg17 : memref<!tpu.dma_semaphore, #tpu.memory_space<semaphore_mem>>) src(%dma_wait3A_839 : memref<4x8x128xf32, #tpu.memory_space<hbm>>) dst(%dma_wait3A_835 : memref<4x8x128xf32, #tpu.memory_space<vmem>>)
        %dma_wait3A_840 = arith.constant 6 : i32
        %dma_wait3A_841 = arith.constant 0 : i32
        %dma_wait3A_842 = arith.constant 0 : i32
        %dma_wait3A_843 = arith.constant 0 : i32
        %dma_wait3A_844 = tpu.memref_slice %arg11[%dma_wait3A_840, %dma_wait3A_841, %dma_wait3A_842, %dma_wait3A_843] : memref<8x4x8x128xf32, #tpu.memory_space<vmem>> -> memref<1x4x8x128xf32, #tpu.memory_space<vmem>>
        %dma_wait3A_845 = tpu.memref_squeeze %dma_wait3A_844 : memref<1x4x8x128xf32, #tpu.memory_space<vmem>> -> memref<4x8x128xf32, #tpu.memory_space<vmem>>
        %dma_wait3A_846 = arith.constant 0 : i32
        %dma_wait3A_847 = arith.constant 0 : i32
        %dma_wait3A_848 = arith.constant 0 : i32
        %dma_wait3A_849 = tpu.memref_slice %arg4[%dma_wait3A_846, %dma_wait3A_847, %dma_wait3A_848] : memref<4x8x1000000xf32, #tpu.memory_space<hbm>> -> memref<4x8x128xf32, #tpu.memory_space<hbm>>
        %dma_wait3A_850 = arith.constant 0 : i32
        %dma_wait3A_851 = arith.constant 0 : i32
        %dma_wait3A_852 = arith.constant 0 : i32
        %dma_wait3A_853 = tpu.memref_slice %arg11[%dma_wait3A_840, %dma_wait3A_850, %dma_wait3A_851, %dma_wait3A_852] : memref<8x4x8x128xf32, #tpu.memory_space<vmem>> -> memref<1x4x8x128xf32, #tpu.memory_space<vmem>>
        %dma_wait3A_854 = tpu.memref_squeeze %dma_wait3A_853 : memref<1x4x8x128xf32, #tpu.memory_space<vmem>> -> memref<4x8x128xf32, #tpu.memory_space<vmem>>
        %dma_wait3A_855 = arith.constant 0 : i32
        %dma_wait3A_856 = arith.constant 0 : i32
        %dma_wait3A_857 = arith.constant 0 : i32
        %dma_wait3A_858 = tpu.memref_slice %arg4[%dma_wait3A_855, %dma_wait3A_856, %dma_wait3A_857] : memref<4x8x1000000xf32, #tpu.memory_space<hbm>> -> memref<4x8x128xf32, #tpu.memory_space<hbm>>
        tpu.wait_dma2 semaphore(%arg17 : memref<!tpu.dma_semaphore, #tpu.memory_space<semaphore_mem>>) src(%dma_wait3A_858 : memref<4x8x128xf32, #tpu.memory_space<hbm>>) dst(%dma_wait3A_854 : memref<4x8x128xf32, #tpu.memory_space<vmem>>)
      } else {
      }
      %convert_element_type3A_333 = arith.extui %ne3A_274 : i1 to i32
      %cond3A_334 = arith.constant 0 : i32
      %cond3A_335 = arith.cmpi ne, %convert_element_type3A_333, %cond3A_334 : i32
      scf.if %cond3A_335 {
        %dma_wait3A_821 = arith.constant 7 : i32
        %dma_wait3A_822 = arith.constant 0 : i32
        %dma_wait3A_823 = arith.constant 0 : i32
        %dma_wait3A_824 = arith.constant 0 : i32
        %dma_wait3A_825 = tpu.memref_slice %arg10[%dma_wait3A_821, %dma_wait3A_822, %dma_wait3A_823, %dma_wait3A_824] : memref<8x4x8x128xf32, #tpu.memory_space<vmem>> -> memref<1x4x8x128xf32, #tpu.memory_space<vmem>>
        %dma_wait3A_826 = tpu.memref_squeeze %dma_wait3A_825 : memref<1x4x8x128xf32, #tpu.memory_space<vmem>> -> memref<4x8x128xf32, #tpu.memory_space<vmem>>
        %dma_wait3A_827 = arith.constant 0 : i32
        %dma_wait3A_828 = arith.constant 0 : i32
        %dma_wait3A_829 = arith.constant 0 : i32
        %dma_wait3A_830 = tpu.memref_slice %arg3[%dma_wait3A_827, %dma_wait3A_828, %dma_wait3A_829] : memref<4x8x1000000xf32, #tpu.memory_space<hbm>> -> memref<4x8x128xf32, #tpu.memory_space<hbm>>
        %dma_wait3A_831 = arith.constant 0 : i32
        %dma_wait3A_832 = arith.constant 0 : i32
        %dma_wait3A_833 = arith.constant 0 : i32
        %dma_wait3A_834 = tpu.memref_slice %arg10[%dma_wait3A_821, %dma_wait3A_831, %dma_wait3A_832, %dma_wait3A_833] : memref<8x4x8x128xf32, #tpu.memory_space<vmem>> -> memref<1x4x8x128xf32, #tpu.memory_space<vmem>>
        %dma_wait3A_835 = tpu.memref_squeeze %dma_wait3A_834 : memref<1x4x8x128xf32, #tpu.memory_space<vmem>> -> memref<4x8x128xf32, #tpu.memory_space<vmem>>
        %dma_wait3A_836 = arith.constant 0 : i32
        %dma_wait3A_837 = arith.constant 0 : i32
        %dma_wait3A_838 = arith.constant 0 : i32
        %dma_wait3A_839 = tpu.memref_slice %arg3[%dma_wait3A_836, %dma_wait3A_837, %dma_wait3A_838] : memref<4x8x1000000xf32, #tpu.memory_space<hbm>> -> memref<4x8x128xf32, #tpu.memory_space<hbm>>
        tpu.wait_dma2 semaphore(%arg17 : memref<!tpu.dma_semaphore, #tpu.memory_space<semaphore_mem>>) src(%dma_wait3A_839 : memref<4x8x128xf32, #tpu.memory_space<hbm>>) dst(%dma_wait3A_835 : memref<4x8x128xf32, #tpu.memory_space<vmem>>)
        %dma_wait3A_840 = arith.constant 7 : i32
        %dma_wait3A_841 = arith.constant 0 : i32
        %dma_wait3A_842 = arith.constant 0 : i32
        %dma_wait3A_843 = arith.constant 0 : i32
        %dma_wait3A_844 = tpu.memref_slice %arg11[%dma_wait3A_840, %dma_wait3A_841, %dma_wait3A_842, %dma_wait3A_843] : memref<8x4x8x128xf32, #tpu.memory_space<vmem>> -> memref<1x4x8x128xf32, #tpu.memory_space<vmem>>
        %dma_wait3A_845 = tpu.memref_squeeze %dma_wait3A_844 : memref<1x4x8x128xf32, #tpu.memory_space<vmem>> -> memref<4x8x128xf32, #tpu.memory_space<vmem>>
        %dma_wait3A_846 = arith.constant 0 : i32
        %dma_wait3A_847 = arith.constant 0 : i32
        %dma_wait3A_848 = arith.constant 0 : i32
        %dma_wait3A_849 = tpu.memref_slice %arg4[%dma_wait3A_846, %dma_wait3A_847, %dma_wait3A_848] : memref<4x8x1000000xf32, #tpu.memory_space<hbm>> -> memref<4x8x128xf32, #tpu.memory_space<hbm>>
        %dma_wait3A_850 = arith.constant 0 : i32
        %dma_wait3A_851 = arith.constant 0 : i32
        %dma_wait3A_852 = arith.constant 0 : i32
        %dma_wait3A_853 = tpu.memref_slice %arg11[%dma_wait3A_840, %dma_wait3A_850, %dma_wait3A_851, %dma_wait3A_852] : memref<8x4x8x128xf32, #tpu.memory_space<vmem>> -> memref<1x4x8x128xf32, #tpu.memory_space<vmem>>
        %dma_wait3A_854 = tpu.memref_squeeze %dma_wait3A_853 : memref<1x4x8x128xf32, #tpu.memory_space<vmem>> -> memref<4x8x128xf32, #tpu.memory_space<vmem>>
        %dma_wait3A_855 = arith.constant 0 : i32
        %dma_wait3A_856 = arith.constant 0 : i32
        %dma_wait3A_857 = arith.constant 0 : i32
        %dma_wait3A_858 = tpu.memref_slice %arg4[%dma_wait3A_855, %dma_wait3A_856, %dma_wait3A_857] : memref<4x8x1000000xf32, #tpu.memory_space<hbm>> -> memref<4x8x128xf32, #tpu.memory_space<hbm>>
        tpu.wait_dma2 semaphore(%arg17 : memref<!tpu.dma_semaphore, #tpu.memory_space<semaphore_mem>>) src(%dma_wait3A_858 : memref<4x8x128xf32, #tpu.memory_space<hbm>>) dst(%dma_wait3A_854 : memref<4x8x128xf32, #tpu.memory_space<vmem>>)
      } else {
      }
      %jit3A_336 = arith.constant true
      %jit3A_337 = arith.constant 0 : i32
      %jit3A_338 = arith.constant 0 : i32
      %select_n3A_339 = arith.select %jit3A_336, %jit3A_337, %jit3A_338 : i32
      %slice3A_340 = vector.extract_strided_slice %get3A_219 {offsets = [0], sizes = [1], strides = [1]} : vector<16xi32> to vector<1xi32>
      %squeeze3A_341 = vector.extract %slice3A_340[0] : i32 from vector<1xi32>
      %mul3A_342 = arith.constant 2 : i32
      %mul3A_343 = arith.muli %scan3A_212, %mul3A_342 : i32
      %mul3A_344 = arith.constant 4 : i32
      %mul3A_345 = arith.muli %mul3A_343, %mul3A_344 : i32
      %mul3A_346 = arith.constant 32 : i32
      %mul3A_347 = arith.muli %mul3A_345, %mul3A_346 : i32
      %add3A_348 = arith.constant 0 : i32
      %add3A_349 = arith.addi %mul3A_347, %add3A_348 : i32
      %ge3A = arith.constant 999936 : i32
      %ge3A_350 = arith.cmpi sge, %squeeze3A_341, %ge3A : i32
      %and3A_351 = arith.constant 127 : i32
      %and3A_352 = arith.andi %squeeze3A_341, %and3A_351 : i32
      %jit3A_353 = arith.constant 0 : i32
      %select_n3A_354 = arith.select %ge3A_350, %jit3A_353, %and3A_352 : i32
      %broadcast_in_dim3A = vector.broadcast %select_n3A_354 : i32 to vector<16xi32>
      %broadcast_in_dim3A_355 = vector.broadcast %select_n3A_339 : i32 to vector<16xi32>
      %gather3A = tpu.vector_load_idx %arg10[%broadcast_in_dim3A_355, %select_n3A_67, %select_n3A_92, %broadcast_in_dim3A] : memref<8x4x8x128xf32, #tpu.memory_space<vmem>>[vector<16xi32>, vector<16xi32>, vector<16xi32>, vector<16xi32>], vector<16xf32>,
      %gather3A_356 = tpu.vector_load_idx %arg10[%broadcast_in_dim3A_355, %add3A_70, %select_n3A_92, %broadcast_in_dim3A] : memref<8x4x8x128xf32, #tpu.memory_space<vmem>>[vector<16xi32>, vector<16xi32>, vector<16xi32>, vector<16xi32>], vector<16xf32>,
      %gather3A_357 = tpu.vector_load_idx %arg11[%broadcast_in_dim3A_355, %select_n3A_67, %select_n3A_92, %broadcast_in_dim3A] : memref<8x4x8x128xf32, #tpu.memory_space<vmem>>[vector<16xi32>, vector<16xi32>, vector<16xi32>, vector<16xi32>], vector<16xf32>,
      %gather3A_358 = tpu.vector_load_idx %arg11[%broadcast_in_dim3A_355, %add3A_70, %select_n3A_92, %broadcast_in_dim3A] : memref<8x4x8x128xf32, #tpu.memory_space<vmem>>[vector<16xi32>, vector<16xi32>, vector<16xi32>, vector<16xi32>], vector<16xf32>,
      %sub3A_359 = arith.constant 999936 : i32
      %sub3A_360 = arith.subi %squeeze3A_341, %sub3A_359 : i32
      %max3A = arith.constant 0 : i32
      %max3A_361 = arith.maxsi %sub3A_360, %max3A : i32
      %broadcast_in_dim3A_362 = vector.broadcast %max3A_361 : i32 to vector<16xi32>
      %broadcast_in_dim3A_363 = vector.broadcast %ge3A_350 : i1 to vector<16xi1>
      %gather3A_364 = tpu.vector_load_idx %arg14[%broadcast_in_dim3A_362, %iota3A] : memref<64x32xf32, #tpu.memory_space<vmem>>[vector<16xi32>, vector<16xi32>], vector<16xf32>,
      %select_n3A_365 = arith.select %broadcast_in_dim3A_363, %gather3A_364, %gather3A : vector<16xi1>, vector<16xf32>
      %gather3A_366 = tpu.vector_load_idx %arg14[%broadcast_in_dim3A_362, %add3A_95] : memref<64x32xf32, #tpu.memory_space<vmem>>[vector<16xi32>, vector<16xi32>], vector<16xf32>,
      %select_n3A_367 = arith.select %broadcast_in_dim3A_363, %gather3A_366, %gather3A_356 : vector<16xi1>, vector<16xf32>
      %gather3A_368 = tpu.vector_load_idx %arg15[%broadcast_in_dim3A_362, %iota3A] : memref<64x32xf32, #tpu.memory_space<vmem>>[vector<16xi32>, vector<16xi32>], vector<16xf32>,
      %select_n3A_369 = arith.select %broadcast_in_dim3A_363, %gather3A_368, %gather3A_357 : vector<16xi1>, vector<16xf32>
      %gather3A_370 = tpu.vector_load_idx %arg15[%broadcast_in_dim3A_362, %add3A_95] : memref<64x32xf32, #tpu.memory_space<vmem>>[vector<16xi32>, vector<16xi32>], vector<16xf32>,
      %select_n3A_371 = arith.select %broadcast_in_dim3A_363, %gather3A_370, %gather3A_358 : vector<16xi1>, vector<16xf32>
      %swap3A = arith.index_cast %add3A_349 : i32 to index
      %swap3A_372 = tpu.vector_load %arg12[%swap3A] {strides = array<i32>} : memref<16384xf32, #tpu.memory_space<vmem>>, vector<16xf32>,
      tpu.vector_store %arg12[%swap3A], %select_n3A_365 {strides = array<i32>} : memref<16384xf32, #tpu.memory_space<vmem>>, vector<16xf32>,
      %add3A_373 = arith.constant 16 : i32
      %add3A_374 = arith.addi %add3A_349, %add3A_373 : i32
      %swap3A_375 = arith.index_cast %add3A_374 : i32 to index
      %swap3A_376 = tpu.vector_load %arg12[%swap3A_375] {strides = array<i32>} : memref<16384xf32, #tpu.memory_space<vmem>>, vector<16xf32>,
      tpu.vector_store %arg12[%swap3A_375], %select_n3A_367 {strides = array<i32>} : memref<16384xf32, #tpu.memory_space<vmem>>, vector<16xf32>,
      %swap3A_377 = arith.index_cast %add3A_349 : i32 to index
      %swap3A_378 = tpu.vector_load %arg13[%swap3A_377] {strides = array<i32>} : memref<16384xf32, #tpu.memory_space<vmem>>, vector<16xf32>,
      tpu.vector_store %arg13[%swap3A_377], %select_n3A_369 {strides = array<i32>} : memref<16384xf32, #tpu.memory_space<vmem>>, vector<16xf32>,
      %add3A_379 = arith.constant 16 : i32
      %add3A_380 = arith.addi %add3A_349, %add3A_379 : i32
      %swap3A_381 = arith.index_cast %add3A_380 : i32 to index
      %swap3A_382 = tpu.vector_load %arg13[%swap3A_381] {strides = array<i32>} : memref<16384xf32, #tpu.memory_space<vmem>>, vector<16xf32>,
      tpu.vector_store %arg13[%swap3A_381], %select_n3A_371 {strides = array<i32>} : memref<16384xf32, #tpu.memory_space<vmem>>, vector<16xf32>,
      %jit3A_383 = arith.constant 1 : i32
      %select_n3A_384 = arith.select %ne3A_268, %jit3A_383, %select_n3A_339 : i32
      %slice3A_385 = vector.extract_strided_slice %get3A_219 {offsets = [1], sizes = [1], strides = [1]} : vector<16xi32> to vector<1xi32>
      %squeeze3A_386 = vector.extract %slice3A_385[0] : i32 from vector<1xi32>
      %mul3A_387 = arith.constant 2 : i32
      %mul3A_388 = arith.muli %scan3A_212, %mul3A_387 : i32
      %mul3A_389 = arith.constant 4 : i32
      %mul3A_390 = arith.muli %mul3A_388, %mul3A_389 : i32
      %mul3A_391 = arith.constant 32 : i32
      %mul3A_392 = arith.muli %mul3A_390, %mul3A_391 : i32
      %add3A_393 = arith.constant 32 : i32
      %add3A_394 = arith.addi %mul3A_392, %add3A_393 : i32
      %ge3A_395 = arith.constant 999936 : i32
      %ge3A_396 = arith.cmpi sge, %squeeze3A_386, %ge3A_395 : i32
      %and3A_397 = arith.constant 127 : i32
      %and3A_398 = arith.andi %squeeze3A_386, %and3A_397 : i32
      %jit3A_399 = arith.constant 0 : i32
      %select_n3A_400 = arith.select %ge3A_396, %jit3A_399, %and3A_398 : i32
      %broadcast_in_dim3A_401 = vector.broadcast %select_n3A_400 : i32 to vector<16xi32>
      %broadcast_in_dim3A_402 = vector.broadcast %select_n3A_384 : i32 to vector<16xi32>
      %gather3A_403 = tpu.vector_load_idx %arg10[%broadcast_in_dim3A_402, %select_n3A_67, %select_n3A_92, %broadcast_in_dim3A_401] : memref<8x4x8x128xf32, #tpu.memory_space<vmem>>[vector<16xi32>, vector<16xi32>, vector<16xi32>, vector<16xi32>], vector<16xf32>,
      %gather3A_404 = tpu.vector_load_idx %arg10[%broadcast_in_dim3A_402, %add3A_70, %select_n3A_92, %broadcast_in_dim3A_401] : memref<8x4x8x128xf32, #tpu.memory_space<vmem>>[vector<16xi32>, vector<16xi32>, vector<16xi32>, vector<16xi32>], vector<16xf32>,
      %gather3A_405 = tpu.vector_load_idx %arg11[%broadcast_in_dim3A_402, %select_n3A_67, %select_n3A_92, %broadcast_in_dim3A_401] : memref<8x4x8x128xf32, #tpu.memory_space<vmem>>[vector<16xi32>, vector<16xi32>, vector<16xi32>, vector<16xi32>], vector<16xf32>,
      %gather3A_406 = tpu.vector_load_idx %arg11[%broadcast_in_dim3A_402, %add3A_70, %select_n3A_92, %broadcast_in_dim3A_401] : memref<8x4x8x128xf32, #tpu.memory_space<vmem>>[vector<16xi32>, vector<16xi32>, vector<16xi32>, vector<16xi32>], vector<16xf32>,
      %sub3A_407 = arith.constant 999936 : i32
      %sub3A_408 = arith.subi %squeeze3A_386, %sub3A_407 : i32
      %max3A_409 = arith.constant 0 : i32
      %max3A_410 = arith.maxsi %sub3A_408, %max3A_409 : i32
      %broadcast_in_dim3A_411 = vector.broadcast %max3A_410 : i32 to vector<16xi32>
      %broadcast_in_dim3A_412 = vector.broadcast %ge3A_396 : i1 to vector<16xi1>
      %gather3A_413 = tpu.vector_load_idx %arg14[%broadcast_in_dim3A_411, %iota3A] : memref<64x32xf32, #tpu.memory_space<vmem>>[vector<16xi32>, vector<16xi32>], vector<16xf32>,
      %select_n3A_414 = arith.select %broadcast_in_dim3A_412, %gather3A_413, %gather3A_403 : vector<16xi1>, vector<16xf32>
      %gather3A_415 = tpu.vector_load_idx %arg14[%broadcast_in_dim3A_411, %add3A_95] : memref<64x32xf32, #tpu.memory_space<vmem>>[vector<16xi32>, vector<16xi32>], vector<16xf32>,
      %select_n3A_416 = arith.select %broadcast_in_dim3A_412, %gather3A_415, %gather3A_404 : vector<16xi1>, vector<16xf32>
      %gather3A_417 = tpu.vector_load_idx %arg15[%broadcast_in_dim3A_411, %iota3A] : memref<64x32xf32, #tpu.memory_space<vmem>>[vector<16xi32>, vector<16xi32>], vector<16xf32>,
      %select_n3A_418 = arith.select %broadcast_in_dim3A_412, %gather3A_417, %gather3A_405 : vector<16xi1>, vector<16xf32>
      %gather3A_419 = tpu.vector_load_idx %arg15[%broadcast_in_dim3A_411, %add3A_95] : memref<64x32xf32, #tpu.memory_space<vmem>>[vector<16xi32>, vector<16xi32>], vector<16xf32>,
      %select_n3A_420 = arith.select %broadcast_in_dim3A_412, %gather3A_419, %gather3A_406 : vector<16xi1>, vector<16xf32>
      %swap3A_421 = arith.index_cast %add3A_394 : i32 to index
      %swap3A_422 = tpu.vector_load %arg12[%swap3A_421] {strides = array<i32>} : memref<16384xf32, #tpu.memory_space<vmem>>, vector<16xf32>,
      tpu.vector_store %arg12[%swap3A_421], %select_n3A_414 {strides = array<i32>} : memref<16384xf32, #tpu.memory_space<vmem>>, vector<16xf32>,
      %add3A_423 = arith.constant 16 : i32
      %add3A_424 = arith.addi %add3A_394, %add3A_423 : i32
      %swap3A_425 = arith.index_cast %add3A_424 : i32 to index
      %swap3A_426 = tpu.vector_load %arg12[%swap3A_425] {strides = array<i32>} : memref<16384xf32, #tpu.memory_space<vmem>>, vector<16xf32>,
      tpu.vector_store %arg12[%swap3A_425], %select_n3A_416 {strides = array<i32>} : memref<16384xf32, #tpu.memory_space<vmem>>, vector<16xf32>,
      %swap3A_427 = arith.index_cast %add3A_394 : i32 to index
      %swap3A_428 = tpu.vector_load %arg13[%swap3A_427] {strides = array<i32>} : memref<16384xf32, #tpu.memory_space<vmem>>, vector<16xf32>,
      tpu.vector_store %arg13[%swap3A_427], %select_n3A_418 {strides = array<i32>} : memref<16384xf32, #tpu.memory_space<vmem>>, vector<16xf32>,
      %add3A_429 = arith.constant 16 : i32
      %add3A_430 = arith.addi %add3A_394, %add3A_429 : i32
      %swap3A_431 = arith.index_cast %add3A_430 : i32 to index
      %swap3A_432 = tpu.vector_load %arg13[%swap3A_431] {strides = array<i32>} : memref<16384xf32, #tpu.memory_space<vmem>>, vector<16xf32>,
      tpu.vector_store %arg13[%swap3A_431], %select_n3A_420 {strides = array<i32>} : memref<16384xf32, #tpu.memory_space<vmem>>, vector<16xf32>,
      %jit3A_433 = arith.constant 2 : i32
      %select_n3A_434 = arith.select %ne3A_269, %jit3A_433, %select_n3A_384 : i32
      %slice3A_435 = vector.extract_strided_slice %get3A_219 {offsets = [2], sizes = [1], strides = [1]} : vector<16xi32> to vector<1xi32>
      %squeeze3A_436 = vector.extract %slice3A_435[0] : i32 from vector<1xi32>
      %mul3A_437 = arith.constant 2 : i32
      %mul3A_438 = arith.muli %scan3A_212, %mul3A_437 : i32
      %mul3A_439 = arith.constant 4 : i32
      %mul3A_440 = arith.muli %mul3A_438, %mul3A_439 : i32
      %mul3A_441 = arith.constant 32 : i32
      %mul3A_442 = arith.muli %mul3A_440, %mul3A_441 : i32
      %add3A_443 = arith.constant 64 : i32
      %add3A_444 = arith.addi %mul3A_442, %add3A_443 : i32
      %ge3A_445 = arith.constant 999936 : i32
      %ge3A_446 = arith.cmpi sge, %squeeze3A_436, %ge3A_445 : i32
      %and3A_447 = arith.constant 127 : i32
      %and3A_448 = arith.andi %squeeze3A_436, %and3A_447 : i32
      %jit3A_449 = arith.constant 0 : i32
      %select_n3A_450 = arith.select %ge3A_446, %jit3A_449, %and3A_448 : i32
      %broadcast_in_dim3A_451 = vector.broadcast %select_n3A_450 : i32 to vector<16xi32>
      %broadcast_in_dim3A_452 = vector.broadcast %select_n3A_434 : i32 to vector<16xi32>
      %gather3A_453 = tpu.vector_load_idx %arg10[%broadcast_in_dim3A_452, %select_n3A_67, %select_n3A_92, %broadcast_in_dim3A_451] : memref<8x4x8x128xf32, #tpu.memory_space<vmem>>[vector<16xi32>, vector<16xi32>, vector<16xi32>, vector<16xi32>], vector<16xf32>,
      %gather3A_454 = tpu.vector_load_idx %arg10[%broadcast_in_dim3A_452, %add3A_70, %select_n3A_92, %broadcast_in_dim3A_451] : memref<8x4x8x128xf32, #tpu.memory_space<vmem>>[vector<16xi32>, vector<16xi32>, vector<16xi32>, vector<16xi32>], vector<16xf32>,
      %gather3A_455 = tpu.vector_load_idx %arg11[%broadcast_in_dim3A_452, %select_n3A_67, %select_n3A_92, %broadcast_in_dim3A_451] : memref<8x4x8x128xf32, #tpu.memory_space<vmem>>[vector<16xi32>, vector<16xi32>, vector<16xi32>, vector<16xi32>], vector<16xf32>,
      %gather3A_456 = tpu.vector_load_idx %arg11[%broadcast_in_dim3A_452, %add3A_70, %select_n3A_92, %broadcast_in_dim3A_451] : memref<8x4x8x128xf32, #tpu.memory_space<vmem>>[vector<16xi32>, vector<16xi32>, vector<16xi32>, vector<16xi32>], vector<16xf32>,
      %sub3A_457 = arith.constant 999936 : i32
      %sub3A_458 = arith.subi %squeeze3A_436, %sub3A_457 : i32
      %max3A_459 = arith.constant 0 : i32
      %max3A_460 = arith.maxsi %sub3A_458, %max3A_459 : i32
      %broadcast_in_dim3A_461 = vector.broadcast %max3A_460 : i32 to vector<16xi32>
      %broadcast_in_dim3A_462 = vector.broadcast %ge3A_446 : i1 to vector<16xi1>
      %gather3A_463 = tpu.vector_load_idx %arg14[%broadcast_in_dim3A_461, %iota3A] : memref<64x32xf32, #tpu.memory_space<vmem>>[vector<16xi32>, vector<16xi32>], vector<16xf32>,
      %select_n3A_464 = arith.select %broadcast_in_dim3A_462, %gather3A_463, %gather3A_453 : vector<16xi1>, vector<16xf32>
      %gather3A_465 = tpu.vector_load_idx %arg14[%broadcast_in_dim3A_461, %add3A_95] : memref<64x32xf32, #tpu.memory_space<vmem>>[vector<16xi32>, vector<16xi32>], vector<16xf32>,
      %select_n3A_466 = arith.select %broadcast_in_dim3A_462, %gather3A_465, %gather3A_454 : vector<16xi1>, vector<16xf32>
      %gather3A_467 = tpu.vector_load_idx %arg15[%broadcast_in_dim3A_461, %iota3A] : memref<64x32xf32, #tpu.memory_space<vmem>>[vector<16xi32>, vector<16xi32>], vector<16xf32>,
      %select_n3A_468 = arith.select %broadcast_in_dim3A_462, %gather3A_467, %gather3A_455 : vector<16xi1>, vector<16xf32>
      %gather3A_469 = tpu.vector_load_idx %arg15[%broadcast_in_dim3A_461, %add3A_95] : memref<64x32xf32, #tpu.memory_space<vmem>>[vector<16xi32>, vector<16xi32>], vector<16xf32>,
      %select_n3A_470 = arith.select %broadcast_in_dim3A_462, %gather3A_469, %gather3A_456 : vector<16xi1>, vector<16xf32>
      %swap3A_471 = arith.index_cast %add3A_444 : i32 to index
      %swap3A_472 = tpu.vector_load %arg12[%swap3A_471] {strides = array<i32>} : memref<16384xf32, #tpu.memory_space<vmem>>, vector<16xf32>,
      tpu.vector_store %arg12[%swap3A_471], %select_n3A_464 {strides = array<i32>} : memref<16384xf32, #tpu.memory_space<vmem>>, vector<16xf32>,
      %add3A_473 = arith.constant 16 : i32
      %add3A_474 = arith.addi %add3A_444, %add3A_473 : i32
      %swap3A_475 = arith.index_cast %add3A_474 : i32 to index
      %swap3A_476 = tpu.vector_load %arg12[%swap3A_475] {strides = array<i32>} : memref<16384xf32, #tpu.memory_space<vmem>>, vector<16xf32>,
      tpu.vector_store %arg12[%swap3A_475], %select_n3A_466 {strides = array<i32>} : memref<16384xf32, #tpu.memory_space<vmem>>, vector<16xf32>,
      %swap3A_477 = arith.index_cast %add3A_444 : i32 to index
      %swap3A_478 = tpu.vector_load %arg13[%swap3A_477] {strides = array<i32>} : memref<16384xf32, #tpu.memory_space<vmem>>, vector<16xf32>,
      tpu.vector_store %arg13[%swap3A_477], %select_n3A_468 {strides = array<i32>} : memref<16384xf32, #tpu.memory_space<vmem>>, vector<16xf32>,
      %add3A_479 = arith.constant 16 : i32
      %add3A_480 = arith.addi %add3A_444, %add3A_479 : i32
      %swap3A_481 = arith.index_cast %add3A_480 : i32 to index
      %swap3A_482 = tpu.vector_load %arg13[%swap3A_481] {strides = array<i32>} : memref<16384xf32, #tpu.memory_space<vmem>>, vector<16xf32>,
      tpu.vector_store %arg13[%swap3A_481], %select_n3A_470 {strides = array<i32>} : memref<16384xf32, #tpu.memory_space<vmem>>, vector<16xf32>,
      %jit3A_483 = arith.constant 3 : i32
      %select_n3A_484 = arith.select %ne3A_270, %jit3A_483, %select_n3A_434 : i32
      %slice3A_485 = vector.extract_strided_slice %get3A_219 {offsets = [3], sizes = [1], strides = [1]} : vector<16xi32> to vector<1xi32>
      %squeeze3A_486 = vector.extract %slice3A_485[0] : i32 from vector<1xi32>
      %mul3A_487 = arith.constant 2 : i32
      %mul3A_488 = arith.muli %scan3A_212, %mul3A_487 : i32
      %mul3A_489 = arith.constant 4 : i32
      %mul3A_490 = arith.muli %mul3A_488, %mul3A_489 : i32
      %mul3A_491 = arith.constant 32 : i32
      %mul3A_492 = arith.muli %mul3A_490, %mul3A_491 : i32
      %add3A_493 = arith.constant 96 : i32
      %add3A_494 = arith.addi %mul3A_492, %add3A_493 : i32
      %ge3A_495 = arith.constant 999936 : i32
      %ge3A_496 = arith.cmpi sge, %squeeze3A_486, %ge3A_495 : i32
      %and3A_497 = arith.constant 127 : i32
      %and3A_498 = arith.andi %squeeze3A_486, %and3A_497 : i32
      %jit3A_499 = arith.constant 0 : i32
      %select_n3A_500 = arith.select %ge3A_496, %jit3A_499, %and3A_498 : i32
      %broadcast_in_dim3A_501 = vector.broadcast %select_n3A_500 : i32 to vector<16xi32>
      %broadcast_in_dim3A_502 = vector.broadcast %select_n3A_484 : i32 to vector<16xi32>
      %gather3A_503 = tpu.vector_load_idx %arg10[%broadcast_in_dim3A_502, %select_n3A_67, %select_n3A_92, %broadcast_in_dim3A_501] : memref<8x4x8x128xf32, #tpu.memory_space<vmem>>[vector<16xi32>, vector<16xi32>, vector<16xi32>, vector<16xi32>], vector<16xf32>,
      %gather3A_504 = tpu.vector_load_idx %arg10[%broadcast_in_dim3A_502, %add3A_70, %select_n3A_92, %broadcast_in_dim3A_501] : memref<8x4x8x128xf32, #tpu.memory_space<vmem>>[vector<16xi32>, vector<16xi32>, vector<16xi32>, vector<16xi32>], vector<16xf32>,
      %gather3A_505 = tpu.vector_load_idx %arg11[%broadcast_in_dim3A_502, %select_n3A_67, %select_n3A_92, %broadcast_in_dim3A_501] : memref<8x4x8x128xf32, #tpu.memory_space<vmem>>[vector<16xi32>, vector<16xi32>, vector<16xi32>, vector<16xi32>], vector<16xf32>,
      %gather3A_506 = tpu.vector_load_idx %arg11[%broadcast_in_dim3A_502, %add3A_70, %select_n3A_92, %broadcast_in_dim3A_501] : memref<8x4x8x128xf32, #tpu.memory_space<vmem>>[vector<16xi32>, vector<16xi32>, vector<16xi32>, vector<16xi32>], vector<16xf32>,
      %sub3A_507 = arith.constant 999936 : i32
      %sub3A_508 = arith.subi %squeeze3A_486, %sub3A_507 : i32
      %max3A_509 = arith.constant 0 : i32
      %max3A_510 = arith.maxsi %sub3A_508, %max3A_509 : i32
      %broadcast_in_dim3A_511 = vector.broadcast %max3A_510 : i32 to vector<16xi32>
      %broadcast_in_dim3A_512 = vector.broadcast %ge3A_496 : i1 to vector<16xi1>
      %gather3A_513 = tpu.vector_load_idx %arg14[%broadcast_in_dim3A_511, %iota3A] : memref<64x32xf32, #tpu.memory_space<vmem>>[vector<16xi32>, vector<16xi32>], vector<16xf32>,
      %select_n3A_514 = arith.select %broadcast_in_dim3A_512, %gather3A_513, %gather3A_503 : vector<16xi1>, vector<16xf32>
      %gather3A_515 = tpu.vector_load_idx %arg14[%broadcast_in_dim3A_511, %add3A_95] : memref<64x32xf32, #tpu.memory_space<vmem>>[vector<16xi32>, vector<16xi32>], vector<16xf32>,
      %select_n3A_516 = arith.select %broadcast_in_dim3A_512, %gather3A_515, %gather3A_504 : vector<16xi1>, vector<16xf32>
      %gather3A_517 = tpu.vector_load_idx %arg15[%broadcast_in_dim3A_511, %iota3A] : memref<64x32xf32, #tpu.memory_space<vmem>>[vector<16xi32>, vector<16xi32>], vector<16xf32>,
      %select_n3A_518 = arith.select %broadcast_in_dim3A_512, %gather3A_517, %gather3A_505 : vector<16xi1>, vector<16xf32>
      %gather3A_519 = tpu.vector_load_idx %arg15[%broadcast_in_dim3A_511, %add3A_95] : memref<64x32xf32, #tpu.memory_space<vmem>>[vector<16xi32>, vector<16xi32>], vector<16xf32>,
      %select_n3A_520 = arith.select %broadcast_in_dim3A_512, %gather3A_519, %gather3A_506 : vector<16xi1>, vector<16xf32>
      %swap3A_521 = arith.index_cast %add3A_494 : i32 to index
      %swap3A_522 = tpu.vector_load %arg12[%swap3A_521] {strides = array<i32>} : memref<16384xf32, #tpu.memory_space<vmem>>, vector<16xf32>,
      tpu.vector_store %arg12[%swap3A_521], %select_n3A_514 {strides = array<i32>} : memref<16384xf32, #tpu.memory_space<vmem>>, vector<16xf32>,
      %add3A_523 = arith.constant 16 : i32
      %add3A_524 = arith.addi %add3A_494, %add3A_523 : i32
      %swap3A_525 = arith.index_cast %add3A_524 : i32 to index
      %swap3A_526 = tpu.vector_load %arg12[%swap3A_525] {strides = array<i32>} : memref<16384xf32, #tpu.memory_space<vmem>>, vector<16xf32>,
      tpu.vector_store %arg12[%swap3A_525], %select_n3A_516 {strides = array<i32>} : memref<16384xf32, #tpu.memory_space<vmem>>, vector<16xf32>,
      %swap3A_527 = arith.index_cast %add3A_494 : i32 to index
      %swap3A_528 = tpu.vector_load %arg13[%swap3A_527] {strides = array<i32>} : memref<16384xf32, #tpu.memory_space<vmem>>, vector<16xf32>,
      tpu.vector_store %arg13[%swap3A_527], %select_n3A_518 {strides = array<i32>} : memref<16384xf32, #tpu.memory_space<vmem>>, vector<16xf32>,
      %add3A_529 = arith.constant 16 : i32
      %add3A_530 = arith.addi %add3A_494, %add3A_529 : i32
      %swap3A_531 = arith.index_cast %add3A_530 : i32 to index
      %swap3A_532 = tpu.vector_load %arg13[%swap3A_531] {strides = array<i32>} : memref<16384xf32, #tpu.memory_space<vmem>>, vector<16xf32>,
      tpu.vector_store %arg13[%swap3A_531], %select_n3A_520 {strides = array<i32>} : memref<16384xf32, #tpu.memory_space<vmem>>, vector<16xf32>,
      %jit3A_533 = arith.constant 4 : i32
      %select_n3A_534 = arith.select %ne3A_271, %jit3A_533, %select_n3A_484 : i32
      %slice3A_535 = vector.extract_strided_slice %get3A_219 {offsets = [4], sizes = [1], strides = [1]} : vector<16xi32> to vector<1xi32>
      %squeeze3A_536 = vector.extract %slice3A_535[0] : i32 from vector<1xi32>
      %mul3A_537 = arith.constant 2 : i32
      %mul3A_538 = arith.muli %scan3A_212, %mul3A_537 : i32
      %mul3A_539 = arith.constant 4 : i32
      %mul3A_540 = arith.muli %mul3A_538, %mul3A_539 : i32
      %mul3A_541 = arith.constant 32 : i32
      %mul3A_542 = arith.muli %mul3A_540, %mul3A_541 : i32
      %add3A_543 = arith.constant 128 : i32
      %add3A_544 = arith.addi %mul3A_542, %add3A_543 : i32
      %ge3A_545 = arith.constant 999936 : i32
      %ge3A_546 = arith.cmpi sge, %squeeze3A_536, %ge3A_545 : i32
      %and3A_547 = arith.constant 127 : i32
      %and3A_548 = arith.andi %squeeze3A_536, %and3A_547 : i32
      %jit3A_549 = arith.constant 0 : i32
      %select_n3A_550 = arith.select %ge3A_546, %jit3A_549, %and3A_548 : i32
      %broadcast_in_dim3A_551 = vector.broadcast %select_n3A_550 : i32 to vector<16xi32>
      %broadcast_in_dim3A_552 = vector.broadcast %select_n3A_534 : i32 to vector<16xi32>
      %gather3A_553 = tpu.vector_load_idx %arg10[%broadcast_in_dim3A_552, %select_n3A_67, %select_n3A_92, %broadcast_in_dim3A_551] : memref<8x4x8x128xf32, #tpu.memory_space<vmem>>[vector<16xi32>, vector<16xi32>, vector<16xi32>, vector<16xi32>], vector<16xf32>,
      %gather3A_554 = tpu.vector_load_idx %arg10[%broadcast_in_dim3A_552, %add3A_70, %select_n3A_92, %broadcast_in_dim3A_551] : memref<8x4x8x128xf32, #tpu.memory_space<vmem>>[vector<16xi32>, vector<16xi32>, vector<16xi32>, vector<16xi32>], vector<16xf32>,
      %gather3A_555 = tpu.vector_load_idx %arg11[%broadcast_in_dim3A_552, %select_n3A_67, %select_n3A_92, %broadcast_in_dim3A_551] : memref<8x4x8x128xf32, #tpu.memory_space<vmem>>[vector<16xi32>, vector<16xi32>, vector<16xi32>, vector<16xi32>], vector<16xf32>,
      %gather3A_556 = tpu.vector_load_idx %arg11[%broadcast_in_dim3A_552, %add3A_70, %select_n3A_92, %broadcast_in_dim3A_551] : memref<8x4x8x128xf32, #tpu.memory_space<vmem>>[vector<16xi32>, vector<16xi32>, vector<16xi32>, vector<16xi32>], vector<16xf32>,
      %sub3A_557 = arith.constant 999936 : i32
      %sub3A_558 = arith.subi %squeeze3A_536, %sub3A_557 : i32
      %max3A_559 = arith.constant 0 : i32
      %max3A_560 = arith.maxsi %sub3A_558, %max3A_559 : i32
      %broadcast_in_dim3A_561 = vector.broadcast %max3A_560 : i32 to vector<16xi32>
      %broadcast_in_dim3A_562 = vector.broadcast %ge3A_546 : i1 to vector<16xi1>
      %gather3A_563 = tpu.vector_load_idx %arg14[%broadcast_in_dim3A_561, %iota3A] : memref<64x32xf32, #tpu.memory_space<vmem>>[vector<16xi32>, vector<16xi32>], vector<16xf32>,
      %select_n3A_564 = arith.select %broadcast_in_dim3A_562, %gather3A_563, %gather3A_553 : vector<16xi1>, vector<16xf32>
      %gather3A_565 = tpu.vector_load_idx %arg14[%broadcast_in_dim3A_561, %add3A_95] : memref<64x32xf32, #tpu.memory_space<vmem>>[vector<16xi32>, vector<16xi32>], vector<16xf32>,
      %select_n3A_566 = arith.select %broadcast_in_dim3A_562, %gather3A_565, %gather3A_554 : vector<16xi1>, vector<16xf32>
      %gather3A_567 = tpu.vector_load_idx %arg15[%broadcast_in_dim3A_561, %iota3A] : memref<64x32xf32, #tpu.memory_space<vmem>>[vector<16xi32>, vector<16xi32>], vector<16xf32>,
      %select_n3A_568 = arith.select %broadcast_in_dim3A_562, %gather3A_567, %gather3A_555 : vector<16xi1>, vector<16xf32>
      %gather3A_569 = tpu.vector_load_idx %arg15[%broadcast_in_dim3A_561, %add3A_95] : memref<64x32xf32, #tpu.memory_space<vmem>>[vector<16xi32>, vector<16xi32>], vector<16xf32>,
      %select_n3A_570 = arith.select %broadcast_in_dim3A_562, %gather3A_569, %gather3A_556 : vector<16xi1>, vector<16xf32>
      %swap3A_571 = arith.index_cast %add3A_544 : i32 to index
      %swap3A_572 = tpu.vector_load %arg12[%swap3A_571] {strides = array<i32>} : memref<16384xf32, #tpu.memory_space<vmem>>, vector<16xf32>,
      tpu.vector_store %arg12[%swap3A_571], %select_n3A_564 {strides = array<i32>} : memref<16384xf32, #tpu.memory_space<vmem>>, vector<16xf32>,
      %add3A_573 = arith.constant 16 : i32
      %add3A_574 = arith.addi %add3A_544, %add3A_573 : i32
      %swap3A_575 = arith.index_cast %add3A_574 : i32 to index
      %swap3A_576 = tpu.vector_load %arg12[%swap3A_575] {strides = array<i32>} : memref<16384xf32, #tpu.memory_space<vmem>>, vector<16xf32>,
      tpu.vector_store %arg12[%swap3A_575], %select_n3A_566 {strides = array<i32>} : memref<16384xf32, #tpu.memory_space<vmem>>, vector<16xf32>,
      %swap3A_577 = arith.index_cast %add3A_544 : i32 to index
      %swap3A_578 = tpu.vector_load %arg13[%swap3A_577] {strides = array<i32>} : memref<16384xf32, #tpu.memory_space<vmem>>, vector<16xf32>,
      tpu.vector_store %arg13[%swap3A_577], %select_n3A_568 {strides = array<i32>} : memref<16384xf32, #tpu.memory_space<vmem>>, vector<16xf32>,
      %add3A_579 = arith.constant 16 : i32
      %add3A_580 = arith.addi %add3A_544, %add3A_579 : i32
      %swap3A_581 = arith.index_cast %add3A_580 : i32 to index
      %swap3A_582 = tpu.vector_load %arg13[%swap3A_581] {strides = array<i32>} : memref<16384xf32, #tpu.memory_space<vmem>>, vector<16xf32>,
      tpu.vector_store %arg13[%swap3A_581], %select_n3A_570 {strides = array<i32>} : memref<16384xf32, #tpu.memory_space<vmem>>, vector<16xf32>,
      %jit3A_583 = arith.constant 5 : i32
      %select_n3A_584 = arith.select %ne3A_272, %jit3A_583, %select_n3A_534 : i32
      %slice3A_585 = vector.extract_strided_slice %get3A_219 {offsets = [5], sizes = [1], strides = [1]} : vector<16xi32> to vector<1xi32>
      %squeeze3A_586 = vector.extract %slice3A_585[0] : i32 from vector<1xi32>
      %mul3A_587 = arith.constant 2 : i32
      %mul3A_588 = arith.muli %scan3A_212, %mul3A_587 : i32
      %mul3A_589 = arith.constant 4 : i32
      %mul3A_590 = arith.muli %mul3A_588, %mul3A_589 : i32
      %mul3A_591 = arith.constant 32 : i32
      %mul3A_592 = arith.muli %mul3A_590, %mul3A_591 : i32
      %add3A_593 = arith.constant 160 : i32
      %add3A_594 = arith.addi %mul3A_592, %add3A_593 : i32
      %ge3A_595 = arith.constant 999936 : i32
      %ge3A_596 = arith.cmpi sge, %squeeze3A_586, %ge3A_595 : i32
      %and3A_597 = arith.constant 127 : i32
      %and3A_598 = arith.andi %squeeze3A_586, %and3A_597 : i32
      %jit3A_599 = arith.constant 0 : i32
      %select_n3A_600 = arith.select %ge3A_596, %jit3A_599, %and3A_598 : i32
      %broadcast_in_dim3A_601 = vector.broadcast %select_n3A_600 : i32 to vector<16xi32>
      %broadcast_in_dim3A_602 = vector.broadcast %select_n3A_584 : i32 to vector<16xi32>
      %gather3A_603 = tpu.vector_load_idx %arg10[%broadcast_in_dim3A_602, %select_n3A_67, %select_n3A_92, %broadcast_in_dim3A_601] : memref<8x4x8x128xf32, #tpu.memory_space<vmem>>[vector<16xi32>, vector<16xi32>, vector<16xi32>, vector<16xi32>], vector<16xf32>,
      %gather3A_604 = tpu.vector_load_idx %arg10[%broadcast_in_dim3A_602, %add3A_70, %select_n3A_92, %broadcast_in_dim3A_601] : memref<8x4x8x128xf32, #tpu.memory_space<vmem>>[vector<16xi32>, vector<16xi32>, vector<16xi32>, vector<16xi32>], vector<16xf32>,
      %gather3A_605 = tpu.vector_load_idx %arg11[%broadcast_in_dim3A_602, %select_n3A_67, %select_n3A_92, %broadcast_in_dim3A_601] : memref<8x4x8x128xf32, #tpu.memory_space<vmem>>[vector<16xi32>, vector<16xi32>, vector<16xi32>, vector<16xi32>], vector<16xf32>,
      %gather3A_606 = tpu.vector_load_idx %arg11[%broadcast_in_dim3A_602, %add3A_70, %select_n3A_92, %broadcast_in_dim3A_601] : memref<8x4x8x128xf32, #tpu.memory_space<vmem>>[vector<16xi32>, vector<16xi32>, vector<16xi32>, vector<16xi32>], vector<16xf32>,
      %sub3A_607 = arith.constant 999936 : i32
      %sub3A_608 = arith.subi %squeeze3A_586, %sub3A_607 : i32
      %max3A_609 = arith.constant 0 : i32
      %max3A_610 = arith.maxsi %sub3A_608, %max3A_609 : i32
      %broadcast_in_dim3A_611 = vector.broadcast %max3A_610 : i32 to vector<16xi32>
      %broadcast_in_dim3A_612 = vector.broadcast %ge3A_596 : i1 to vector<16xi1>
      %gather3A_613 = tpu.vector_load_idx %arg14[%broadcast_in_dim3A_611, %iota3A] : memref<64x32xf32, #tpu.memory_space<vmem>>[vector<16xi32>, vector<16xi32>], vector<16xf32>,
      %select_n3A_614 = arith.select %broadcast_in_dim3A_612, %gather3A_613, %gather3A_603 : vector<16xi1>, vector<16xf32>
      %gather3A_615 = tpu.vector_load_idx %arg14[%broadcast_in_dim3A_611, %add3A_95] : memref<64x32xf32, #tpu.memory_space<vmem>>[vector<16xi32>, vector<16xi32>], vector<16xf32>,
      %select_n3A_616 = arith.select %broadcast_in_dim3A_612, %gather3A_615, %gather3A_604 : vector<16xi1>, vector<16xf32>
      %gather3A_617 = tpu.vector_load_idx %arg15[%broadcast_in_dim3A_611, %iota3A] : memref<64x32xf32, #tpu.memory_space<vmem>>[vector<16xi32>, vector<16xi32>], vector<16xf32>,
      %select_n3A_618 = arith.select %broadcast_in_dim3A_612, %gather3A_617, %gather3A_605 : vector<16xi1>, vector<16xf32>
      %gather3A_619 = tpu.vector_load_idx %arg15[%broadcast_in_dim3A_611, %add3A_95] : memref<64x32xf32, #tpu.memory_space<vmem>>[vector<16xi32>, vector<16xi32>], vector<16xf32>,
      %select_n3A_620 = arith.select %broadcast_in_dim3A_612, %gather3A_619, %gather3A_606 : vector<16xi1>, vector<16xf32>
      %swap3A_621 = arith.index_cast %add3A_594 : i32 to index
      %swap3A_622 = tpu.vector_load %arg12[%swap3A_621] {strides = array<i32>} : memref<16384xf32, #tpu.memory_space<vmem>>, vector<16xf32>,
      tpu.vector_store %arg12[%swap3A_621], %select_n3A_614 {strides = array<i32>} : memref<16384xf32, #tpu.memory_space<vmem>>, vector<16xf32>,
      %add3A_623 = arith.constant 16 : i32
      %add3A_624 = arith.addi %add3A_594, %add3A_623 : i32
      %swap3A_625 = arith.index_cast %add3A_624 : i32 to index
      %swap3A_626 = tpu.vector_load %arg12[%swap3A_625] {strides = array<i32>} : memref<16384xf32, #tpu.memory_space<vmem>>, vector<16xf32>,
      tpu.vector_store %arg12[%swap3A_625], %select_n3A_616 {strides = array<i32>} : memref<16384xf32, #tpu.memory_space<vmem>>, vector<16xf32>,
      %swap3A_627 = arith.index_cast %add3A_594 : i32 to index
      %swap3A_628 = tpu.vector_load %arg13[%swap3A_627] {strides = array<i32>} : memref<16384xf32, #tpu.memory_space<vmem>>, vector<16xf32>,
      tpu.vector_store %arg13[%swap3A_627], %select_n3A_618 {strides = array<i32>} : memref<16384xf32, #tpu.memory_space<vmem>>, vector<16xf32>,
      %add3A_629 = arith.constant 16 : i32
      %add3A_630 = arith.addi %add3A_594, %add3A_629 : i32
      %swap3A_631 = arith.index_cast %add3A_630 : i32 to index
      %swap3A_632 = tpu.vector_load %arg13[%swap3A_631] {strides = array<i32>} : memref<16384xf32, #tpu.memory_space<vmem>>, vector<16xf32>,
      tpu.vector_store %arg13[%swap3A_631], %select_n3A_620 {strides = array<i32>} : memref<16384xf32, #tpu.memory_space<vmem>>, vector<16xf32>,
      %jit3A_633 = arith.constant 6 : i32
      %select_n3A_634 = arith.select %ne3A_273, %jit3A_633, %select_n3A_584 : i32
      %slice3A_635 = vector.extract_strided_slice %get3A_219 {offsets = [6], sizes = [1], strides = [1]} : vector<16xi32> to vector<1xi32>
      %squeeze3A_636 = vector.extract %slice3A_635[0] : i32 from vector<1xi32>
      %mul3A_637 = arith.constant 2 : i32
      %mul3A_638 = arith.muli %scan3A_212, %mul3A_637 : i32
      %mul3A_639 = arith.constant 4 : i32
      %mul3A_640 = arith.muli %mul3A_638, %mul3A_639 : i32
      %mul3A_641 = arith.constant 32 : i32
      %mul3A_642 = arith.muli %mul3A_640, %mul3A_641 : i32
      %add3A_643 = arith.constant 192 : i32
      %add3A_644 = arith.addi %mul3A_642, %add3A_643 : i32
      %ge3A_645 = arith.constant 999936 : i32
      %ge3A_646 = arith.cmpi sge, %squeeze3A_636, %ge3A_645 : i32
      %and3A_647 = arith.constant 127 : i32
      %and3A_648 = arith.andi %squeeze3A_636, %and3A_647 : i32
      %jit3A_649 = arith.constant 0 : i32
      %select_n3A_650 = arith.select %ge3A_646, %jit3A_649, %and3A_648 : i32
      %broadcast_in_dim3A_651 = vector.broadcast %select_n3A_650 : i32 to vector<16xi32>
      %broadcast_in_dim3A_652 = vector.broadcast %select_n3A_634 : i32 to vector<16xi32>
      %gather3A_653 = tpu.vector_load_idx %arg10[%broadcast_in_dim3A_652, %select_n3A_67, %select_n3A_92, %broadcast_in_dim3A_651] : memref<8x4x8x128xf32, #tpu.memory_space<vmem>>[vector<16xi32>, vector<16xi32>, vector<16xi32>, vector<16xi32>], vector<16xf32>,
      %gather3A_654 = tpu.vector_load_idx %arg10[%broadcast_in_dim3A_652, %add3A_70, %select_n3A_92, %broadcast_in_dim3A_651] : memref<8x4x8x128xf32, #tpu.memory_space<vmem>>[vector<16xi32>, vector<16xi32>, vector<16xi32>, vector<16xi32>], vector<16xf32>,
      %gather3A_655 = tpu.vector_load_idx %arg11[%broadcast_in_dim3A_652, %select_n3A_67, %select_n3A_92, %broadcast_in_dim3A_651] : memref<8x4x8x128xf32, #tpu.memory_space<vmem>>[vector<16xi32>, vector<16xi32>, vector<16xi32>, vector<16xi32>], vector<16xf32>,
      %gather3A_656 = tpu.vector_load_idx %arg11[%broadcast_in_dim3A_652, %add3A_70, %select_n3A_92, %broadcast_in_dim3A_651] : memref<8x4x8x128xf32, #tpu.memory_space<vmem>>[vector<16xi32>, vector<16xi32>, vector<16xi32>, vector<16xi32>], vector<16xf32>,
      %sub3A_657 = arith.constant 999936 : i32
      %sub3A_658 = arith.subi %squeeze3A_636, %sub3A_657 : i32
      %max3A_659 = arith.constant 0 : i32
      %max3A_660 = arith.maxsi %sub3A_658, %max3A_659 : i32
      %broadcast_in_dim3A_661 = vector.broadcast %max3A_660 : i32 to vector<16xi32>
      %broadcast_in_dim3A_662 = vector.broadcast %ge3A_646 : i1 to vector<16xi1>
      %gather3A_663 = tpu.vector_load_idx %arg14[%broadcast_in_dim3A_661, %iota3A] : memref<64x32xf32, #tpu.memory_space<vmem>>[vector<16xi32>, vector<16xi32>], vector<16xf32>,
      %select_n3A_664 = arith.select %broadcast_in_dim3A_662, %gather3A_663, %gather3A_653 : vector<16xi1>, vector<16xf32>
      %gather3A_665 = tpu.vector_load_idx %arg14[%broadcast_in_dim3A_661, %add3A_95] : memref<64x32xf32, #tpu.memory_space<vmem>>[vector<16xi32>, vector<16xi32>], vector<16xf32>,
      %select_n3A_666 = arith.select %broadcast_in_dim3A_662, %gather3A_665, %gather3A_654 : vector<16xi1>, vector<16xf32>
      %gather3A_667 = tpu.vector_load_idx %arg15[%broadcast_in_dim3A_661, %iota3A] : memref<64x32xf32, #tpu.memory_space<vmem>>[vector<16xi32>, vector<16xi32>], vector<16xf32>,
      %select_n3A_668 = arith.select %broadcast_in_dim3A_662, %gather3A_667, %gather3A_655 : vector<16xi1>, vector<16xf32>
      %gather3A_669 = tpu.vector_load_idx %arg15[%broadcast_in_dim3A_661, %add3A_95] : memref<64x32xf32, #tpu.memory_space<vmem>>[vector<16xi32>, vector<16xi32>], vector<16xf32>,
      %select_n3A_670 = arith.select %broadcast_in_dim3A_662, %gather3A_669, %gather3A_656 : vector<16xi1>, vector<16xf32>
      %swap3A_671 = arith.index_cast %add3A_644 : i32 to index
      %swap3A_672 = tpu.vector_load %arg12[%swap3A_671] {strides = array<i32>} : memref<16384xf32, #tpu.memory_space<vmem>>, vector<16xf32>,
      tpu.vector_store %arg12[%swap3A_671], %select_n3A_664 {strides = array<i32>} : memref<16384xf32, #tpu.memory_space<vmem>>, vector<16xf32>,
      %add3A_673 = arith.constant 16 : i32
      %add3A_674 = arith.addi %add3A_644, %add3A_673 : i32
      %swap3A_675 = arith.index_cast %add3A_674 : i32 to index
      %swap3A_676 = tpu.vector_load %arg12[%swap3A_675] {strides = array<i32>} : memref<16384xf32, #tpu.memory_space<vmem>>, vector<16xf32>,
      tpu.vector_store %arg12[%swap3A_675], %select_n3A_666 {strides = array<i32>} : memref<16384xf32, #tpu.memory_space<vmem>>, vector<16xf32>,
      %swap3A_677 = arith.index_cast %add3A_644 : i32 to index
      %swap3A_678 = tpu.vector_load %arg13[%swap3A_677] {strides = array<i32>} : memref<16384xf32, #tpu.memory_space<vmem>>, vector<16xf32>,
      tpu.vector_store %arg13[%swap3A_677], %select_n3A_668 {strides = array<i32>} : memref<16384xf32, #tpu.memory_space<vmem>>, vector<16xf32>,
      %add3A_679 = arith.constant 16 : i32
      %add3A_680 = arith.addi %add3A_644, %add3A_679 : i32
      %swap3A_681 = arith.index_cast %add3A_680 : i32 to index
      %swap3A_682 = tpu.vector_load %arg13[%swap3A_681] {strides = array<i32>} : memref<16384xf32, #tpu.memory_space<vmem>>, vector<16xf32>,
      tpu.vector_store %arg13[%swap3A_681], %select_n3A_670 {strides = array<i32>} : memref<16384xf32, #tpu.memory_space<vmem>>, vector<16xf32>,
      %jit3A_683 = arith.constant 7 : i32
      %select_n3A_684 = arith.select %ne3A_274, %jit3A_683, %select_n3A_634 : i32
      %slice3A_685 = vector.extract_strided_slice %get3A_219 {offsets = [7], sizes = [1], strides = [1]} : vector<16xi32> to vector<1xi32>
      %squeeze3A_686 = vector.extract %slice3A_685[0] : i32 from vector<1xi32>
      %mul3A_687 = arith.constant 2 : i32
      %mul3A_688 = arith.muli %scan3A_212, %mul3A_687 : i32
      %mul3A_689 = arith.constant 4 : i32
      %mul3A_690 = arith.muli %mul3A_688, %mul3A_689 : i32
      %mul3A_691 = arith.constant 32 : i32
      %mul3A_692 = arith.muli %mul3A_690, %mul3A_691 : i32
      %add3A_693 = arith.constant 224 : i32
      %add3A_694 = arith.addi %mul3A_692, %add3A_693 : i32
      %ge3A_695 = arith.constant 999936 : i32
      %ge3A_696 = arith.cmpi sge, %squeeze3A_686, %ge3A_695 : i32
      %and3A_697 = arith.constant 127 : i32
      %and3A_698 = arith.andi %squeeze3A_686, %and3A_697 : i32
      %jit3A_699 = arith.constant 0 : i32
      %select_n3A_700 = arith.select %ge3A_696, %jit3A_699, %and3A_698 : i32
      %broadcast_in_dim3A_701 = vector.broadcast %select_n3A_700 : i32 to vector<16xi32>
      %broadcast_in_dim3A_702 = vector.broadcast %select_n3A_684 : i32 to vector<16xi32>
      %gather3A_703 = tpu.vector_load_idx %arg10[%broadcast_in_dim3A_702, %select_n3A_67, %select_n3A_92, %broadcast_in_dim3A_701] : memref<8x4x8x128xf32, #tpu.memory_space<vmem>>[vector<16xi32>, vector<16xi32>, vector<16xi32>, vector<16xi32>], vector<16xf32>,
      %gather3A_704 = tpu.vector_load_idx %arg10[%broadcast_in_dim3A_702, %add3A_70, %select_n3A_92, %broadcast_in_dim3A_701] : memref<8x4x8x128xf32, #tpu.memory_space<vmem>>[vector<16xi32>, vector<16xi32>, vector<16xi32>, vector<16xi32>], vector<16xf32>,
      %gather3A_705 = tpu.vector_load_idx %arg11[%broadcast_in_dim3A_702, %select_n3A_67, %select_n3A_92, %broadcast_in_dim3A_701] : memref<8x4x8x128xf32, #tpu.memory_space<vmem>>[vector<16xi32>, vector<16xi32>, vector<16xi32>, vector<16xi32>], vector<16xf32>,
      %gather3A_706 = tpu.vector_load_idx %arg11[%broadcast_in_dim3A_702, %add3A_70, %select_n3A_92, %broadcast_in_dim3A_701] : memref<8x4x8x128xf32, #tpu.memory_space<vmem>>[vector<16xi32>, vector<16xi32>, vector<16xi32>, vector<16xi32>], vector<16xf32>,
      %sub3A_707 = arith.constant 999936 : i32
      %sub3A_708 = arith.subi %squeeze3A_686, %sub3A_707 : i32
      %max3A_709 = arith.constant 0 : i32
      %max3A_710 = arith.maxsi %sub3A_708, %max3A_709 : i32
      %broadcast_in_dim3A_711 = vector.broadcast %max3A_710 : i32 to vector<16xi32>
      %broadcast_in_dim3A_712 = vector.broadcast %ge3A_696 : i1 to vector<16xi1>
      %gather3A_713 = tpu.vector_load_idx %arg14[%broadcast_in_dim3A_711, %iota3A] : memref<64x32xf32, #tpu.memory_space<vmem>>[vector<16xi32>, vector<16xi32>], vector<16xf32>,
      %select_n3A_714 = arith.select %broadcast_in_dim3A_712, %gather3A_713, %gather3A_703 : vector<16xi1>, vector<16xf32>
      %gather3A_715 = tpu.vector_load_idx %arg14[%broadcast_in_dim3A_711, %add3A_95] : memref<64x32xf32, #tpu.memory_space<vmem>>[vector<16xi32>, vector<16xi32>], vector<16xf32>,
      %select_n3A_716 = arith.select %broadcast_in_dim3A_712, %gather3A_715, %gather3A_704 : vector<16xi1>, vector<16xf32>
      %gather3A_717 = tpu.vector_load_idx %arg15[%broadcast_in_dim3A_711, %iota3A] : memref<64x32xf32, #tpu.memory_space<vmem>>[vector<16xi32>, vector<16xi32>], vector<16xf32>,
      %select_n3A_718 = arith.select %broadcast_in_dim3A_712, %gather3A_717, %gather3A_705 : vector<16xi1>, vector<16xf32>
      %gather3A_719 = tpu.vector_load_idx %arg15[%broadcast_in_dim3A_711, %add3A_95] : memref<64x32xf32, #tpu.memory_space<vmem>>[vector<16xi32>, vector<16xi32>], vector<16xf32>,
      %select_n3A_720 = arith.select %broadcast_in_dim3A_712, %gather3A_719, %gather3A_706 : vector<16xi1>, vector<16xf32>
      %swap3A_721 = arith.index_cast %add3A_694 : i32 to index
      %swap3A_722 = tpu.vector_load %arg12[%swap3A_721] {strides = array<i32>} : memref<16384xf32, #tpu.memory_space<vmem>>, vector<16xf32>,
      tpu.vector_store %arg12[%swap3A_721], %select_n3A_714 {strides = array<i32>} : memref<16384xf32, #tpu.memory_space<vmem>>, vector<16xf32>,
      %add3A_723 = arith.constant 16 : i32
      %add3A_724 = arith.addi %add3A_694, %add3A_723 : i32
      %swap3A_725 = arith.index_cast %add3A_724 : i32 to index
      %swap3A_726 = tpu.vector_load %arg12[%swap3A_725] {strides = array<i32>} : memref<16384xf32, #tpu.memory_space<vmem>>, vector<16xf32>,
      tpu.vector_store %arg12[%swap3A_725], %select_n3A_716 {strides = array<i32>} : memref<16384xf32, #tpu.memory_space<vmem>>, vector<16xf32>,
      %swap3A_727 = arith.index_cast %add3A_694 : i32 to index
      %swap3A_728 = tpu.vector_load %arg13[%swap3A_727] {strides = array<i32>} : memref<16384xf32, #tpu.memory_space<vmem>>, vector<16xf32>,
      tpu.vector_store %arg13[%swap3A_727], %select_n3A_718 {strides = array<i32>} : memref<16384xf32, #tpu.memory_space<vmem>>, vector<16xf32>,
      %add3A_729 = arith.constant 16 : i32
      %add3A_730 = arith.addi %add3A_694, %add3A_729 : i32
      %swap3A_731 = arith.index_cast %add3A_730 : i32 to index
      %swap3A_732 = tpu.vector_load %arg13[%swap3A_731] {strides = array<i32>} : memref<16384xf32, #tpu.memory_space<vmem>>, vector<16xf32>,
      tpu.vector_store %arg13[%swap3A_731], %select_n3A_720 {strides = array<i32>} : memref<16384xf32, #tpu.memory_space<vmem>>, vector<16xf32>,
      %slice3A_733 = vector.extract_strided_slice %get3A_219 {offsets = [8], sizes = [1], strides = [1]} : vector<16xi32> to vector<1xi32>
      %squeeze3A_734 = vector.extract %slice3A_733[0] : i32 from vector<1xi32>
      %shift_right_arithmetic3A_735 = arith.constant 7 : i32
      %shift_right_arithmetic3A_736 = arith.shrsi %squeeze3A_734, %shift_right_arithmetic3A_735 : i32
      %min3A_737 = arith.constant 7811 : i32
      %min3A_738 = arith.minsi %shift_right_arithmetic3A_736, %min3A_737 : i32
      %slice3A_739 = vector.extract_strided_slice %get3A_219 {offsets = [9], sizes = [1], strides = [1]} : vector<16xi32> to vector<1xi32>
      %squeeze3A_740 = vector.extract %slice3A_739[0] : i32 from vector<1xi32>
      %shift_right_arithmetic3A_741 = arith.constant 7 : i32
      %shift_right_arithmetic3A_742 = arith.shrsi %squeeze3A_740, %shift_right_arithmetic3A_741 : i32
      %min3A_743 = arith.constant 7811 : i32
      %min3A_744 = arith.minsi %shift_right_arithmetic3A_742, %min3A_743 : i32
      %slice3A_745 = vector.extract_strided_slice %get3A_219 {offsets = [10], sizes = [1], strides = [1]} : vector<16xi32> to vector<1xi32>
      %squeeze3A_746 = vector.extract %slice3A_745[0] : i32 from vector<1xi32>
      %shift_right_arithmetic3A_747 = arith.constant 7 : i32
      %shift_right_arithmetic3A_748 = arith.shrsi %squeeze3A_746, %shift_right_arithmetic3A_747 : i32
      %min3A_749 = arith.constant 7811 : i32
      %min3A_750 = arith.minsi %shift_right_arithmetic3A_748, %min3A_749 : i32
      %slice3A_751 = vector.extract_strided_slice %get3A_219 {offsets = [11], sizes = [1], strides = [1]} : vector<16xi32> to vector<1xi32>
      %squeeze3A_752 = vector.extract %slice3A_751[0] : i32 from vector<1xi32>
      %shift_right_arithmetic3A_753 = arith.constant 7 : i32
      %shift_right_arithmetic3A_754 = arith.shrsi %squeeze3A_752, %shift_right_arithmetic3A_753 : i32
      %min3A_755 = arith.constant 7811 : i32
      %min3A_756 = arith.minsi %shift_right_arithmetic3A_754, %min3A_755 : i32
      %slice3A_757 = vector.extract_strided_slice %get3A_219 {offsets = [12], sizes = [1], strides = [1]} : vector<16xi32> to vector<1xi32>
      %squeeze3A_758 = vector.extract %slice3A_757[0] : i32 from vector<1xi32>
      %shift_right_arithmetic3A_759 = arith.constant 7 : i32
      %shift_right_arithmetic3A_760 = arith.shrsi %squeeze3A_758, %shift_right_arithmetic3A_759 : i32
      %min3A_761 = arith.constant 7811 : i32
      %min3A_762 = arith.minsi %shift_right_arithmetic3A_760, %min3A_761 : i32
      %slice3A_763 = vector.extract_strided_slice %get3A_219 {offsets = [13], sizes = [1], strides = [1]} : vector<16xi32> to vector<1xi32>
      %squeeze3A_764 = vector.extract %slice3A_763[0] : i32 from vector<1xi32>
      %shift_right_arithmetic3A_765 = arith.constant 7 : i32
      %shift_right_arithmetic3A_766 = arith.shrsi %squeeze3A_764, %shift_right_arithmetic3A_765 : i32
      %min3A_767 = arith.constant 7811 : i32
      %min3A_768 = arith.minsi %shift_right_arithmetic3A_766, %min3A_767 : i32
      %slice3A_769 = vector.extract_strided_slice %get3A_219 {offsets = [14], sizes = [1], strides = [1]} : vector<16xi32> to vector<1xi32>
      %squeeze3A_770 = vector.extract %slice3A_769[0] : i32 from vector<1xi32>
      %shift_right_arithmetic3A_771 = arith.constant 7 : i32
      %shift_right_arithmetic3A_772 = arith.shrsi %squeeze3A_770, %shift_right_arithmetic3A_771 : i32
      %min3A_773 = arith.constant 7811 : i32
      %min3A_774 = arith.minsi %shift_right_arithmetic3A_772, %min3A_773 : i32
      %slice3A_775 = vector.extract_strided_slice %get3A_219 {offsets = [15], sizes = [1], strides = [1]} : vector<16xi32> to vector<1xi32>
      %squeeze3A_776 = vector.extract %slice3A_775[0] : i32 from vector<1xi32>
      %shift_right_arithmetic3A_777 = arith.constant 7 : i32
      %shift_right_arithmetic3A_778 = arith.shrsi %squeeze3A_776, %shift_right_arithmetic3A_777 : i32
      %min3A_779 = arith.constant 7811 : i32
      %min3A_780 = arith.minsi %shift_right_arithmetic3A_778, %min3A_779 : i32
      %ne3A_781 = arith.cmpi ne, %min3A_744, %min3A_738 : i32
      %ne3A_782 = arith.cmpi ne, %min3A_750, %min3A_744 : i32
      %ne3A_783 = arith.cmpi ne, %min3A_756, %min3A_750 : i32
      %ne3A_784 = arith.cmpi ne, %min3A_762, %min3A_756 : i32
      %ne3A_785 = arith.cmpi ne, %min3A_768, %min3A_762 : i32
      %ne3A_786 = arith.cmpi ne, %min3A_774, %min3A_768 : i32
      %ne3A_787 = arith.cmpi ne, %min3A_780, %min3A_774 : i32
      %and3A_788 = arith.constant true
      %and3A_789 = arith.andi %lt3A_276, %and3A_788 : i1
      %convert_element_type3A_790 = arith.extui %and3A_789 : i1 to i32
      %cond3A_791 = arith.constant 0 : i32
      %cond3A_792 = arith.cmpi ne, %convert_element_type3A_790, %cond3A_791 : i32
      scf.if %cond3A_792 {
        %mul3A_821 = arith.constant 128 : i32
        %mul3A_822 = arith.muli %min3A_738, %mul3A_821 : i32
        %multiple_of3A_823 = tpu.assume_multiple %mul3A_822, 128 : i32
        %dma_start3A_824 = arith.constant 0 : i32
        %dma_start3A_825 = arith.constant 0 : i32
        %dma_start3A_826 = arith.constant 0 : i32
        %dma_start3A_827 = arith.constant 0 : i32
        %dma_start3A_828 = tpu.memref_slice %arg10[%dma_start3A_824, %dma_start3A_825, %dma_start3A_826, %dma_start3A_827] : memref<8x4x8x128xf32, #tpu.memory_space<vmem>> -> memref<1x4x8x128xf32, #tpu.memory_space<vmem>>
        %dma_start3A_829 = tpu.memref_squeeze %dma_start3A_828 : memref<1x4x8x128xf32, #tpu.memory_space<vmem>> -> memref<4x8x128xf32, #tpu.memory_space<vmem>>
        %dma_start3A_830 = arith.constant 0 : i32
        %dma_start3A_831 = arith.constant 0 : i32
        %dma_start3A_832 = tpu.memref_slice %arg3[%dma_start3A_830, %dma_start3A_831, %multiple_of3A_823] : memref<4x8x1000000xf32, #tpu.memory_space<hbm>> -> memref<4x8x128xf32, #tpu.memory_space<hbm>>
        %dma_start3A_833 = arith.constant 0 : i32
        %dma_start3A_834 = arith.constant 0 : i32
        %dma_start3A_835 = arith.constant 0 : i32
        %dma_start3A_836 = tpu.memref_slice %arg10[%dma_start3A_824, %dma_start3A_833, %dma_start3A_834, %dma_start3A_835] : memref<8x4x8x128xf32, #tpu.memory_space<vmem>> -> memref<1x4x8x128xf32, #tpu.memory_space<vmem>>
        %dma_start3A_837 = tpu.memref_squeeze %dma_start3A_836 : memref<1x4x8x128xf32, #tpu.memory_space<vmem>> -> memref<4x8x128xf32, #tpu.memory_space<vmem>>
        %dma_start3A_838 = arith.constant 0 : i32
        %dma_start3A_839 = arith.constant 0 : i32
        %dma_start3A_840 = tpu.memref_slice %arg3[%dma_start3A_838, %dma_start3A_839, %multiple_of3A_823] : memref<4x8x1000000xf32, #tpu.memory_space<hbm>> -> memref<4x8x128xf32, #tpu.memory_space<hbm>>
        tpu.enqueue_dma source(%dma_start3A_840 : memref<4x8x128xf32, #tpu.memory_space<hbm>>) target(%dma_start3A_837 : memref<4x8x128xf32, #tpu.memory_space<vmem>>) target_semaphore(%arg16 : memref<!tpu.dma_semaphore, #tpu.memory_space<semaphore_mem>>)
        %dma_start3A_841 = arith.constant 0 : i32
        %dma_start3A_842 = arith.constant 0 : i32
        %dma_start3A_843 = arith.constant 0 : i32
        %dma_start3A_844 = arith.constant 0 : i32
        %dma_start3A_845 = tpu.memref_slice %arg11[%dma_start3A_841, %dma_start3A_842, %dma_start3A_843, %dma_start3A_844] : memref<8x4x8x128xf32, #tpu.memory_space<vmem>> -> memref<1x4x8x128xf32, #tpu.memory_space<vmem>>
        %dma_start3A_846 = tpu.memref_squeeze %dma_start3A_845 : memref<1x4x8x128xf32, #tpu.memory_space<vmem>> -> memref<4x8x128xf32, #tpu.memory_space<vmem>>
        %dma_start3A_847 = arith.constant 0 : i32
        %dma_start3A_848 = arith.constant 0 : i32
        %dma_start3A_849 = tpu.memref_slice %arg4[%dma_start3A_847, %dma_start3A_848, %multiple_of3A_823] : memref<4x8x1000000xf32, #tpu.memory_space<hbm>> -> memref<4x8x128xf32, #tpu.memory_space<hbm>>
        %dma_start3A_850 = arith.constant 0 : i32
        %dma_start3A_851 = arith.constant 0 : i32
        %dma_start3A_852 = arith.constant 0 : i32
        %dma_start3A_853 = tpu.memref_slice %arg11[%dma_start3A_841, %dma_start3A_850, %dma_start3A_851, %dma_start3A_852] : memref<8x4x8x128xf32, #tpu.memory_space<vmem>> -> memref<1x4x8x128xf32, #tpu.memory_space<vmem>>
        %dma_start3A_854 = tpu.memref_squeeze %dma_start3A_853 : memref<1x4x8x128xf32, #tpu.memory_space<vmem>> -> memref<4x8x128xf32, #tpu.memory_space<vmem>>
        %dma_start3A_855 = arith.constant 0 : i32
        %dma_start3A_856 = arith.constant 0 : i32
        %dma_start3A_857 = tpu.memref_slice %arg4[%dma_start3A_855, %dma_start3A_856, %multiple_of3A_823] : memref<4x8x1000000xf32, #tpu.memory_space<hbm>> -> memref<4x8x128xf32, #tpu.memory_space<hbm>>
        tpu.enqueue_dma source(%dma_start3A_857 : memref<4x8x128xf32, #tpu.memory_space<hbm>>) target(%dma_start3A_854 : memref<4x8x128xf32, #tpu.memory_space<vmem>>) target_semaphore(%arg16 : memref<!tpu.dma_semaphore, #tpu.memory_space<semaphore_mem>>)
      } else {
      }
      %and3A_793 = arith.andi %lt3A_276, %ne3A_781 : i1
      %convert_element_type3A_794 = arith.extui %and3A_793 : i1 to i32
      %cond3A_795 = arith.constant 0 : i32
      %cond3A_796 = arith.cmpi ne, %convert_element_type3A_794, %cond3A_795 : i32
      scf.if %cond3A_796 {
        %mul3A_821 = arith.constant 128 : i32
        %mul3A_822 = arith.muli %min3A_744, %mul3A_821 : i32
        %multiple_of3A_823 = tpu.assume_multiple %mul3A_822, 128 : i32
        %dma_start3A_824 = arith.constant 1 : i32
        %dma_start3A_825 = arith.constant 0 : i32
        %dma_start3A_826 = arith.constant 0 : i32
        %dma_start3A_827 = arith.constant 0 : i32
        %dma_start3A_828 = tpu.memref_slice %arg10[%dma_start3A_824, %dma_start3A_825, %dma_start3A_826, %dma_start3A_827] : memref<8x4x8x128xf32, #tpu.memory_space<vmem>> -> memref<1x4x8x128xf32, #tpu.memory_space<vmem>>
        %dma_start3A_829 = tpu.memref_squeeze %dma_start3A_828 : memref<1x4x8x128xf32, #tpu.memory_space<vmem>> -> memref<4x8x128xf32, #tpu.memory_space<vmem>>
        %dma_start3A_830 = arith.constant 0 : i32
        %dma_start3A_831 = arith.constant 0 : i32
        %dma_start3A_832 = tpu.memref_slice %arg3[%dma_start3A_830, %dma_start3A_831, %multiple_of3A_823] : memref<4x8x1000000xf32, #tpu.memory_space<hbm>> -> memref<4x8x128xf32, #tpu.memory_space<hbm>>
        %dma_start3A_833 = arith.constant 0 : i32
        %dma_start3A_834 = arith.constant 0 : i32
        %dma_start3A_835 = arith.constant 0 : i32
        %dma_start3A_836 = tpu.memref_slice %arg10[%dma_start3A_824, %dma_start3A_833, %dma_start3A_834, %dma_start3A_835] : memref<8x4x8x128xf32, #tpu.memory_space<vmem>> -> memref<1x4x8x128xf32, #tpu.memory_space<vmem>>
        %dma_start3A_837 = tpu.memref_squeeze %dma_start3A_836 : memref<1x4x8x128xf32, #tpu.memory_space<vmem>> -> memref<4x8x128xf32, #tpu.memory_space<vmem>>
        %dma_start3A_838 = arith.constant 0 : i32
        %dma_start3A_839 = arith.constant 0 : i32
        %dma_start3A_840 = tpu.memref_slice %arg3[%dma_start3A_838, %dma_start3A_839, %multiple_of3A_823] : memref<4x8x1000000xf32, #tpu.memory_space<hbm>> -> memref<4x8x128xf32, #tpu.memory_space<hbm>>
        tpu.enqueue_dma source(%dma_start3A_840 : memref<4x8x128xf32, #tpu.memory_space<hbm>>) target(%dma_start3A_837 : memref<4x8x128xf32, #tpu.memory_space<vmem>>) target_semaphore(%arg16 : memref<!tpu.dma_semaphore, #tpu.memory_space<semaphore_mem>>)
        %dma_start3A_841 = arith.constant 1 : i32
        %dma_start3A_842 = arith.constant 0 : i32
        %dma_start3A_843 = arith.constant 0 : i32
        %dma_start3A_844 = arith.constant 0 : i32
        %dma_start3A_845 = tpu.memref_slice %arg11[%dma_start3A_841, %dma_start3A_842, %dma_start3A_843, %dma_start3A_844] : memref<8x4x8x128xf32, #tpu.memory_space<vmem>> -> memref<1x4x8x128xf32, #tpu.memory_space<vmem>>
        %dma_start3A_846 = tpu.memref_squeeze %dma_start3A_845 : memref<1x4x8x128xf32, #tpu.memory_space<vmem>> -> memref<4x8x128xf32, #tpu.memory_space<vmem>>
        %dma_start3A_847 = arith.constant 0 : i32
        %dma_start3A_848 = arith.constant 0 : i32
        %dma_start3A_849 = tpu.memref_slice %arg4[%dma_start3A_847, %dma_start3A_848, %multiple_of3A_823] : memref<4x8x1000000xf32, #tpu.memory_space<hbm>> -> memref<4x8x128xf32, #tpu.memory_space<hbm>>
        %dma_start3A_850 = arith.constant 0 : i32
        %dma_start3A_851 = arith.constant 0 : i32
        %dma_start3A_852 = arith.constant 0 : i32
        %dma_start3A_853 = tpu.memref_slice %arg11[%dma_start3A_841, %dma_start3A_850, %dma_start3A_851, %dma_start3A_852] : memref<8x4x8x128xf32, #tpu.memory_space<vmem>> -> memref<1x4x8x128xf32, #tpu.memory_space<vmem>>
        %dma_start3A_854 = tpu.memref_squeeze %dma_start3A_853 : memref<1x4x8x128xf32, #tpu.memory_space<vmem>> -> memref<4x8x128xf32, #tpu.memory_space<vmem>>
        %dma_start3A_855 = arith.constant 0 : i32
        %dma_start3A_856 = arith.constant 0 : i32
        %dma_start3A_857 = tpu.memref_slice %arg4[%dma_start3A_855, %dma_start3A_856, %multiple_of3A_823] : memref<4x8x1000000xf32, #tpu.memory_space<hbm>> -> memref<4x8x128xf32, #tpu.memory_space<hbm>>
        tpu.enqueue_dma source(%dma_start3A_857 : memref<4x8x128xf32, #tpu.memory_space<hbm>>) target(%dma_start3A_854 : memref<4x8x128xf32, #tpu.memory_space<vmem>>) target_semaphore(%arg16 : memref<!tpu.dma_semaphore, #tpu.memory_space<semaphore_mem>>)
      } else {
      }
      %and3A_797 = arith.andi %lt3A_276, %ne3A_782 : i1
      %convert_element_type3A_798 = arith.extui %and3A_797 : i1 to i32
      %cond3A_799 = arith.constant 0 : i32
      %cond3A_800 = arith.cmpi ne, %convert_element_type3A_798, %cond3A_799 : i32
      scf.if %cond3A_800 {
        %mul3A_821 = arith.constant 128 : i32
        %mul3A_822 = arith.muli %min3A_750, %mul3A_821 : i32
        %multiple_of3A_823 = tpu.assume_multiple %mul3A_822, 128 : i32
        %dma_start3A_824 = arith.constant 2 : i32
        %dma_start3A_825 = arith.constant 0 : i32
        %dma_start3A_826 = arith.constant 0 : i32
        %dma_start3A_827 = arith.constant 0 : i32
        %dma_start3A_828 = tpu.memref_slice %arg10[%dma_start3A_824, %dma_start3A_825, %dma_start3A_826, %dma_start3A_827] : memref<8x4x8x128xf32, #tpu.memory_space<vmem>> -> memref<1x4x8x128xf32, #tpu.memory_space<vmem>>
        %dma_start3A_829 = tpu.memref_squeeze %dma_start3A_828 : memref<1x4x8x128xf32, #tpu.memory_space<vmem>> -> memref<4x8x128xf32, #tpu.memory_space<vmem>>
        %dma_start3A_830 = arith.constant 0 : i32
        %dma_start3A_831 = arith.constant 0 : i32
        %dma_start3A_832 = tpu.memref_slice %arg3[%dma_start3A_830, %dma_start3A_831, %multiple_of3A_823] : memref<4x8x1000000xf32, #tpu.memory_space<hbm>> -> memref<4x8x128xf32, #tpu.memory_space<hbm>>
        %dma_start3A_833 = arith.constant 0 : i32
        %dma_start3A_834 = arith.constant 0 : i32
        %dma_start3A_835 = arith.constant 0 : i32
        %dma_start3A_836 = tpu.memref_slice %arg10[%dma_start3A_824, %dma_start3A_833, %dma_start3A_834, %dma_start3A_835] : memref<8x4x8x128xf32, #tpu.memory_space<vmem>> -> memref<1x4x8x128xf32, #tpu.memory_space<vmem>>
        %dma_start3A_837 = tpu.memref_squeeze %dma_start3A_836 : memref<1x4x8x128xf32, #tpu.memory_space<vmem>> -> memref<4x8x128xf32, #tpu.memory_space<vmem>>
        %dma_start3A_838 = arith.constant 0 : i32
        %dma_start3A_839 = arith.constant 0 : i32
        %dma_start3A_840 = tpu.memref_slice %arg3[%dma_start3A_838, %dma_start3A_839, %multiple_of3A_823] : memref<4x8x1000000xf32, #tpu.memory_space<hbm>> -> memref<4x8x128xf32, #tpu.memory_space<hbm>>
        tpu.enqueue_dma source(%dma_start3A_840 : memref<4x8x128xf32, #tpu.memory_space<hbm>>) target(%dma_start3A_837 : memref<4x8x128xf32, #tpu.memory_space<vmem>>) target_semaphore(%arg16 : memref<!tpu.dma_semaphore, #tpu.memory_space<semaphore_mem>>)
        %dma_start3A_841 = arith.constant 2 : i32
        %dma_start3A_842 = arith.constant 0 : i32
        %dma_start3A_843 = arith.constant 0 : i32
        %dma_start3A_844 = arith.constant 0 : i32
        %dma_start3A_845 = tpu.memref_slice %arg11[%dma_start3A_841, %dma_start3A_842, %dma_start3A_843, %dma_start3A_844] : memref<8x4x8x128xf32, #tpu.memory_space<vmem>> -> memref<1x4x8x128xf32, #tpu.memory_space<vmem>>
        %dma_start3A_846 = tpu.memref_squeeze %dma_start3A_845 : memref<1x4x8x128xf32, #tpu.memory_space<vmem>> -> memref<4x8x128xf32, #tpu.memory_space<vmem>>
        %dma_start3A_847 = arith.constant 0 : i32
        %dma_start3A_848 = arith.constant 0 : i32
        %dma_start3A_849 = tpu.memref_slice %arg4[%dma_start3A_847, %dma_start3A_848, %multiple_of3A_823] : memref<4x8x1000000xf32, #tpu.memory_space<hbm>> -> memref<4x8x128xf32, #tpu.memory_space<hbm>>
        %dma_start3A_850 = arith.constant 0 : i32
        %dma_start3A_851 = arith.constant 0 : i32
        %dma_start3A_852 = arith.constant 0 : i32
        %dma_start3A_853 = tpu.memref_slice %arg11[%dma_start3A_841, %dma_start3A_850, %dma_start3A_851, %dma_start3A_852] : memref<8x4x8x128xf32, #tpu.memory_space<vmem>> -> memref<1x4x8x128xf32, #tpu.memory_space<vmem>>
        %dma_start3A_854 = tpu.memref_squeeze %dma_start3A_853 : memref<1x4x8x128xf32, #tpu.memory_space<vmem>> -> memref<4x8x128xf32, #tpu.memory_space<vmem>>
        %dma_start3A_855 = arith.constant 0 : i32
        %dma_start3A_856 = arith.constant 0 : i32
        %dma_start3A_857 = tpu.memref_slice %arg4[%dma_start3A_855, %dma_start3A_856, %multiple_of3A_823] : memref<4x8x1000000xf32, #tpu.memory_space<hbm>> -> memref<4x8x128xf32, #tpu.memory_space<hbm>>
        tpu.enqueue_dma source(%dma_start3A_857 : memref<4x8x128xf32, #tpu.memory_space<hbm>>) target(%dma_start3A_854 : memref<4x8x128xf32, #tpu.memory_space<vmem>>) target_semaphore(%arg16 : memref<!tpu.dma_semaphore, #tpu.memory_space<semaphore_mem>>)
      } else {
      }
      %and3A_801 = arith.andi %lt3A_276, %ne3A_783 : i1
      %convert_element_type3A_802 = arith.extui %and3A_801 : i1 to i32
      %cond3A_803 = arith.constant 0 : i32
      %cond3A_804 = arith.cmpi ne, %convert_element_type3A_802, %cond3A_803 : i32
      scf.if %cond3A_804 {
        %mul3A_821 = arith.constant 128 : i32
        %mul3A_822 = arith.muli %min3A_756, %mul3A_821 : i32
        %multiple_of3A_823 = tpu.assume_multiple %mul3A_822, 128 : i32
        %dma_start3A_824 = arith.constant 3 : i32
        %dma_start3A_825 = arith.constant 0 : i32
        %dma_start3A_826 = arith.constant 0 : i32
        %dma_start3A_827 = arith.constant 0 : i32
        %dma_start3A_828 = tpu.memref_slice %arg10[%dma_start3A_824, %dma_start3A_825, %dma_start3A_826, %dma_start3A_827] : memref<8x4x8x128xf32, #tpu.memory_space<vmem>> -> memref<1x4x8x128xf32, #tpu.memory_space<vmem>>
        %dma_start3A_829 = tpu.memref_squeeze %dma_start3A_828 : memref<1x4x8x128xf32, #tpu.memory_space<vmem>> -> memref<4x8x128xf32, #tpu.memory_space<vmem>>
        %dma_start3A_830 = arith.constant 0 : i32
        %dma_start3A_831 = arith.constant 0 : i32
        %dma_start3A_832 = tpu.memref_slice %arg3[%dma_start3A_830, %dma_start3A_831, %multiple_of3A_823] : memref<4x8x1000000xf32, #tpu.memory_space<hbm>> -> memref<4x8x128xf32, #tpu.memory_space<hbm>>
        %dma_start3A_833 = arith.constant 0 : i32
        %dma_start3A_834 = arith.constant 0 : i32
        %dma_start3A_835 = arith.constant 0 : i32
        %dma_start3A_836 = tpu.memref_slice %arg10[%dma_start3A_824, %dma_start3A_833, %dma_start3A_834, %dma_start3A_835] : memref<8x4x8x128xf32, #tpu.memory_space<vmem>> -> memref<1x4x8x128xf32, #tpu.memory_space<vmem>>
        %dma_start3A_837 = tpu.memref_squeeze %dma_start3A_836 : memref<1x4x8x128xf32, #tpu.memory_space<vmem>> -> memref<4x8x128xf32, #tpu.memory_space<vmem>>
        %dma_start3A_838 = arith.constant 0 : i32
        %dma_start3A_839 = arith.constant 0 : i32
        %dma_start3A_840 = tpu.memref_slice %arg3[%dma_start3A_838, %dma_start3A_839, %multiple_of3A_823] : memref<4x8x1000000xf32, #tpu.memory_space<hbm>> -> memref<4x8x128xf32, #tpu.memory_space<hbm>>
        tpu.enqueue_dma source(%dma_start3A_840 : memref<4x8x128xf32, #tpu.memory_space<hbm>>) target(%dma_start3A_837 : memref<4x8x128xf32, #tpu.memory_space<vmem>>) target_semaphore(%arg16 : memref<!tpu.dma_semaphore, #tpu.memory_space<semaphore_mem>>)
        %dma_start3A_841 = arith.constant 3 : i32
        %dma_start3A_842 = arith.constant 0 : i32
        %dma_start3A_843 = arith.constant 0 : i32
        %dma_start3A_844 = arith.constant 0 : i32
        %dma_start3A_845 = tpu.memref_slice %arg11[%dma_start3A_841, %dma_start3A_842, %dma_start3A_843, %dma_start3A_844] : memref<8x4x8x128xf32, #tpu.memory_space<vmem>> -> memref<1x4x8x128xf32, #tpu.memory_space<vmem>>
        %dma_start3A_846 = tpu.memref_squeeze %dma_start3A_845 : memref<1x4x8x128xf32, #tpu.memory_space<vmem>> -> memref<4x8x128xf32, #tpu.memory_space<vmem>>
        %dma_start3A_847 = arith.constant 0 : i32
        %dma_start3A_848 = arith.constant 0 : i32
        %dma_start3A_849 = tpu.memref_slice %arg4[%dma_start3A_847, %dma_start3A_848, %multiple_of3A_823] : memref<4x8x1000000xf32, #tpu.memory_space<hbm>> -> memref<4x8x128xf32, #tpu.memory_space<hbm>>
        %dma_start3A_850 = arith.constant 0 : i32
        %dma_start3A_851 = arith.constant 0 : i32
        %dma_start3A_852 = arith.constant 0 : i32
        %dma_start3A_853 = tpu.memref_slice %arg11[%dma_start3A_841, %dma_start3A_850, %dma_start3A_851, %dma_start3A_852] : memref<8x4x8x128xf32, #tpu.memory_space<vmem>> -> memref<1x4x8x128xf32, #tpu.memory_space<vmem>>
        %dma_start3A_854 = tpu.memref_squeeze %dma_start3A_853 : memref<1x4x8x128xf32, #tpu.memory_space<vmem>> -> memref<4x8x128xf32, #tpu.memory_space<vmem>>
        %dma_start3A_855 = arith.constant 0 : i32
        %dma_start3A_856 = arith.constant 0 : i32
        %dma_start3A_857 = tpu.memref_slice %arg4[%dma_start3A_855, %dma_start3A_856, %multiple_of3A_823] : memref<4x8x1000000xf32, #tpu.memory_space<hbm>> -> memref<4x8x128xf32, #tpu.memory_space<hbm>>
        tpu.enqueue_dma source(%dma_start3A_857 : memref<4x8x128xf32, #tpu.memory_space<hbm>>) target(%dma_start3A_854 : memref<4x8x128xf32, #tpu.memory_space<vmem>>) target_semaphore(%arg16 : memref<!tpu.dma_semaphore, #tpu.memory_space<semaphore_mem>>)
      } else {
      }
      %and3A_805 = arith.andi %lt3A_276, %ne3A_784 : i1
      %convert_element_type3A_806 = arith.extui %and3A_805 : i1 to i32
      %cond3A_807 = arith.constant 0 : i32
      %cond3A_808 = arith.cmpi ne, %convert_element_type3A_806, %cond3A_807 : i32
      scf.if %cond3A_808 {
        %mul3A_821 = arith.constant 128 : i32
        %mul3A_822 = arith.muli %min3A_762, %mul3A_821 : i32
        %multiple_of3A_823 = tpu.assume_multiple %mul3A_822, 128 : i32
        %dma_start3A_824 = arith.constant 4 : i32
        %dma_start3A_825 = arith.constant 0 : i32
        %dma_start3A_826 = arith.constant 0 : i32
        %dma_start3A_827 = arith.constant 0 : i32
        %dma_start3A_828 = tpu.memref_slice %arg10[%dma_start3A_824, %dma_start3A_825, %dma_start3A_826, %dma_start3A_827] : memref<8x4x8x128xf32, #tpu.memory_space<vmem>> -> memref<1x4x8x128xf32, #tpu.memory_space<vmem>>
        %dma_start3A_829 = tpu.memref_squeeze %dma_start3A_828 : memref<1x4x8x128xf32, #tpu.memory_space<vmem>> -> memref<4x8x128xf32, #tpu.memory_space<vmem>>
        %dma_start3A_830 = arith.constant 0 : i32
        %dma_start3A_831 = arith.constant 0 : i32
        %dma_start3A_832 = tpu.memref_slice %arg3[%dma_start3A_830, %dma_start3A_831, %multiple_of3A_823] : memref<4x8x1000000xf32, #tpu.memory_space<hbm>> -> memref<4x8x128xf32, #tpu.memory_space<hbm>>
        %dma_start3A_833 = arith.constant 0 : i32
        %dma_start3A_834 = arith.constant 0 : i32
        %dma_start3A_835 = arith.constant 0 : i32
        %dma_start3A_836 = tpu.memref_slice %arg10[%dma_start3A_824, %dma_start3A_833, %dma_start3A_834, %dma_start3A_835] : memref<8x4x8x128xf32, #tpu.memory_space<vmem>> -> memref<1x4x8x128xf32, #tpu.memory_space<vmem>>
        %dma_start3A_837 = tpu.memref_squeeze %dma_start3A_836 : memref<1x4x8x128xf32, #tpu.memory_space<vmem>> -> memref<4x8x128xf32, #tpu.memory_space<vmem>>
        %dma_start3A_838 = arith.constant 0 : i32
        %dma_start3A_839 = arith.constant 0 : i32
        %dma_start3A_840 = tpu.memref_slice %arg3[%dma_start3A_838, %dma_start3A_839, %multiple_of3A_823] : memref<4x8x1000000xf32, #tpu.memory_space<hbm>> -> memref<4x8x128xf32, #tpu.memory_space<hbm>>
        tpu.enqueue_dma source(%dma_start3A_840 : memref<4x8x128xf32, #tpu.memory_space<hbm>>) target(%dma_start3A_837 : memref<4x8x128xf32, #tpu.memory_space<vmem>>) target_semaphore(%arg17 : memref<!tpu.dma_semaphore, #tpu.memory_space<semaphore_mem>>)
        %dma_start3A_841 = arith.constant 4 : i32
        %dma_start3A_842 = arith.constant 0 : i32
        %dma_start3A_843 = arith.constant 0 : i32
        %dma_start3A_844 = arith.constant 0 : i32
        %dma_start3A_845 = tpu.memref_slice %arg11[%dma_start3A_841, %dma_start3A_842, %dma_start3A_843, %dma_start3A_844] : memref<8x4x8x128xf32, #tpu.memory_space<vmem>> -> memref<1x4x8x128xf32, #tpu.memory_space<vmem>>
        %dma_start3A_846 = tpu.memref_squeeze %dma_start3A_845 : memref<1x4x8x128xf32, #tpu.memory_space<vmem>> -> memref<4x8x128xf32, #tpu.memory_space<vmem>>
        %dma_start3A_847 = arith.constant 0 : i32
        %dma_start3A_848 = arith.constant 0 : i32
        %dma_start3A_849 = tpu.memref_slice %arg4[%dma_start3A_847, %dma_start3A_848, %multiple_of3A_823] : memref<4x8x1000000xf32, #tpu.memory_space<hbm>> -> memref<4x8x128xf32, #tpu.memory_space<hbm>>
        %dma_start3A_850 = arith.constant 0 : i32
        %dma_start3A_851 = arith.constant 0 : i32
        %dma_start3A_852 = arith.constant 0 : i32
        %dma_start3A_853 = tpu.memref_slice %arg11[%dma_start3A_841, %dma_start3A_850, %dma_start3A_851, %dma_start3A_852] : memref<8x4x8x128xf32, #tpu.memory_space<vmem>> -> memref<1x4x8x128xf32, #tpu.memory_space<vmem>>
        %dma_start3A_854 = tpu.memref_squeeze %dma_start3A_853 : memref<1x4x8x128xf32, #tpu.memory_space<vmem>> -> memref<4x8x128xf32, #tpu.memory_space<vmem>>
        %dma_start3A_855 = arith.constant 0 : i32
        %dma_start3A_856 = arith.constant 0 : i32
        %dma_start3A_857 = tpu.memref_slice %arg4[%dma_start3A_855, %dma_start3A_856, %multiple_of3A_823] : memref<4x8x1000000xf32, #tpu.memory_space<hbm>> -> memref<4x8x128xf32, #tpu.memory_space<hbm>>
        tpu.enqueue_dma source(%dma_start3A_857 : memref<4x8x128xf32, #tpu.memory_space<hbm>>) target(%dma_start3A_854 : memref<4x8x128xf32, #tpu.memory_space<vmem>>) target_semaphore(%arg17 : memref<!tpu.dma_semaphore, #tpu.memory_space<semaphore_mem>>)
      } else {
      }
      %and3A_809 = arith.andi %lt3A_276, %ne3A_785 : i1
      %convert_element_type3A_810 = arith.extui %and3A_809 : i1 to i32
      %cond3A_811 = arith.constant 0 : i32
      %cond3A_812 = arith.cmpi ne, %convert_element_type3A_810, %cond3A_811 : i32
      scf.if %cond3A_812 {
        %mul3A_821 = arith.constant 128 : i32
        %mul3A_822 = arith.muli %min3A_768, %mul3A_821 : i32
        %multiple_of3A_823 = tpu.assume_multiple %mul3A_822, 128 : i32
        %dma_start3A_824 = arith.constant 5 : i32
        %dma_start3A_825 = arith.constant 0 : i32
        %dma_start3A_826 = arith.constant 0 : i32
        %dma_start3A_827 = arith.constant 0 : i32
        %dma_start3A_828 = tpu.memref_slice %arg10[%dma_start3A_824, %dma_start3A_825, %dma_start3A_826, %dma_start3A_827] : memref<8x4x8x128xf32, #tpu.memory_space<vmem>> -> memref<1x4x8x128xf32, #tpu.memory_space<vmem>>
        %dma_start3A_829 = tpu.memref_squeeze %dma_start3A_828 : memref<1x4x8x128xf32, #tpu.memory_space<vmem>> -> memref<4x8x128xf32, #tpu.memory_space<vmem>>
        %dma_start3A_830 = arith.constant 0 : i32
        %dma_start3A_831 = arith.constant 0 : i32
        %dma_start3A_832 = tpu.memref_slice %arg3[%dma_start3A_830, %dma_start3A_831, %multiple_of3A_823] : memref<4x8x1000000xf32, #tpu.memory_space<hbm>> -> memref<4x8x128xf32, #tpu.memory_space<hbm>>
        %dma_start3A_833 = arith.constant 0 : i32
        %dma_start3A_834 = arith.constant 0 : i32
        %dma_start3A_835 = arith.constant 0 : i32
        %dma_start3A_836 = tpu.memref_slice %arg10[%dma_start3A_824, %dma_start3A_833, %dma_start3A_834, %dma_start3A_835] : memref<8x4x8x128xf32, #tpu.memory_space<vmem>> -> memref<1x4x8x128xf32, #tpu.memory_space<vmem>>
        %dma_start3A_837 = tpu.memref_squeeze %dma_start3A_836 : memref<1x4x8x128xf32, #tpu.memory_space<vmem>> -> memref<4x8x128xf32, #tpu.memory_space<vmem>>
        %dma_start3A_838 = arith.constant 0 : i32
        %dma_start3A_839 = arith.constant 0 : i32
        %dma_start3A_840 = tpu.memref_slice %arg3[%dma_start3A_838, %dma_start3A_839, %multiple_of3A_823] : memref<4x8x1000000xf32, #tpu.memory_space<hbm>> -> memref<4x8x128xf32, #tpu.memory_space<hbm>>
        tpu.enqueue_dma source(%dma_start3A_840 : memref<4x8x128xf32, #tpu.memory_space<hbm>>) target(%dma_start3A_837 : memref<4x8x128xf32, #tpu.memory_space<vmem>>) target_semaphore(%arg17 : memref<!tpu.dma_semaphore, #tpu.memory_space<semaphore_mem>>)
        %dma_start3A_841 = arith.constant 5 : i32
        %dma_start3A_842 = arith.constant 0 : i32
        %dma_start3A_843 = arith.constant 0 : i32
        %dma_start3A_844 = arith.constant 0 : i32
        %dma_start3A_845 = tpu.memref_slice %arg11[%dma_start3A_841, %dma_start3A_842, %dma_start3A_843, %dma_start3A_844] : memref<8x4x8x128xf32, #tpu.memory_space<vmem>> -> memref<1x4x8x128xf32, #tpu.memory_space<vmem>>
        %dma_start3A_846 = tpu.memref_squeeze %dma_start3A_845 : memref<1x4x8x128xf32, #tpu.memory_space<vmem>> -> memref<4x8x128xf32, #tpu.memory_space<vmem>>
        %dma_start3A_847 = arith.constant 0 : i32
        %dma_start3A_848 = arith.constant 0 : i32
        %dma_start3A_849 = tpu.memref_slice %arg4[%dma_start3A_847, %dma_start3A_848, %multiple_of3A_823] : memref<4x8x1000000xf32, #tpu.memory_space<hbm>> -> memref<4x8x128xf32, #tpu.memory_space<hbm>>
        %dma_start3A_850 = arith.constant 0 : i32
        %dma_start3A_851 = arith.constant 0 : i32
        %dma_start3A_852 = arith.constant 0 : i32
        %dma_start3A_853 = tpu.memref_slice %arg11[%dma_start3A_841, %dma_start3A_850, %dma_start3A_851, %dma_start3A_852] : memref<8x4x8x128xf32, #tpu.memory_space<vmem>> -> memref<1x4x8x128xf32, #tpu.memory_space<vmem>>
        %dma_start3A_854 = tpu.memref_squeeze %dma_start3A_853 : memref<1x4x8x128xf32, #tpu.memory_space<vmem>> -> memref<4x8x128xf32, #tpu.memory_space<vmem>>
        %dma_start3A_855 = arith.constant 0 : i32
        %dma_start3A_856 = arith.constant 0 : i32
        %dma_start3A_857 = tpu.memref_slice %arg4[%dma_start3A_855, %dma_start3A_856, %multiple_of3A_823] : memref<4x8x1000000xf32, #tpu.memory_space<hbm>> -> memref<4x8x128xf32, #tpu.memory_space<hbm>>
        tpu.enqueue_dma source(%dma_start3A_857 : memref<4x8x128xf32, #tpu.memory_space<hbm>>) target(%dma_start3A_854 : memref<4x8x128xf32, #tpu.memory_space<vmem>>) target_semaphore(%arg17 : memref<!tpu.dma_semaphore, #tpu.memory_space<semaphore_mem>>)
      } else {
      }
      %and3A_813 = arith.andi %lt3A_276, %ne3A_786 : i1
      %convert_element_type3A_814 = arith.extui %and3A_813 : i1 to i32
      %cond3A_815 = arith.constant 0 : i32
      %cond3A_816 = arith.cmpi ne, %convert_element_type3A_814, %cond3A_815 : i32
      scf.if %cond3A_816 {
        %mul3A_821 = arith.constant 128 : i32
        %mul3A_822 = arith.muli %min3A_774, %mul3A_821 : i32
        %multiple_of3A_823 = tpu.assume_multiple %mul3A_822, 128 : i32
        %dma_start3A_824 = arith.constant 6 : i32
        %dma_start3A_825 = arith.constant 0 : i32
        %dma_start3A_826 = arith.constant 0 : i32
        %dma_start3A_827 = arith.constant 0 : i32
        %dma_start3A_828 = tpu.memref_slice %arg10[%dma_start3A_824, %dma_start3A_825, %dma_start3A_826, %dma_start3A_827] : memref<8x4x8x128xf32, #tpu.memory_space<vmem>> -> memref<1x4x8x128xf32, #tpu.memory_space<vmem>>
        %dma_start3A_829 = tpu.memref_squeeze %dma_start3A_828 : memref<1x4x8x128xf32, #tpu.memory_space<vmem>> -> memref<4x8x128xf32, #tpu.memory_space<vmem>>
        %dma_start3A_830 = arith.constant 0 : i32
        %dma_start3A_831 = arith.constant 0 : i32
        %dma_start3A_832 = tpu.memref_slice %arg3[%dma_start3A_830, %dma_start3A_831, %multiple_of3A_823] : memref<4x8x1000000xf32, #tpu.memory_space<hbm>> -> memref<4x8x128xf32, #tpu.memory_space<hbm>>
        %dma_start3A_833 = arith.constant 0 : i32
        %dma_start3A_834 = arith.constant 0 : i32
        %dma_start3A_835 = arith.constant 0 : i32
        %dma_start3A_836 = tpu.memref_slice %arg10[%dma_start3A_824, %dma_start3A_833, %dma_start3A_834, %dma_start3A_835] : memref<8x4x8x128xf32, #tpu.memory_space<vmem>> -> memref<1x4x8x128xf32, #tpu.memory_space<vmem>>
        %dma_start3A_837 = tpu.memref_squeeze %dma_start3A_836 : memref<1x4x8x128xf32, #tpu.memory_space<vmem>> -> memref<4x8x128xf32, #tpu.memory_space<vmem>>
        %dma_start3A_838 = arith.constant 0 : i32
        %dma_start3A_839 = arith.constant 0 : i32
        %dma_start3A_840 = tpu.memref_slice %arg3[%dma_start3A_838, %dma_start3A_839, %multiple_of3A_823] : memref<4x8x1000000xf32, #tpu.memory_space<hbm>> -> memref<4x8x128xf32, #tpu.memory_space<hbm>>
        tpu.enqueue_dma source(%dma_start3A_840 : memref<4x8x128xf32, #tpu.memory_space<hbm>>) target(%dma_start3A_837 : memref<4x8x128xf32, #tpu.memory_space<vmem>>) target_semaphore(%arg17 : memref<!tpu.dma_semaphore, #tpu.memory_space<semaphore_mem>>)
        %dma_start3A_841 = arith.constant 6 : i32
        %dma_start3A_842 = arith.constant 0 : i32
        %dma_start3A_843 = arith.constant 0 : i32
        %dma_start3A_844 = arith.constant 0 : i32
        %dma_start3A_845 = tpu.memref_slice %arg11[%dma_start3A_841, %dma_start3A_842, %dma_start3A_843, %dma_start3A_844] : memref<8x4x8x128xf32, #tpu.memory_space<vmem>> -> memref<1x4x8x128xf32, #tpu.memory_space<vmem>>
        %dma_start3A_846 = tpu.memref_squeeze %dma_start3A_845 : memref<1x4x8x128xf32, #tpu.memory_space<vmem>> -> memref<4x8x128xf32, #tpu.memory_space<vmem>>
        %dma_start3A_847 = arith.constant 0 : i32
        %dma_start3A_848 = arith.constant 0 : i32
        %dma_start3A_849 = tpu.memref_slice %arg4[%dma_start3A_847, %dma_start3A_848, %multiple_of3A_823] : memref<4x8x1000000xf32, #tpu.memory_space<hbm>> -> memref<4x8x128xf32, #tpu.memory_space<hbm>>
        %dma_start3A_850 = arith.constant 0 : i32
        %dma_start3A_851 = arith.constant 0 : i32
        %dma_start3A_852 = arith.constant 0 : i32
        %dma_start3A_853 = tpu.memref_slice %arg11[%dma_start3A_841, %dma_start3A_850, %dma_start3A_851, %dma_start3A_852] : memref<8x4x8x128xf32, #tpu.memory_space<vmem>> -> memref<1x4x8x128xf32, #tpu.memory_space<vmem>>
        %dma_start3A_854 = tpu.memref_squeeze %dma_start3A_853 : memref<1x4x8x128xf32, #tpu.memory_space<vmem>> -> memref<4x8x128xf32, #tpu.memory_space<vmem>>
        %dma_start3A_855 = arith.constant 0 : i32
        %dma_start3A_856 = arith.constant 0 : i32
        %dma_start3A_857 = tpu.memref_slice %arg4[%dma_start3A_855, %dma_start3A_856, %multiple_of3A_823] : memref<4x8x1000000xf32, #tpu.memory_space<hbm>> -> memref<4x8x128xf32, #tpu.memory_space<hbm>>
        tpu.enqueue_dma source(%dma_start3A_857 : memref<4x8x128xf32, #tpu.memory_space<hbm>>) target(%dma_start3A_854 : memref<4x8x128xf32, #tpu.memory_space<vmem>>) target_semaphore(%arg17 : memref<!tpu.dma_semaphore, #tpu.memory_space<semaphore_mem>>)
      } else {
      }
      %and3A_817 = arith.andi %lt3A_276, %ne3A_787 : i1
      %convert_element_type3A_818 = arith.extui %and3A_817 : i1 to i32
      %cond3A_819 = arith.constant 0 : i32
      %cond3A_820 = arith.cmpi ne, %convert_element_type3A_818, %cond3A_819 : i32
      scf.if %cond3A_820 {
        %mul3A_821 = arith.constant 128 : i32
        %mul3A_822 = arith.muli %min3A_780, %mul3A_821 : i32
        %multiple_of3A_823 = tpu.assume_multiple %mul3A_822, 128 : i32
        %dma_start3A_824 = arith.constant 7 : i32
        %dma_start3A_825 = arith.constant 0 : i32
        %dma_start3A_826 = arith.constant 0 : i32
        %dma_start3A_827 = arith.constant 0 : i32
        %dma_start3A_828 = tpu.memref_slice %arg10[%dma_start3A_824, %dma_start3A_825, %dma_start3A_826, %dma_start3A_827] : memref<8x4x8x128xf32, #tpu.memory_space<vmem>> -> memref<1x4x8x128xf32, #tpu.memory_space<vmem>>
        %dma_start3A_829 = tpu.memref_squeeze %dma_start3A_828 : memref<1x4x8x128xf32, #tpu.memory_space<vmem>> -> memref<4x8x128xf32, #tpu.memory_space<vmem>>
        %dma_start3A_830 = arith.constant 0 : i32
        %dma_start3A_831 = arith.constant 0 : i32
        %dma_start3A_832 = tpu.memref_slice %arg3[%dma_start3A_830, %dma_start3A_831, %multiple_of3A_823] : memref<4x8x1000000xf32, #tpu.memory_space<hbm>> -> memref<4x8x128xf32, #tpu.memory_space<hbm>>
        %dma_start3A_833 = arith.constant 0 : i32
        %dma_start3A_834 = arith.constant 0 : i32
        %dma_start3A_835 = arith.constant 0 : i32
        %dma_start3A_836 = tpu.memref_slice %arg10[%dma_start3A_824, %dma_start3A_833, %dma_start3A_834, %dma_start3A_835] : memref<8x4x8x128xf32, #tpu.memory_space<vmem>> -> memref<1x4x8x128xf32, #tpu.memory_space<vmem>>
        %dma_start3A_837 = tpu.memref_squeeze %dma_start3A_836 : memref<1x4x8x128xf32, #tpu.memory_space<vmem>> -> memref<4x8x128xf32, #tpu.memory_space<vmem>>
        %dma_start3A_838 = arith.constant 0 : i32
        %dma_start3A_839 = arith.constant 0 : i32
        %dma_start3A_840 = tpu.memref_slice %arg3[%dma_start3A_838, %dma_start3A_839, %multiple_of3A_823] : memref<4x8x1000000xf32, #tpu.memory_space<hbm>> -> memref<4x8x128xf32, #tpu.memory_space<hbm>>
        tpu.enqueue_dma source(%dma_start3A_840 : memref<4x8x128xf32, #tpu.memory_space<hbm>>) target(%dma_start3A_837 : memref<4x8x128xf32, #tpu.memory_space<vmem>>) target_semaphore(%arg17 : memref<!tpu.dma_semaphore, #tpu.memory_space<semaphore_mem>>)
        %dma_start3A_841 = arith.constant 7 : i32
        %dma_start3A_842 = arith.constant 0 : i32
        %dma_start3A_843 = arith.constant 0 : i32
        %dma_start3A_844 = arith.constant 0 : i32
        %dma_start3A_845 = tpu.memref_slice %arg11[%dma_start3A_841, %dma_start3A_842, %dma_start3A_843, %dma_start3A_844] : memref<8x4x8x128xf32, #tpu.memory_space<vmem>> -> memref<1x4x8x128xf32, #tpu.memory_space<vmem>>
        %dma_start3A_846 = tpu.memref_squeeze %dma_start3A_845 : memref<1x4x8x128xf32, #tpu.memory_space<vmem>> -> memref<4x8x128xf32, #tpu.memory_space<vmem>>
        %dma_start3A_847 = arith.constant 0 : i32
        %dma_start3A_848 = arith.constant 0 : i32
        %dma_start3A_849 = tpu.memref_slice %arg4[%dma_start3A_847, %dma_start3A_848, %multiple_of3A_823] : memref<4x8x1000000xf32, #tpu.memory_space<hbm>> -> memref<4x8x128xf32, #tpu.memory_space<hbm>>
        %dma_start3A_850 = arith.constant 0 : i32
        %dma_start3A_851 = arith.constant 0 : i32
        %dma_start3A_852 = arith.constant 0 : i32
        %dma_start3A_853 = tpu.memref_slice %arg11[%dma_start3A_841, %dma_start3A_850, %dma_start3A_851, %dma_start3A_852] : memref<8x4x8x128xf32, #tpu.memory_space<vmem>> -> memref<1x4x8x128xf32, #tpu.memory_space<vmem>>
        %dma_start3A_854 = tpu.memref_squeeze %dma_start3A_853 : memref<1x4x8x128xf32, #tpu.memory_space<vmem>> -> memref<4x8x128xf32, #tpu.memory_space<vmem>>
        %dma_start3A_855 = arith.constant 0 : i32
        %dma_start3A_856 = arith.constant 0 : i32
        %dma_start3A_857 = tpu.memref_slice %arg4[%dma_start3A_855, %dma_start3A_856, %multiple_of3A_823] : memref<4x8x1000000xf32, #tpu.memory_space<hbm>> -> memref<4x8x128xf32, #tpu.memory_space<hbm>>
        tpu.enqueue_dma source(%dma_start3A_857 : memref<4x8x128xf32, #tpu.memory_space<hbm>>) target(%dma_start3A_854 : memref<4x8x128xf32, #tpu.memory_space<vmem>>) target_semaphore(%arg17 : memref<!tpu.dma_semaphore, #tpu.memory_space<semaphore_mem>>)
      } else {
      }
    }
    %scan3A_207 = arith.constant 64 : i32
    %mul3A_208 = arith.constant 32 : i32
    %mul3A_209 = arith.muli %mul3A_2, %mul3A_208 : i32
    "tpu.region"() ({
      %run_scoped3A = tpu.sem_alloc : memref<!tpu.dma_semaphore, #tpu.memory_space<semaphore_mem>>
      %dma_start3A_212 = tpu.memref_slice %arg7[%mul3A_209] : memref<524288xf32, #tpu.memory_space<hbm>> -> memref<16384xf32, #tpu.memory_space<hbm>>
      %dma_start3A_213 = tpu.memref_slice %arg7[%mul3A_209] : memref<524288xf32, #tpu.memory_space<hbm>> -> memref<16384xf32, #tpu.memory_space<hbm>>
      tpu.enqueue_dma source(%arg12 : memref<16384xf32, #tpu.memory_space<vmem>>) target(%dma_start3A_213 : memref<16384xf32, #tpu.memory_space<hbm>>) target_semaphore(%run_scoped3A : memref<!tpu.dma_semaphore, #tpu.memory_space<semaphore_mem>>)
      %dma_wait3A = tpu.memref_slice %arg7[%mul3A_209] : memref<524288xf32, #tpu.memory_space<hbm>> -> memref<16384xf32, #tpu.memory_space<hbm>>
      %dma_wait3A_214 = tpu.memref_slice %arg7[%mul3A_209] : memref<524288xf32, #tpu.memory_space<hbm>> -> memref<16384xf32, #tpu.memory_space<hbm>>
      tpu.wait_dma2 semaphore(%run_scoped3A : memref<!tpu.dma_semaphore, #tpu.memory_space<semaphore_mem>>) src(%arg12 : memref<16384xf32, #tpu.memory_space<vmem>>) dst(%dma_wait3A_214 : memref<16384xf32, #tpu.memory_space<hbm>>)
      tpu.yield
    }) : () -> ()
    %mul3A_210 = arith.constant 32 : i32
    %mul3A_211 = arith.muli %mul3A_2, %mul3A_210 : i32
    "tpu.region"() ({
      %run_scoped3A = tpu.sem_alloc : memref<!tpu.dma_semaphore, #tpu.memory_space<semaphore_mem>>
      %dma_start3A_212 = tpu.memref_slice %arg8[%mul3A_211] : memref<524288xf32, #tpu.memory_space<hbm>> -> memref<16384xf32, #tpu.memory_space<hbm>>
      %dma_start3A_213 = tpu.memref_slice %arg8[%mul3A_211] : memref<524288xf32, #tpu.memory_space<hbm>> -> memref<16384xf32, #tpu.memory_space<hbm>>
      tpu.enqueue_dma source(%arg13 : memref<16384xf32, #tpu.memory_space<vmem>>) target(%dma_start3A_213 : memref<16384xf32, #tpu.memory_space<hbm>>) target_semaphore(%run_scoped3A : memref<!tpu.dma_semaphore, #tpu.memory_space<semaphore_mem>>)
      %dma_wait3A = tpu.memref_slice %arg8[%mul3A_211] : memref<524288xf32, #tpu.memory_space<hbm>> -> memref<16384xf32, #tpu.memory_space<hbm>>
      %dma_wait3A_214 = tpu.memref_slice %arg8[%mul3A_211] : memref<524288xf32, #tpu.memory_space<hbm>> -> memref<16384xf32, #tpu.memory_space<hbm>>
      tpu.wait_dma2 semaphore(%run_scoped3A : memref<!tpu.dma_semaphore, #tpu.memory_space<semaphore_mem>>) src(%arg13 : memref<16384xf32, #tpu.memory_space<vmem>>) dst(%dma_wait3A_214 : memref<16384xf32, #tpu.memory_space<hbm>>)
      tpu.yield
    }) : () -> ()
    return
  }
}

</mosaic_0001>

<sc_bundles>
// kernel: kernel.4.cloned.1.call-start
scs
__scs_entry_jumppad:
0x0: {  	(pc) =	sbr.rel $0x88, $3  }
0x1: {  	(tag) =	ssettag $0x0;
	lr =	simm.s32 $0x1  }
0x2: {  	[smem:$0x3F9C] =	sst lr;
	_ =	strace $0xD0000000  }
0x3: {  	_ = 	snop  }
0x4: {  	_ = 	snop  }
0x5: {  	_ = 	snop  }
0x6: {  	_ = 	snop  }
0x7: {  	_ = 	snop  }
__scs_overlays_trampoline_lowered:
0x8: {  	[smem:$0x3FAB] =	sst s0  }
0x9: {  	[smem:$0x3FAC] =	sst s1  }
0xa: {  	[smem:$0x3FAD] =	sst s2  }
0xb: {  	[smem:$0x3FAE] =	sst s3  }
0xc: {  	[smem:$0x3FAF] =	sst s4  }
0xd: {  	[smem:$0x3FB0] =	sst s5  }
0xe: {  	[smem:$0x3FB1] =	sst s6  }
0xf: {  	[smem:$0x3FB2] =	sst s7  }
0x10: {  	[smem:$0x3FB3] =	sst s8  }
0x11: {  	[smem:$0x3FB4] =	sst s9;
	s0 =	simm.s32 @!p0 $0x0  }
0x12: {  	s1 =	sld [smem:$0x3F9A];
	s0 =	simm.s32 @p0 $0x1  }
0x13: {  	[smem:$0x3FB5] =	sst s0;
	s0 =	simm.s32 @!p1 $0x0  }
0x14: {  	s2 =	sld [smem:$0x3F99];
	s0 =	simm.s32 @p1 $0x1  }
0x15: {  	[smem:$0x3FB6] =	sst s0;
	s0 =	simm.s32 @!p2 $0x0  }
0x16: {  	s3 =	sld [smem:$0x3FDB];
	s0 =	simm.s32 @p2 $0x1  }
0x17: {  	s4 =	simm.s32 $0x1BF5;
	[smem:$0x3FB8] =	sst s0  }
0x18: {  	s0 =	sld [smem:$0x3F9B];
	_ =	swait.ge [sflag:s4], $0x0  }
0x19: {  	s7 =	sld [smem:$0x3F9C]  }
0x1a: {  	s8 =	sadd.s32 $0xFFFFE003, lr  }
0x1b: {  	s9 =	sadd.s32 $0xFFFFFEF7, lr;
	s5 =	simm.s32 $0xFFFFFFFF;
	p2 =	slt.u32 s8, $0xFFFFF086  }
0x1c: {  	p1 =	slt.u32 s9, $0xF7A;
	s5 =	simm.s32 @!p2 $0x0  }
0x1d: {  	s5 =	simm.s32 @p1 $0x1;
	p0 =	seq.s32 s7, s2  }
0x1e: {  	s7 =	smul.u32 @!p0 $0xF7A, s2;
	p2 =	seq.s32 @!p0 s5, $0x0  }
0x1f: {  	s9 =	smul.u32 $0xF7A, s1;
	s8 =	simm.s32 @!p0 $0x1BF5;
	p2 =	por !p2, p0  }
0x20: {  	[sflag:s8] =	ssyncset.s32 @!p0 $0xFFFFF086;
	s6 =	sadd.s32 @!p0 s3, s7;
	s7 =	simm.s32 @!p0 $0x108  }
0x21: {  	s3 =	sadd.s32 s3, s9;
	s6 =	sadd.s32 @!p0 $0x88, s6;
	s7 =	simm.s32 @p2 $0x1082  }
0x22: {  	[simem:s7], [sflag:s8] =	dma.local @!p0 [hbm:s6], $0xF7A  }
0x23: {  	s9 =	sor.u32 $0xD0000000, s2;
	s6 =	simm.s32 $0x108;
	_ =	swait.ge @!p0 [sflag:s8], $0x0  }
0x24: {  	s3 =	sadd.s32 $0x88, s3;
	s6 =	simm.s32 @!p1 $0x1082;
	[sflag:s4] =	ssyncset.s32 $0xFFFFF086  }
0x25: {  	[simem:s6], [sflag:s4] =	dma.local [hbm:s3], $0xF7A  }
0x26: {  	[smem:$0x3F9C] =	sst s1;
	(tag) =	ssettag s2;
	_ =	strace s9  }
0x27: {  	s1 =	sld [smem:$0x3FAC]  }
0x28: {  	s2 =	sld [smem:$0x3FAD]  }
0x29: {  	s4 =	sld [smem:$0x3FAF]  }
0x2a: {  	p0 =	seq.s32 s5, $0x0;
	s5 =	sld [smem:$0x3FB0]  }
0x2b: {  	s6 =	sld [smem:$0x3FB1]  }
0x2c: {  	s7 =	sld [smem:$0x3FB2]  }
0x2d: {  	s3 =	simm.s32 $0x108;
	s8 =	sld [smem:$0x3FB3]  }
0x2e: {  	s3 =	simm.s32 @!p0 $0x1082;
	s9 =	sld [smem:$0x3FB4]  }
0x2f: {  	lr =	sadd.s32 s0, s3;
	s0 =	sld [smem:$0x3FAB]  }
0x30: {  	s3 =	sld [smem:$0x3FAE]  }
0x31: {  	[smem:$0x3FB7] =	sst s10  }
0x32: {  	s10 =	sld [smem:$0x3FB5];
	_ =	sdelay $0x3  }
0x33: {  	p0 =	seq.s32 s10, $0x1;
	s10 =	sld [smem:$0x3FB7];
	_ =	sdelay $0x3  }
0x34: {  	[smem:$0x3FB7] =	sst s10  }
0x35: {  	s10 =	sld [smem:$0x3FB6];
	_ =	sdelay $0x3  }
0x36: {  	p1 =	seq.s32 s10, $0x1;
	s10 =	sld [smem:$0x3FB7];
	_ =	sdelay $0x3  }
0x37: {  	[smem:$0x3FB7] =	sst s10  }
0x38: {  	s10 =	sld [smem:$0x3FB8]  }
0x39: {  	_ = 	snop;
	(pc) =	sbr.ind lr, $3  }
0x3a: {  	_ = 	snop  }
0x3b: {  	_ = 	snop  }
0x3c: {  	p2 =	seq.s32 s10, $0x1;
	s10 =	sld [smem:$0x3FB7]  }
0x3d: {  	_ =	shalt  }
0x3e: {  	_ =	shalt  }
0x3f: {  	_ =	shalt  }
0x40: {  	_ =	shalt  }
0x41: {  	_ =	shalt  }
0x42: {  	_ =	shalt  }
0x43: {  	_ =	shalt  }
0x44: {  	_ =	shalt  }
0x45: {  	_ =	shalt  }
0x46: {  	_ =	shalt  }
0x47: {  	_ =	shalt  }
0x48: {  	_ =	shalt  }
0x49: {  	_ =	shalt  }
0x4a: {  	_ =	shalt  }
0x4b: {  	_ =	shalt  }
0x4c: {  	_ =	shalt  }
0x4d: {  	_ =	shalt  }
0x4e: {  	_ =	shalt  }
0x4f: {  	_ =	shalt  }
0x50: {  	_ =	shalt  }
0x51: {  	_ =	shalt  }
0x52: {  	_ =	shalt  }
0x53: {  	_ =	shalt  }
0x54: {  	_ =	shalt  }
0x55: {  	_ =	shalt  }
0x56: {  	_ =	shalt  }
0x57: {  	_ =	shalt  }
0x58: {  	_ =	shalt  }
0x59: {  	_ =	shalt  }
0x5a: {  	_ =	shalt  }
0x5b: {  	_ =	shalt  }
0x5c: {  	_ =	shalt  }
0x5d: {  	_ =	shalt  }
0x5e: {  	_ =	shalt  }
0x5f: {  	_ =	shalt  }
0x60: {  	_ =	shalt  }
0x61: {  	_ =	shalt  }
0x62: {  	_ =	shalt  }
0x63: {  	_ =	shalt  }
0x64: {  	_ =	shalt  }
0x65: {  	_ =	shalt  }
0x66: {  	_ =	shalt  }
0x67: {  	_ =	shalt  }
0x68: {  	_ =	shalt  }
0x69: {  	_ =	shalt  }
0x6a: {  	_ =	shalt  }
0x6b: {  	_ =	shalt  }
0x6c: {  	_ =	shalt  }
0x6d: {  	_ =	shalt  }
0x6e: {  	_ =	shalt  }
0x6f: {  	_ =	shalt  }
0x70: {  	_ =	shalt  }
0x71: {  	_ =	shalt  }
0x72: {  	_ =	shalt  }
0x73: {  	_ =	shalt  }
0x74: {  	_ =	shalt  }
0x75: {  	_ =	shalt  }
0x76: {  	_ =	shalt  }
0x77: {  	_ =	shalt  }
0x78: {  	_ =	shalt  }
0x79: {  	_ =	shalt  }
0x7a: {  	_ =	shalt  }
0x7b: {  	_ =	shalt  }
0x7c: {  	_ =	shalt  }
0x7d: {  	_ =	shalt  }
0x7e: {  	_ =	shalt  }
0x7f: {  	_ =	shalt  }
0x80: {  	_ =	shalt  }
0x81: {  	_ =	shalt  }
0x82: {  	_ =	shalt  }
0x83: {  	_ =	shalt  }
0x84: {  	_ =	shalt  }
0x85: {  	_ =	shalt  }
0x86: {  	_ =	shalt  }
0x87: {  	_ =	shalt  }
.Lfunc_end0:
.L_simem_size_0:
called_computation_lowered:
.L_overlay_start_0:
0x88: {  	s2 =	sld [smem:$0x3FD9]  }
0x89: {  	s3 =	sld [smem:$0x3FFE];
	_ =	sdelay $0x1  }
0x8a: {  	s1 =	srdreg.scid  }
0x8b: {  	s0 =	sand.u32 $0x1, s1  }
0x8c: {  	s14 =	sshll.u32 s0, $0xA;
	s2 =	sadd.s32 s3, s2  }
0x8d: {  	s2 =	sadd.s32 s2, s14  }
0x8e: {  	[smem:$0x3FC3] =	sst s2  }
0x8f: {  	_ = 	snop  }
0x90: {  	s2 =	sld [smem:$0x3FD0];
	_ =	sdelay $0x1  }
0x91: {  	s15 =	sld [smem:$0x3FC8]  }
0x92: {  	s5 =	simm.s32 $0xA;
	s6 =	simm.s32 $0x10;
	s4 =	sld [smem:$0x3FC7]  }
0x93: {  	[smem:s6], [sflag:s5] =	dma.local [hbm:s2], $0x1  }
0x94: {  	_ =	swait.eq [sflag:s5], $0x1  }
0x95: {  	[sflag:s5] =	ssyncset.done $0x0  }
0x96: {  	s16 =	sld [smem:$0x10];
	[sflag:s5] =	ssyncadd.s32 $0xFFFFFFFF  }
0x97: {  	s17 =	sld [smem:$0x11];
	(tm) =	ssettm $0x1  }
0x98: {  	s18 =	sld [smem:$0x3FFB];
	_ =	sdelay $0x3  }
0x99: {  	_ =	strace s18  }
0x9a: {  	s6 =	sld [smem:$0x3FFC];
	_ =	sdelay $0x3  }
0x9b: {  	_ =	strace s6  }
0x9c: {  	s6 =	sld [smem:$0x3FFD];
	_ =	sdelay $0x3  }
0x9d: {  	_ =	strace s6  }
0x9e: {  	_ =	strace $0x8FFFFFFF  }
0x9f: {  	s19 =	sld [smem:$0x3FDB];
	_ =	sdelay $0x1  }
0xa0: {  	s7 =	simm.s32 $_scs_section_size  }
0xa1: {  	s8 =	simm.s32 $_size__tile_overlayer_lowered;
	s9 =	simm.s32 $_tile_overlayer_lowered  }
0xa2: {  	s22 =	simm.s32 $0x1BFF;
	s21 =	sshll.u32 s9, $0x1;
	s6 =	sadd.s32 s7, s19  }
0xa3: {  	s10 =	simm.s32 $0x0;
	s20 =	sshll.u32 s8, $0x1;
	s8 =	sadd.s32 s21, s6  }
0xa4: {  	[timem:s10], [sflag:s22] =	dma.local [hbm:s8], s20  }
0xa5: {  	_ =	swait.ge [sflag:s22], s20  }
0xa6: {  	s7 =	ssub.s32 $0x0, s20;
	[sflag:s22] =	ssyncset.done $0x0  }
0xa7: {  	[sflag:s22] =	ssyncadd.s32 s7;
	_ =	sdelay $0x1  }
0xa8: {  	s23 =	simm.s32 $0x1B8B  }
0xa9: {  	_ =	swait.ge [sflag:s23], $0x1  }
0xaa: {  	[sflag:s23] =	ssyncset.done $0x0  }
0xab: {  	s25 =	simm.s32 $0x1B8E;
	s24 =	sld [smem:$0x3FFE];
	[sflag:s23] =	ssyncadd.s32 $0xFFFFFFFF  }
0xac: {  	s26 =	simm.s32 $execute0_lowered;
	[smem:$0x3FD2] =	sst s25  }
0xad: {  	s8 =	sshll.u32 s26, $0x1;
	_ =	strace $0x80000046;
	[dreg:$0x1] =	wrdreg $0xFFFFFFFF  }
0xae: {  	s28 =	simm.s32 $_size_execute0_lowered;
	s6 =	sadd.s32 s6, s8;
	[dreg:$0x0] =	wrdreg $0x0  }
0xaf: {  	s8 =	sshll.u32 s28, $0x1;
	[dreg:$0x2] =	wrdreg s6  }
0xb0: {  	[dreg:$0x3] =	wrdreg s8  }
0xb1: {  	[dreg:$0x4] =	wrdreg $0xC0  }
0xb2: {  	_ =	task [dreg:s10], $0x5FFFF  }
0xb3: {  	[dreg:$0x1] =	wrdreg $0xFFFFFFFF  }
0xb4: {  	[dreg:$0x0] =	wrdreg $0x60  }
0xb5: {  	[dreg:$0x2] =	wrdreg s16  }
0xb6: {  	[dreg:$0x3] =	wrdreg s15  }
0xb7: {  	[dreg:$0x4] =	wrdreg s4  }
0xb8: {  	[dreg:$0x5] =	wrdreg s24  }
0xb9: {  	[dreg:$0x6] =	wrdreg s17  }
0xba: {  	[dreg:$0x7] =	wrdreg $0x9  }
0xbb: {  	_ =	task.clear_ibuf [dreg:s10], $0x8FFFF;
	_ =	strace $0x90000046  }
0xbc: {  	s29 =	simm.s32 $0x9;
	_ =	strace $0x80000048  }
0xbd: {  	_ =	swait.ge [sflag:s29], $0x1  }
0xbe: {  	[sflag:s29] =	ssyncadd.s32 $0xFFFFFFFF  }
0xbf: {  	_ =	strace $0x90000048  }
0xc0: {  	_ =	sfence  }
0xc1: {  	s30 =	sld [smem:$0x0];
	_ =	sdelay $0x2  }
0xc2: {  	s31 =	sshll.u32 s1, $0xD;
	s1 =	sshrl.u32 s1, $0x2  }
0xc3: {  	s3 =	sand.u32 $0x4000, s31;
	s1 =	sadd.s32 s1, s30  }
0xc4: {  	s0 =	sor.u32 s3, s0;
	s1 =	sshll.u32 s1, $0x11  }
0xc5: {  	s0 =	sor.u32 s1, s0  }
0xc6: {  	s0 =	sadd.s32 $0x8F2B, s0  }
0xc7: {  	[sflag:s0] =	ssyncadd.remote.s32 $0x1  }
0xc8: {  	_ =	sfence.sel $0xFFFF  }
0xc9: {  	[dreg:$0x0] =	wrdreg $0xFFFFFFFF;
	(pc) =	sbr.abs _section_cstart, $3  }
0xca: {  	[dreg:$0x1] =	wrdreg $0xFFFFFFFF  }
0xcb: {  	_ =	task.clear_ibuf [dreg:s10], $0x2FFFF;
	_ =	strace $0x9FFFFFFF  }
0xcc: {  	(tm) =	ssettm $0x7FFFFFFF  }
0xcd: {  	_ =	shalt  }
tec
execute0_lowered:
.L_overlay_start_1:
0x0: {  	(tag) =	ssettag $0x1  }
0x1: {  	s0 =	rddreg [dreg:$0x0]  }
0x2: {  	s1 =	rddreg [dreg:$0x1]  }
0x3: {  	s2 =	rddreg [dreg:$0x2]  }
0x4: {  	s3 =	rddreg [dreg:$0x3]  }
0x5: {  	s4 =	srdreg.scid;
	s6 =	stileid.u32  }
0x6: {  	s5 =	rddreg [dreg:$0x4];
	s8 =	simm.s32 $0x1;
	s13 =	simm.s32 $0x3  }
0x7: {  	s14 =	simm.s32 $0x18480;
	s15 =	simm.s32 $0x1A480;
	s16 =	simm.s32 $0x400  }
0x8: {  	s17 =	simm.s32 $0x7A1400;
	s18 =	simm.s32 $0x480;
	s19 =	simm.s32 $0x8480  }
0x9: {  	s22 =	simm.s32 $0x0;
	s9 =	sand.u32 $0x1, s4;
	s26 =	sshll.u32 s6, $0x1  }
0xa: {  	s4 =	simm.s32 $0x0;
	s10 =	sadd.s32 $0x600, s3;
	s7 =	sor.u32 s9, s26  }
0xb: {  	s28 =	sadd.s32 $0xA00, s3;
	p1 =	seq.s32 s9, $0x1;
	p0 =	seq.s32 s7, $0x0  }
0xc: {  	[smem:$0x7FF] =	sst s4;
	s30 =	ssub.s32 $0x2, s9;
	p0 =	por !p0, !p1  }
0xd: {  	_ =	strace $0x80000047;
	[dreg:$0x6] =	wrdreg s10;
	p0 =	por !p0, !p0  }
0xe: {  	s9 =	sshll.u32 s9, $0x9;
	[dreg:$0x7] =	wrdreg s28;
	s8 =	simm.s32 @!p0 $0x0  }
.Ltmp0:
0xf: {  	s29 =	sshll.u32 s7, $0xB;
	s8 =	ssub.s32 s6, s8;
	(pc) =	sbr.rel .LBB2_1-.Ltmp0, $4  }
0x10: {  	v0 =	vlaneseq.u32;
	s11 =	sshrl.u32 s30, $0x1;
	s7 =	simm.s32 $0x1;
	s8 =	sshll.u32 s8, $0x7  }
0x11: {  	v1 =	vmul.u32 $0x80, v0;
	s3 =	sadd.s32 s29, s3;
	s31 =	sadd.s32 s5, s29;
	s8 =	sand.u32 $0x1FFFFF80, s8  }
0x12: {  	s12 =	ssub.s32 s30, s11;
	[dreg:$0x9] =	wrdreg s31;
	s0 =	sadd.s32 s0, s8  }
0x13: {  	v3 =	vor.u32 $0x10, v0;
	v2 =	vor.u32 $0x800, v1;
	s11 =	sadd.s32 $0x1600, s3;
	s12 =	smax.u32 s12, $0x1;
	[dreg:$0x8] =	wrdreg s0  }
.LBB2_4:
0x14: {  	s0 =	rddreg [dreg:$0x9];
	s3 =	simm.s32 $0x10480  }
0x15: {  	[hbm4b:s0+s4] =	stream.linear.scatter [tilespmem:s3], [sflag:$0x3], $0x4000, $0x38;
	[tilespmem:$0x1C480] =	vst v63  }
0x16: {  	s22 =	sadd.s32 $0x1, s22;
	_ =	swait.ge [sflag:s13], $0x4000  }
0x17: {  	p0 =	sne.s32 s22, s12;
	[sflag:s13] =	ssyncset.done $0x0  }
.Ltmp1:
0x18: {  	s31 =	simm.s32 $0x14480;
	[sflag:s13] =	ssyncadd.s32 $0xFFFFC000;
	(pc) =	sbr.rel @!p0 .LBB2_5-.Ltmp1, $4  }
0x19: {  	[hbm4b:s11+s4] =	stream.linear.scatter [tilespmem:s31], [sflag:$0x3], $0x4000, $0x38;
	[tilespmem:$0x1C480] =	vst v63  }
0x1a: {  	_ =	swait.ge [sflag:s13], $0x4000  }
0x1b: {  	[sflag:s13] =	ssyncset.done $0x0  }
0x1c: {  	[sflag:s13] =	ssyncadd.s32 $0xFFFFC000  }
.LBB2_1:
0x1d: {  	s0 =	rddreg [dreg:$0x8]  }
0x1e: {  	[tilespmem:s4], [sflag:$0x3] =	stream.linear.gather [hbm4b:s0+s4], $0x400, $0x38;
	[tilespmem:$0x1C480] =	vst v63  }
0x1f: {  	_ =	swait.ge [sflag:s13], $0x400  }
0x20: {  	[sflag:s13] =	ssyncset.done $0x0  }
0x21: {  	s29 =	rddreg [dreg:$0x6];
	[sflag:s13] =	ssyncadd.s32 $0xFFFFFC00  }
0x22: {  	[tilespmem:s14], [sflag:$0x3] =	stream.linear.gather [hbm4b:s29+s4], $0x2000, $0x38;
	[tilespmem:$0x1C480] =	vst v63  }
0x23: {  	_ =	swait.ge [sflag:s13], $0x2000  }
0x24: {  	[sflag:s13] =	ssyncset.done $0x0  }
0x25: {  	s30 =	rddreg [dreg:$0x7];
	[sflag:s13] =	ssyncadd.s32 $0xFFFFE000  }
0x26: {  	[tilespmem:s15], [sflag:$0x3] =	stream.linear.gather [hbm4b:s30+s4], $0x2000, $0x38;
	[tilespmem:$0x1C480] =	vst v63  }
0x27: {  	_ =	swait.ge [sflag:s13], $0x2000  }
0x28: {  	[sflag:s13] =	ssyncset.done $0x0  }
0x29: {  	[sflag:s13] =	ssyncadd.s32 $0xFFFFE000  }
0x2a: {  	v4 =	vld [tilespmem:s9+$0x0];
	_ =	sdelay $0x4  }
0x2b: {  	v4 =	vshra.s32 v4, $0x7  }
0x2c: {  	(v2sf) =	vpush v4, $0x0;
	_ =	sdelay $0x1  }
0x2d: {  	(v2sf) =	vpush v4, $0x1;
	_ =	sdelay $0x5  }
0x2e: {  	(v2sf) =	vpush v4, $0x2;
	_ =	sdelay $0x6  }
0x2f: {  	s0 =	spop (v2sf)  }
0x30: {  	(v2sf) =	vpush v4, $0x3;
	p0 =	slt.s32 s0, $0x1E83  }
0x31: {  	s3 =	spop (v2sf);
	s0 =	simm.s32 @!p0 $0x1E83  }
0x32: {  	p0 =	slt.s32 s3, $0x1E83;
	s5 =	sshll.u32 s0, $0x7  }
0x33: {  	s3 =	simm.s32 @!p0 $0x1E83;
	s5 =	sand.u32 $0x1FFFFF80, s5  }
0x34: {  	p0 =	seq.s32 s3, s0;
	s20 =	sadd.s32 s1, s5  }
0x35: {  	s31 =	sadd.s32 s2, s5;
	s0 =	sshll.u32 @!p0 s3, $0x7;
	s21 =	simm.s32 @!p0 $0x400  }
0x36: {  	(v2sf) =	vpush v4, $0x4;
	[tilespmem:s18], [sflag:$0x1] =	stream.strided.gather [hbm4b:s20+s16], $0x1000, s17, s16, $0x38;
	[tilespmem:$0x1C480] =	vst v63  }
0x37: {  	s5 =	spop (v2sf);
	s23 =	simm.s32 @!p0 $0x7A1400;
	s0 =	sand.u32 @!p0 $0x1FFFFF80, s0  }
0x38: {  	[tilespmem:s19], [sflag:$0x1] =	stream.strided.gather [hbm4b:s31+s16], $0x1000, s17, s16, $0x38;
	[tilespmem:$0x1C480] =	vst v63  }
0x39: {  	s24 =	simm.s32 @!p0 $0x1480;
	p1 =	slt.s32 s5, $0x1E83;
	s20 =	sadd.s32 @!p0 s1, s0  }
0x3a: {  	[tilespmem:s24], [sflag:$0x1] =	stream.strided.gather @!p0 [hbm4b:s20+s21], $0x1000, s23, s21, $0x38;
	[tilespmem:$0x1C480] =	vst v63  }
0x3b: {  	s5 =	simm.s32 @!p1 $0x1E83;
	s0 =	sadd.s32 @!p0 s2, s0;
	s20 =	simm.s32 @!p0 $0x9480  }
0x3c: {  	[tilespmem:s20], [sflag:$0x1] =	stream.strided.gather @!p0 [hbm4b:s0+s21], $0x1000, s23, s21, $0x38;
	[tilespmem:$0x1C480] =	vst v63  }
0x3d: {  	p0 =	seq.s32 s5, s3  }
0x3e: {  	s0 =	sshll.u32 @!p0 s5, $0x7;
	s21 =	simm.s32 @!p0 $0x400  }
0x3f: {  	s23 =	simm.s32 @!p0 $0x7A1400;
	s0 =	sand.u32 @!p0 $0x1FFFFF80, s0;
	s3 =	spop (v2sf)  }
0x40: {  	s24 =	simm.s32 @!p0 $0x2480;
	s20 =	sadd.s32 @!p0 s1, s0;
	p1 =	slt.s32 s3, $0x1E83  }
0x41: {  	(v2sf) =	vpush v4, $0x5;
	[tilespmem:s24], [sflag:$0x1] =	stream.strided.gather @!p0 [hbm4b:s20+s21], $0x1000, s23, s21, $0x38;
	[tilespmem:$0x1C480] =	vst v63  }
0x42: {  	s0 =	sadd.s32 @!p0 s2, s0;
	s20 =	simm.s32 @!p0 $0xA480;
	s3 =	simm.s32 @!p1 $0x1E83  }
0x43: {  	[tilespmem:s20], [sflag:$0x1] =	stream.strided.gather @!p0 [hbm4b:s0+s21], $0x1000, s23, s21, $0x38;
	[tilespmem:$0x1C480] =	vst v63  }
0x44: {  	p0 =	seq.s32 s3, s5  }
0x45: {  	s5 =	spop (v2sf);
	s0 =	sshll.u32 @!p0 s3, $0x7  }
0x46: {  	(v2sf) =	vpush v4, $0x6;
	p1 =	slt.s32 s5, $0x1E83;
	s21 =	simm.s32 @!p0 $0x400;
	s0 =	sand.u32 @!p0 $0x1FFFFF80, s0  }
0x47: {  	s23 =	simm.s32 @!p0 $0x7A1400;
	s24 =	simm.s32 @!p0 $0x3480;
	s20 =	sadd.s32 @!p0 s1, s0  }
0x48: {  	[tilespmem:s24], [sflag:$0x1] =	stream.strided.gather @!p0 [hbm4b:s20+s21], $0x1000, s23, s21, $0x38;
	[tilespmem:$0x1C480] =	vst v63  }
0x49: {  	s5 =	simm.s32 @!p1 $0x1E83;
	s0 =	sadd.s32 @!p0 s2, s0;
	s20 =	simm.s32 @!p0 $0xB480  }
0x4a: {  	[tilespmem:s20], [sflag:$0x1] =	stream.strided.gather @!p0 [hbm4b:s0+s21], $0x1000, s23, s21, $0x38;
	[tilespmem:$0x1C480] =	vst v63  }
0x4b: {  	p0 =	seq.s32 s5, s3  }
0x4c: {  	s0 =	sshll.u32 @!p0 s5, $0x7  }
0x4d: {  	s21 =	simm.s32 @!p0 $0x400;
	s0 =	sand.u32 @!p0 $0x1FFFFF80, s0  }
0x4e: {  	s23 =	simm.s32 @!p0 $0x7A1400;
	s24 =	simm.s32 @!p0 $0x4480;
	s20 =	sadd.s32 @!p0 s1, s0  }
0x4f: {  	[tilespmem:s24], [sflag:$0x2] =	stream.strided.gather @!p0 [hbm4b:s20+s21], $0x1000, s23, s21, $0x38;
	[tilespmem:$0x1C480] =	vst v63  }
0x50: {  	s0 =	sadd.s32 @!p0 s2, s0;
	s20 =	simm.s32 @!p0 $0xC480;
	s3 =	spop (v2sf)  }
0x51: {  	(v2sf) =	vpush v4, $0x7;
	[tilespmem:s20], [sflag:$0x2] =	stream.strided.gather @!p0 [hbm4b:s0+s21], $0x1000, s23, s21, $0x38;
	[tilespmem:$0x1C480] =	vst v63  }
0x52: {  	p1 =	slt.s32 s3, $0x1E83  }
0x53: {  	s3 =	simm.s32 @!p1 $0x1E83  }
0x54: {  	p0 =	seq.s32 s3, s5  }
0x55: {  	s5 =	spop (v2sf);
	s0 =	sshll.u32 @!p0 s3, $0x7  }
0x56: {  	p1 =	slt.s32 s5, $0x1E83;
	s21 =	simm.s32 @!p0 $0x400;
	s0 =	sand.u32 @!p0 $0x1FFFFF80, s0  }
0x57: {  	s23 =	simm.s32 @!p0 $0x7A1400;
	s24 =	simm.s32 @!p0 $0x5480;
	s20 =	sadd.s32 @!p0 s1, s0  }
0x58: {  	[tilespmem:s24], [sflag:$0x2] =	stream.strided.gather @!p0 [hbm4b:s20+s21], $0x1000, s23, s21, $0x38;
	[tilespmem:$0x1C480] =	vst v63  }
0x59: {  	s5 =	simm.s32 @!p1 $0x1E83;
	s0 =	sadd.s32 @!p0 s2, s0;
	s20 =	simm.s32 @!p0 $0xD480  }
0x5a: {  	[tilespmem:s20], [sflag:$0x2] =	stream.strided.gather @!p0 [hbm4b:s0+s21], $0x1000, s23, s21, $0x38;
	[tilespmem:$0x1C480] =	vst v63  }
0x5b: {  	p0 =	seq.s32 s5, s3  }
0x5c: {  	s0 =	sshll.u32 @!p0 s5, $0x7  }
0x5d: {  	s21 =	simm.s32 @!p0 $0x400;
	s0 =	sand.u32 @!p0 $0x1FFFFF80, s0  }
0x5e: {  	s23 =	simm.s32 @!p0 $0x7A1400;
	s24 =	simm.s32 @!p0 $0x6480;
	s20 =	sadd.s32 @!p0 s1, s0  }
0x5f: {  	[tilespmem:s24], [sflag:$0x2] =	stream.strided.gather @!p0 [hbm4b:s20+s21], $0x1000, s23, s21, $0x38;
	[tilespmem:$0x1C480] =	vst v63  }
0x60: {  	s0 =	sadd.s32 @!p0 s2, s0;
	s20 =	simm.s32 @!p0 $0xE480;
	s3 =	spop (v2sf)  }
0x61: {  	[tilespmem:s20], [sflag:$0x2] =	stream.strided.gather @!p0 [hbm4b:s0+s21], $0x1000, s23, s21, $0x38;
	[tilespmem:$0x1C480] =	vst v63  }
0x62: {  	p1 =	slt.s32 s3, $0x1E83  }
0x63: {  	s3 =	simm.s32 @!p1 $0x1E83  }
0x64: {  	p0 =	seq.s32 s3, s5  }
0x65: {  	s25 =	simm.s32 $0x0;
	s0 =	sshll.u32 @!p0 s3, $0x7  }
0x66: {  	s24 =	simm.s32 $0x10500;
	s5 =	simm.s32 @!p0 $0x400;
	s0 =	sand.u32 @!p0 $0x1FFFFF80, s0  }
0x67: {  	s20 =	simm.s32 @!p0 $0x7A1400;
	s21 =	simm.s32 @!p0 $0x7480;
	s3 =	sadd.s32 @!p0 s1, s0  }
0x68: {  	[tilespmem:s21], [sflag:$0x2] =	stream.strided.gather @!p0 [hbm4b:s3+s5], $0x1000, s20, s5, $0x38;
	[tilespmem:$0x1C480] =	vst v63  }
0x69: {  	s23 =	simm.s32 $0x14500;
	s0 =	sadd.s32 @!p0 s2, s0;
	s3 =	simm.s32 @!p0 $0xF480  }
0x6a: {  	[tilespmem:s3], [sflag:$0x2] =	stream.strided.gather @!p0 [hbm4b:s0+s5], $0x1000, s20, s5, $0x38;
	[tilespmem:$0x1C480] =	vst v63  }
.LBB2_2:
0x6b: {  	s0 =	sand.u32 $0x180, s25  }
0x6c: {  	s3 =	sand.u32 $0x78, s25;
	s0 =	sadd.s32 s0, s9  }
0x6d: {  	s0 =	sadd.s32 s3, s0  }
0x6e: {  	v4 =	vld [tilespmem:s0+$0x0];
	_ =	sdelay $0x4  }
0x6f: {  	(v2sf) =	vpush v4, $0x0  }
0x70: {  	(v2sf) =	vpush v4, $0x1  }
0x71: {  	(v2sf) =	vpush v4, $0x2  }
0x72: {  	(v2sf) =	vpush v4, $0x3  }
0x73: {  	(v2sf) =	vpush v4, $0x4  }
0x74: {  	(v2sf) =	vpush v4, $0x5  }
0x75: {  	(v2sf) =	vpush v4, $0x6  }
0x76: {  	(v2sf) =	vpush v4, $0x7;
	_ =	sdelay $0x7  }
0x77: {  	s31 =	spop (v2sf)  }
0x78: {  	s20 =	spop (v2sf)  }
0x79: {  	s0 =	spop (v2sf)  }
0x7a: {  	s3 =	spop (v2sf)  }
0x7b: {  	s30 =	spop (v2sf)  }
0x7c: {  	s29 =	spop (v2sf)  }
0x7d: {  	s28 =	spop (v2sf)  }
0x7e: {  	s26 =	spop (v2sf)  }
0x7f: {  	_ =	swait.ge [sflag:s7], $0x1000  }
0x80: {  	s21 =	sshra.s32 s31, $0x7;
	s5 =	sshra.s32 s20, $0x7;
	[sflag:s7] =	ssyncset.done $0x0  }
0x81: {  	p0 =	slt.s32 s21, $0x1E83;
	p1 =	slt.s32 s5, $0x1E83;
	[sflag:s7] =	ssyncadd.s32 $0xFFFFF000  }
0x82: {  	s21 =	simm.s32 @!p0 $0x1E83;
	s5 =	simm.s32 @!p1 $0x1E83;
	_ =	swait.ge [sflag:s7], $0x1000  }
0x83: {  	p0 =	seq.s32 s5, s21;
	[sflag:s7] =	ssyncset.done $0x0  }
0x84: {  	s6 =	simm.s32 @!p0 $0x1;
	[sflag:s7] =	ssyncadd.s32 $0xFFFFF000  }
0x85: {  	_ =	swait.ge @!p0 [sflag:s6], $0x1000  }
0x86: {  	s8 =	sshra.s32 s0, $0x7;
	[sflag:s6] =	ssyncset.done @!p0 $0x0  }
0x87: {  	p1 =	slt.s32 s8, $0x1E83;
	[sflag:s6] =	ssyncadd.s32 @!p0 $0xFFFFF000  }
0x88: {  	s8 =	simm.s32 @!p1 $0x1E83;
	_ =	swait.ge @!p0 [sflag:s6], $0x1000  }
0x89: {  	p5 =	seq.s32 s8, s5;
	[sflag:s6] =	ssyncset.done @!p0 $0x0  }
0x8a: {  	[sflag:s6] =	ssyncadd.s32 @!p0 $0xFFFFF000;
	s6 =	simm.s32 @!p5 $0x1  }
0x8b: {  	_ =	swait.ge @!p5 [sflag:s6], $0x1000  }
0x8c: {  	s10 =	sshra.s32 s3, $0x7;
	[sflag:s6] =	ssyncset.done @!p5 $0x0  }
0x8d: {  	p0 =	slt.s32 s10, $0x1E83;
	[sflag:s6] =	ssyncadd.s32 @!p5 $0xFFFFF000  }
0x8e: {  	s10 =	simm.s32 @!p0 $0x1E83;
	_ =	swait.ge @!p5 [sflag:s6], $0x1000  }
0x8f: {  	p4 =	seq.s32 s10, s8;
	[sflag:s6] =	ssyncset.done @!p5 $0x0  }
0x90: {  	[sflag:s6] =	ssyncadd.s32 @!p5 $0xFFFFF000;
	s6 =	simm.s32 @!p4 $0x1  }
0x91: {  	_ =	swait.ge @!p4 [sflag:s6], $0x1000  }
0x92: {  	s8 =	sshra.s32 s30, $0x7;
	[sflag:s6] =	ssyncset.done @!p4 $0x0  }
0x93: {  	p0 =	slt.s32 s8, $0x1E83;
	[sflag:s6] =	ssyncadd.s32 @!p4 $0xFFFFF000  }
0x94: {  	s8 =	simm.s32 @!p0 $0x1E83;
	_ =	swait.ge @!p4 [sflag:s6], $0x1000  }
0x95: {  	p3 =	seq.s32 s8, s10;
	[sflag:s6] =	ssyncset.done @!p4 $0x0  }
0x96: {  	s10 =	sshra.s32 s29, $0x7;
	[sflag:s6] =	ssyncadd.s32 @!p4 $0xFFFFF000;
	s6 =	simm.s32 @!p3 $0x2  }
0x97: {  	p0 =	slt.s32 s10, $0x1E83;
	_ =	swait.ge @!p3 [sflag:s6], $0x1000  }
0x98: {  	s10 =	simm.s32 @!p0 $0x1E83;
	[sflag:s6] =	ssyncset.done @!p3 $0x0  }
0x99: {  	p2 =	seq.s32 s10, s8;
	[sflag:s6] =	ssyncadd.s32 @!p3 $0xFFFFF000  }
0x9a: {  	s8 =	simm.s32 @!p2 $0x0;
	_ =	swait.ge @!p3 [sflag:s6], $0x1000  }
0x9b: {  	s8 =	simm.s32 @p2 $0x1;
	[sflag:s6] =	ssyncset.done @!p3 $0x0  }
0x9c: {  	[smem:$0x7FB] =	sst s8;
	[sflag:s6] =	ssyncadd.s32 @!p3 $0xFFFFF000;
	s6 =	simm.s32 @!p2 $0x2  }
0x9d: {  	_ =	swait.ge @!p2 [sflag:s6], $0x1000  }
0x9e: {  	s8 =	sshra.s32 s28, $0x7;
	[sflag:s6] =	ssyncset.done @!p2 $0x0  }
0x9f: {  	p0 =	slt.s32 s8, $0x1E83;
	[sflag:s6] =	ssyncadd.s32 @!p2 $0xFFFFF000  }
0xa0: {  	s8 =	simm.s32 @!p0 $0x1E83;
	_ =	swait.ge @!p2 [sflag:s6], $0x1000  }
0xa1: {  	p1 =	seq.s32 s8, s10;
	[sflag:s6] =	ssyncset.done @!p2 $0x0  }
0xa2: {  	[sflag:s6] =	ssyncadd.s32 @!p2 $0xFFFFF000;
	s6 =	simm.s32 @!p1 $0x2  }
0xa3: {  	_ =	swait.ge @!p1 [sflag:s6], $0x1000  }
0xa4: {  	s10 =	sshra.s32 s26, $0x7;
	[sflag:s6] =	ssyncset.done @!p1 $0x0  }
0xa5: {  	p0 =	slt.s32 s10, $0x1E83;
	[sflag:s6] =	ssyncadd.s32 @!p1 $0xFFFFF000  }
0xa6: {  	s10 =	simm.s32 @!p0 $0x1E83;
	_ =	swait.ge @!p1 [sflag:s6], $0x1000  }
0xa7: {  	[sflag:s6] =	ssyncset.done @!p1 $0x0;
	[smem:$0x7FA] =	sst s0;
	s0 =	simm.s32 @!p1 $0x0  }
0xa8: {  	p0 =	seq.s32 s10, s8;
	s0 =	simm.s32 @p1 $0x1  }
0xa9: {  	s8 =	simm.s32 @!p0 $0x0;
	[smem:$0x7FC] =	sst s0  }
0xaa: {  	p6 =	slt.s32 s31, $0xF4200;
	s8 =	simm.s32 @p0 $0x1;
	s0 =	sld [smem:$0x7FA]  }
0xab: {  	p2 =	sgt.s32 s31, $0xF41FF;
	[smem:$0x7FD] =	sst s8;
	s8 =	sadd.s32 $0xFFF0BE00, s31  }
0xac: {  	s31 =	simm.s32 @!p6 $0xF4200;
	[sflag:s6] =	ssyncadd.s32 @!p1 $0xFFFFF000;
	s6 =	simm.s32 @!p0 $0x2  }
0xad: {  	_ =	swait.ge @!p0 [sflag:s6], $0x1000;
	s31 =	sand.u32 $0x7F, s31  }
0xae: {  	[sflag:s6] =	ssyncset.done @!p0 $0x0;
	v5 =	vor.u32 s31, v1  }
0xaf: {  	p6 =	sgt.s32 s8, $0x0;
	v6 =	vor.u32 s31, v2;
	[sflag:s6] =	ssyncadd.s32 @!p0 $0xFFFFF000  }
0xb0: {  	s8 =	simm.s32 @!p6 $0x0;
	_ =	swait.ge @!p0 [sflag:s6], $0x1000  }
0xb1: {  	s8 =	sshll.u32 s8, $0x7;
	[sflag:s6] =	ssyncset.done @!p0 $0x0  }
0xb2: {  	v7 =	vor.u32 s8, v0;
	[sflag:s6] =	ssyncadd.s32 @!p0 $0xFFFFF000  }
0xb3: {  	v9 =	vor.u32 s8, v3;
	v8 =	vld.idx.msk [tilespmem:v5+s18+$0x0], $0xffff  }
0xb4: {  	v10 =	vld.idx.msk [tilespmem:v6+s18+$0x0], $0xffff  }
0xb5: {  	v5 =	vld.idx.msk [tilespmem:v5+s19+$0x0], $0xffff  }
0xb6: {  	v6 =	vld.idx.msk [tilespmem:v6+s19+$0x0], $0xffff  }
0xb7: {  	p1 =	sne.s32 s5, s21;
	v11 =	vld.idx.msk [tilespmem:v7+s14+$0x0], $0xffff  }
0xb8: {  	s31 =	simm.s32 $0x1;
	p6 =	sgt.s32 s20, $0xF41FF;
	p0 =	slt.s32 s20, $0xF4200;
	v12 =	vld.idx.msk [tilespmem:v9+s14+$0x0], $0xffff  }
0xb9: {  	s31 =	simm.s32 @!p1 $0x0;
	s6 =	sadd.s32 $0xFFF0BE00, s20;
	s20 =	simm.s32 @!p0 $0xF4200;
	v7 =	vld.idx.msk [tilespmem:v7+s15+$0x0], $0xffff  }
0xba: {  	s21 =	sshll.u32 s31, $0xC;
	s20 =	sand.u32 $0x7F, s20;
	v9 =	vld.idx.msk [tilespmem:v9+s15+$0x0], $0xffff  }
0xbb: {  	s5 =	sor.u32 s20, s21  }
0xbc: {  	v29 =	vor.u32 s5, v1;
	v8 =	vpsel p2, v11, v8  }
0xbd: {  	p0 =	sgt.s32 s6, $0x0;
	v30 =	vor.u32 s5, v2;
	v10 =	vpsel p2, v12, v10;
	[tilespmem:s24+$0xFFFFFF80] =	vst v8  }
0xbe: {  	s6 =	simm.s32 @!p0 $0x0;
	v5 =	vpsel p2, v7, v5;
	[tilespmem:s24+$0xFFFFFF90] =	vst v10  }
0xbf: {  	s6 =	sshll.u32 s6, $0x7;
	v6 =	vpsel p2, v9, v6;
	[tilespmem:s23+$0xFFFFFF80] =	vst v5  }
0xc0: {  	v7 =	vor.u32 s6, v3;
	[tilespmem:s23+$0xFFFFFF90] =	vst v6  }
0xc1: {  	v5 =	vor.u32 s6, v0;
	v6 =	vld.idx.msk [tilespmem:v29+s18+$0x0], $0xffff  }
0xc2: {  	v31 =	vld.idx.msk [tilespmem:v30+s18+$0x0], $0xffff  }
0xc3: {  	v10 =	vld.idx.msk [tilespmem:v29+s19+$0x0], $0xffff  }
0xc4: {  	v8 =	vld.idx.msk [tilespmem:v30+s19+$0x0], $0xffff  }
0xc5: {  	v33 =	vld.idx.msk [tilespmem:v7+s14+$0x0], $0xffff  }
0xc6: {  	p1 =	slt.s32 s0, $0xF4200;
	s31 =	simm.s32 @!p5 $0x2;
	v32 =	vld.idx.msk [tilespmem:v5+s14+$0x0], $0xffff  }
0xc7: {  	p0 =	sgt.s32 s0, $0xF41FF;
	s5 =	sadd.s32 $0xFFF0BE00, s0;
	s0 =	simm.s32 @!p1 $0xF4200;
	v5 =	vld.idx.msk [tilespmem:v5+s15+$0x0], $0xffff  }
0xc8: {  	s8 =	sshll.u32 s31, $0xC;
	s0 =	sand.u32 $0x7F, s0;
	v7 =	vld.idx.msk [tilespmem:v7+s15+$0x0], $0xffff  }
0xc9: {  	p1 =	sgt.s32 s5, $0x0;
	s0 =	sor.u32 s0, s8  }
0xca: {  	s5 =	simm.s32 @!p1 $0x0;
	v34 =	vor.u32 s0, v1;
	v9 =	vpsel p6, v33, v31  }
0xcb: {  	s10 =	sshll.u32 s5, $0x7;
	[tilespmem:s24+$0xFFFFFFB0] =	vst v9;
	v6 =	vpsel p6, v32, v6  }
0xcc: {  	v35 =	vor.u32 s10, v3;
	v5 =	vpsel p6, v5, v10;
	[tilespmem:s24+$0xFFFFFFA0] =	vst v6  }
0xcd: {  	v7 =	vpsel p6, v7, v8;
	[tilespmem:s23+$0xFFFFFFA0] =	vst v5  }
0xce: {  	v6 =	vor.u32 s0, v2;
	[tilespmem:s23+$0xFFFFFFB0] =	vst v7  }
0xcf: {  	v5 =	vor.u32 s10, v0;
	v7 =	vld.idx.msk [tilespmem:v34+s18+$0x0], $0xffff  }
0xd0: {  	v36 =	vld.idx.msk [tilespmem:v34+s19+$0x0], $0xffff  }
0xd1: {  	v38 =	vld.idx.msk [tilespmem:v35+s14+$0x0], $0xffff  }
0xd2: {  	v8 =	vld.idx.msk [tilespmem:v35+s15+$0x0], $0xffff  }
0xd3: {  	v9 =	vld.idx.msk [tilespmem:v6+s18+$0x0], $0xffff  }
0xd4: {  	s31 =	simm.s32 @!p4 $0x3;
	p1 =	slt.s32 s3, $0xF4200;
	v37 =	vld.idx.msk [tilespmem:v5+s14+$0x0], $0xffff  }
0xd5: {  	p2 =	sgt.s32 s3, $0xF41FF;
	s0 =	sadd.s32 $0xFFF0BE00, s3;
	s3 =	simm.s32 @!p1 $0xF4200;
	v5 =	vld.idx.msk [tilespmem:v5+s15+$0x0], $0xffff  }
0xd6: {  	s20 =	sshll.u32 s31, $0xC;
	s3 =	sand.u32 $0x7F, s3;
	v6 =	vld.idx.msk [tilespmem:v6+s19+$0x0], $0xffff  }
0xd7: {  	p1 =	sgt.s32 s0, $0x0;
	s3 =	sor.u32 s3, s20  }
0xd8: {  	s0 =	simm.s32 @!p1 $0x0;
	v39 =	vor.u32 s3, v1;
	v9 =	vpsel p0, v38, v9  }
0xd9: {  	s0 =	sshll.u32 s0, $0x7;
	v7 =	vpsel p0, v37, v7;
	[tilespmem:s24+$0xFFFFFFD0] =	vst v9  }
0xda: {  	v40 =	vor.u32 s0, v3;
	v5 =	vpsel p0, v5, v36;
	[tilespmem:s24+$0xFFFFFFC0] =	vst v7  }
0xdb: {  	v6 =	vpsel p0, v8, v6;
	[tilespmem:s23+$0xFFFFFFC0] =	vst v5  }
0xdc: {  	v7 =	vor.u32 s3, v2;
	[tilespmem:s23+$0xFFFFFFD0] =	vst v6  }
0xdd: {  	v5 =	vor.u32 s0, v0;
	v6 =	vld.idx.msk [tilespmem:v39+s18+$0x0], $0xffff  }
0xde: {  	v41 =	vld.idx.msk [tilespmem:v39+s19+$0x0], $0xffff  }
0xdf: {  	v43 =	vld.idx.msk [tilespmem:v40+s14+$0x0], $0xffff  }
0xe0: {  	v8 =	vld.idx.msk [tilespmem:v40+s15+$0x0], $0xffff  }
0xe1: {  	v9 =	vld.idx.msk [tilespmem:v7+s18+$0x0], $0xffff  }
0xe2: {  	s31 =	simm.s32 @!p3 $0x4;
	p0 =	slt.s32 s30, $0xF4200;
	v42 =	vld.idx.msk [tilespmem:v5+s14+$0x0], $0xffff  }
0xe3: {  	p6 =	sgt.s32 s30, $0xF41FF;
	s0 =	sadd.s32 $0xFFF0BE00, s30;
	s30 =	simm.s32 @!p0 $0xF4200;
	v5 =	vld.idx.msk [tilespmem:v5+s15+$0x0], $0xffff  }
0xe4: {  	s21 =	sand.u32 $0x7F, s30;
	s30 =	sshll.u32 s31, $0xC;
	v7 =	vld.idx.msk [tilespmem:v7+s19+$0x0], $0xffff  }
0xe5: {  	p0 =	sgt.s32 s0, $0x0;
	s3 =	sor.u32 s21, s30  }
0xe6: {  	s0 =	simm.s32 @!p0 $0x0;
	v44 =	vor.u32 s3, v1;
	v9 =	vpsel p2, v43, v9  }
0xe7: {  	s0 =	sshll.u32 s0, $0x7;
	v6 =	vpsel p2, v42, v6;
	[tilespmem:s24+$0xFFFFFFF0] =	vst v9  }
0xe8: {  	v45 =	vor.u32 s0, v3;
	v5 =	vpsel p2, v5, v41;
	[tilespmem:s24+$0xFFFFFFE0] =	vst v6  }
0xe9: {  	v7 =	vpsel p2, v8, v7;
	[tilespmem:s23+$0xFFFFFFE0] =	vst v5  }
0xea: {  	v6 =	vor.u32 s3, v2;
	[tilespmem:s23+$0xFFFFFFF0] =	vst v7  }
0xeb: {  	v5 =	vor.u32 s0, v0;
	v7 =	vld.idx.msk [tilespmem:v44+s18+$0x0], $0xffff  }
0xec: {  	s5 =	sld [smem:$0x7FB];
	v46 =	vld.idx.msk [tilespmem:v44+s19+$0x0], $0xffff  }
0xed: {  	v48 =	vld.idx.msk [tilespmem:v45+s14+$0x0], $0xffff  }
0xee: {  	v8 =	vld.idx.msk [tilespmem:v45+s15+$0x0], $0xffff  }
0xef: {  	p1 =	seq.s32 s5, $0x1;
	v9 =	vld.idx.msk [tilespmem:v6+s18+$0x0], $0xffff  }
0xf0: {  	s31 =	simm.s32 @!p1 $0x5;
	p0 =	slt.s32 s29, $0xF4200;
	v47 =	vld.idx.msk [tilespmem:v5+s14+$0x0], $0xffff  }
0xf1: {  	p2 =	sgt.s32 s29, $0xF41FF;
	s0 =	sadd.s32 $0xFFF0BE00, s29;
	s29 =	simm.s32 @!p0 $0xF4200;
	v5 =	vld.idx.msk [tilespmem:v5+s15+$0x0], $0xffff  }
0xf2: {  	s8 =	sshll.u32 s31, $0xC;
	s6 =	sand.u32 $0x7F, s29;
	v6 =	vld.idx.msk [tilespmem:v6+s19+$0x0], $0xffff  }
0xf3: {  	p0 =	sgt.s32 s0, $0x0;
	s3 =	sor.u32 s6, s8  }
0xf4: {  	s0 =	simm.s32 @!p0 $0x0;
	v49 =	vor.u32 s3, v1;
	v9 =	vpsel p6, v48, v9  }
0xf5: {  	s0 =	sshll.u32 s0, $0x7;
	v7 =	vpsel p6, v47, v7;
	[tilespmem:s24+$0x10] =	vst v9  }
0xf6: {  	v50 =	vor.u32 s0, v3;
	v5 =	vpsel p6, v5, v46;
	[tilespmem:s24+$0x0] =	vst v7  }
0xf7: {  	v6 =	vpsel p6, v8, v6;
	[tilespmem:s23+$0x0] =	vst v5  }
0xf8: {  	v7 =	vor.u32 s3, v2;
	[tilespmem:s23+$0x10] =	vst v6  }
0xf9: {  	v5 =	vor.u32 s0, v0;
	v6 =	vld.idx.msk [tilespmem:v49+s18+$0x0], $0xffff  }
0xfa: {  	v51 =	vld.idx.msk [tilespmem:v49+s19+$0x0], $0xffff  }
0xfb: {  	s10 =	sld [smem:$0x7FC];
	v53 =	vld.idx.msk [tilespmem:v50+s14+$0x0], $0xffff  }
0xfc: {  	v8 =	vld.idx.msk [tilespmem:v50+s15+$0x0], $0xffff  }
0xfd: {  	v9 =	vld.idx.msk [tilespmem:v7+s18+$0x0], $0xffff  }
0xfe: {  	p5 =	sgt.s32 s28, $0xF41FF;
	p1 =	seq.s32 s10, $0x1;
	p0 =	slt.s32 s28, $0xF4200;
	v52 =	vld.idx.msk [tilespmem:v5+s14+$0x0], $0xffff  }
0xff: {  	s31 =	simm.s32 @!p1 $0x6;
	s0 =	sadd.s32 $0xFFF0BE00, s28;
	s28 =	simm.s32 @!p0 $0xF4200;
	v5 =	vld.idx.msk [tilespmem:v5+s15+$0x0], $0xffff  }
0x100: {  	s21 =	sshll.u32 s31, $0xC;
	s20 =	sand.u32 $0x7F, s28;
	v7 =	vld.idx.msk [tilespmem:v7+s19+$0x0], $0xffff  }
0x101: {  	p0 =	sgt.s32 s0, $0x0;
	s3 =	sor.u32 s20, s21  }
0x102: {  	s0 =	simm.s32 @!p0 $0x0;
	v54 =	vor.u32 s3, v1;
	v9 =	vpsel p2, v53, v9  }
0x103: {  	s0 =	sshll.u32 s0, $0x7;
	v6 =	vpsel p2, v52, v6;
	[tilespmem:s24+$0x30] =	vst v9  }
0x104: {  	v55 =	vor.u32 s0, v3;
	v5 =	vpsel p2, v5, v51;
	[tilespmem:s24+$0x20] =	vst v6  }
0x105: {  	v7 =	vpsel p2, v8, v7;
	[tilespmem:s23+$0x20] =	vst v5  }
0x106: {  	v6 =	vor.u32 s3, v2;
	[tilespmem:s23+$0x30] =	vst v7  }
0x107: {  	v5 =	vor.u32 s0, v0;
	v7 =	vld.idx.msk [tilespmem:v54+s18+$0x0], $0xffff  }
0x108: {  	s29 =	sld [smem:$0x7FD];
	v56 =	vld.idx.msk [tilespmem:v54+s19+$0x0], $0xffff  }
0x109: {  	v58 =	vld.idx.msk [tilespmem:v55+s14+$0x0], $0xffff  }
0x10a: {  	v8 =	vld.idx.msk [tilespmem:v55+s15+$0x0], $0xffff  }
0x10b: {  	p3 =	seq.s32 s29, $0x1;
	v9 =	vld.idx.msk [tilespmem:v6+s18+$0x0], $0xffff  }
0x10c: {  	v13 =	vshra.s32 v4, $0x7;
	s31 =	simm.s32 @!p3 $0x7;
	p0 =	slt.s32 s26, $0xF4200;
	v57 =	vld.idx.msk [tilespmem:v5+s14+$0x0], $0xffff  }
0x10d: {  	(v2sf) =	vpush v13, $0x9;
	p6 =	sgt.s32 s26, $0xF41FF;
	s0 =	sadd.s32 $0xFFF0BE00, s26;
	s26 =	simm.s32 @!p0 $0xF4200;
	v5 =	vld.idx.msk [tilespmem:v5+s15+$0x0], $0xffff  }
0x10e: {  	(v2sf) =	vpush v13, $0xA;
	s31 =	sshll.u32 s31, $0xC;
	s30 =	sand.u32 $0x7F, s26;
	v6 =	vld.idx.msk [tilespmem:v6+s19+$0x0], $0xffff  }
0x10f: {  	(v2sf) =	vpush v13, $0xB;
	p0 =	sgt.s32 s0, $0x0;
	s3 =	sor.u32 s30, s31  }
0x110: {  	(v2sf) =	vpush v13, $0xC;
	s0 =	simm.s32 @!p0 $0x0;
	v59 =	vor.u32 s3, v1;
	v9 =	vpsel p5, v58, v9  }
0x111: {  	(v2sf) =	vpush v13, $0xD;
	s0 =	sshll.u32 s0, $0x7;
	v7 =	vpsel p5, v57, v7;
	[tilespmem:s24+$0x50] =	vst v9  }
0x112: {  	(v2sf) =	vpush v13, $0xE;
	v60 =	vor.u32 s0, v3;
	v5 =	vpsel p5, v5, v56;
	[tilespmem:s24+$0x40] =	vst v7  }
0x113: {  	(v2sf) =	vpush v13, $0xF;
	v6 =	vpsel p5, v8, v6;
	[tilespmem:s23+$0x40] =	vst v5  }
0x114: {  	v7 =	vor.u32 s3, v2;
	[tilespmem:s23+$0x50] =	vst v6  }
0x115: {  	v5 =	vor.u32 s0, v0;
	v6 =	vld.idx.msk [tilespmem:v59+s18+$0x0], $0xffff  }
0x116: {  	v61 =	vld.idx.msk [tilespmem:v59+s19+$0x0], $0xffff  }
0x117: {  	v63 =	vld.idx.msk [tilespmem:v60+s14+$0x0], $0xffff  }
0x118: {  	v8 =	vld.idx.msk [tilespmem:v60+s15+$0x0], $0xffff  }
0x119: {  	v9 =	vld.idx.msk [tilespmem:v7+s18+$0x0], $0xffff  }
0x11a: {  	v62 =	vld.idx.msk [tilespmem:v5+s14+$0x0], $0xffff  }
0x11b: {  	v5 =	vld.idx.msk [tilespmem:v5+s15+$0x0], $0xffff  }
0x11c: {  	s28 =	spop (v2sf);
	v7 =	vld.idx.msk [tilespmem:v7+s19+$0x0], $0xffff  }
0x11d: {  	s26 =	spop (v2sf);
	p0 =	seq.s32 s25, $0x1F8  }
.Ltmp2:
0x11e: {  	s21 =	spop (v2sf);
	v9 =	vpsel p6, v63, v9;
	(pc) =	sbr.rel @p0 .LBB2_4-.Ltmp2, $4  }
0x11f: {  	s20 =	spop (v2sf);
	v6 =	vpsel p6, v62, v6;
	[tilespmem:s24+$0x70] =	vst v9  }
0x120: {  	s5 =	spop (v2sf);
	v5 =	vpsel p6, v5, v61;
	[tilespmem:s24+$0x60] =	vst v6  }
0x121: {  	s0 =	spop (v2sf);
	v6 =	vpsel p6, v8, v7;
	[tilespmem:s23+$0x60] =	vst v5  }
0x122: {  	s3 =	spop (v2sf);
	[tilespmem:s23+$0x70] =	vst v6  }
0x123: {  	(v2sf) =	vpush v4, $0x8;
	_ =	sdelay $0xe  }
0x124: {  	s6 =	spop (v2sf)  }
0x125: {  	s6 =	sshra.s32 s6, $0x7  }
0x126: {  	p0 =	slt.s32 s6, $0x1E83  }
0x127: {  	s6 =	simm.s32 @!p0 $0x1E83;
	p0 =	slt.s32 s28, $0x1E83  }
0x128: {  	s8 =	sshll.u32 s6, $0x7;
	s28 =	simm.s32 @!p0 $0x1E83  }
0x129: {  	s8 =	sand.u32 $0x1FFFFF80, s8;
	p0 =	seq.s32 s28, s6  }
0x12a: {  	p1 =	slt.s32 s26, $0x1E83;
	s10 =	sadd.s32 s1, s8;
	s6 =	sshll.u32 @!p0 s28, $0x7  }
0x12b: {  	[tilespmem:s18], [sflag:$0x1] =	stream.strided.gather [hbm4b:s10+s16], $0x1000, s17, s16, $0x38;
	[tilespmem:$0x1C480] =	vst v63  }
0x12c: {  	s31 =	sadd.s32 s2, s8;
	s29 =	simm.s32 @!p0 $0x7A1400;
	s6 =	sand.u32 @!p0 $0x1FFFFF80, s6  }
0x12d: {  	[tilespmem:s19], [sflag:$0x1] =	stream.strided.gather [hbm4b:s31+s16], $0x1000, s17, s16, $0x38;
	[tilespmem:$0x1C480] =	vst v63  }
0x12e: {  	s30 =	simm.s32 @!p0 $0x1480;
	s10 =	simm.s32 @!p0 $0x400;
	s8 =	sadd.s32 @!p0 s1, s6  }
0x12f: {  	[tilespmem:s30], [sflag:$0x1] =	stream.strided.gather @!p0 [hbm4b:s8+s10], $0x1000, s29, s10, $0x38;
	[tilespmem:$0x1C480] =	vst v63  }
0x130: {  	s26 =	simm.s32 @!p1 $0x1E83;
	s6 =	sadd.s32 @!p0 s2, s6;
	s8 =	simm.s32 @!p0 $0x9480  }
0x131: {  	[tilespmem:s8], [sflag:$0x1] =	stream.strided.gather @!p0 [hbm4b:s6+s10], $0x1000, s29, s10, $0x38;
	[tilespmem:$0x1C480] =	vst v63  }
0x132: {  	p0 =	seq.s32 s26, s28  }
0x133: {  	s6 =	sshll.u32 @!p0 s26, $0x7  }
0x134: {  	p1 =	slt.s32 s21, $0x1E83;
	s10 =	simm.s32 @!p0 $0x400;
	s6 =	sand.u32 @!p0 $0x1FFFFF80, s6  }
0x135: {  	s28 =	simm.s32 @!p0 $0x7A1400;
	s29 =	simm.s32 @!p0 $0x2480;
	s8 =	sadd.s32 @!p0 s1, s6  }
0x136: {  	[tilespmem:s29], [sflag:$0x1] =	stream.strided.gather @!p0 [hbm4b:s8+s10], $0x1000, s28, s10, $0x38;
	[tilespmem:$0x1C480] =	vst v63  }
0x137: {  	s21 =	simm.s32 @!p1 $0x1E83;
	s6 =	sadd.s32 @!p0 s2, s6;
	s8 =	simm.s32 @!p0 $0xA480  }
0x138: {  	[tilespmem:s8], [sflag:$0x1] =	stream.strided.gather @!p0 [hbm4b:s6+s10], $0x1000, s28, s10, $0x38;
	[tilespmem:$0x1C480] =	vst v63  }
0x139: {  	p0 =	seq.s32 s21, s26  }
0x13a: {  	s6 =	sshll.u32 @!p0 s21, $0x7  }
0x13b: {  	p1 =	slt.s32 s20, $0x1E83;
	s10 =	simm.s32 @!p0 $0x400;
	s6 =	sand.u32 @!p0 $0x1FFFFF80, s6  }
0x13c: {  	s26 =	simm.s32 @!p0 $0x7A1400;
	s28 =	simm.s32 @!p0 $0x3480;
	s8 =	sadd.s32 @!p0 s1, s6  }
0x13d: {  	[tilespmem:s28], [sflag:$0x1] =	stream.strided.gather @!p0 [hbm4b:s8+s10], $0x1000, s26, s10, $0x38;
	[tilespmem:$0x1C480] =	vst v63  }
0x13e: {  	s20 =	simm.s32 @!p1 $0x1E83;
	s6 =	sadd.s32 @!p0 s2, s6;
	s8 =	simm.s32 @!p0 $0xB480  }
0x13f: {  	[tilespmem:s8], [sflag:$0x1] =	stream.strided.gather @!p0 [hbm4b:s6+s10], $0x1000, s26, s10, $0x38;
	[tilespmem:$0x1C480] =	vst v63  }
0x140: {  	p0 =	seq.s32 s20, s21  }
0x141: {  	s6 =	sshll.u32 @!p0 s20, $0x7  }
0x142: {  	p1 =	slt.s32 s5, $0x1E83;
	s10 =	simm.s32 @!p0 $0x400;
	s6 =	sand.u32 @!p0 $0x1FFFFF80, s6  }
0x143: {  	s21 =	simm.s32 @!p0 $0x7A1400;
	s26 =	simm.s32 @!p0 $0x4480;
	s8 =	sadd.s32 @!p0 s1, s6  }
0x144: {  	[tilespmem:s26], [sflag:$0x2] =	stream.strided.gather @!p0 [hbm4b:s8+s10], $0x1000, s21, s10, $0x38;
	[tilespmem:$0x1C480] =	vst v63  }
0x145: {  	s5 =	simm.s32 @!p1 $0x1E83;
	s6 =	sadd.s32 @!p0 s2, s6;
	s8 =	simm.s32 @!p0 $0xC480  }
0x146: {  	[tilespmem:s8], [sflag:$0x2] =	stream.strided.gather @!p0 [hbm4b:s6+s10], $0x1000, s21, s10, $0x38;
	[tilespmem:$0x1C480] =	vst v63  }
0x147: {  	p0 =	seq.s32 s5, s20  }
0x148: {  	s6 =	sshll.u32 @!p0 s5, $0x7  }
0x149: {  	p1 =	slt.s32 s0, $0x1E83;
	s10 =	simm.s32 @!p0 $0x400;
	s6 =	sand.u32 @!p0 $0x1FFFFF80, s6  }
0x14a: {  	s20 =	simm.s32 @!p0 $0x7A1400;
	s21 =	simm.s32 @!p0 $0x5480;
	s8 =	sadd.s32 @!p0 s1, s6  }
0x14b: {  	[tilespmem:s21], [sflag:$0x2] =	stream.strided.gather @!p0 [hbm4b:s8+s10], $0x1000, s20, s10, $0x38;
	[tilespmem:$0x1C480] =	vst v63  }
0x14c: {  	s0 =	simm.s32 @!p1 $0x1E83;
	s6 =	sadd.s32 @!p0 s2, s6;
	s8 =	simm.s32 @!p0 $0xD480  }
0x14d: {  	[tilespmem:s8], [sflag:$0x2] =	stream.strided.gather @!p0 [hbm4b:s6+s10], $0x1000, s20, s10, $0x38;
	[tilespmem:$0x1C480] =	vst v63  }
0x14e: {  	p0 =	seq.s32 s0, s5  }
0x14f: {  	s5 =	sshll.u32 @!p0 s0, $0x7  }
0x150: {  	p1 =	slt.s32 s3, $0x1E83;
	s8 =	simm.s32 @!p0 $0x400;
	s5 =	sand.u32 @!p0 $0x1FFFFF80, s5  }
0x151: {  	s10 =	simm.s32 @!p0 $0x7A1400;
	s20 =	simm.s32 @!p0 $0x6480;
	s6 =	sadd.s32 @!p0 s1, s5  }
0x152: {  	[tilespmem:s20], [sflag:$0x2] =	stream.strided.gather @!p0 [hbm4b:s6+s8], $0x1000, s10, s8, $0x38;
	[tilespmem:$0x1C480] =	vst v63  }
0x153: {  	s3 =	simm.s32 @!p1 $0x1E83;
	s5 =	sadd.s32 @!p0 s2, s5;
	s6 =	simm.s32 @!p0 $0xE480  }
0x154: {  	[tilespmem:s6], [sflag:$0x2] =	stream.strided.gather @!p0 [hbm4b:s5+s8], $0x1000, s10, s8, $0x38;
	[tilespmem:$0x1C480] =	vst v63  }
0x155: {  	p0 =	seq.s32 s3, s0  }
0x156: {  	s25 =	sadd.s32 $0x8, s25;
	s23 =	sadd.s32 $0x100, s23;
	s0 =	sshll.u32 @!p0 s3, $0x7  }
.Ltmp3:
0x157: {  	s5 =	simm.s32 @!p0 $0x400;
	s0 =	sand.u32 @!p0 $0x1FFFFF80, s0;
	(pc) =	sbr.rel .LBB2_2-.Ltmp3, $4  }
0x158: {  	s6 =	simm.s32 @!p0 $0x7A1400;
	s8 =	simm.s32 @!p0 $0x7480;
	s3 =	sadd.s32 @!p0 s1, s0  }
0x159: {  	[tilespmem:s8], [sflag:$0x2] =	stream.strided.gather @!p0 [hbm4b:s3+s5], $0x1000, s6, s5, $0x38;
	[tilespmem:$0x1C480] =	vst v63  }
0x15a: {  	s24 =	sadd.s32 $0x100, s24;
	s0 =	sadd.s32 @!p0 s2, s0;
	s3 =	simm.s32 @!p0 $0xF480  }
0x15b: {  	[tilespmem:s3], [sflag:$0x2] =	stream.strided.gather @!p0 [hbm4b:s0+s5], $0x1000, s6, s5, $0x38;
	[tilespmem:$0x1C480] =	vst v63  }
.LBB2_5:
0x15c: {  	_ =	sfence.sel $0x180000  }
0x15d: {  	[bflag:$0x0] =	sbarrier.arrive $0xFFFF  }
0x15e: {  	_ =	strace $0x90000047  }
0x15f: {  	s0 =	stileid.u32;
	[bflag:$0x2] =	sbarrier.arrive $0xFFFF  }
0x160: {  	p0 =	sne.s32 s0, $0x0;
	s0 =	rddreg [dreg:$0x5]  }
0x161: {  	s0 =	sadd.s32 @!p0 $0x100000, s0  }
0x162: {  	[sflag:s0] =	ssyncadd.tile.s32 @!p0 $0x1;
	_ =	shalt  }
.Lfunc_end2:
_tile_overlayer_lowered:
.L_overlay_start_2:
0x163: {  	(tag) =	ssettag $0x2  }
0x164: {  	s0 =	rddreg [dreg:$0x0];
	s2 =	stileid.u32  }
0x165: {  	s1 =	rddreg [dreg:$0x1];
	p0 =	sne.s32 s2, $0x0  }
0x166: {  	s3 =	rddreg [dreg:$0x2];
	[bflag:$0x3] =	sbarrier.arrive $0xFFFF;
	s2 =	simm.s32 @!p0 $0x1C03  }
0x167: {  	[timem:s3], [sflag:s2] =	dma.local @!p0 [hbm:s0], s1  }
0x168: {  	s0 =	simm.s32 @!p0 $0x3  }
0x169: {  	_ =	swait.ge @!p0 [sflag:s0], s1  }
0x16a: {  	s1 =	ssub.s32 @!p0 $0x0, s1;
	[sflag:s0] =	ssyncset.done @!p0 $0x0  }
0x16b: {  	[sflag:s0] =	ssyncadd.s32 @!p0 s1  }
0x16c: {  	[bflag:$0x3] =	sbarrier.arrive $0xFFFF  }
0x16d: {  	_ =	shalt  }

// kernel: kernel.7.cloned.1.call-start
scs
__scs_entry_jumppad:
0x0: {  	(pc) =	sbr.rel $0x88, $3  }
0x1: {  	(tag) =	ssettag $0x0;
	lr =	simm.s32 $0x1  }
0x2: {  	[smem:$0x3F9C] =	sst lr;
	_ =	strace $0xD0000000  }
0x3: {  	_ = 	snop  }
0x4: {  	_ = 	snop  }
0x5: {  	_ = 	snop  }
0x6: {  	_ = 	snop  }
0x7: {  	_ = 	snop  }
__scs_overlays_trampoline_lowered:
0x8: {  	[smem:$0x3FAB] =	sst s0  }
0x9: {  	[smem:$0x3FAC] =	sst s1  }
0xa: {  	[smem:$0x3FAD] =	sst s2  }
0xb: {  	[smem:$0x3FAE] =	sst s3  }
0xc: {  	[smem:$0x3FAF] =	sst s4  }
0xd: {  	[smem:$0x3FB0] =	sst s5  }
0xe: {  	[smem:$0x3FB1] =	sst s6  }
0xf: {  	[smem:$0x3FB2] =	sst s7  }
0x10: {  	[smem:$0x3FB3] =	sst s8  }
0x11: {  	[smem:$0x3FB4] =	sst s9;
	s0 =	simm.s32 @!p0 $0x0  }
0x12: {  	s1 =	sld [smem:$0x3F9A];
	s0 =	simm.s32 @p0 $0x1  }
0x13: {  	[smem:$0x3FB5] =	sst s0;
	s0 =	simm.s32 @!p1 $0x0  }
0x14: {  	s2 =	sld [smem:$0x3F99];
	s0 =	simm.s32 @p1 $0x1  }
0x15: {  	[smem:$0x3FB6] =	sst s0;
	s0 =	simm.s32 @!p2 $0x0  }
0x16: {  	s3 =	sld [smem:$0x3FDB];
	s0 =	simm.s32 @p2 $0x1  }
0x17: {  	s4 =	simm.s32 $0x1BF5;
	[smem:$0x3FB8] =	sst s0  }
0x18: {  	s0 =	sld [smem:$0x3F9B];
	_ =	swait.ge [sflag:s4], $0x0  }
0x19: {  	s7 =	sld [smem:$0x3F9C]  }
0x1a: {  	s8 =	sadd.s32 $0xFFFFE003, lr  }
0x1b: {  	s9 =	sadd.s32 $0xFFFFFEF7, lr;
	s5 =	simm.s32 $0xFFFFFFFF;
	p2 =	slt.u32 s8, $0xFFFFF086  }
0x1c: {  	p1 =	slt.u32 s9, $0xF7A;
	s5 =	simm.s32 @!p2 $0x0  }
0x1d: {  	s5 =	simm.s32 @p1 $0x1;
	p0 =	seq.s32 s7, s2  }
0x1e: {  	s7 =	smul.u32 @!p0 $0xF7A, s2;
	p2 =	seq.s32 @!p0 s5, $0x0  }
0x1f: {  	s9 =	smul.u32 $0xF7A, s1;
	s8 =	simm.s32 @!p0 $0x1BF5;
	p2 =	por !p2, p0  }
0x20: {  	[sflag:s8] =	ssyncset.s32 @!p0 $0xFFFFF086;
	s6 =	sadd.s32 @!p0 s3, s7;
	s7 =	simm.s32 @!p0 $0x108  }
0x21: {  	s3 =	sadd.s32 s3, s9;
	s6 =	sadd.s32 @!p0 $0x88, s6;
	s7 =	simm.s32 @p2 $0x1082  }
0x22: {  	[simem:s7], [sflag:s8] =	dma.local @!p0 [hbm:s6], $0xF7A  }
0x23: {  	s9 =	sor.u32 $0xD0000000, s2;
	s6 =	simm.s32 $0x108;
	_ =	swait.ge @!p0 [sflag:s8], $0x0  }
0x24: {  	s3 =	sadd.s32 $0x88, s3;
	s6 =	simm.s32 @!p1 $0x1082;
	[sflag:s4] =	ssyncset.s32 $0xFFFFF086  }
0x25: {  	[simem:s6], [sflag:s4] =	dma.local [hbm:s3], $0xF7A  }
0x26: {  	[smem:$0x3F9C] =	sst s1;
	(tag) =	ssettag s2;
	_ =	strace s9  }
0x27: {  	s1 =	sld [smem:$0x3FAC]  }
0x28: {  	s2 =	sld [smem:$0x3FAD]  }
0x29: {  	s4 =	sld [smem:$0x3FAF]  }
0x2a: {  	p0 =	seq.s32 s5, $0x0;
	s5 =	sld [smem:$0x3FB0]  }
0x2b: {  	s6 =	sld [smem:$0x3FB1]  }
0x2c: {  	s7 =	sld [smem:$0x3FB2]  }
0x2d: {  	s3 =	simm.s32 $0x108;
	s8 =	sld [smem:$0x3FB3]  }
0x2e: {  	s3 =	simm.s32 @!p0 $0x1082;
	s9 =	sld [smem:$0x3FB4]  }
0x2f: {  	lr =	sadd.s32 s0, s3;
	s0 =	sld [smem:$0x3FAB]  }
0x30: {  	s3 =	sld [smem:$0x3FAE]  }
0x31: {  	[smem:$0x3FB7] =	sst s10  }
0x32: {  	s10 =	sld [smem:$0x3FB5];
	_ =	sdelay $0x3  }
0x33: {  	p0 =	seq.s32 s10, $0x1;
	s10 =	sld [smem:$0x3FB7];
	_ =	sdelay $0x3  }
0x34: {  	[smem:$0x3FB7] =	sst s10  }
0x35: {  	s10 =	sld [smem:$0x3FB6];
	_ =	sdelay $0x3  }
0x36: {  	p1 =	seq.s32 s10, $0x1;
	s10 =	sld [smem:$0x3FB7];
	_ =	sdelay $0x3  }
0x37: {  	[smem:$0x3FB7] =	sst s10  }
0x38: {  	s10 =	sld [smem:$0x3FB8]  }
0x39: {  	_ = 	snop;
	(pc) =	sbr.ind lr, $3  }
0x3a: {  	_ = 	snop  }
0x3b: {  	_ = 	snop  }
0x3c: {  	p2 =	seq.s32 s10, $0x1;
	s10 =	sld [smem:$0x3FB7]  }
0x3d: {  	_ =	shalt  }
0x3e: {  	_ =	shalt  }
0x3f: {  	_ =	shalt  }
0x40: {  	_ =	shalt  }
0x41: {  	_ =	shalt  }
0x42: {  	_ =	shalt  }
0x43: {  	_ =	shalt  }
0x44: {  	_ =	shalt  }
0x45: {  	_ =	shalt  }
0x46: {  	_ =	shalt  }
0x47: {  	_ =	shalt  }
0x48: {  	_ =	shalt  }
0x49: {  	_ =	shalt  }
0x4a: {  	_ =	shalt  }
0x4b: {  	_ =	shalt  }
0x4c: {  	_ =	shalt  }
0x4d: {  	_ =	shalt  }
0x4e: {  	_ =	shalt  }
0x4f: {  	_ =	shalt  }
0x50: {  	_ =	shalt  }
0x51: {  	_ =	shalt  }
0x52: {  	_ =	shalt  }
0x53: {  	_ =	shalt  }
0x54: {  	_ =	shalt  }
0x55: {  	_ =	shalt  }
0x56: {  	_ =	shalt  }
0x57: {  	_ =	shalt  }
0x58: {  	_ =	shalt  }
0x59: {  	_ =	shalt  }
0x5a: {  	_ =	shalt  }
0x5b: {  	_ =	shalt  }
0x5c: {  	_ =	shalt  }
0x5d: {  	_ =	shalt  }
0x5e: {  	_ =	shalt  }
0x5f: {  	_ =	shalt  }
0x60: {  	_ =	shalt  }
0x61: {  	_ =	shalt  }
0x62: {  	_ =	shalt  }
0x63: {  	_ =	shalt  }
0x64: {  	_ =	shalt  }
0x65: {  	_ =	shalt  }
0x66: {  	_ =	shalt  }
0x67: {  	_ =	shalt  }
0x68: {  	_ =	shalt  }
0x69: {  	_ =	shalt  }
0x6a: {  	_ =	shalt  }
0x6b: {  	_ =	shalt  }
0x6c: {  	_ =	shalt  }
0x6d: {  	_ =	shalt  }
0x6e: {  	_ =	shalt  }
0x6f: {  	_ =	shalt  }
0x70: {  	_ =	shalt  }
0x71: {  	_ =	shalt  }
0x72: {  	_ =	shalt  }
0x73: {  	_ =	shalt  }
0x74: {  	_ =	shalt  }
0x75: {  	_ =	shalt  }
0x76: {  	_ =	shalt  }
0x77: {  	_ =	shalt  }
0x78: {  	_ =	shalt  }
0x79: {  	_ =	shalt  }
0x7a: {  	_ =	shalt  }
0x7b: {  	_ =	shalt  }
0x7c: {  	_ =	shalt  }
0x7d: {  	_ =	shalt  }
0x7e: {  	_ =	shalt  }
0x7f: {  	_ =	shalt  }
0x80: {  	_ =	shalt  }
0x81: {  	_ =	shalt  }
0x82: {  	_ =	shalt  }
0x83: {  	_ =	shalt  }
0x84: {  	_ =	shalt  }
0x85: {  	_ =	shalt  }
0x86: {  	_ =	shalt  }
0x87: {  	_ =	shalt  }
.Lfunc_end0:
.L_simem_size_0:
called_computation.1_lowered:
.L_overlay_start_0:
0x88: {  	s2 =	sld [smem:$0x3FD9]  }
0x89: {  	s3 =	sld [smem:$0x3FFE];
	_ =	sdelay $0x1  }
0x8a: {  	s1 =	srdreg.scid  }
0x8b: {  	s0 =	sand.u32 $0x1, s1  }
0x8c: {  	s14 =	sshll.u32 s0, $0xA;
	s2 =	sadd.s32 s3, s2  }
0x8d: {  	s2 =	sadd.s32 s2, s14  }
0x8e: {  	[smem:$0x3FC3] =	sst s2  }
0x8f: {  	_ = 	snop  }
0x90: {  	s2 =	sld [smem:$0x3FD0];
	_ =	sdelay $0x2  }
0x91: {  	s15 =	simm.s32 $0xA;
	s4 =	simm.s32 $0x10  }
0x92: {  	[smem:s4], [sflag:s15] =	dma.local [hbm:s2], $0x1  }
0x93: {  	_ =	swait.eq [sflag:s15], $0x1  }
0x94: {  	s16 =	sld [smem:$0x10];
	[sflag:s15] =	ssyncset.done $0x0  }
0x95: {  	s17 =	sld [smem:$0x11];
	[sflag:s15] =	ssyncadd.s32 $0xFFFFFFFF  }
0x96: {  	s18 =	sld [smem:$0x12];
	(tm) =	ssettm $0x1  }
0x97: {  	s5 =	sld [smem:$0x3FFB];
	_ =	sdelay $0x3  }
0x98: {  	_ =	strace s5  }
0x99: {  	s5 =	sld [smem:$0x3FFC];
	_ =	sdelay $0x3  }
0x9a: {  	_ =	strace s5  }
0x9b: {  	s5 =	sld [smem:$0x3FFD];
	_ =	sdelay $0x3  }
0x9c: {  	_ =	strace s5  }
0x9d: {  	_ =	strace $0x8FFFFFFF  }
0x9e: {  	s19 =	sld [smem:$0x3FDB];
	_ =	sdelay $0x1  }
0x9f: {  	s6 =	simm.s32 $_scs_section_size  }
0xa0: {  	s7 =	simm.s32 $_size__tile_overlayer_lowered;
	s8 =	simm.s32 $_tile_overlayer_lowered  }
0xa1: {  	s22 =	simm.s32 $0x1BFF;
	s21 =	sshll.u32 s8, $0x1;
	s5 =	sadd.s32 s6, s19  }
0xa2: {  	s9 =	simm.s32 $0x0;
	s20 =	sshll.u32 s7, $0x1;
	s7 =	sadd.s32 s21, s5  }
0xa3: {  	[timem:s9], [sflag:s22] =	dma.local [hbm:s7], s20  }
0xa4: {  	_ =	swait.ge [sflag:s22], s20  }
0xa5: {  	s6 =	ssub.s32 $0x0, s20;
	[sflag:s22] =	ssyncset.done $0x0  }
0xa6: {  	[sflag:s22] =	ssyncadd.s32 s6;
	_ =	sdelay $0x1  }
0xa7: {  	s23 =	simm.s32 $0x1B8B  }
0xa8: {  	_ =	swait.ge [sflag:s23], $0x1  }
0xa9: {  	[sflag:s23] =	ssyncset.done $0x0  }
0xaa: {  	s25 =	simm.s32 $0x1B8E;
	s24 =	sld [smem:$0x3FFE];
	[sflag:s23] =	ssyncadd.s32 $0xFFFFFFFF  }
0xab: {  	s26 =	simm.s32 $execute0_lowered;
	[smem:$0x3FD2] =	sst s25  }
0xac: {  	s7 =	sshll.u32 s26, $0x1;
	_ =	strace $0x80000049;
	[dreg:$0x1] =	wrdreg $0xFFFFFFFF  }
0xad: {  	s28 =	simm.s32 $_size_execute0_lowered;
	s5 =	sadd.s32 s5, s7;
	[dreg:$0x0] =	wrdreg $0x0  }
0xae: {  	s7 =	sshll.u32 s28, $0x1;
	[dreg:$0x2] =	wrdreg s5  }
0xaf: {  	[dreg:$0x3] =	wrdreg s7  }
0xb0: {  	[dreg:$0x4] =	wrdreg $0xC0  }
0xb1: {  	_ =	task [dreg:s9], $0x5FFFF  }
0xb2: {  	[dreg:$0x1] =	wrdreg $0xFFFFFFFF  }
0xb3: {  	[dreg:$0x0] =	wrdreg $0x60  }
0xb4: {  	[dreg:$0x2] =	wrdreg s24  }
0xb5: {  	[dreg:$0x3] =	wrdreg s17  }
0xb6: {  	[dreg:$0x4] =	wrdreg s16  }
0xb7: {  	[dreg:$0x5] =	wrdreg s18  }
0xb8: {  	[dreg:$0x6] =	wrdreg $0x9  }
0xb9: {  	_ =	task.clear_ibuf [dreg:s9], $0x7FFFF;
	_ =	strace $0x90000049  }
0xba: {  	s29 =	simm.s32 $0x9;
	_ =	strace $0x8000004B  }
0xbb: {  	_ =	swait.ge [sflag:s29], $0x1  }
0xbc: {  	[sflag:s29] =	ssyncadd.s32 $0xFFFFFFFF  }
0xbd: {  	_ =	strace $0x9000004B  }
0xbe: {  	_ =	sfence  }
0xbf: {  	s30 =	sld [smem:$0x0];
	_ =	sdelay $0x2  }
0xc0: {  	s31 =	sshll.u32 s1, $0xD;
	s1 =	sshrl.u32 s1, $0x2  }
0xc1: {  	s3 =	sand.u32 $0x4000, s31;
	s1 =	sadd.s32 s1, s30  }
0xc2: {  	s0 =	sor.u32 s3, s0;
	s1 =	sshll.u32 s1, $0x11  }
0xc3: {  	s0 =	sor.u32 s1, s0  }
0xc4: {  	s0 =	sadd.s32 $0x8F2B, s0  }
0xc5: {  	[sflag:s0] =	ssyncadd.remote.s32 $0x1  }
0xc6: {  	_ =	sfence.sel $0xFFFF  }
0xc7: {  	[dreg:$0x0] =	wrdreg $0xFFFFFFFF;
	(pc) =	sbr.abs _section_cstart, $3  }
0xc8: {  	[dreg:$0x1] =	wrdreg $0xFFFFFFFF  }
0xc9: {  	_ =	task.clear_ibuf [dreg:s9], $0x2FFFF;
	_ =	strace $0x9FFFFFFF  }
0xca: {  	(tm) =	ssettm $0x7FFFFFFF  }
0xcb: {  	_ =	shalt  }
tec
execute0_lowered:
.L_overlay_start_1:
0x0: {  	(tag) =	ssettag $0x1  }
0x1: {  	s7 =	rddreg [dreg:$0x0]  }
0x2: {  	s1 =	rddreg [dreg:$0x1]  }
0x3: {  	s10 =	rddreg [dreg:$0x2];
	s2 =	srdreg.scid  }
0x4: {  	s0 =	stileid.u32;
	s8 =	rddreg [dreg:$0x3]  }
0x5: {  	s3 =	simm.s32 $0x0;
	s16 =	simm.s32 $0x200;
	s17 =	simm.s32 $0x4200  }
0x6: {  	s18 =	simm.s32 $0x1200;
	s19 =	simm.s32 $0x5200;
	s20 =	simm.s32 $0x100  }
0x7: {  	s21 =	simm.s32 $0x2200;
	s22 =	simm.s32 $0x6200;
	s23 =	simm.s32 $0x180  }
0x8: {  	s24 =	simm.s32 $0x3200;
	s25 =	simm.s32 $0x7200;
	s26 =	simm.s32 $0x1  }
0x9: {  	s28 =	simm.s32 $0x8200;
	s6 =	sand.u32 $0x1, s2;
	s2 =	rddreg [dreg:$0x4]  }
0xa: {  	s29 =	simm.s32 $0x0;
	s4 =	sshll.u32 s0, $0x1;
	[smem:$0x7FF] =	sst s3  }
0xb: {  	s5 =	sadd.s32 $0x11800, s7;
	s9 =	sor.u32 s6, s4;
	_ =	strace $0x8000004A  }
0xc: {  	s4 =	sadd.s32 $0x1600, s7;
	s13 =	ssub.s32 $0x2, s6;
	s6 =	sadd.s32 $0x600, s7  }
0xd: {  	s11 =	sshll.u32 s9, $0x6;
	s9 =	sshll.u32 s9, $0xB;
	s14 =	sshrl.u32 s13, $0x1  }
0xe: {  	v0 =	vlaneseq.u32;
	s12 =	sadd.s32 s11, s7;
	s15 =	sadd.s32 s9, s7;
	s13 =	ssub.s32 s13, s14  }
0xf: {  	v0 =	vmul.u32 $0x20, v0;
	s8 =	sadd.s32 s8, s9;
	s10 =	sadd.s32 s10, s11;
	s14 =	simm.s32 $0x8600  }
0x10: {  	s7 =	sadd.s32 $0x11A00, s12;
	s9 =	sadd.s32 $0x12200, s15;
	s11 =	smax.u32 s13, $0x1  }
0x11: {  	[tilespmem:$0x1FFF0] =	vst v0;
	s12 =	simm.s32 $0x2;
	s13 =	simm.s32 $0x8400;
	s15 =	simm.s32 $0x80  }
.LBB2_1:
0x12: {  	[tilespmem:s3], [sflag:$0x2] =	stream.linear.gather [hbm4b:s7+s3], $0x200, $0x38;
	[tilespmem:$0x8610] =	vst v63  }
0x13: {  	_ =	swait.ge [sflag:s12], $0x200  }
0x14: {  	[sflag:s12] =	ssyncset.done $0x0  }
0x15: {  	[sflag:s12] =	ssyncadd.s32 $0xFFFFFE00  }
0x16: {  	[tilespmem:s13], [sflag:$0x2] =	stream.linear.gather [hbm4b:s5+s3], $0x200, $0x38;
	[tilespmem:$0x8610] =	vst v63  }
0x17: {  	_ =	swait.ge [sflag:s12], $0x200  }
0x18: {  	[sflag:s12] =	ssyncset.done $0x0  }
0x19: {  	[sflag:s12] =	ssyncadd.s32 $0xFFFFFE00  }
0x1a: {  	[tilespmem:s14], [sflag:$0x2] =	stream.linear.gather [hbm4b:s6+s3], $0x10, $0x38;
	[tilespmem:$0x8610] =	vst v63  }
0x1b: {  	_ =	swait.ge [sflag:s12], $0x10  }
0x1c: {  	[sflag:s12] =	ssyncset.done $0x0  }
0x1d: {  	[sflag:s12] =	ssyncadd.s32 $0xFFFFFFF0  }
0x1e: {  	[tilespmem:s16], [sflag:$0x1] =	stream.indirect.gather [hbm4b:s1+s15], $0x20, s3, s15, $0xb8;
	[tilespmem:$0x8610] =	vst v63  }
0x1f: {  	_ = 	snop  }
0x20: {  	[tilespmem:s17], [sflag:$0x1] =	stream.indirect.gather [hbm4b:s4+s15], $0x20, s3, s15, $0xb8;
	[tilespmem:$0x8610] =	vst v63  }
0x21: {  	_ = 	snop  }
0x22: {  	[tilespmem:s18], [sflag:$0x1] =	stream.indirect.gather [hbm4b:s1+s15], $0x20, s15, s15, $0xb8;
	[tilespmem:$0x8610] =	vst v63  }
0x23: {  	_ = 	snop  }
0x24: {  	[tilespmem:s19], [sflag:$0x1] =	stream.indirect.gather [hbm4b:s4+s15], $0x20, s15, s15, $0xb8;
	[tilespmem:$0x8610] =	vst v63  }
0x25: {  	_ = 	snop  }
0x26: {  	[tilespmem:s21], [sflag:$0x1] =	stream.indirect.gather [hbm4b:s1+s15], $0x20, s20, s15, $0xb8;
	[tilespmem:$0x8610] =	vst v63  }
0x27: {  	_ = 	snop  }
0x28: {  	[tilespmem:s22], [sflag:$0x1] =	stream.indirect.gather [hbm4b:s4+s15], $0x20, s20, s15, $0xb8;
	[tilespmem:$0x8610] =	vst v63  }
0x29: {  	_ = 	snop  }
0x2a: {  	[tilespmem:s24], [sflag:$0x1] =	stream.indirect.gather [hbm4b:s1+s15], $0x20, s23, s15, $0xb8;
	[tilespmem:$0x8610] =	vst v63  }
0x2b: {  	_ = 	snop  }
0x2c: {  	[tilespmem:s25], [sflag:$0x1] =	stream.indirect.gather [hbm4b:s4+s15], $0x20, s23, s15, $0xb8;
	[tilespmem:$0x8610] =	vst v63  }
0x2d: {  	_ =	swait.ge [sflag:s26], $0x1000  }
0x2e: {  	[sflag:s26] =	ssyncset.done $0x0  }
0x2f: {  	[sflag:s26] =	ssyncadd.s32 $0xFFFFF000  }
0x30: {  	_ =	swait.ge [sflag:s26], $0x1000  }
0x31: {  	[sflag:s26] =	ssyncset.done $0x0  }
0x32: {  	[sflag:s26] =	ssyncadd.s32 $0xFFFFF000  }
0x33: {  	_ =	swait.ge [sflag:s26], $0x1000  }
0x34: {  	[sflag:s26] =	ssyncset.done $0x0  }
0x35: {  	[sflag:s26] =	ssyncadd.s32 $0xFFFFF000  }
0x36: {  	_ =	swait.ge [sflag:s26], $0x1000  }
0x37: {  	[sflag:s26] =	ssyncset.done $0x0  }
0x38: {  	[sflag:s26] =	ssyncadd.s32 $0xFFFFF000  }
0x39: {  	_ =	swait.ge [sflag:s26], $0x1000  }
0x3a: {  	[sflag:s26] =	ssyncset.done $0x0  }
0x3b: {  	[sflag:s26] =	ssyncadd.s32 $0xFFFFF000  }
0x3c: {  	_ =	swait.ge [sflag:s26], $0x1000  }
0x3d: {  	[sflag:s26] =	ssyncset.done $0x0  }
0x3e: {  	[sflag:s26] =	ssyncadd.s32 $0xFFFFF000  }
0x3f: {  	_ =	swait.ge [sflag:s26], $0x1000  }
0x40: {  	v1 =	vmov s3;
	[sflag:s26] =	ssyncset.done $0x0  }
0x41: {  	v1 =	vshll.u32 v1, $0x5;
	[sflag:s26] =	ssyncadd.s32 $0xFFFFF000  }
0x42: {  	v27 =	vor.u32 v0, v1;
	_ =	swait.ge [sflag:s26], $0x1000  }
0x43: {  	v5 =	vor.u32 $0x1F, v27;
	[sflag:s26] =	ssyncset.done $0x0  }
0x44: {  	v8 =	vor.u32 $0x1C, v27;
	[sflag:s26] =	ssyncadd.s32 $0xFFFFF000  }
0x45: {  	v10 =	vor.u32 $0x1B, v27;
	[hbm4b:s8+s3] =	stream.linear.scatter [tilespmem:s16], [sflag:$0x1], $0x4000, $0x38;
	[tilespmem:$0x8610] =	vst v63  }
0x46: {  	v12 =	vor.u32 $0x1A, v27  }
0x47: {  	v14 =	vor.u32 $0x19, v27;
	[hbm4b:s9+s3] =	stream.linear.scatter [tilespmem:s17], [sflag:$0x1], $0x4000, $0x38;
	[tilespmem:$0x8610] =	vst v63  }
0x48: {  	v16 =	vor.u32 $0x18, v27;
	v1 =	vld.idx.msk [tilespmem:v5+s16+$0x0], $0xffff  }
0x49: {  	v18 =	vor.u32 $0x17, v27;
	v7 =	vld.idx.msk [tilespmem:v8+s16+$0x0], $0xffff  }
0x4a: {  	v20 =	vor.u32 $0x16, v27;
	v9 =	vld.idx.msk [tilespmem:v10+s16+$0x0], $0xffff  }
0x4b: {  	v22 =	vor.u32 $0x15, v27;
	v11 =	vld.idx.msk [tilespmem:v12+s16+$0x0], $0xffff  }
0x4c: {  	v24 =	vor.u32 $0x14, v27;
	v13 =	vld.idx.msk [tilespmem:v14+s16+$0x0], $0xffff  }
0x4d: {  	v26 =	vor.u32 $0x13, v27;
	v15 =	vld.idx.msk [tilespmem:v16+s16+$0x0], $0xffff  }
0x4e: {  	v28 =	vor.u32 $0x12, v27;
	v17 =	vld.idx.msk [tilespmem:v18+s16+$0x0], $0xffff  }
0x4f: {  	v29 =	vor.u32 $0x11, v27;
	v19 =	vld.idx.msk [tilespmem:v20+s16+$0x0], $0xffff  }
0x50: {  	v30 =	vor.u32 $0x10, v27;
	v21 =	vld.idx.msk [tilespmem:v22+s16+$0x0], $0xffff  }
0x51: {  	v31 =	vor.u32 $0xF, v27;
	v23 =	vld.idx.msk [tilespmem:v24+s16+$0x0], $0xffff  }
0x52: {  	v32 =	vor.u32 $0xE, v27;
	v25 =	vld.idx.msk [tilespmem:v26+s16+$0x0], $0xffff  }
0x53: {  	v33 =	vor.u32 $0xD, v27;
	v34 =	vld.idx.msk [tilespmem:v28+s16+$0x0], $0xffff  }
0x54: {  	v35 =	vor.u32 $0xC, v27;
	v36 =	vld.idx.msk [tilespmem:v29+s16+$0x0], $0xffff  }
0x55: {  	v37 =	vor.u32 $0xB, v27;
	v38 =	vld.idx.msk [tilespmem:v30+s16+$0x0], $0xffff  }
0x56: {  	v39 =	vor.u32 $0xA, v27;
	v40 =	vld.idx.msk [tilespmem:v31+s16+$0x0], $0xffff  }
0x57: {  	v41 =	vor.u32 $0x9, v27;
	v42 =	vld.idx.msk [tilespmem:v32+s16+$0x0], $0xffff  }
0x58: {  	v43 =	vor.u32 $0x8, v27;
	v44 =	vld.idx.msk [tilespmem:v33+s16+$0x0], $0xffff  }
0x59: {  	v45 =	vor.u32 $0x7, v27;
	v46 =	vld.idx.msk [tilespmem:v35+s16+$0x0], $0xffff  }
0x5a: {  	v48 =	vor.u32 $0x4, v27;
	v47 =	vld.idx.msk [tilespmem:v37+s16+$0x0], $0xffff  }
0x5b: {  	v50 =	vor.u32 $0x3, v27;
	v49 =	vld.idx.msk [tilespmem:v39+s16+$0x0], $0xffff  }
0x5c: {  	v4 =	vor.u32 $0x1E, v27;
	v51 =	vld.idx.msk [tilespmem:v41+s16+$0x0], $0xffff  }
0x5d: {  	v52 =	vld.idx.msk [tilespmem:v43+s16+$0x0], $0xffff  }
0x5e: {  	v53 =	vor.u32 $0x2, v27;
	v54 =	vld.idx.msk [tilespmem:v45+s16+$0x0], $0xffff  }
0x5f: {  	v55 =	vld.idx.msk [tilespmem:v48+s16+$0x0], $0xffff  }
0x60: {  	v57 =	vld.idx.msk [tilespmem:v50+s16+$0x0], $0xffff  }
0x61: {  	v6 =	vor.u32 $0x1D, v27;
	[tilespmem:$0x1FFC0] =	vst v1;
	v1 =	vld.idx.msk [tilespmem:v4+s16+$0x0], $0xffff  }
0x62: {  	v56 =	vor.u32 $0x1, v27;
	v58 =	vld [tilespmem:$0x8600]  }
0x63: {  	v59 =	vld.idx.msk [tilespmem:v53+s16+$0x0], $0xffff  }
0x64: {  	v60 =	vld.idx.msk [tilespmem:v27+s16+$0x0], $0xffff  }
0x65: {  	v61 =	vld.idx.msk [tilespmem:v27+s17+$0x0], $0xffff  }
0x66: {  	[tilespmem:$0x1FFB0] =	vst v1;
	v1 =	vld.idx.msk [tilespmem:v6+s16+$0x0], $0xffff  }
0x67: {  	v62 =	vld.idx.msk [tilespmem:v56+s16+$0x0], $0xffff  }
0x68: {  	v56 =	vld.idx.msk [tilespmem:v56+s17+$0x0], $0xffff  }
0x69: {  	v53 =	vld.idx.msk [tilespmem:v53+s17+$0x0], $0xffff  }
0x6a: {  	v63 =	vor.u32 $0x6, v27;
	v50 =	vld.idx.msk [tilespmem:v50+s17+$0x0], $0xffff  }
0x6b: {  	[tilespmem:$0x1FFA0] =	vst v1;
	v1 =	vld [tilespmem:$0x8400]  }
0x6c: {  	v2 =	vld [tilespmem:$0x8410]  }
0x6d: {  	v27 =	vor.u32 $0x5, v27;
	v48 =	vld.idx.msk [tilespmem:v48+s17+$0x0], $0xffff  }
0x6e: {  	v3 =	vld [tilespmem:$0x8420];
	v60 =	vadd.f32 v61, v60  }
0x6f: {  	v61 =	vld.idx.msk [tilespmem:v63+s16+$0x0], $0xffff;
	v56 =	vadd.f32 v56, v62  }
0x70: {  	v62 =	vld [tilespmem:$0x8430];
	v1 =	vmul.f32 v1, v60  }
0x71: {  	v2 =	vmul.f32 v2, v56;
	v56 =	vld [tilespmem:$0x8440]  }
0x72: {  	v53 =	vadd.f32 v53, v59;
	v60 =	vld.idx.msk [tilespmem:v27+s16+$0x0], $0xffff;
	v1 =	vadd.f32 v1, v58  }
0x73: {  	v27 =	vld.idx.msk [tilespmem:v27+s17+$0x0], $0xffff  }
0x74: {  	v59 =	vld [tilespmem:$0x8450];
	v1 =	vadd.f32 v2, v1;
	v2 =	vmul.f32 v3, v53;
	v3 =	vadd.f32 v50, v57  }
0x75: {  	v58 =	vld.idx.msk [tilespmem:v63+s17+$0x0], $0xffff  }
0x76: {  	v45 =	vld.idx.msk [tilespmem:v45+s17+$0x0], $0xffff;
	v1 =	vadd.f32 v2, v1;
	v2 =	vmul.f32 v62, v3;
	v3 =	vadd.f32 v48, v55  }
0x77: {  	v63 =	vld [tilespmem:$0x8460]  }
0x78: {  	v55 =	vld [tilespmem:$0x8470];
	v1 =	vadd.f32 v2, v1;
	v2 =	vmul.f32 v56, v3;
	v3 =	vadd.f32 v27, v60  }
0x79: {  	v27 =	vld.idx.msk [tilespmem:v43+s17+$0x0], $0xffff  }
0x7a: {  	v41 =	vld.idx.msk [tilespmem:v41+s17+$0x0], $0xffff;
	v1 =	vadd.f32 v2, v1;
	v2 =	vmul.f32 v59, v3;
	v3 =	vadd.f32 v58, v61  }
0x7b: {  	v56 =	vld [tilespmem:$0x8480]  }
0x7c: {  	v39 =	vld.idx.msk [tilespmem:v39+s17+$0x0], $0xffff;
	v1 =	vadd.f32 v2, v1;
	v2 =	vmul.f32 v63, v3;
	v3 =	vadd.f32 v45, v54  }
0x7d: {  	v57 =	vld [tilespmem:$0x8490]  }
0x7e: {  	v58 =	vld [tilespmem:$0x84A0];
	v1 =	vadd.f32 v2, v1;
	v2 =	vmul.f32 v55, v3;
	v3 =	vadd.f32 v27, v52  }
0x7f: {  	v27 =	vld.idx.msk [tilespmem:v37+s17+$0x0], $0xffff  }
0x80: {  	v35 =	vld.idx.msk [tilespmem:v35+s17+$0x0], $0xffff;
	v1 =	vadd.f32 v2, v1;
	v2 =	vmul.f32 v56, v3;
	v3 =	vadd.f32 v41, v51  }
0x81: {  	v59 =	vld [tilespmem:$0x84B0]  }
0x82: {  	v33 =	vld.idx.msk [tilespmem:v33+s17+$0x0], $0xffff;
	v1 =	vadd.f32 v2, v1;
	v2 =	vmul.f32 v57, v3;
	v3 =	vadd.f32 v39, v49  }
0x83: {  	v60 =	vld [tilespmem:$0x84C0]  }
0x84: {  	v61 =	vld [tilespmem:$0x84D0];
	v1 =	vadd.f32 v2, v1;
	v2 =	vmul.f32 v58, v3;
	v3 =	vadd.f32 v27, v47  }
0x85: {  	v27 =	vld.idx.msk [tilespmem:v32+s17+$0x0], $0xffff  }
0x86: {  	v31 =	vld.idx.msk [tilespmem:v31+s17+$0x0], $0xffff;
	v1 =	vadd.f32 v2, v1;
	v2 =	vmul.f32 v59, v3;
	v3 =	vadd.f32 v35, v46  }
0x87: {  	v62 =	vld [tilespmem:$0x84E0]  }
0x88: {  	v30 =	vld.idx.msk [tilespmem:v30+s17+$0x0], $0xffff;
	v1 =	vadd.f32 v2, v1;
	v2 =	vmul.f32 v60, v3;
	v3 =	vadd.f32 v33, v44  }
0x89: {  	v63 =	vld [tilespmem:$0x84F0]  }
0x8a: {  	v1 =	vadd.f32 v2, v1;
	v2 =	vmul.f32 v61, v3;
	v3 =	vadd.f32 v27, v42;
	v27 =	vld.idx.msk [tilespmem:v29+s17+$0x0], $0xffff  }
0x8b: {  	v29 =	vld [tilespmem:$0x8500]  }
0x8c: {  	v28 =	vld.idx.msk [tilespmem:v28+s17+$0x0], $0xffff;
	v1 =	vadd.f32 v2, v1;
	v2 =	vmul.f32 v62, v3;
	v3 =	vadd.f32 v31, v40  }
0x8d: {  	v31 =	vld [tilespmem:$0x8510]  }
0x8e: {  	v26 =	vld.idx.msk [tilespmem:v26+s17+$0x0], $0xffff;
	v1 =	vadd.f32 v2, v1;
	v2 =	vmul.f32 v63, v3;
	v3 =	vadd.f32 v30, v38  }
0x8f: {  	v30 =	vld [tilespmem:$0x8520]  }
0x90: {  	v24 =	vld.idx.msk [tilespmem:v24+s17+$0x0], $0xffff;
	v1 =	vadd.f32 v2, v1;
	v2 =	vmul.f32 v29, v3;
	v3 =	vadd.f32 v27, v36  }
0x91: {  	v27 =	vld [tilespmem:$0x8530]  }
0x92: {  	v22 =	vld.idx.msk [tilespmem:v22+s17+$0x0], $0xffff;
	v1 =	vadd.f32 v2, v1;
	v2 =	vmul.f32 v31, v3;
	v3 =	vadd.f32 v28, v34  }
0x93: {  	v28 =	vld [tilespmem:$0x8540]  }
0x94: {  	v20 =	vld.idx.msk [tilespmem:v20+s17+$0x0], $0xffff;
	v1 =	vadd.f32 v2, v1;
	v2 =	vmul.f32 v30, v3;
	v3 =	vadd.f32 v26, v25  }
0x95: {  	v25 =	vld [tilespmem:$0x8550]  }
0x96: {  	v18 =	vld.idx.msk [tilespmem:v18+s17+$0x0], $0xffff;
	v1 =	vadd.f32 v2, v1;
	v2 =	vmul.f32 v27, v3;
	v3 =	vadd.f32 v24, v23  }
0x97: {  	v23 =	vld [tilespmem:$0x8560]  }
0x98: {  	v16 =	vld.idx.msk [tilespmem:v16+s17+$0x0], $0xffff;
	v1 =	vadd.f32 v2, v1;
	v2 =	vmul.f32 v28, v3;
	v3 =	vadd.f32 v22, v21  }
0x99: {  	v21 =	vld [tilespmem:$0x8570]  }
0x9a: {  	v14 =	vld.idx.msk [tilespmem:v14+s17+$0x0], $0xffff;
	v1 =	vadd.f32 v2, v1;
	v2 =	vmul.f32 v25, v3;
	v3 =	vadd.f32 v20, v19  }
0x9b: {  	v19 =	vld [tilespmem:$0x8580]  }
0x9c: {  	v12 =	vld.idx.msk [tilespmem:v12+s17+$0x0], $0xffff;
	v1 =	vadd.f32 v2, v1;
	v2 =	vmul.f32 v23, v3;
	v3 =	vadd.f32 v18, v17  }
0x9d: {  	v17 =	vld [tilespmem:$0x8590]  }
0x9e: {  	v10 =	vld.idx.msk [tilespmem:v10+s17+$0x0], $0xffff;
	v1 =	vadd.f32 v2, v1;
	v2 =	vmul.f32 v21, v3;
	v3 =	vadd.f32 v16, v15  }
0x9f: {  	v15 =	vld [tilespmem:$0x85A0]  }
0xa0: {  	v8 =	vld.idx.msk [tilespmem:v8+s17+$0x0], $0xffff;
	v1 =	vadd.f32 v2, v1;
	v2 =	vmul.f32 v19, v3;
	v3 =	vadd.f32 v14, v13  }
0xa1: {  	v13 =	vld [tilespmem:$0x85B0]  }
0xa2: {  	v1 =	vadd.f32 v2, v1;
	v2 =	vmul.f32 v17, v3;
	v3 =	vadd.f32 v12, v11  }
0xa3: {  	v11 =	vld [tilespmem:$0x85C0]  }
0xa4: {  	v1 =	vadd.f32 v2, v1;
	v2 =	vmul.f32 v15, v3;
	v3 =	vadd.f32 v10, v9;
	_ =	sdelay $0x1  }
0xa5: {  	v1 =	vadd.f32 v2, v1;
	v2 =	vmul.f32 v13, v3;
	v3 =	vadd.f32 v8, v7  }
0xa6: {  	v6 =	vld.idx.msk [tilespmem:v6+s17+$0x0], $0xffff  }
0xa7: {  	v1 =	vadd.f32 v2, v1;
	v2 =	vmul.f32 v11, v3;
	v3 =	vld [tilespmem:$0x1FFA0];
	_ =	sdelay $0x1  }
0xa8: {  	v9 =	vld [tilespmem:$0x85D0];
	_ =	sdelay $0x2  }
0xa9: {  	v3 =	vadd.f32 v6, v3  }
0xaa: {  	v4 =	vld.idx.msk [tilespmem:v4+s17+$0x0], $0xffff  }
0xab: {  	v1 =	vadd.f32 v2, v1;
	v2 =	vmul.f32 v9, v3;
	v3 =	vld [tilespmem:$0x1FFB0];
	_ =	sdelay $0x1  }
0xac: {  	v7 =	vld [tilespmem:$0x85E0];
	_ =	sdelay $0x2  }
0xad: {  	v3 =	vadd.f32 v4, v3  }
0xae: {  	v5 =	vld.idx.msk [tilespmem:v5+s17+$0x0], $0xffff  }
0xaf: {  	v1 =	vadd.f32 v2, v1;
	v2 =	vmul.f32 v7, v3;
	v3 =	vld [tilespmem:$0x1FFC0];
	_ =	sdelay $0x1  }
0xb0: {  	v6 =	vld [tilespmem:$0x85F0];
	_ =	sdelay $0x2  }
0xb1: {  	v3 =	vadd.f32 v5, v3;
	_ =	sdelay $0x1  }
0xb2: {  	v1 =	vadd.f32 v2, v1;
	v2 =	vmul.f32 v6, v3;
	_ =	sdelay $0x1  }
0xb3: {  	v1 =	vadd.f32 v2, v1;
	_ =	sdelay $0x1  }
0xb4: {  	v1 =	vsub.f32 $0.0e+00, v1;
	_ =	sdelay $0x1  }
0xb5: {  	v1 =	vmul.f32 $1.442695020e+00, v1;
	_ =	sdelay $0x1  }
0xb6: {  	(erf) = vpow2.f32 v1;
	_ =	sdelay $0x8  }
0xb7: {  	v1 =	vpop (erf)  }
0xb8: {  	v1 =	vadd.f32 $1.000000000e+00, v1;
	_ =	sdelay $0x1  }
0xb9: {  	(erf) = vrcp.f32 v1;
	_ =	sdelay $0x1  }
0xba: {  	s30 =	simm.s32 $0x10  }
0xbb: {  	v1 =	vmov s30  }
0xbc: {  	v1 =	vshll.u32 v1, $0x5  }
0xbd: {  	v45 =	vor.u32 v0, v1  }
0xbe: {  	v2 =	vor.u32 $0x1F, v45  }
0xbf: {  	v4 =	vor.u32 $0x1E, v45  }
0xc0: {  	v6 =	vor.u32 $0x1D, v45  }
0xc1: {  	v10 =	vor.u32 $0x1B, v45;
	v1 =	vpop (erf)  }
0xc2: {  	v12 =	vor.u32 $0x1A, v45;
	[tilespmem:s28+$0x0] =	vst v1  }
0xc3: {  	v14 =	vor.u32 $0x19, v45;
	v63 =	vld.idx.msk [tilespmem:v2+s16+$0x0], $0xffff  }
0xc4: {  	v16 =	vor.u32 $0x18, v45;
	v7 =	vld.idx.msk [tilespmem:v4+s16+$0x0], $0xffff  }
0xc5: {  	v18 =	vor.u32 $0x17, v45;
	v0 =	vld.idx.msk [tilespmem:v6+s16+$0x0], $0xffff  }
0xc6: {  	v20 =	vor.u32 $0x16, v45;
	v9 =	vld.idx.msk [tilespmem:v10+s16+$0x0], $0xffff  }
0xc7: {  	v22 =	vor.u32 $0x15, v45;
	v11 =	vld.idx.msk [tilespmem:v12+s16+$0x0], $0xffff  }
0xc8: {  	v24 =	vor.u32 $0x14, v45;
	v13 =	vld.idx.msk [tilespmem:v14+s16+$0x0], $0xffff  }
0xc9: {  	v26 =	vor.u32 $0x13, v45;
	v15 =	vld.idx.msk [tilespmem:v16+s16+$0x0], $0xffff  }
0xca: {  	v28 =	vor.u32 $0x12, v45;
	v17 =	vld.idx.msk [tilespmem:v18+s16+$0x0], $0xffff  }
0xcb: {  	v30 =	vor.u32 $0x11, v45;
	v19 =	vld.idx.msk [tilespmem:v20+s16+$0x0], $0xffff  }
0xcc: {  	v32 =	vor.u32 $0x10, v45;
	v21 =	vld.idx.msk [tilespmem:v22+s16+$0x0], $0xffff  }
0xcd: {  	v34 =	vor.u32 $0xF, v45;
	v23 =	vld.idx.msk [tilespmem:v24+s16+$0x0], $0xffff  }
0xce: {  	v36 =	vor.u32 $0xE, v45;
	v25 =	vld.idx.msk [tilespmem:v26+s16+$0x0], $0xffff  }
0xcf: {  	v38 =	vor.u32 $0xD, v45;
	v27 =	vld.idx.msk [tilespmem:v28+s16+$0x0], $0xffff  }
0xd0: {  	v40 =	vor.u32 $0xC, v45;
	v29 =	vld.idx.msk [tilespmem:v30+s16+$0x0], $0xffff  }
0xd1: {  	v42 =	vor.u32 $0xB, v45;
	v31 =	vld.idx.msk [tilespmem:v32+s16+$0x0], $0xffff  }
0xd2: {  	v8 =	vor.u32 $0x1C, v45;
	v33 =	vld.idx.msk [tilespmem:v34+s16+$0x0], $0xffff  }
0xd3: {  	v44 =	vor.u32 $0xA, v45;
	v35 =	vld.idx.msk [tilespmem:v36+s16+$0x0], $0xffff  }
0xd4: {  	v47 =	vor.u32 $0x9, v45;
	v37 =	vld.idx.msk [tilespmem:v38+s16+$0x0], $0xffff  }
0xd5: {  	v49 =	vor.u32 $0x8, v45;
	v39 =	vld.idx.msk [tilespmem:v40+s16+$0x0], $0xffff  }
0xd6: {  	v51 =	vor.u32 $0x7, v45;
	v41 =	vld.idx.msk [tilespmem:v42+s16+$0x0], $0xffff  }
0xd7: {  	v53 =	vor.u32 $0x6, v45;
	[tilespmem:$0x1FFD0] =	vst v0;
	v0 =	vld.idx.msk [tilespmem:v8+s16+$0x0], $0xffff  }
0xd8: {  	v43 =	vld.idx.msk [tilespmem:v44+s16+$0x0], $0xffff  }
0xd9: {  	v46 =	vld.idx.msk [tilespmem:v47+s16+$0x0], $0xffff  }
0xda: {  	v48 =	vld.idx.msk [tilespmem:v49+s16+$0x0], $0xffff  }
0xdb: {  	v54 =	vor.u32 $0x5, v45;
	v50 =	vld.idx.msk [tilespmem:v51+s16+$0x0], $0xffff  }
0xdc: {  	s31 =	simm.s32 $0x20;
	s30 =	simm.s32 $0x8200;
	v55 =	vor.u32 $0x4, v45;
	v56 =	vor.u32 $0x3, v45;
	v57 =	vor.u32 $0x2, v45;
	v52 =	vld.idx.msk [tilespmem:v53+s16+$0x0], $0xffff;
	[tilespmem:$0x1FFE0] =	vst v0  }
.LBB2_2:
0xdd: {  	_ =	sdelay $0x2  }
0xde: {  	v58 =	vld.idx.msk [tilespmem:v54+s16+$0x0], $0xffff  }
0xdf: {  	v59 =	vld.idx.msk [tilespmem:v55+s16+$0x0], $0xffff  }
0xe0: {  	v61 =	vld.idx.msk [tilespmem:v56+s16+$0x0], $0xffff  }
0xe1: {  	v60 =	vor.u32 $0x1, v45;
	v62 =	vld [tilespmem:$0x8600]  }
0xe2: {  	v0 =	vld.idx.msk [tilespmem:v45+s16+$0x0], $0xffff  }
0xe3: {  	v45 =	vld.idx.msk [tilespmem:v45+s17+$0x0], $0xffff  }
0xe4: {  	v3 =	vld [tilespmem:$0x8400]  }
0xe5: {  	v5 =	vld [tilespmem:$0x8410]  }
0xe6: {  	v1 =	vld.idx.msk [tilespmem:v60+s16+$0x0], $0xffff  }
0xe7: {  	v60 =	vld.idx.msk [tilespmem:v60+s17+$0x0], $0xffff  }
0xe8: {  	[tilespmem:$0x1FF90] =	vst v63;
	v63 =	vld.idx.msk [tilespmem:v57+s16+$0x0], $0xffff  }
0xe9: {  	v57 =	vld.idx.msk [tilespmem:v57+s17+$0x0], $0xffff  }
0xea: {  	v0 =	vadd.f32 v45, v0;
	v45 =	vld.idx.msk [tilespmem:v56+s17+$0x0], $0xffff  }
0xeb: {  	v56 =	vld [tilespmem:$0x8420]  }
0xec: {  	v0 =	vmul.f32 v3, v0;
	v3 =	vld.idx.msk [tilespmem:v55+s17+$0x0], $0xffff;
	v1 =	vadd.f32 v60, v1  }
0xed: {  	v55 =	vld [tilespmem:$0x8430]  }
0xee: {  	v54 =	vld.idx.msk [tilespmem:v54+s17+$0x0], $0xffff;
	v0 =	vadd.f32 v0, v62;
	v1 =	vmul.f32 v5, v1;
	v5 =	vadd.f32 v57, v63  }
0xef: {  	v63 =	vld [tilespmem:$0x8440]  }
0xf0: {  	v60 =	vld.idx.msk [tilespmem:v53+s17+$0x0], $0xffff;
	v0 =	vadd.f32 v1, v0;
	v1 =	vmul.f32 v56, v5;
	v5 =	vadd.f32 v45, v61  }
0xf1: {  	v61 =	vld [tilespmem:$0x8450]  }
0xf2: {  	v62 =	vld [tilespmem:$0x8460];
	v3 =	vadd.f32 v3, v59;
	v0 =	vadd.f32 v1, v0;
	v1 =	vmul.f32 v55, v5  }
0xf3: {  	v5 =	vld.idx.msk [tilespmem:v51+s17+$0x0], $0xffff  }
0xf4: {  	v49 =	vld.idx.msk [tilespmem:v49+s17+$0x0], $0xffff;
	v0 =	vadd.f32 v1, v0;
	v1 =	vmul.f32 v63, v3;
	v3 =	vadd.f32 v54, v58  }
0xf5: {  	v63 =	vld [tilespmem:$0x8470]  }
0xf6: {  	v53 =	vld [tilespmem:$0x8480];
	v0 =	vadd.f32 v1, v0;
	v1 =	vmul.f32 v61, v3;
	v3 =	vadd.f32 v60, v52  }
0xf7: {  	v52 =	vld.idx.msk [tilespmem:v47+s17+$0x0], $0xffff  }
0xf8: {  	v55 =	vld [tilespmem:$0x8490];
	v0 =	vadd.f32 v1, v0;
	v1 =	vmul.f32 v62, v3;
	v3 =	vadd.f32 v5, v50  }
0xf9: {  	v5 =	vld.idx.msk [tilespmem:v44+s17+$0x0], $0xffff  }
0xfa: {  	v42 =	vld.idx.msk [tilespmem:v42+s17+$0x0], $0xffff;
	v0 =	vadd.f32 v1, v0;
	v1 =	vmul.f32 v63, v3;
	v3 =	vadd.f32 v49, v48  }
0xfb: {  	v56 =	vld [tilespmem:$0x84A0]  }
0xfc: {  	v40 =	vld.idx.msk [tilespmem:v40+s17+$0x0], $0xffff;
	v0 =	vadd.f32 v1, v0;
	v1 =	vmul.f32 v53, v3;
	v3 =	vadd.f32 v52, v46  }
0xfd: {  	v57 =	vld [tilespmem:$0x84B0]  }
0xfe: {  	v58 =	vld [tilespmem:$0x84C0];
	v0 =	vadd.f32 v1, v0;
	v1 =	vmul.f32 v55, v3;
	v3 =	vadd.f32 v5, v43  }
0xff: {  	v5 =	vld.idx.msk [tilespmem:v38+s17+$0x0], $0xffff  }
0x100: {  	v36 =	vld.idx.msk [tilespmem:v36+s17+$0x0], $0xffff;
	v0 =	vadd.f32 v1, v0;
	v1 =	vmul.f32 v56, v3;
	v3 =	vadd.f32 v42, v41  }
0x101: {  	v59 =	vld [tilespmem:$0x84D0]  }
0x102: {  	v34 =	vld.idx.msk [tilespmem:v34+s17+$0x0], $0xffff;
	v0 =	vadd.f32 v1, v0;
	v1 =	vmul.f32 v57, v3;
	v3 =	vadd.f32 v40, v39  }
0x103: {  	v60 =	vld [tilespmem:$0x84E0]  }
0x104: {  	v61 =	vld [tilespmem:$0x84F0];
	v0 =	vadd.f32 v1, v0;
	v1 =	vmul.f32 v58, v3;
	v3 =	vadd.f32 v5, v37  }
0x105: {  	v5 =	vld.idx.msk [tilespmem:v32+s17+$0x0], $0xffff  }
0x106: {  	v30 =	vld.idx.msk [tilespmem:v30+s17+$0x0], $0xffff;
	v0 =	vadd.f32 v1, v0;
	v1 =	vmul.f32 v59, v3;
	v3 =	vadd.f32 v36, v35  }
0x107: {  	v62 =	vld [tilespmem:$0x8500]  }
0x108: {  	v28 =	vld.idx.msk [tilespmem:v28+s17+$0x0], $0xffff;
	v0 =	vadd.f32 v1, v0;
	v1 =	vmul.f32 v60, v3;
	v3 =	vadd.f32 v34, v33  }
0x109: {  	v63 =	vld [tilespmem:$0x8510]  }
0x10a: {  	v0 =	vadd.f32 v1, v0;
	v1 =	vmul.f32 v61, v3;
	v3 =	vadd.f32 v5, v31;
	v5 =	vld.idx.msk [tilespmem:v26+s17+$0x0], $0xffff  }
0x10b: {  	v26 =	vld [tilespmem:$0x8520]  }
0x10c: {  	v24 =	vld.idx.msk [tilespmem:v24+s17+$0x0], $0xffff;
	v0 =	vadd.f32 v1, v0;
	v1 =	vmul.f32 v62, v3;
	v3 =	vadd.f32 v30, v29  }
0x10d: {  	v29 =	vld [tilespmem:$0x8530]  }
0x10e: {  	v22 =	vld.idx.msk [tilespmem:v22+s17+$0x0], $0xffff;
	v0 =	vadd.f32 v1, v0;
	v1 =	vmul.f32 v63, v3;
	v3 =	vadd.f32 v28, v27  }
0x10f: {  	v27 =	vld [tilespmem:$0x8540]  }
0x110: {  	v0 =	vadd.f32 v1, v0;
	v1 =	vmul.f32 v26, v3;
	v3 =	vadd.f32 v5, v25;
	v5 =	vld.idx.msk [tilespmem:v20+s17+$0x0], $0xffff  }
0x111: {  	v20 =	vld [tilespmem:$0x8550]  }
0x112: {  	v18 =	vld.idx.msk [tilespmem:v18+s17+$0x0], $0xffff;
	v0 =	vadd.f32 v1, v0;
	v1 =	vmul.f32 v29, v3;
	v3 =	vadd.f32 v24, v23  }
0x113: {  	v23 =	vld [tilespmem:$0x8560]  }
0x114: {  	v16 =	vld.idx.msk [tilespmem:v16+s17+$0x0], $0xffff;
	v0 =	vadd.f32 v1, v0;
	v1 =	vmul.f32 v27, v3;
	v3 =	vadd.f32 v22, v21  }
0x115: {  	v21 =	vld [tilespmem:$0x8570]  }
0x116: {  	v0 =	vadd.f32 v1, v0;
	v1 =	vmul.f32 v20, v3;
	v3 =	vadd.f32 v5, v19;
	v5 =	vld.idx.msk [tilespmem:v14+s17+$0x0], $0xffff  }
0x117: {  	v14 =	vld [tilespmem:$0x8580]  }
0x118: {  	v12 =	vld.idx.msk [tilespmem:v12+s17+$0x0], $0xffff;
	v0 =	vadd.f32 v1, v0;
	v1 =	vmul.f32 v23, v3;
	v3 =	vadd.f32 v18, v17  }
0x119: {  	v17 =	vld [tilespmem:$0x8590]  }
0x11a: {  	v10 =	vld.idx.msk [tilespmem:v10+s17+$0x0], $0xffff;
	v0 =	vadd.f32 v1, v0;
	v1 =	vmul.f32 v21, v3;
	v3 =	vadd.f32 v16, v15  }
0x11b: {  	v15 =	vld [tilespmem:$0x85A0]  }
0x11c: {  	v0 =	vadd.f32 v1, v0;
	v1 =	vmul.f32 v14, v3;
	v3 =	vadd.f32 v5, v13;
	v5 =	vld.idx.msk [tilespmem:v8+s17+$0x0], $0xffff  }
0x11d: {  	v8 =	vld [tilespmem:$0x85B0]  }
0x11e: {  	v0 =	vadd.f32 v1, v0;
	v1 =	vmul.f32 v17, v3;
	v3 =	vadd.f32 v12, v11;
	_ =	sdelay $0x1  }
0x11f: {  	v0 =	vadd.f32 v1, v0;
	v1 =	vmul.f32 v15, v3;
	v3 =	vadd.f32 v10, v9;
	_ =	sdelay $0x1  }
0x120: {  	v0 =	vadd.f32 v1, v0;
	v1 =	vmul.f32 v8, v3;
	v3 =	vld [tilespmem:$0x1FFE0];
	_ =	sdelay $0x1  }
0x121: {  	v11 =	vld [tilespmem:$0x85C0];
	_ =	sdelay $0x2  }
0x122: {  	v3 =	vadd.f32 v5, v3  }
0x123: {  	v6 =	vld.idx.msk [tilespmem:v6+s17+$0x0], $0xffff  }
0x124: {  	v0 =	vadd.f32 v1, v0;
	v1 =	vmul.f32 v11, v3;
	v3 =	vld [tilespmem:$0x1FFD0]  }
0x125: {  	v4 =	vld.idx.msk [tilespmem:v4+s17+$0x0], $0xffff  }
0x126: {  	v9 =	vld [tilespmem:$0x85D0];
	_ =	sdelay $0x1  }
0x127: {  	v5 =	vld [tilespmem:$0x85E0]  }
0x128: {  	v3 =	vadd.f32 v6, v3;
	_ =	sdelay $0x1  }
0x129: {  	v0 =	vadd.f32 v1, v0;
	v1 =	vmul.f32 v9, v3;
	v3 =	vadd.f32 v4, v7  }
0x12a: {  	v2 =	vld.idx.msk [tilespmem:v2+s17+$0x0], $0xffff  }
0x12b: {  	v0 =	vadd.f32 v1, v0;
	v1 =	vmul.f32 v5, v3;
	v3 =	vld [tilespmem:$0x1FF90];
	_ =	sdelay $0x1  }
0x12c: {  	v6 =	vld [tilespmem:$0x85F0];
	_ =	sdelay $0x2  }
0x12d: {  	v2 =	vadd.f32 v2, v3;
	_ =	sdelay $0x1  }
0x12e: {  	v0 =	vadd.f32 v1, v0;
	v1 =	vmul.f32 v6, v2;
	_ =	sdelay $0x1  }
0x12f: {  	v0 =	vadd.f32 v1, v0;
	_ =	sdelay $0x1  }
0x130: {  	v0 =	vsub.f32 $0.0e+00, v0;
	_ =	sdelay $0x1  }
0x131: {  	v0 =	vmul.f32 $1.442695020e+00, v0;
	_ =	sdelay $0x1  }
0x132: {  	(erf) = vpow2.f32 v0;
	_ =	sdelay $0x8  }
0x133: {  	v0 =	vpop (erf)  }
0x134: {  	v0 =	vadd.f32 $1.000000000e+00, v0;
	_ =	sdelay $0x1  }
0x135: {  	v1 =	vld [tilespmem:$0x1FFF0];
	(erf) = vrcp.f32 v0;
	_ =	sdelay $0x2  }
0x136: {  	v0 =	vmov s31  }
0x137: {  	v0 =	vshll.u32 v0, $0x5  }
0x138: {  	v45 =	vor.u32 v1, v0  }
0x139: {  	v2 =	vor.u32 $0x1F, v45  }
0x13a: {  	v4 =	vor.u32 $0x1E, v45  }
0x13b: {  	v6 =	vor.u32 $0x1D, v45  }
0x13c: {  	s30 =	sadd.s32 $0x10, s30;
	v10 =	vor.u32 $0x1B, v45;
	v0 =	vpop (erf)  }
0x13d: {  	v12 =	vor.u32 $0x1A, v45;
	[tilespmem:s30+$0x0] =	vst v0  }
0x13e: {  	v14 =	vor.u32 $0x19, v45;
	v63 =	vld.idx.msk [tilespmem:v2+s16+$0x0], $0xffff  }
0x13f: {  	v16 =	vor.u32 $0x18, v45;
	v7 =	vld.idx.msk [tilespmem:v4+s16+$0x0], $0xffff  }
0x140: {  	v18 =	vor.u32 $0x17, v45;
	v0 =	vld.idx.msk [tilespmem:v6+s16+$0x0], $0xffff  }
0x141: {  	v20 =	vor.u32 $0x16, v45;
	v9 =	vld.idx.msk [tilespmem:v10+s16+$0x0], $0xffff  }
0x142: {  	v22 =	vor.u32 $0x15, v45;
	v11 =	vld.idx.msk [tilespmem:v12+s16+$0x0], $0xffff  }
0x143: {  	v24 =	vor.u32 $0x14, v45;
	v13 =	vld.idx.msk [tilespmem:v14+s16+$0x0], $0xffff  }
0x144: {  	v26 =	vor.u32 $0x13, v45;
	v15 =	vld.idx.msk [tilespmem:v16+s16+$0x0], $0xffff  }
0x145: {  	v28 =	vor.u32 $0x12, v45;
	v17 =	vld.idx.msk [tilespmem:v18+s16+$0x0], $0xffff  }
0x146: {  	v30 =	vor.u32 $0x11, v45;
	v19 =	vld.idx.msk [tilespmem:v20+s16+$0x0], $0xffff  }
0x147: {  	v32 =	vor.u32 $0x10, v45;
	v21 =	vld.idx.msk [tilespmem:v22+s16+$0x0], $0xffff  }
0x148: {  	v34 =	vor.u32 $0xF, v45;
	v23 =	vld.idx.msk [tilespmem:v24+s16+$0x0], $0xffff  }
0x149: {  	v36 =	vor.u32 $0xE, v45;
	v25 =	vld.idx.msk [tilespmem:v26+s16+$0x0], $0xffff  }
0x14a: {  	v38 =	vor.u32 $0xD, v45;
	v27 =	vld.idx.msk [tilespmem:v28+s16+$0x0], $0xffff  }
0x14b: {  	v40 =	vor.u32 $0xC, v45;
	v29 =	vld.idx.msk [tilespmem:v30+s16+$0x0], $0xffff  }
0x14c: {  	v42 =	vor.u32 $0xB, v45;
	v31 =	vld.idx.msk [tilespmem:v32+s16+$0x0], $0xffff  }
0x14d: {  	v8 =	vor.u32 $0x1C, v45;
	v33 =	vld.idx.msk [tilespmem:v34+s16+$0x0], $0xffff  }
0x14e: {  	v44 =	vor.u32 $0xA, v45;
	v35 =	vld.idx.msk [tilespmem:v36+s16+$0x0], $0xffff  }
0x14f: {  	v47 =	vor.u32 $0x9, v45;
	v37 =	vld.idx.msk [tilespmem:v38+s16+$0x0], $0xffff  }
0x150: {  	v49 =	vor.u32 $0x8, v45;
	v39 =	vld.idx.msk [tilespmem:v40+s16+$0x0], $0xffff  }
0x151: {  	v51 =	vor.u32 $0x7, v45;
	v41 =	vld.idx.msk [tilespmem:v42+s16+$0x0], $0xffff  }
0x152: {  	p0 =	sne.s32 s31, $0x1F0;
	v53 =	vor.u32 $0x6, v45;
	[tilespmem:$0x1FFD0] =	vst v0;
	v0 =	vld.idx.msk [tilespmem:v8+s16+$0x0], $0xffff  }
.Ltmp0:
0x153: {  	v43 =	vld.idx.msk [tilespmem:v44+s16+$0x0], $0xffff;
	(pc) =	sbr.rel @p0 .LBB2_2-.Ltmp0, $4  }
0x154: {  	v46 =	vld.idx.msk [tilespmem:v47+s16+$0x0], $0xffff  }
0x155: {  	v48 =	vld.idx.msk [tilespmem:v49+s16+$0x0], $0xffff  }
0x156: {  	v54 =	vor.u32 $0x5, v45;
	v50 =	vld.idx.msk [tilespmem:v51+s16+$0x0], $0xffff  }
0x157: {  	s31 =	sadd.s32 $0x10, s31;
	v55 =	vor.u32 $0x4, v45;
	v56 =	vor.u32 $0x3, v45;
	v57 =	vor.u32 $0x2, v45;
	v52 =	vld.idx.msk [tilespmem:v53+s16+$0x0], $0xffff;
	[tilespmem:$0x1FFE0] =	vst v0  }
0x158: {  	_ =	sdelay $0x3  }
0x159: {  	v0 =	vld.idx.msk [tilespmem:v55+s16+$0x0], $0xffff  }
0x15a: {  	v3 =	vld.idx.msk [tilespmem:v56+s16+$0x0], $0xffff  }
0x15b: {  	v5 =	vld.idx.msk [tilespmem:v57+s16+$0x0], $0xffff  }
0x15c: {  	v1 =	vor.u32 $0x1, v45;
	v58 =	vld.idx.msk [tilespmem:v45+s16+$0x0], $0xffff  }
0x15d: {  	v45 =	vld.idx.msk [tilespmem:v45+s17+$0x0], $0xffff  }
0x15e: {  	v60 =	vld [tilespmem:$0x8400]  }
0x15f: {  	v57 =	vld.idx.msk [tilespmem:v57+s17+$0x0], $0xffff  }
0x160: {  	v56 =	vld.idx.msk [tilespmem:v56+s17+$0x0], $0xffff  }
0x161: {  	v59 =	vld.idx.msk [tilespmem:v1+s16+$0x0], $0xffff  }
0x162: {  	v1 =	vld.idx.msk [tilespmem:v1+s17+$0x0], $0xffff  }
0x163: {  	v61 =	vld [tilespmem:$0x8600]  }
0x164: {  	v62 =	vld [tilespmem:$0x8410]  }
0x165: {  	v55 =	vld.idx.msk [tilespmem:v55+s17+$0x0], $0xffff;
	v45 =	vadd.f32 v45, v58  }
0x166: {  	v58 =	vld [tilespmem:$0x8420]  }
0x167: {  	v45 =	vmul.f32 v60, v45;
	v60 =	vld [tilespmem:$0x8430];
	v1 =	vadd.f32 v1, v59  }
0x168: {  	v59 =	vld.idx.msk [tilespmem:v54+s16+$0x0], $0xffff  }
0x169: {  	v5 =	vadd.f32 v57, v5;
	v45 =	vadd.f32 v45, v61;
	v54 =	vld.idx.msk [tilespmem:v54+s17+$0x0], $0xffff;
	v1 =	vmul.f32 v62, v1  }
0x16a: {  	v62 =	vld [tilespmem:$0x8440]  }
0x16b: {  	v3 =	vadd.f32 v56, v3;
	v5 =	vmul.f32 v58, v5;
	v58 =	vld [tilespmem:$0x8450];
	v1 =	vadd.f32 v1, v45  }
0x16c: {  	v45 =	vld.idx.msk [tilespmem:v53+s17+$0x0], $0xffff  }
0x16d: {  	v0 =	vadd.f32 v55, v0;
	v61 =	vld [tilespmem:$0x8460];
	v3 =	vmul.f32 v60, v3;
	v1 =	vadd.f32 v5, v1  }
0x16e: {  	v60 =	vld.idx.msk [tilespmem:v51+s17+$0x0], $0xffff  }
0x16f: {  	v49 =	vld.idx.msk [tilespmem:v49+s17+$0x0], $0xffff;
	v0 =	vmul.f32 v62, v0;
	v1 =	vadd.f32 v3, v1;
	v3 =	vadd.f32 v54, v59  }
0x170: {  	v62 =	vld [tilespmem:$0x8470]  }
0x171: {  	v53 =	vld [tilespmem:$0x8480];
	v0 =	vadd.f32 v0, v1;
	v1 =	vmul.f32 v58, v3;
	v3 =	vadd.f32 v45, v52  }
0x172: {  	v52 =	vld.idx.msk [tilespmem:v47+s17+$0x0], $0xffff  }
0x173: {  	v55 =	vld.idx.msk [tilespmem:v44+s17+$0x0], $0xffff;
	v0 =	vadd.f32 v1, v0;
	v1 =	vmul.f32 v61, v3;
	v3 =	vadd.f32 v60, v50  }
0x174: {  	v56 =	vld [tilespmem:$0x8490]  }
0x175: {  	v42 =	vld.idx.msk [tilespmem:v42+s17+$0x0], $0xffff;
	v0 =	vadd.f32 v1, v0;
	v1 =	vmul.f32 v62, v3;
	v3 =	vadd.f32 v49, v48  }
0x176: {  	v57 =	vld [tilespmem:$0x84A0]  }
0x177: {  	v40 =	vld.idx.msk [tilespmem:v40+s17+$0x0], $0xffff;
	v0 =	vadd.f32 v1, v0;
	v1 =	vmul.f32 v53, v3;
	v3 =	vadd.f32 v52, v46  }
0x178: {  	v58 =	vld [tilespmem:$0x84B0]  }
0x179: {  	v59 =	vld.idx.msk [tilespmem:v38+s17+$0x0], $0xffff;
	v0 =	vadd.f32 v1, v0;
	v1 =	vmul.f32 v56, v3;
	v3 =	vadd.f32 v55, v43  }
0x17a: {  	v60 =	vld [tilespmem:$0x84C0]  }
0x17b: {  	v36 =	vld.idx.msk [tilespmem:v36+s17+$0x0], $0xffff;
	v0 =	vadd.f32 v1, v0;
	v1 =	vmul.f32 v57, v3;
	v3 =	vadd.f32 v42, v41  }
0x17c: {  	v61 =	vld [tilespmem:$0x84D0]  }
0x17d: {  	v34 =	vld.idx.msk [tilespmem:v34+s17+$0x0], $0xffff;
	v0 =	vadd.f32 v1, v0;
	v1 =	vmul.f32 v58, v3;
	v3 =	vadd.f32 v40, v39  }
0x17e: {  	v62 =	vld [tilespmem:$0x84E0]  }
0x17f: {  	v42 =	vld [tilespmem:$0x84F0];
	v0 =	vadd.f32 v1, v0;
	v1 =	vmul.f32 v60, v3;
	v3 =	vadd.f32 v59, v37  }
0x180: {  	v40 =	vld.idx.msk [tilespmem:v32+s17+$0x0], $0xffff  }
0x181: {  	v30 =	vld.idx.msk [tilespmem:v30+s17+$0x0], $0xffff;
	v0 =	vadd.f32 v1, v0;
	v1 =	vmul.f32 v61, v3;
	v3 =	vadd.f32 v36, v35  }
0x182: {  	v43 =	vld [tilespmem:$0x8500]  }
0x183: {  	v28 =	vld.idx.msk [tilespmem:v28+s17+$0x0], $0xffff;
	v0 =	vadd.f32 v1, v0;
	v1 =	vmul.f32 v62, v3;
	v3 =	vadd.f32 v34, v33  }
0x184: {  	v44 =	vld [tilespmem:$0x8510]  }
0x185: {  	v45 =	vld.idx.msk [tilespmem:v26+s17+$0x0], $0xffff;
	v0 =	vadd.f32 v1, v0;
	v1 =	vmul.f32 v42, v3;
	v3 =	vadd.f32 v40, v31  }
0x186: {  	v46 =	vld [tilespmem:$0x8520]  }
0x187: {  	v24 =	vld.idx.msk [tilespmem:v24+s17+$0x0], $0xffff;
	v0 =	vadd.f32 v1, v0;
	v1 =	vmul.f32 v43, v3;
	v3 =	vadd.f32 v30, v29  }
0x188: {  	v47 =	vld [tilespmem:$0x8530]  }
0x189: {  	v22 =	vld.idx.msk [tilespmem:v22+s17+$0x0], $0xffff;
	v0 =	vadd.f32 v1, v0;
	v1 =	vmul.f32 v44, v3;
	v3 =	vadd.f32 v28, v27  }
0x18a: {  	v48 =	vld [tilespmem:$0x8540]  }
0x18b: {  	v50 =	vld [tilespmem:$0x8550];
	v0 =	vadd.f32 v1, v0;
	v1 =	vmul.f32 v46, v3;
	v3 =	vadd.f32 v45, v25  }
0x18c: {  	v49 =	vld.idx.msk [tilespmem:v20+s17+$0x0], $0xffff  }
0x18d: {  	v18 =	vld.idx.msk [tilespmem:v18+s17+$0x0], $0xffff;
	v0 =	vadd.f32 v1, v0;
	v1 =	vmul.f32 v47, v3;
	v3 =	vadd.f32 v24, v23  }
0x18e: {  	v51 =	vld [tilespmem:$0x8560]  }
0x18f: {  	v16 =	vld.idx.msk [tilespmem:v16+s17+$0x0], $0xffff;
	v0 =	vadd.f32 v1, v0;
	v1 =	vmul.f32 v48, v3;
	v3 =	vadd.f32 v22, v21  }
0x190: {  	v52 =	vld [tilespmem:$0x8570]  }
0x191: {  	v54 =	vld [tilespmem:$0x8580];
	v0 =	vadd.f32 v1, v0;
	v1 =	vmul.f32 v50, v3;
	v3 =	vadd.f32 v49, v19  }
0x192: {  	v53 =	vld.idx.msk [tilespmem:v14+s17+$0x0], $0xffff  }
0x193: {  	v12 =	vld.idx.msk [tilespmem:v12+s17+$0x0], $0xffff;
	v0 =	vadd.f32 v1, v0;
	v1 =	vmul.f32 v51, v3;
	v3 =	vadd.f32 v18, v17  }
0x194: {  	v55 =	vld [tilespmem:$0x8590]  }
0x195: {  	v10 =	vld.idx.msk [tilespmem:v10+s17+$0x0], $0xffff;
	v0 =	vadd.f32 v1, v0;
	v1 =	vmul.f32 v52, v3;
	v3 =	vadd.f32 v16, v15  }
0x196: {  	v56 =	vld [tilespmem:$0x85A0]  }
0x197: {  	v0 =	vadd.f32 v1, v0;
	v1 =	vmul.f32 v54, v3;
	v3 =	vadd.f32 v53, v13  }
0x198: {  	v58 =	vld [tilespmem:$0x85B0]  }
0x199: {  	v0 =	vadd.f32 v1, v0;
	v1 =	vmul.f32 v55, v3;
	v3 =	vadd.f32 v12, v11;
	_ =	sdelay $0x1  }
0x19a: {  	v0 =	vadd.f32 v1, v0;
	v1 =	vmul.f32 v56, v3;
	v3 =	vadd.f32 v10, v9  }
0x19b: {  	v57 =	vld.idx.msk [tilespmem:v8+s17+$0x0], $0xffff  }
0x19c: {  	v0 =	vadd.f32 v1, v0;
	v1 =	vmul.f32 v58, v3;
	v3 =	vld [tilespmem:$0x1FFE0];
	_ =	sdelay $0x1  }
0x19d: {  	v59 =	vld [tilespmem:$0x85C0];
	_ =	sdelay $0x2  }
0x19e: {  	v3 =	vadd.f32 v57, v3  }
0x19f: {  	v6 =	vld.idx.msk [tilespmem:v6+s17+$0x0], $0xffff  }
0x1a0: {  	v0 =	vadd.f32 v1, v0;
	v1 =	vmul.f32 v59, v3;
	v3 =	vld [tilespmem:$0x1FFD0]  }
0x1a1: {  	v4 =	vld.idx.msk [tilespmem:v4+s17+$0x0], $0xffff  }
0x1a2: {  	v60 =	vld [tilespmem:$0x85D0]  }
0x1a3: {  	v2 =	vld.idx.msk [tilespmem:v2+s17+$0x0], $0xffff  }
0x1a4: {  	v61 =	vld [tilespmem:$0x85E0]  }
0x1a5: {  	v3 =	vadd.f32 v6, v3  }
0x1a6: {  	v62 =	vld [tilespmem:$0x85F0]  }
0x1a7: {  	v0 =	vadd.f32 v1, v0;
	v1 =	vmul.f32 v60, v3;
	v3 =	vadd.f32 v4, v7;
	_ =	sdelay $0x1  }
0x1a8: {  	v2 =	vadd.f32 v2, v63;
	v0 =	vadd.f32 v1, v0;
	v1 =	vmul.f32 v61, v3;
	_ =	sdelay $0x1  }
0x1a9: {  	v0 =	vadd.f32 v1, v0;
	v1 =	vmul.f32 v62, v2;
	_ =	sdelay $0x1  }
0x1aa: {  	v0 =	vadd.f32 v1, v0;
	_ =	sdelay $0x1  }
0x1ab: {  	v0 =	vsub.f32 $0.0e+00, v0;
	_ =	sdelay $0x1  }
0x1ac: {  	v0 =	vmul.f32 $1.442695020e+00, v0;
	_ =	sdelay $0x1  }
0x1ad: {  	(erf) = vpow2.f32 v0;
	_ =	sdelay $0x8  }
0x1ae: {  	v0 =	vpop (erf)  }
0x1af: {  	v0 =	vadd.f32 $1.000000000e+00, v0;
	_ =	sdelay $0x1  }
0x1b0: {  	(erf) = vrcp.f32 v0;
	_ =	sdelay $0x8  }
0x1b1: {  	s30 =	sadd.s32 $0x10, s30;
	v0 =	vpop (erf)  }
0x1b2: {  	[tilespmem:s30+$0x0] =	vst v0  }
0x1b3: {  	[hbm4b:s10+s3] =	stream.linear.scatter [tilespmem:s28], [sflag:$0x2], $0x200, $0x38;
	[tilespmem:$0x8610] =	vst v63  }
0x1b4: {  	_ =	swait.ge [sflag:s12], $0x200  }
0x1b5: {  	[sflag:s12] =	ssyncset.done $0x0  }
0x1b6: {  	s29 =	sadd.s32 $0x1, s29;
	[sflag:s12] =	ssyncadd.s32 $0xFFFFFE00  }
0x1b7: {  	p0 =	sne.s32 s29, s11;
	_ =	swait.ge [sflag:s26], $0x4000  }
.Ltmp1:
0x1b8: {  	[sflag:s26] =	ssyncset.done $0x0;
	(pc) =	sbr.rel @p0 .LBB2_1-.Ltmp1, $4  }
0x1b9: {  	[sflag:s26] =	ssyncadd.s32 $0xFFFFC000  }
0x1ba: {  	_ =	swait.ge [sflag:s26], $0x4000  }
0x1bb: {  	[sflag:s26] =	ssyncset.done $0x0  }
0x1bc: {  	v0 =	vld [tilespmem:$0x1FFF0];
	[sflag:s26] =	ssyncadd.s32 $0xFFFFC000  }
0x1bd: {  	_ =	sfence.sel $0x180000  }
0x1be: {  	[bflag:$0x0] =	sbarrier.arrive $0xFFFF  }
0x1bf: {  	p0 =	sne.s32 s0, $0x0;
	_ =	strace $0x9000004A  }
0x1c0: {  	s0 =	sadd.s32 @!p0 $0x100000, s2;
	[bflag:$0x2] =	sbarrier.arrive $0xFFFF  }
0x1c1: {  	[sflag:s0] =	ssyncadd.tile.s32 @!p0 $0x1;
	_ =	shalt  }
.Lfunc_end2:
_tile_overlayer_lowered:
.L_overlay_start_2:
0x1c2: {  	(tag) =	ssettag $0x2  }
0x1c3: {  	s0 =	rddreg [dreg:$0x0];
	s2 =	stileid.u32  }
0x1c4: {  	s1 =	rddreg [dreg:$0x1];
	p0 =	sne.s32 s2, $0x0  }
0x1c5: {  	s3 =	rddreg [dreg:$0x2];
	[bflag:$0x3] =	sbarrier.arrive $0xFFFF;
	s2 =	simm.s32 @!p0 $0x1C02  }
0x1c6: {  	[timem:s3], [sflag:s2] =	dma.local @!p0 [hbm:s0], s1  }
0x1c7: {  	s0 =	simm.s32 @!p0 $0x2  }
0x1c8: {  	_ =	swait.ge @!p0 [sflag:s0], s1  }
0x1c9: {  	s1 =	ssub.s32 @!p0 $0x0, s1;
	[sflag:s0] =	ssyncset.done @!p0 $0x0  }
0x1ca: {  	[sflag:s0] =	ssyncadd.s32 @!p0 s1  }
0x1cb: {  	[bflag:$0x3] =	sbarrier.arrive $0xFFFF  }
0x1cc: {  	_ =	shalt  }

</sc_bundles>
